<compile_context>
chip_gen: v7x
topology: tpu7x:2x2x1
jax: 0.10.2.dev20260603
libtpu: 0.0.44.dev20260713+nightly
codegen_flags: <defaults>
</compile_context>

<pallas_src>
import jax
import jax.numpy as jnp
from jax import lax
from jax.experimental import pallas as pl
from jax.experimental.pallas import tpu as pltpu
from jax.experimental.pallas import tpu_sc as plsc

NBINS = 256
NCH = 3
KEYS = NBINS * NCH
B = 64
HW = 512 * 512
L = 16
NWORK = 32
IMGS_PER_W = B // NWORK
ROWS_PER_IMG = NCH * 512
CROWS = 64
NCHUNKS = ROWS_PER_IMG // CROWS


def _hist_body(x_hbm, out_hbm, buf0, buf1, hist, histf, sem0, sem1):
    wid = lax.axis_index("s") * 2 + lax.axis_index("c")
    lane = lax.iota(jnp.int32, L)
    ones = jnp.ones((L,), jnp.int32)
    zeros = jnp.zeros((L,), jnp.int32)
    bufs = (buf0, buf1)
    sems = (sem0, sem1)
    lane_off = lane * KEYS

    @plsc.parallel_loop(0, L * KEYS, step=L)
    def _zero(j):
        hist[pl.ds(j, L)] = zeros

    wrow = wid * IMGS_PER_W * ROWS_PER_IMG

    def start(par, gchunk):
        pltpu.async_copy(
            x_hbm.at[pl.ds(wrow + gchunk * CROWS, CROWS), :],
            bufs[par], sems[par])

    def process(par, k):
        pltpu.make_async_copy(
            x_hbm.at[pl.ds(0, CROWS), :], bufs[par], sems[par]).wait()
        buf = bufs[par]
        cvec = lane_off + lax.shift_right_logical(k, 3) * NBINS

        @plsc.parallel_loop(0, CROWS * 512, step=8 * L, unroll=16)
        def _seg(o):
            r = lax.shift_right_logical(o, 9)
            c = jnp.bitwise_and(o, 511)
            for j in range(8):
                v = buf[r, pl.ds(c + j * L, L)]
                b = (v * jnp.float32(NBINS)).astype(jnp.int32)
                plsc.addupdate_scatter(hist, [b + cvec], ones)

    start(0, 0)
    start(1, 1)
    for img in range(IMGS_PER_W):
        base = img * NCHUNKS
        last = img + 1 == IMGS_PER_W

        @pl.loop(0, NCHUNKS, step=2)
        def _chunks(g):
            process(0, g)
            if not last:
                start(0, base + g + 2)
            else:
                @pl.when(g + 2 < NCHUNKS)
                def _():
                    start(0, base + g + 2)
            process(1, g + 1)
            if not last:
                start(1, base + g + 3)
            else:
                @pl.when(g + 3 < NCHUNKS)
                def _():
                    start(1, base + g + 3)

        bi = wid * IMGS_PER_W + img

        @plsc.parallel_loop(0, KEYS, step=L)
        def _reduce(j):
            acc = hist[pl.ds(j, L)]
            hist[pl.ds(j, L)] = zeros
            for s in range(1, L):
                acc = acc + hist[pl.ds(s * KEYS + j, L)]
                hist[pl.ds(s * KEYS + j, L)] = zeros
            histf[pl.ds(j, L)] = acc.astype(jnp.float32) * jnp.float32(
                1.0 / HW)
        pltpu.sync_copy(histf, out_hbm.at[pl.ds(bi * KEYS, KEYS)])


@jax.jit
def _hist_sc(x2):
    mesh = plsc.VectorSubcoreMesh(core_axis_name="c", subcore_axis_name="s")
    f = pl.kernel(
        _hist_body,
        out_type=jax.ShapeDtypeStruct((B * KEYS,), jnp.float32),
        mesh=mesh,
        compiler_params=pltpu.CompilerParams(
            needs_layout_passes=False, use_tc_tiling_on_sc=True),
        scratch_types=[
            pltpu.VMEM((CROWS, 512), jnp.float32),
            pltpu.VMEM((CROWS, 512), jnp.float32),
            pltpu.VMEM((L * KEYS,), jnp.int32),
            pltpu.VMEM((KEYS,), jnp.float32),
            pltpu.SemaphoreType.DMA,
            pltpu.SemaphoreType.DMA,
        ],
    )
    return f(x2)


def kernel(inputs):
    x2 = lax.transpose(inputs, (0, 3, 1, 2)).reshape(B * ROWS_PER_IMG, 512)
    out = _hist_sc(x2)
    return out.reshape(B, NCH, NBINS).transpose(0, 2, 1)

# --- scband reference (transcript-rebuilt; emitter-appended) ---
"""Pipeline reference for scband-normalized-histogram-34127810134625 (READ-ONLY COPY).

The authoritative reference and input builder live on the scoring server;
editing this copy changes nothing except your own understanding.
"""

import jax, jax.numpy as jnp
import numpy as np

NBINS = 256

def setup_inputs(seed: int = 0) -> dict:
    key = jax.random.key(seed)
    inputs = jax.random.uniform(key, (64, 512, 512, 3), dtype=jnp.float32)
    return {"inputs": inputs}


def _hist_one_channel(channel_flat):
    # Faithful to _compute_histogram with value_range=[0.0, 1.0], nbins=NBINS,
    # tf.keras.backend.epsilon() == 1e-7.
    min_val = 0.0
    max_val = 1.0
    eps = 1e-7
    bin_width = jnp.maximum((max_val - min_val) / jnp.float32(NBINS), eps)
    bins = jnp.floor((channel_flat - min_val) / bin_width)
    bins = jnp.clip(bins, 0, NBINS - 1).astype(jnp.int32)
    # one_hot + reduce_sum over axis 0 == scatter-add count (same math, SparseCore-friendly)
    hist = jnp.zeros((NBINS,), dtype=jnp.int32).at[bins].add(1)
    hist = hist.astype(jnp.float32)
    return hist / jnp.sum(hist)


def reference(inputs):
    # inputs: [B, H, W, 3]
    B = inputs.shape[0]
    x = inputs.reshape(B, -1, 3)            # [B, HW, 3]
    x = jnp.transpose(x, (0, 2, 1))         # [B, 3, HW]
    hists = jax.vmap(jax.vmap(_hist_one_channel))(x)  # [B, 3, NBINS]
    return jnp.transpose(hists, (0, 2, 1))  # [B, NBINS, 3]

if __name__ == "__main__":
    import jax
    _d = setup_inputs()
    print(jax.jit(kernel)(*tuple(_d.values())))

</pallas_src>

<mosaic_0001>
#map = affine_map<(d0, d1) -> (0, 0)>
#map1 = affine_map<(d0, d1) -> (0)>
module attributes {stable_mosaic.version = 14 : i64} {
  func.func @_hist_body(%arg0: i32, %arg1: i32, %arg2: memref<98304x512xf32, #tpu.memory_space<hbm>>, %arg3: memref<49152xf32, #tpu.memory_space<hbm>>, %arg4: memref<64x512xf32, #tpu.memory_space<vmem>>, %arg5: memref<64x512xf32, #tpu.memory_space<vmem>>, %arg6: memref<12288xi32, #tpu.memory_space<vmem>>, %arg7: memref<768xf32, #tpu.memory_space<vmem>>, %arg8: memref<!tpu.dma_semaphore, #tpu.memory_space<semaphore_mem>>, %arg9: memref<!tpu.dma_semaphore, #tpu.memory_space<semaphore_mem>>) attributes {dimension_semantics = [#tpu.dimension_semantics<core_parallel>, #tpu.dimension_semantics<subcore_parallel>], iteration_bounds = array<i64: 2, 16>, scalar_prefetch = 0 : i64, scratch_operands = 6 : i64, tpu.core_type = #tpu.core_type<sc_vector_subcore>, window_params = [{transform_indices = #map}, {transform_indices = #map1}]} {
    %mul3A = arith.constant 2 : i32
    %mul3A_0 = arith.muli %arg1, %mul3A : i32
    %add3A = arith.addi %mul3A_0, %arg0 : i32
    %iota3A = tpu.iota {dimensions = array<i32: 0>} : vector<16xi32>
    %broadcast_in_dim3A = arith.constant 1 : i32
    %broadcast_in_dim3A_1 = vector.broadcast %broadcast_in_dim3A : i32 to vector<16xi32>
    %broadcast_in_dim3A_2 = arith.constant 0 : i32
    %broadcast_in_dim3A_3 = vector.broadcast %broadcast_in_dim3A_2 : i32 to vector<16xi32>
    %mul3A_4 = arith.constant 768 : i32
    %mul3A_5 = vector.broadcast %mul3A_4 : i32 to vector<16xi32>
    %mul3A_6 = arith.muli %iota3A, %mul3A_5 : vector<16xi32>
    %parallel_loop3A = arith.constant 0 : i32
    %parallel_loop3A_7 = arith.constant 12288 : i32
    %parallel_loop3A_8 = arith.constant 16 : i32
    scf.for %parallel_loop3A_51 = %parallel_loop3A to %parallel_loop3A_7 step %parallel_loop3A_8  : i32 {
      %parallel_loop3A_52 = arith.index_cast %parallel_loop3A_51 : i32 to index
      %parallel_loop3A_53 = tpu.vector_load %arg6[%parallel_loop3A_52] {strides = array<i32>} : memref<12288xi32, #tpu.memory_space<vmem>>, vector<16xi32>,
      tpu.vector_store %arg6[%parallel_loop3A_52], %broadcast_in_dim3A_3 {strides = array<i32>} : memref<12288xi32, #tpu.memory_space<vmem>>, vector<16xi32>,
    } {sc.loop_unroll_factor = 1 : i64, sc.parallel_access}
    %mul3A_9 = arith.constant 2 : i32
    %mul3A_10 = arith.muli %add3A, %mul3A_9 : i32
    %mul3A_11 = arith.constant 1536 : i32
    %mul3A_12 = arith.muli %mul3A_10, %mul3A_11 : i32
    %add3A_13 = arith.constant 0 : i32
    %add3A_14 = arith.addi %mul3A_12, %add3A_13 : i32
    %dma_start3A = arith.constant 0 : i32
    %dma_start3A_15 = tpu.memref_slice %arg2[%add3A_14, %dma_start3A] : memref<98304x512xf32, #tpu.memory_space<hbm>> -> memref<64x512xf32, #tpu.memory_space<hbm>>
    %dma_start3A_16 = arith.constant 0 : i32
    %dma_start3A_17 = tpu.memref_slice %arg2[%add3A_14, %dma_start3A_16] : memref<98304x512xf32, #tpu.memory_space<hbm>> -> memref<64x512xf32, #tpu.memory_space<hbm>>
    tpu.enqueue_dma source(%dma_start3A_17 : memref<64x512xf32, #tpu.memory_space<hbm>>) target(%arg4 : memref<64x512xf32, #tpu.memory_space<vmem>>) target_semaphore(%arg8 : memref<!tpu.dma_semaphore, #tpu.memory_space<semaphore_mem>>)
    %add3A_18 = arith.constant 64 : i32
    %add3A_19 = arith.addi %mul3A_12, %add3A_18 : i32
    %dma_start3A_20 = arith.constant 0 : i32
    %dma_start3A_21 = tpu.memref_slice %arg2[%add3A_19, %dma_start3A_20] : memref<98304x512xf32, #tpu.memory_space<hbm>> -> memref<64x512xf32, #tpu.memory_space<hbm>>
    %dma_start3A_22 = arith.constant 0 : i32
    %dma_start3A_23 = tpu.memref_slice %arg2[%add3A_19, %dma_start3A_22] : memref<98304x512xf32, #tpu.memory_space<hbm>> -> memref<64x512xf32, #tpu.memory_space<hbm>>
    tpu.enqueue_dma source(%dma_start3A_23 : memref<64x512xf32, #tpu.memory_space<hbm>>) target(%arg5 : memref<64x512xf32, #tpu.memory_space<vmem>>) target_semaphore(%arg9 : memref<!tpu.dma_semaphore, #tpu.memory_space<semaphore_mem>>)
    %scan3A = arith.constant 0 : i32
    %scan3A_24 = arith.constant 12 : i32
    %scan3A_25 = arith.addi %scan3A, %scan3A_24 : i32
    %scan3A_26 = arith.constant 1 : i32
    scf.for %scan3A_51 = %scan3A to %scan3A_25 step %scan3A_26  : i32 {
      %mul3A_52 = arith.constant 2 : i32
      %mul3A_53 = arith.muli %scan3A_51, %mul3A_52 : i32
      %add3A_54 = arith.constant 0 : i32
      %add3A_55 = arith.addi %add3A_54, %mul3A_53 : i32
      %dma_wait3A = arith.constant 0 : i32
      %dma_wait3A_56 = arith.constant 0 : i32
      %dma_wait3A_57 = tpu.memref_slice %arg2[%dma_wait3A, %dma_wait3A_56] : memref<98304x512xf32, #tpu.memory_space<hbm>> -> memref<64x512xf32, #tpu.memory_space<hbm>>
      %dma_wait3A_58 = arith.constant 0 : i32
      %dma_wait3A_59 = arith.constant 0 : i32
      %dma_wait3A_60 = tpu.memref_slice %arg2[%dma_wait3A_58, %dma_wait3A_59] : memref<98304x512xf32, #tpu.memory_space<hbm>> -> memref<64x512xf32, #tpu.memory_space<hbm>>
      tpu.wait_dma2 semaphore(%arg8 : memref<!tpu.dma_semaphore, #tpu.memory_space<semaphore_mem>>) src(%dma_wait3A_60 : memref<64x512xf32, #tpu.memory_space<hbm>>) dst(%arg4 : memref<64x512xf32, #tpu.memory_space<vmem>>)
      %shift_right_logical3A = arith.constant 3 : i32
      %shift_right_logical3A_61 = arith.shrui %add3A_55, %shift_right_logical3A : i32
      %mul3A_62 = arith.constant 256 : i32
      %mul3A_63 = arith.muli %shift_right_logical3A_61, %mul3A_62 : i32
      %add3A_64 = vector.broadcast %mul3A_63 : i32 to vector<16xi32>
      %add3A_65 = arith.addi %mul3A_6, %add3A_64 : vector<16xi32>
      %parallel_loop3A_66 = arith.constant 0 : i32
      %parallel_loop3A_67 = arith.constant 32768 : i32
      %parallel_loop3A_68 = arith.constant 128 : i32
      scf.for %parallel_loop3A_108 = %parallel_loop3A_66 to %parallel_loop3A_67 step %parallel_loop3A_68  : i32 {
        %parallel_loop3A_109 = arith.constant 9 : i32
        %parallel_loop3A_110 = arith.shrui %parallel_loop3A_108, %parallel_loop3A_109 : i32
        %parallel_loop3A_111 = arith.constant 511 : i32
        %parallel_loop3A_112 = arith.andi %parallel_loop3A_108, %parallel_loop3A_111 : i32
        %parallel_loop3A_113 = arith.constant 0 : i32
        %parallel_loop3A_114 = arith.addi %parallel_loop3A_112, %parallel_loop3A_113 : i32
        %parallel_loop3A_115 = arith.index_cast %parallel_loop3A_110 : i32 to index
        %parallel_loop3A_116 = arith.index_cast %parallel_loop3A_114 : i32 to index
        %parallel_loop3A_117 = tpu.vector_load %arg4[%parallel_loop3A_115, %parallel_loop3A_116] {strides = array<i32>} : memref<64x512xf32, #tpu.memory_space<vmem>>, vector<16xf32>,
        %parallel_loop3A_118 = arith.constant 2.560000e+02 : f32
        %parallel_loop3A_119 = vector.broadcast %parallel_loop3A_118 : f32 to vector<16xf32>
        %parallel_loop3A_120 = arith.mulf %parallel_loop3A_117, %parallel_loop3A_119 : vector<16xf32>
        %parallel_loop3A_121 = arith.fptosi %parallel_loop3A_120 : vector<16xf32> to vector<16xi32>
        %parallel_loop3A_122 = arith.addi %parallel_loop3A_121, %add3A_65 : vector<16xi32>
        tpu.vector_store_idx %arg6[%parallel_loop3A_122], %broadcast_in_dim3A_1 {add = true} : memref<12288xi32, #tpu.memory_space<vmem>>[vector<16xi32>], vector<16xi32>,
        %parallel_loop3A_123 = arith.constant 16 : i32
        %parallel_loop3A_124 = arith.addi %parallel_loop3A_112, %parallel_loop3A_123 : i32
        %parallel_loop3A_125 = arith.index_cast %parallel_loop3A_110 : i32 to index
        %parallel_loop3A_126 = arith.index_cast %parallel_loop3A_124 : i32 to index
        %parallel_loop3A_127 = tpu.vector_load %arg4[%parallel_loop3A_125, %parallel_loop3A_126] {strides = array<i32>} : memref<64x512xf32, #tpu.memory_space<vmem>>, vector<16xf32>,
        %parallel_loop3A_128 = arith.constant 2.560000e+02 : f32
        %parallel_loop3A_129 = vector.broadcast %parallel_loop3A_128 : f32 to vector<16xf32>
        %parallel_loop3A_130 = arith.mulf %parallel_loop3A_127, %parallel_loop3A_129 : vector<16xf32>
        %parallel_loop3A_131 = arith.fptosi %parallel_loop3A_130 : vector<16xf32> to vector<16xi32>
        %parallel_loop3A_132 = arith.addi %parallel_loop3A_131, %add3A_65 : vector<16xi32>
        tpu.vector_store_idx %arg6[%parallel_loop3A_132], %broadcast_in_dim3A_1 {add = true} : memref<12288xi32, #tpu.memory_space<vmem>>[vector<16xi32>], vector<16xi32>,
        %parallel_loop3A_133 = arith.constant 32 : i32
        %parallel_loop3A_134 = arith.addi %parallel_loop3A_112, %parallel_loop3A_133 : i32
        %parallel_loop3A_135 = arith.index_cast %parallel_loop3A_110 : i32 to index
        %parallel_loop3A_136 = arith.index_cast %parallel_loop3A_134 : i32 to index
        %parallel_loop3A_137 = tpu.vector_load %arg4[%parallel_loop3A_135, %parallel_loop3A_136] {strides = array<i32>} : memref<64x512xf32, #tpu.memory_space<vmem>>, vector<16xf32>,
        %parallel_loop3A_138 = arith.constant 2.560000e+02 : f32
        %parallel_loop3A_139 = vector.broadcast %parallel_loop3A_138 : f32 to vector<16xf32>
        %parallel_loop3A_140 = arith.mulf %parallel_loop3A_137, %parallel_loop3A_139 : vector<16xf32>
        %parallel_loop3A_141 = arith.fptosi %parallel_loop3A_140 : vector<16xf32> to vector<16xi32>
        %parallel_loop3A_142 = arith.addi %parallel_loop3A_141, %add3A_65 : vector<16xi32>
        tpu.vector_store_idx %arg6[%parallel_loop3A_142], %broadcast_in_dim3A_1 {add = true} : memref<12288xi32, #tpu.memory_space<vmem>>[vector<16xi32>], vector<16xi32>,
        %parallel_loop3A_143 = arith.constant 48 : i32
        %parallel_loop3A_144 = arith.addi %parallel_loop3A_112, %parallel_loop3A_143 : i32
        %parallel_loop3A_145 = arith.index_cast %parallel_loop3A_110 : i32 to index
        %parallel_loop3A_146 = arith.index_cast %parallel_loop3A_144 : i32 to index
        %parallel_loop3A_147 = tpu.vector_load %arg4[%parallel_loop3A_145, %parallel_loop3A_146] {strides = array<i32>} : memref<64x512xf32, #tpu.memory_space<vmem>>, vector<16xf32>,
        %parallel_loop3A_148 = arith.constant 2.560000e+02 : f32
        %parallel_loop3A_149 = vector.broadcast %parallel_loop3A_148 : f32 to vector<16xf32>
        %parallel_loop3A_150 = arith.mulf %parallel_loop3A_147, %parallel_loop3A_149 : vector<16xf32>
        %parallel_loop3A_151 = arith.fptosi %parallel_loop3A_150 : vector<16xf32> to vector<16xi32>
        %parallel_loop3A_152 = arith.addi %parallel_loop3A_151, %add3A_65 : vector<16xi32>
        tpu.vector_store_idx %arg6[%parallel_loop3A_152], %broadcast_in_dim3A_1 {add = true} : memref<12288xi32, #tpu.memory_space<vmem>>[vector<16xi32>], vector<16xi32>,
        %parallel_loop3A_153 = arith.constant 64 : i32
        %parallel_loop3A_154 = arith.addi %parallel_loop3A_112, %parallel_loop3A_153 : i32
        %parallel_loop3A_155 = arith.index_cast %parallel_loop3A_110 : i32 to index
        %parallel_loop3A_156 = arith.index_cast %parallel_loop3A_154 : i32 to index
        %parallel_loop3A_157 = tpu.vector_load %arg4[%parallel_loop3A_155, %parallel_loop3A_156] {strides = array<i32>} : memref<64x512xf32, #tpu.memory_space<vmem>>, vector<16xf32>,
        %parallel_loop3A_158 = arith.constant 2.560000e+02 : f32
        %parallel_loop3A_159 = vector.broadcast %parallel_loop3A_158 : f32 to vector<16xf32>
        %parallel_loop3A_160 = arith.mulf %parallel_loop3A_157, %parallel_loop3A_159 : vector<16xf32>
        %parallel_loop3A_161 = arith.fptosi %parallel_loop3A_160 : vector<16xf32> to vector<16xi32>
        %parallel_loop3A_162 = arith.addi %parallel_loop3A_161, %add3A_65 : vector<16xi32>
        tpu.vector_store_idx %arg6[%parallel_loop3A_162], %broadcast_in_dim3A_1 {add = true} : memref<12288xi32, #tpu.memory_space<vmem>>[vector<16xi32>], vector<16xi32>,
        %parallel_loop3A_163 = arith.constant 80 : i32
        %parallel_loop3A_164 = arith.addi %parallel_loop3A_112, %parallel_loop3A_163 : i32
        %parallel_loop3A_165 = arith.index_cast %parallel_loop3A_110 : i32 to index
        %parallel_loop3A_166 = arith.index_cast %parallel_loop3A_164 : i32 to index
        %parallel_loop3A_167 = tpu.vector_load %arg4[%parallel_loop3A_165, %parallel_loop3A_166] {strides = array<i32>} : memref<64x512xf32, #tpu.memory_space<vmem>>, vector<16xf32>,
        %parallel_loop3A_168 = arith.constant 2.560000e+02 : f32
        %parallel_loop3A_169 = vector.broadcast %parallel_loop3A_168 : f32 to vector<16xf32>
        %parallel_loop3A_170 = arith.mulf %parallel_loop3A_167, %parallel_loop3A_169 : vector<16xf32>
        %parallel_loop3A_171 = arith.fptosi %parallel_loop3A_170 : vector<16xf32> to vector<16xi32>
        %parallel_loop3A_172 = arith.addi %parallel_loop3A_171, %add3A_65 : vector<16xi32>
        tpu.vector_store_idx %arg6[%parallel_loop3A_172], %broadcast_in_dim3A_1 {add = true} : memref<12288xi32, #tpu.memory_space<vmem>>[vector<16xi32>], vector<16xi32>,
        %parallel_loop3A_173 = arith.constant 96 : i32
        %parallel_loop3A_174 = arith.addi %parallel_loop3A_112, %parallel_loop3A_173 : i32
        %parallel_loop3A_175 = arith.index_cast %parallel_loop3A_110 : i32 to index
        %parallel_loop3A_176 = arith.index_cast %parallel_loop3A_174 : i32 to index
        %parallel_loop3A_177 = tpu.vector_load %arg4[%parallel_loop3A_175, %parallel_loop3A_176] {strides = array<i32>} : memref<64x512xf32, #tpu.memory_space<vmem>>, vector<16xf32>,
        %parallel_loop3A_178 = arith.constant 2.560000e+02 : f32
        %parallel_loop3A_179 = vector.broadcast %parallel_loop3A_178 : f32 to vector<16xf32>
        %parallel_loop3A_180 = arith.mulf %parallel_loop3A_177, %parallel_loop3A_179 : vector<16xf32>
        %parallel_loop3A_181 = arith.fptosi %parallel_loop3A_180 : vector<16xf32> to vector<16xi32>
        %parallel_loop3A_182 = arith.addi %parallel_loop3A_181, %add3A_65 : vector<16xi32>
        tpu.vector_store_idx %arg6[%parallel_loop3A_182], %broadcast_in_dim3A_1 {add = true} : memref<12288xi32, #tpu.memory_space<vmem>>[vector<16xi32>], vector<16xi32>,
        %parallel_loop3A_183 = arith.constant 112 : i32
        %parallel_loop3A_184 = arith.addi %parallel_loop3A_112, %parallel_loop3A_183 : i32
        %parallel_loop3A_185 = arith.index_cast %parallel_loop3A_110 : i32 to index
        %parallel_loop3A_186 = arith.index_cast %parallel_loop3A_184 : i32 to index
        %parallel_loop3A_187 = tpu.vector_load %arg4[%parallel_loop3A_185, %parallel_loop3A_186] {strides = array<i32>} : memref<64x512xf32, #tpu.memory_space<vmem>>, vector<16xf32>,
        %parallel_loop3A_188 = arith.constant 2.560000e+02 : f32
        %parallel_loop3A_189 = vector.broadcast %parallel_loop3A_188 : f32 to vector<16xf32>
        %parallel_loop3A_190 = arith.mulf %parallel_loop3A_187, %parallel_loop3A_189 : vector<16xf32>
        %parallel_loop3A_191 = arith.fptosi %parallel_loop3A_190 : vector<16xf32> to vector<16xi32>
        %parallel_loop3A_192 = arith.addi %parallel_loop3A_191, %add3A_65 : vector<16xi32>
        tpu.vector_store_idx %arg6[%parallel_loop3A_192], %broadcast_in_dim3A_1 {add = true} : memref<12288xi32, #tpu.memory_space<vmem>>[vector<16xi32>], vector<16xi32>,
      } {sc.loop_unroll_factor = 16 : i64, sc.parallel_access}
      %add3A_69 = arith.constant 0 : i32
      %add3A_70 = arith.addi %add3A_69, %add3A_55 : i32
      %add3A_71 = arith.constant 2 : i32
      %add3A_72 = arith.addi %add3A_70, %add3A_71 : i32
      %mul3A_73 = arith.constant 64 : i32
      %mul3A_74 = arith.muli %add3A_72, %mul3A_73 : i32
      %add3A_75 = arith.addi %mul3A_12, %mul3A_74 : i32
      %dma_start3A_76 = arith.constant 0 : i32
      %dma_start3A_77 = tpu.memref_slice %arg2[%add3A_75, %dma_start3A_76] : memref<98304x512xf32, #tpu.memory_space<hbm>> -> memref<64x512xf32, #tpu.memory_space<hbm>>
      %dma_start3A_78 = arith.constant 0 : i32
      %dma_start3A_79 = tpu.memref_slice %arg2[%add3A_75, %dma_start3A_78] : memref<98304x512xf32, #tpu.memory_space<hbm>> -> memref<64x512xf32, #tpu.memory_space<hbm>>
      tpu.enqueue_dma source(%dma_start3A_79 : memref<64x512xf32, #tpu.memory_space<hbm>>) target(%arg4 : memref<64x512xf32, #tpu.memory_space<vmem>>) target_semaphore(%arg8 : memref<!tpu.dma_semaphore, #tpu.memory_space<semaphore_mem>>)
      %add3A_80 = arith.constant 1 : i32
      %add3A_81 = arith.addi %add3A_55, %add3A_80 : i32
      %dma_wait3A_82 = arith.constant 0 : i32
      %dma_wait3A_83 = arith.constant 0 : i32
      %dma_wait3A_84 = tpu.memref_slice %arg2[%dma_wait3A_82, %dma_wait3A_83] : memref<98304x512xf32, #tpu.memory_space<hbm>> -> memref<64x512xf32, #tpu.memory_space<hbm>>
      %dma_wait3A_85 = arith.constant 0 : i32
      %dma_wait3A_86 = arith.constant 0 : i32
      %dma_wait3A_87 = tpu.memref_slice %arg2[%dma_wait3A_85, %dma_wait3A_86] : memref<98304x512xf32, #tpu.memory_space<hbm>> -> memref<64x512xf32, #tpu.memory_space<hbm>>
      tpu.wait_dma2 semaphore(%arg9 : memref<!tpu.dma_semaphore, #tpu.memory_space<semaphore_mem>>) src(%dma_wait3A_87 : memref<64x512xf32, #tpu.memory_space<hbm>>) dst(%arg5 : memref<64x512xf32, #tpu.memory_space<vmem>>)
      %shift_right_logical3A_88 = arith.constant 3 : i32
      %shift_right_logical3A_89 = arith.shrui %add3A_81, %shift_right_logical3A_88 : i32
      %mul3A_90 = arith.constant 256 : i32
      %mul3A_91 = arith.muli %shift_right_logical3A_89, %mul3A_90 : i32
      %add3A_92 = vector.broadcast %mul3A_91 : i32 to vector<16xi32>
      %add3A_93 = arith.addi %mul3A_6, %add3A_92 : vector<16xi32>
      %parallel_loop3A_94 = arith.constant 0 : i32
      %parallel_loop3A_95 = arith.constant 32768 : i32
      %parallel_loop3A_96 = arith.constant 128 : i32
      scf.for %parallel_loop3A_108 = %parallel_loop3A_94 to %parallel_loop3A_95 step %parallel_loop3A_96  : i32 {
        %parallel_loop3A_109 = arith.constant 9 : i32
        %parallel_loop3A_110 = arith.shrui %parallel_loop3A_108, %parallel_loop3A_109 : i32
        %parallel_loop3A_111 = arith.constant 511 : i32
        %parallel_loop3A_112 = arith.andi %parallel_loop3A_108, %parallel_loop3A_111 : i32
        %parallel_loop3A_113 = arith.constant 0 : i32
        %parallel_loop3A_114 = arith.addi %parallel_loop3A_112, %parallel_loop3A_113 : i32
        %parallel_loop3A_115 = arith.index_cast %parallel_loop3A_110 : i32 to index
        %parallel_loop3A_116 = arith.index_cast %parallel_loop3A_114 : i32 to index
        %parallel_loop3A_117 = tpu.vector_load %arg5[%parallel_loop3A_115, %parallel_loop3A_116] {strides = array<i32>} : memref<64x512xf32, #tpu.memory_space<vmem>>, vector<16xf32>,
        %parallel_loop3A_118 = arith.constant 2.560000e+02 : f32
        %parallel_loop3A_119 = vector.broadcast %parallel_loop3A_118 : f32 to vector<16xf32>
        %parallel_loop3A_120 = arith.mulf %parallel_loop3A_117, %parallel_loop3A_119 : vector<16xf32>
        %parallel_loop3A_121 = arith.fptosi %parallel_loop3A_120 : vector<16xf32> to vector<16xi32>
        %parallel_loop3A_122 = arith.addi %parallel_loop3A_121, %add3A_93 : vector<16xi32>
        tpu.vector_store_idx %arg6[%parallel_loop3A_122], %broadcast_in_dim3A_1 {add = true} : memref<12288xi32, #tpu.memory_space<vmem>>[vector<16xi32>], vector<16xi32>,
        %parallel_loop3A_123 = arith.constant 16 : i32
        %parallel_loop3A_124 = arith.addi %parallel_loop3A_112, %parallel_loop3A_123 : i32
        %parallel_loop3A_125 = arith.index_cast %parallel_loop3A_110 : i32 to index
        %parallel_loop3A_126 = arith.index_cast %parallel_loop3A_124 : i32 to index
        %parallel_loop3A_127 = tpu.vector_load %arg5[%parallel_loop3A_125, %parallel_loop3A_126] {strides = array<i32>} : memref<64x512xf32, #tpu.memory_space<vmem>>, vector<16xf32>,
        %parallel_loop3A_128 = arith.constant 2.560000e+02 : f32
        %parallel_loop3A_129 = vector.broadcast %parallel_loop3A_128 : f32 to vector<16xf32>
        %parallel_loop3A_130 = arith.mulf %parallel_loop3A_127, %parallel_loop3A_129 : vector<16xf32>
        %parallel_loop3A_131 = arith.fptosi %parallel_loop3A_130 : vector<16xf32> to vector<16xi32>
        %parallel_loop3A_132 = arith.addi %parallel_loop3A_131, %add3A_93 : vector<16xi32>
        tpu.vector_store_idx %arg6[%parallel_loop3A_132], %broadcast_in_dim3A_1 {add = true} : memref<12288xi32, #tpu.memory_space<vmem>>[vector<16xi32>], vector<16xi32>,
        %parallel_loop3A_133 = arith.constant 32 : i32
        %parallel_loop3A_134 = arith.addi %parallel_loop3A_112, %parallel_loop3A_133 : i32
        %parallel_loop3A_135 = arith.index_cast %parallel_loop3A_110 : i32 to index
        %parallel_loop3A_136 = arith.index_cast %parallel_loop3A_134 : i32 to index
        %parallel_loop3A_137 = tpu.vector_load %arg5[%parallel_loop3A_135, %parallel_loop3A_136] {strides = array<i32>} : memref<64x512xf32, #tpu.memory_space<vmem>>, vector<16xf32>,
        %parallel_loop3A_138 = arith.constant 2.560000e+02 : f32
        %parallel_loop3A_139 = vector.broadcast %parallel_loop3A_138 : f32 to vector<16xf32>
        %parallel_loop3A_140 = arith.mulf %parallel_loop3A_137, %parallel_loop3A_139 : vector<16xf32>
        %parallel_loop3A_141 = arith.fptosi %parallel_loop3A_140 : vector<16xf32> to vector<16xi32>
        %parallel_loop3A_142 = arith.addi %parallel_loop3A_141, %add3A_93 : vector<16xi32>
        tpu.vector_store_idx %arg6[%parallel_loop3A_142], %broadcast_in_dim3A_1 {add = true} : memref<12288xi32, #tpu.memory_space<vmem>>[vector<16xi32>], vector<16xi32>,
        %parallel_loop3A_143 = arith.constant 48 : i32
        %parallel_loop3A_144 = arith.addi %parallel_loop3A_112, %parallel_loop3A_143 : i32
        %parallel_loop3A_145 = arith.index_cast %parallel_loop3A_110 : i32 to index
        %parallel_loop3A_146 = arith.index_cast %parallel_loop3A_144 : i32 to index
        %parallel_loop3A_147 = tpu.vector_load %arg5[%parallel_loop3A_145, %parallel_loop3A_146] {strides = array<i32>} : memref<64x512xf32, #tpu.memory_space<vmem>>, vector<16xf32>,
        %parallel_loop3A_148 = arith.constant 2.560000e+02 : f32
        %parallel_loop3A_149 = vector.broadcast %parallel_loop3A_148 : f32 to vector<16xf32>
        %parallel_loop3A_150 = arith.mulf %parallel_loop3A_147, %parallel_loop3A_149 : vector<16xf32>
        %parallel_loop3A_151 = arith.fptosi %parallel_loop3A_150 : vector<16xf32> to vector<16xi32>
        %parallel_loop3A_152 = arith.addi %parallel_loop3A_151, %add3A_93 : vector<16xi32>
        tpu.vector_store_idx %arg6[%parallel_loop3A_152], %broadcast_in_dim3A_1 {add = true} : memref<12288xi32, #tpu.memory_space<vmem>>[vector<16xi32>], vector<16xi32>,
        %parallel_loop3A_153 = arith.constant 64 : i32
        %parallel_loop3A_154 = arith.addi %parallel_loop3A_112, %parallel_loop3A_153 : i32
        %parallel_loop3A_155 = arith.index_cast %parallel_loop3A_110 : i32 to index
        %parallel_loop3A_156 = arith.index_cast %parallel_loop3A_154 : i32 to index
        %parallel_loop3A_157 = tpu.vector_load %arg5[%parallel_loop3A_155, %parallel_loop3A_156] {strides = array<i32>} : memref<64x512xf32, #tpu.memory_space<vmem>>, vector<16xf32>,
        %parallel_loop3A_158 = arith.constant 2.560000e+02 : f32
        %parallel_loop3A_159 = vector.broadcast %parallel_loop3A_158 : f32 to vector<16xf32>
        %parallel_loop3A_160 = arith.mulf %parallel_loop3A_157, %parallel_loop3A_159 : vector<16xf32>
        %parallel_loop3A_161 = arith.fptosi %parallel_loop3A_160 : vector<16xf32> to vector<16xi32>
        %parallel_loop3A_162 = arith.addi %parallel_loop3A_161, %add3A_93 : vector<16xi32>
        tpu.vector_store_idx %arg6[%parallel_loop3A_162], %broadcast_in_dim3A_1 {add = true} : memref<12288xi32, #tpu.memory_space<vmem>>[vector<16xi32>], vector<16xi32>,
        %parallel_loop3A_163 = arith.constant 80 : i32
        %parallel_loop3A_164 = arith.addi %parallel_loop3A_112, %parallel_loop3A_163 : i32
        %parallel_loop3A_165 = arith.index_cast %parallel_loop3A_110 : i32 to index
        %parallel_loop3A_166 = arith.index_cast %parallel_loop3A_164 : i32 to index
        %parallel_loop3A_167 = tpu.vector_load %arg5[%parallel_loop3A_165, %parallel_loop3A_166] {strides = array<i32>} : memref<64x512xf32, #tpu.memory_space<vmem>>, vector<16xf32>,
        %parallel_loop3A_168 = arith.constant 2.560000e+02 : f32
        %parallel_loop3A_169 = vector.broadcast %parallel_loop3A_168 : f32 to vector<16xf32>
        %parallel_loop3A_170 = arith.mulf %parallel_loop3A_167, %parallel_loop3A_169 : vector<16xf32>
        %parallel_loop3A_171 = arith.fptosi %parallel_loop3A_170 : vector<16xf32> to vector<16xi32>
        %parallel_loop3A_172 = arith.addi %parallel_loop3A_171, %add3A_93 : vector<16xi32>
        tpu.vector_store_idx %arg6[%parallel_loop3A_172], %broadcast_in_dim3A_1 {add = true} : memref<12288xi32, #tpu.memory_space<vmem>>[vector<16xi32>], vector<16xi32>,
        %parallel_loop3A_173 = arith.constant 96 : i32
        %parallel_loop3A_174 = arith.addi %parallel_loop3A_112, %parallel_loop3A_173 : i32
        %parallel_loop3A_175 = arith.index_cast %parallel_loop3A_110 : i32 to index
        %parallel_loop3A_176 = arith.index_cast %parallel_loop3A_174 : i32 to index
        %parallel_loop3A_177 = tpu.vector_load %arg5[%parallel_loop3A_175, %parallel_loop3A_176] {strides = array<i32>} : memref<64x512xf32, #tpu.memory_space<vmem>>, vector<16xf32>,
        %parallel_loop3A_178 = arith.constant 2.560000e+02 : f32
        %parallel_loop3A_179 = vector.broadcast %parallel_loop3A_178 : f32 to vector<16xf32>
        %parallel_loop3A_180 = arith.mulf %parallel_loop3A_177, %parallel_loop3A_179 : vector<16xf32>
        %parallel_loop3A_181 = arith.fptosi %parallel_loop3A_180 : vector<16xf32> to vector<16xi32>
        %parallel_loop3A_182 = arith.addi %parallel_loop3A_181, %add3A_93 : vector<16xi32>
        tpu.vector_store_idx %arg6[%parallel_loop3A_182], %broadcast_in_dim3A_1 {add = true} : memref<12288xi32, #tpu.memory_space<vmem>>[vector<16xi32>], vector<16xi32>,
        %parallel_loop3A_183 = arith.constant 112 : i32
        %parallel_loop3A_184 = arith.addi %parallel_loop3A_112, %parallel_loop3A_183 : i32
        %parallel_loop3A_185 = arith.index_cast %parallel_loop3A_110 : i32 to index
        %parallel_loop3A_186 = arith.index_cast %parallel_loop3A_184 : i32 to index
        %parallel_loop3A_187 = tpu.vector_load %arg5[%parallel_loop3A_185, %parallel_loop3A_186] {strides = array<i32>} : memref<64x512xf32, #tpu.memory_space<vmem>>, vector<16xf32>,
        %parallel_loop3A_188 = arith.constant 2.560000e+02 : f32
        %parallel_loop3A_189 = vector.broadcast %parallel_loop3A_188 : f32 to vector<16xf32>
        %parallel_loop3A_190 = arith.mulf %parallel_loop3A_187, %parallel_loop3A_189 : vector<16xf32>
        %parallel_loop3A_191 = arith.fptosi %parallel_loop3A_190 : vector<16xf32> to vector<16xi32>
        %parallel_loop3A_192 = arith.addi %parallel_loop3A_191, %add3A_93 : vector<16xi32>
        tpu.vector_store_idx %arg6[%parallel_loop3A_192], %broadcast_in_dim3A_1 {add = true} : memref<12288xi32, #tpu.memory_space<vmem>>[vector<16xi32>], vector<16xi32>,
      } {sc.loop_unroll_factor = 16 : i64, sc.parallel_access}
      %add3A_97 = arith.constant 0 : i32
      %add3A_98 = arith.addi %add3A_97, %add3A_55 : i32
      %add3A_99 = arith.constant 3 : i32
      %add3A_100 = arith.addi %add3A_98, %add3A_99 : i32
      %mul3A_101 = arith.constant 64 : i32
      %mul3A_102 = arith.muli %add3A_100, %mul3A_101 : i32
      %add3A_103 = arith.addi %mul3A_12, %mul3A_102 : i32
      %dma_start3A_104 = arith.constant 0 : i32
      %dma_start3A_105 = tpu.memref_slice %arg2[%add3A_103, %dma_start3A_104] : memref<98304x512xf32, #tpu.memory_space<hbm>> -> memref<64x512xf32, #tpu.memory_space<hbm>>
      %dma_start3A_106 = arith.constant 0 : i32
      %dma_start3A_107 = tpu.memref_slice %arg2[%add3A_103, %dma_start3A_106] : memref<98304x512xf32, #tpu.memory_space<hbm>> -> memref<64x512xf32, #tpu.memory_space<hbm>>
      tpu.enqueue_dma source(%dma_start3A_107 : memref<64x512xf32, #tpu.memory_space<hbm>>) target(%arg5 : memref<64x512xf32, #tpu.memory_space<vmem>>) target_semaphore(%arg9 : memref<!tpu.dma_semaphore, #tpu.memory_space<semaphore_mem>>)
    }
    %scan3A_27 = arith.constant 12 : i32
    %mul3A_28 = arith.constant 2 : i32
    %mul3A_29 = arith.muli %add3A, %mul3A_28 : i32
    %add3A_30 = arith.constant 0 : i32
    %add3A_31 = arith.addi %mul3A_29, %add3A_30 : i32
    %parallel_loop3A_32 = arith.constant 0 : i32
    %parallel_loop3A_33 = arith.constant 768 : i32
    %parallel_loop3A_34 = arith.constant 16 : i32
    scf.for %parallel_loop3A_51 = %parallel_loop3A_32 to %parallel_loop3A_33 step %parallel_loop3A_34  : i32 {
      %parallel_loop3A_52 = arith.index_cast %parallel_loop3A_51 : i32 to index
      %parallel_loop3A_53 = tpu.vector_load %arg6[%parallel_loop3A_52] {strides = array<i32>} : memref<12288xi32, #tpu.memory_space<vmem>>, vector<16xi32>,
      %parallel_loop3A_54 = arith.index_cast %parallel_loop3A_51 : i32 to index
      %parallel_loop3A_55 = tpu.vector_load %arg6[%parallel_loop3A_54] {strides = array<i32>} : memref<12288xi32, #tpu.memory_space<vmem>>, vector<16xi32>,
      tpu.vector_store %arg6[%parallel_loop3A_54], %broadcast_in_dim3A_3 {strides = array<i32>} : memref<12288xi32, #tpu.memory_space<vmem>>, vector<16xi32>,
      %parallel_loop3A_56 = arith.constant 768 : i32
      %parallel_loop3A_57 = arith.addi %parallel_loop3A_56, %parallel_loop3A_51 : i32
      %parallel_loop3A_58 = arith.index_cast %parallel_loop3A_57 : i32 to index
      %parallel_loop3A_59 = tpu.vector_load %arg6[%parallel_loop3A_58] {strides = array<i32>} : memref<12288xi32, #tpu.memory_space<vmem>>, vector<16xi32>,
      %parallel_loop3A_60 = arith.addi %parallel_loop3A_53, %parallel_loop3A_59 : vector<16xi32>
      %parallel_loop3A_61 = arith.constant 768 : i32
      %parallel_loop3A_62 = arith.addi %parallel_loop3A_61, %parallel_loop3A_51 : i32
      %parallel_loop3A_63 = arith.index_cast %parallel_loop3A_62 : i32 to index
      %parallel_loop3A_64 = tpu.vector_load %arg6[%parallel_loop3A_63] {strides = array<i32>} : memref<12288xi32, #tpu.memory_space<vmem>>, vector<16xi32>,
      tpu.vector_store %arg6[%parallel_loop3A_63], %broadcast_in_dim3A_3 {strides = array<i32>} : memref<12288xi32, #tpu.memory_space<vmem>>, vector<16xi32>,
      %parallel_loop3A_65 = arith.constant 1536 : i32
      %parallel_loop3A_66 = arith.addi %parallel_loop3A_65, %parallel_loop3A_51 : i32
      %parallel_loop3A_67 = arith.index_cast %parallel_loop3A_66 : i32 to index
      %parallel_loop3A_68 = tpu.vector_load %arg6[%parallel_loop3A_67] {strides = array<i32>} : memref<12288xi32, #tpu.memory_space<vmem>>, vector<16xi32>,
      %parallel_loop3A_69 = arith.addi %parallel_loop3A_60, %parallel_loop3A_68 : vector<16xi32>
      %parallel_loop3A_70 = arith.constant 1536 : i32
      %parallel_loop3A_71 = arith.addi %parallel_loop3A_70, %parallel_loop3A_51 : i32
      %parallel_loop3A_72 = arith.index_cast %parallel_loop3A_71 : i32 to index
      %parallel_loop3A_73 = tpu.vector_load %arg6[%parallel_loop3A_72] {strides = array<i32>} : memref<12288xi32, #tpu.memory_space<vmem>>, vector<16xi32>,
      tpu.vector_store %arg6[%parallel_loop3A_72], %broadcast_in_dim3A_3 {strides = array<i32>} : memref<12288xi32, #tpu.memory_space<vmem>>, vector<16xi32>,
      %parallel_loop3A_74 = arith.constant 2304 : i32
      %parallel_loop3A_75 = arith.addi %parallel_loop3A_74, %parallel_loop3A_51 : i32
      %parallel_loop3A_76 = arith.index_cast %parallel_loop3A_75 : i32 to index
      %parallel_loop3A_77 = tpu.vector_load %arg6[%parallel_loop3A_76] {strides = array<i32>} : memref<12288xi32, #tpu.memory_space<vmem>>, vector<16xi32>,
      %parallel_loop3A_78 = arith.addi %parallel_loop3A_69, %parallel_loop3A_77 : vector<16xi32>
      %parallel_loop3A_79 = arith.constant 2304 : i32
      %parallel_loop3A_80 = arith.addi %parallel_loop3A_79, %parallel_loop3A_51 : i32
      %parallel_loop3A_81 = arith.index_cast %parallel_loop3A_80 : i32 to index
      %parallel_loop3A_82 = tpu.vector_load %arg6[%parallel_loop3A_81] {strides = array<i32>} : memref<12288xi32, #tpu.memory_space<vmem>>, vector<16xi32>,
      tpu.vector_store %arg6[%parallel_loop3A_81], %broadcast_in_dim3A_3 {strides = array<i32>} : memref<12288xi32, #tpu.memory_space<vmem>>, vector<16xi32>,
      %parallel_loop3A_83 = arith.constant 3072 : i32
      %parallel_loop3A_84 = arith.addi %parallel_loop3A_83, %parallel_loop3A_51 : i32
      %parallel_loop3A_85 = arith.index_cast %parallel_loop3A_84 : i32 to index
      %parallel_loop3A_86 = tpu.vector_load %arg6[%parallel_loop3A_85] {strides = array<i32>} : memref<12288xi32, #tpu.memory_space<vmem>>, vector<16xi32>,
      %parallel_loop3A_87 = arith.addi %parallel_loop3A_78, %parallel_loop3A_86 : vector<16xi32>
      %parallel_loop3A_88 = arith.constant 3072 : i32
      %parallel_loop3A_89 = arith.addi %parallel_loop3A_88, %parallel_loop3A_51 : i32
      %parallel_loop3A_90 = arith.index_cast %parallel_loop3A_89 : i32 to index
      %parallel_loop3A_91 = tpu.vector_load %arg6[%parallel_loop3A_90] {strides = array<i32>} : memref<12288xi32, #tpu.memory_space<vmem>>, vector<16xi32>,
      tpu.vector_store %arg6[%parallel_loop3A_90], %broadcast_in_dim3A_3 {strides = array<i32>} : memref<12288xi32, #tpu.memory_space<vmem>>, vector<16xi32>,
      %parallel_loop3A_92 = arith.constant 3840 : i32
      %parallel_loop3A_93 = arith.addi %parallel_loop3A_92, %parallel_loop3A_51 : i32
      %parallel_loop3A_94 = arith.index_cast %parallel_loop3A_93 : i32 to index
      %parallel_loop3A_95 = tpu.vector_load %arg6[%parallel_loop3A_94] {strides = array<i32>} : memref<12288xi32, #tpu.memory_space<vmem>>, vector<16xi32>,
      %parallel_loop3A_96 = arith.addi %parallel_loop3A_87, %parallel_loop3A_95 : vector<16xi32>
      %parallel_loop3A_97 = arith.constant 3840 : i32
      %parallel_loop3A_98 = arith.addi %parallel_loop3A_97, %parallel_loop3A_51 : i32
      %parallel_loop3A_99 = arith.index_cast %parallel_loop3A_98 : i32 to index
      %parallel_loop3A_100 = tpu.vector_load %arg6[%parallel_loop3A_99] {strides = array<i32>} : memref<12288xi32, #tpu.memory_space<vmem>>, vector<16xi32>,
      tpu.vector_store %arg6[%parallel_loop3A_99], %broadcast_in_dim3A_3 {strides = array<i32>} : memref<12288xi32, #tpu.memory_space<vmem>>, vector<16xi32>,
      %parallel_loop3A_101 = arith.constant 4608 : i32
      %parallel_loop3A_102 = arith.addi %parallel_loop3A_101, %parallel_loop3A_51 : i32
      %parallel_loop3A_103 = arith.index_cast %parallel_loop3A_102 : i32 to index
      %parallel_loop3A_104 = tpu.vector_load %arg6[%parallel_loop3A_103] {strides = array<i32>} : memref<12288xi32, #tpu.memory_space<vmem>>, vector<16xi32>,
      %parallel_loop3A_105 = arith.addi %parallel_loop3A_96, %parallel_loop3A_104 : vector<16xi32>
      %parallel_loop3A_106 = arith.constant 4608 : i32
      %parallel_loop3A_107 = arith.addi %parallel_loop3A_106, %parallel_loop3A_51 : i32
      %parallel_loop3A_108 = arith.index_cast %parallel_loop3A_107 : i32 to index
      %parallel_loop3A_109 = tpu.vector_load %arg6[%parallel_loop3A_108] {strides = array<i32>} : memref<12288xi32, #tpu.memory_space<vmem>>, vector<16xi32>,
      tpu.vector_store %arg6[%parallel_loop3A_108], %broadcast_in_dim3A_3 {strides = array<i32>} : memref<12288xi32, #tpu.memory_space<vmem>>, vector<16xi32>,
      %parallel_loop3A_110 = arith.constant 5376 : i32
      %parallel_loop3A_111 = arith.addi %parallel_loop3A_110, %parallel_loop3A_51 : i32
      %parallel_loop3A_112 = arith.index_cast %parallel_loop3A_111 : i32 to index
      %parallel_loop3A_113 = tpu.vector_load %arg6[%parallel_loop3A_112] {strides = array<i32>} : memref<12288xi32, #tpu.memory_space<vmem>>, vector<16xi32>,
      %parallel_loop3A_114 = arith.addi %parallel_loop3A_105, %parallel_loop3A_113 : vector<16xi32>
      %parallel_loop3A_115 = arith.constant 5376 : i32
      %parallel_loop3A_116 = arith.addi %parallel_loop3A_115, %parallel_loop3A_51 : i32
      %parallel_loop3A_117 = arith.index_cast %parallel_loop3A_116 : i32 to index
      %parallel_loop3A_118 = tpu.vector_load %arg6[%parallel_loop3A_117] {strides = array<i32>} : memref<12288xi32, #tpu.memory_space<vmem>>, vector<16xi32>,
      tpu.vector_store %arg6[%parallel_loop3A_117], %broadcast_in_dim3A_3 {strides = array<i32>} : memref<12288xi32, #tpu.memory_space<vmem>>, vector<16xi32>,
      %parallel_loop3A_119 = arith.constant 6144 : i32
      %parallel_loop3A_120 = arith.addi %parallel_loop3A_119, %parallel_loop3A_51 : i32
      %parallel_loop3A_121 = arith.index_cast %parallel_loop3A_120 : i32 to index
      %parallel_loop3A_122 = tpu.vector_load %arg6[%parallel_loop3A_121] {strides = array<i32>} : memref<12288xi32, #tpu.memory_space<vmem>>, vector<16xi32>,
      %parallel_loop3A_123 = arith.addi %parallel_loop3A_114, %parallel_loop3A_122 : vector<16xi32>
      %parallel_loop3A_124 = arith.constant 6144 : i32
      %parallel_loop3A_125 = arith.addi %parallel_loop3A_124, %parallel_loop3A_51 : i32
      %parallel_loop3A_126 = arith.index_cast %parallel_loop3A_125 : i32 to index
      %parallel_loop3A_127 = tpu.vector_load %arg6[%parallel_loop3A_126] {strides = array<i32>} : memref<12288xi32, #tpu.memory_space<vmem>>, vector<16xi32>,
      tpu.vector_store %arg6[%parallel_loop3A_126], %broadcast_in_dim3A_3 {strides = array<i32>} : memref<12288xi32, #tpu.memory_space<vmem>>, vector<16xi32>,
      %parallel_loop3A_128 = arith.constant 6912 : i32
      %parallel_loop3A_129 = arith.addi %parallel_loop3A_128, %parallel_loop3A_51 : i32
      %parallel_loop3A_130 = arith.index_cast %parallel_loop3A_129 : i32 to index
      %parallel_loop3A_131 = tpu.vector_load %arg6[%parallel_loop3A_130] {strides = array<i32>} : memref<12288xi32, #tpu.memory_space<vmem>>, vector<16xi32>,
      %parallel_loop3A_132 = arith.addi %parallel_loop3A_123, %parallel_loop3A_131 : vector<16xi32>
      %parallel_loop3A_133 = arith.constant 6912 : i32
      %parallel_loop3A_134 = arith.addi %parallel_loop3A_133, %parallel_loop3A_51 : i32
      %parallel_loop3A_135 = arith.index_cast %parallel_loop3A_134 : i32 to index
      %parallel_loop3A_136 = tpu.vector_load %arg6[%parallel_loop3A_135] {strides = array<i32>} : memref<12288xi32, #tpu.memory_space<vmem>>, vector<16xi32>,
      tpu.vector_store %arg6[%parallel_loop3A_135], %broadcast_in_dim3A_3 {strides = array<i32>} : memref<12288xi32, #tpu.memory_space<vmem>>, vector<16xi32>,
      %parallel_loop3A_137 = arith.constant 7680 : i32
      %parallel_loop3A_138 = arith.addi %parallel_loop3A_137, %parallel_loop3A_51 : i32
      %parallel_loop3A_139 = arith.index_cast %parallel_loop3A_138 : i32 to index
      %parallel_loop3A_140 = tpu.vector_load %arg6[%parallel_loop3A_139] {strides = array<i32>} : memref<12288xi32, #tpu.memory_space<vmem>>, vector<16xi32>,
      %parallel_loop3A_141 = arith.addi %parallel_loop3A_132, %parallel_loop3A_140 : vector<16xi32>
      %parallel_loop3A_142 = arith.constant 7680 : i32
      %parallel_loop3A_143 = arith.addi %parallel_loop3A_142, %parallel_loop3A_51 : i32
      %parallel_loop3A_144 = arith.index_cast %parallel_loop3A_143 : i32 to index
      %parallel_loop3A_145 = tpu.vector_load %arg6[%parallel_loop3A_144] {strides = array<i32>} : memref<12288xi32, #tpu.memory_space<vmem>>, vector<16xi32>,
      tpu.vector_store %arg6[%parallel_loop3A_144], %broadcast_in_dim3A_3 {strides = array<i32>} : memref<12288xi32, #tpu.memory_space<vmem>>, vector<16xi32>,
      %parallel_loop3A_146 = arith.constant 8448 : i32
      %parallel_loop3A_147 = arith.addi %parallel_loop3A_146, %parallel_loop3A_51 : i32
      %parallel_loop3A_148 = arith.index_cast %parallel_loop3A_147 : i32 to index
      %parallel_loop3A_149 = tpu.vector_load %arg6[%parallel_loop3A_148] {strides = array<i32>} : memref<12288xi32, #tpu.memory_space<vmem>>, vector<16xi32>,
      %parallel_loop3A_150 = arith.addi %parallel_loop3A_141, %parallel_loop3A_149 : vector<16xi32>
      %parallel_loop3A_151 = arith.constant 8448 : i32
      %parallel_loop3A_152 = arith.addi %parallel_loop3A_151, %parallel_loop3A_51 : i32
      %parallel_loop3A_153 = arith.index_cast %parallel_loop3A_152 : i32 to index
      %parallel_loop3A_154 = tpu.vector_load %arg6[%parallel_loop3A_153] {strides = array<i32>} : memref<12288xi32, #tpu.memory_space<vmem>>, vector<16xi32>,
      tpu.vector_store %arg6[%parallel_loop3A_153], %broadcast_in_dim3A_3 {strides = array<i32>} : memref<12288xi32, #tpu.memory_space<vmem>>, vector<16xi32>,
      %parallel_loop3A_155 = arith.constant 9216 : i32
      %parallel_loop3A_156 = arith.addi %parallel_loop3A_155, %parallel_loop3A_51 : i32
      %parallel_loop3A_157 = arith.index_cast %parallel_loop3A_156 : i32 to index
      %parallel_loop3A_158 = tpu.vector_load %arg6[%parallel_loop3A_157] {strides = array<i32>} : memref<12288xi32, #tpu.memory_space<vmem>>, vector<16xi32>,
      %parallel_loop3A_159 = arith.addi %parallel_loop3A_150, %parallel_loop3A_158 : vector<16xi32>
      %parallel_loop3A_160 = arith.constant 9216 : i32
      %parallel_loop3A_161 = arith.addi %parallel_loop3A_160, %parallel_loop3A_51 : i32
      %parallel_loop3A_162 = arith.index_cast %parallel_loop3A_161 : i32 to index
      %parallel_loop3A_163 = tpu.vector_load %arg6[%parallel_loop3A_162] {strides = array<i32>} : memref<12288xi32, #tpu.memory_space<vmem>>, vector<16xi32>,
      tpu.vector_store %arg6[%parallel_loop3A_162], %broadcast_in_dim3A_3 {strides = array<i32>} : memref<12288xi32, #tpu.memory_space<vmem>>, vector<16xi32>,
      %parallel_loop3A_164 = arith.constant 9984 : i32
      %parallel_loop3A_165 = arith.addi %parallel_loop3A_164, %parallel_loop3A_51 : i32
      %parallel_loop3A_166 = arith.index_cast %parallel_loop3A_165 : i32 to index
      %parallel_loop3A_167 = tpu.vector_load %arg6[%parallel_loop3A_166] {strides = array<i32>} : memref<12288xi32, #tpu.memory_space<vmem>>, vector<16xi32>,
      %parallel_loop3A_168 = arith.addi %parallel_loop3A_159, %parallel_loop3A_167 : vector<16xi32>
      %parallel_loop3A_169 = arith.constant 9984 : i32
      %parallel_loop3A_170 = arith.addi %parallel_loop3A_169, %parallel_loop3A_51 : i32
      %parallel_loop3A_171 = arith.index_cast %parallel_loop3A_170 : i32 to index
      %parallel_loop3A_172 = tpu.vector_load %arg6[%parallel_loop3A_171] {strides = array<i32>} : memref<12288xi32, #tpu.memory_space<vmem>>, vector<16xi32>,
      tpu.vector_store %arg6[%parallel_loop3A_171], %broadcast_in_dim3A_3 {strides = array<i32>} : memref<12288xi32, #tpu.memory_space<vmem>>, vector<16xi32>,
      %parallel_loop3A_173 = arith.constant 10752 : i32
      %parallel_loop3A_174 = arith.addi %parallel_loop3A_173, %parallel_loop3A_51 : i32
      %parallel_loop3A_175 = arith.index_cast %parallel_loop3A_174 : i32 to index
      %parallel_loop3A_176 = tpu.vector_load %arg6[%parallel_loop3A_175] {strides = array<i32>} : memref<12288xi32, #tpu.memory_space<vmem>>, vector<16xi32>,
      %parallel_loop3A_177 = arith.addi %parallel_loop3A_168, %parallel_loop3A_176 : vector<16xi32>
      %parallel_loop3A_178 = arith.constant 10752 : i32
      %parallel_loop3A_179 = arith.addi %parallel_loop3A_178, %parallel_loop3A_51 : i32
      %parallel_loop3A_180 = arith.index_cast %parallel_loop3A_179 : i32 to index
      %parallel_loop3A_181 = tpu.vector_load %arg6[%parallel_loop3A_180] {strides = array<i32>} : memref<12288xi32, #tpu.memory_space<vmem>>, vector<16xi32>,
      tpu.vector_store %arg6[%parallel_loop3A_180], %broadcast_in_dim3A_3 {strides = array<i32>} : memref<12288xi32, #tpu.memory_space<vmem>>, vector<16xi32>,
      %parallel_loop3A_182 = arith.constant 11520 : i32
      %parallel_loop3A_183 = arith.addi %parallel_loop3A_182, %parallel_loop3A_51 : i32
      %parallel_loop3A_184 = arith.index_cast %parallel_loop3A_183 : i32 to index
      %parallel_loop3A_185 = tpu.vector_load %arg6[%parallel_loop3A_184] {strides = array<i32>} : memref<12288xi32, #tpu.memory_space<vmem>>, vector<16xi32>,
      %parallel_loop3A_186 = arith.addi %parallel_loop3A_177, %parallel_loop3A_185 : vector<16xi32>
      %parallel_loop3A_187 = arith.constant 11520 : i32
      %parallel_loop3A_188 = arith.addi %parallel_loop3A_187, %parallel_loop3A_51 : i32
      %parallel_loop3A_189 = arith.index_cast %parallel_loop3A_188 : i32 to index
      %parallel_loop3A_190 = tpu.vector_load %arg6[%parallel_loop3A_189] {strides = array<i32>} : memref<12288xi32, #tpu.memory_space<vmem>>, vector<16xi32>,
      tpu.vector_store %arg6[%parallel_loop3A_189], %broadcast_in_dim3A_3 {strides = array<i32>} : memref<12288xi32, #tpu.memory_space<vmem>>, vector<16xi32>,
      %parallel_loop3A_191 = arith.sitofp %parallel_loop3A_186 : vector<16xi32> to vector<16xf32>
      %parallel_loop3A_192 = arith.constant 3.81469727E-6 : f32
      %parallel_loop3A_193 = vector.broadcast %parallel_loop3A_192 : f32 to vector<16xf32>
      %parallel_loop3A_194 = arith.mulf %parallel_loop3A_191, %parallel_loop3A_193 : vector<16xf32>
      %parallel_loop3A_195 = arith.index_cast %parallel_loop3A_51 : i32 to index
      %parallel_loop3A_196 = tpu.vector_load %arg7[%parallel_loop3A_195] {strides = array<i32>} : memref<768xf32, #tpu.memory_space<vmem>>, vector<16xf32>,
      tpu.vector_store %arg7[%parallel_loop3A_195], %parallel_loop3A_194 {strides = array<i32>} : memref<768xf32, #tpu.memory_space<vmem>>, vector<16xf32>,
    } {sc.loop_unroll_factor = 1 : i64, sc.parallel_access}
    %mul3A_35 = arith.constant 768 : i32
    %mul3A_36 = arith.muli %add3A_31, %mul3A_35 : i32
    "tpu.region"() ({
      %run_scoped3A = tpu.sem_alloc : memref<!tpu.dma_semaphore, #tpu.memory_space<semaphore_mem>>
      %dma_start3A_51 = tpu.memref_slice %arg3[%mul3A_36] : memref<49152xf32, #tpu.memory_space<hbm>> -> memref<768xf32, #tpu.memory_space<hbm>>
      %dma_start3A_52 = tpu.memref_slice %arg3[%mul3A_36] : memref<49152xf32, #tpu.memory_space<hbm>> -> memref<768xf32, #tpu.memory_space<hbm>>
      tpu.enqueue_dma source(%arg7 : memref<768xf32, #tpu.memory_space<vmem>>) target(%dma_start3A_52 : memref<768xf32, #tpu.memory_space<hbm>>) target_semaphore(%run_scoped3A : memref<!tpu.dma_semaphore, #tpu.memory_space<semaphore_mem>>)
      %dma_wait3A = tpu.memref_slice %arg3[%mul3A_36] : memref<49152xf32, #tpu.memory_space<hbm>> -> memref<768xf32, #tpu.memory_space<hbm>>
      %dma_wait3A_53 = tpu.memref_slice %arg3[%mul3A_36] : memref<49152xf32, #tpu.memory_space<hbm>> -> memref<768xf32, #tpu.memory_space<hbm>>
      tpu.wait_dma2 semaphore(%run_scoped3A : memref<!tpu.dma_semaphore, #tpu.memory_space<semaphore_mem>>) src(%arg7 : memref<768xf32, #tpu.memory_space<vmem>>) dst(%dma_wait3A_53 : memref<768xf32, #tpu.memory_space<hbm>>)
      tpu.yield
    }) : () -> ()
    %scan3A_37 = arith.constant 0 : i32
    %scan3A_38 = arith.constant 12 : i32
    %scan3A_39 = arith.addi %scan3A_37, %scan3A_38 : i32
    %scan3A_40 = arith.constant 1 : i32
    scf.for %scan3A_51 = %scan3A_37 to %scan3A_39 step %scan3A_40  : i32 {
      %mul3A_52 = arith.constant 2 : i32
      %mul3A_53 = arith.muli %scan3A_51, %mul3A_52 : i32
      %add3A_54 = arith.constant 0 : i32
      %add3A_55 = arith.addi %add3A_54, %mul3A_53 : i32
      %dma_wait3A = arith.constant 0 : i32
      %dma_wait3A_56 = arith.constant 0 : i32
      %dma_wait3A_57 = tpu.memref_slice %arg2[%dma_wait3A, %dma_wait3A_56] : memref<98304x512xf32, #tpu.memory_space<hbm>> -> memref<64x512xf32, #tpu.memory_space<hbm>>
      %dma_wait3A_58 = arith.constant 0 : i32
      %dma_wait3A_59 = arith.constant 0 : i32
      %dma_wait3A_60 = tpu.memref_slice %arg2[%dma_wait3A_58, %dma_wait3A_59] : memref<98304x512xf32, #tpu.memory_space<hbm>> -> memref<64x512xf32, #tpu.memory_space<hbm>>
      tpu.wait_dma2 semaphore(%arg8 : memref<!tpu.dma_semaphore, #tpu.memory_space<semaphore_mem>>) src(%dma_wait3A_60 : memref<64x512xf32, #tpu.memory_space<hbm>>) dst(%arg4 : memref<64x512xf32, #tpu.memory_space<vmem>>)
      %shift_right_logical3A = arith.constant 3 : i32
      %shift_right_logical3A_61 = arith.shrui %add3A_55, %shift_right_logical3A : i32
      %mul3A_62 = arith.constant 256 : i32
      %mul3A_63 = arith.muli %shift_right_logical3A_61, %mul3A_62 : i32
      %add3A_64 = vector.broadcast %mul3A_63 : i32 to vector<16xi32>
      %add3A_65 = arith.addi %mul3A_6, %add3A_64 : vector<16xi32>
      %parallel_loop3A_66 = arith.constant 0 : i32
      %parallel_loop3A_67 = arith.constant 32768 : i32
      %parallel_loop3A_68 = arith.constant 128 : i32
      scf.for %parallel_loop3A_97 = %parallel_loop3A_66 to %parallel_loop3A_67 step %parallel_loop3A_68  : i32 {
        %parallel_loop3A_98 = arith.constant 9 : i32
        %parallel_loop3A_99 = arith.shrui %parallel_loop3A_97, %parallel_loop3A_98 : i32
        %parallel_loop3A_100 = arith.constant 511 : i32
        %parallel_loop3A_101 = arith.andi %parallel_loop3A_97, %parallel_loop3A_100 : i32
        %parallel_loop3A_102 = arith.constant 0 : i32
        %parallel_loop3A_103 = arith.addi %parallel_loop3A_101, %parallel_loop3A_102 : i32
        %parallel_loop3A_104 = arith.index_cast %parallel_loop3A_99 : i32 to index
        %parallel_loop3A_105 = arith.index_cast %parallel_loop3A_103 : i32 to index
        %parallel_loop3A_106 = tpu.vector_load %arg4[%parallel_loop3A_104, %parallel_loop3A_105] {strides = array<i32>} : memref<64x512xf32, #tpu.memory_space<vmem>>, vector<16xf32>,
        %parallel_loop3A_107 = arith.constant 2.560000e+02 : f32
        %parallel_loop3A_108 = vector.broadcast %parallel_loop3A_107 : f32 to vector<16xf32>
        %parallel_loop3A_109 = arith.mulf %parallel_loop3A_106, %parallel_loop3A_108 : vector<16xf32>
        %parallel_loop3A_110 = arith.fptosi %parallel_loop3A_109 : vector<16xf32> to vector<16xi32>
        %parallel_loop3A_111 = arith.addi %parallel_loop3A_110, %add3A_65 : vector<16xi32>
        tpu.vector_store_idx %arg6[%parallel_loop3A_111], %broadcast_in_dim3A_1 {add = true} : memref<12288xi32, #tpu.memory_space<vmem>>[vector<16xi32>], vector<16xi32>,
        %parallel_loop3A_112 = arith.constant 16 : i32
        %parallel_loop3A_113 = arith.addi %parallel_loop3A_101, %parallel_loop3A_112 : i32
        %parallel_loop3A_114 = arith.index_cast %parallel_loop3A_99 : i32 to index
        %parallel_loop3A_115 = arith.index_cast %parallel_loop3A_113 : i32 to index
        %parallel_loop3A_116 = tpu.vector_load %arg4[%parallel_loop3A_114, %parallel_loop3A_115] {strides = array<i32>} : memref<64x512xf32, #tpu.memory_space<vmem>>, vector<16xf32>,
        %parallel_loop3A_117 = arith.constant 2.560000e+02 : f32
        %parallel_loop3A_118 = vector.broadcast %parallel_loop3A_117 : f32 to vector<16xf32>
        %parallel_loop3A_119 = arith.mulf %parallel_loop3A_116, %parallel_loop3A_118 : vector<16xf32>
        %parallel_loop3A_120 = arith.fptosi %parallel_loop3A_119 : vector<16xf32> to vector<16xi32>
        %parallel_loop3A_121 = arith.addi %parallel_loop3A_120, %add3A_65 : vector<16xi32>
        tpu.vector_store_idx %arg6[%parallel_loop3A_121], %broadcast_in_dim3A_1 {add = true} : memref<12288xi32, #tpu.memory_space<vmem>>[vector<16xi32>], vector<16xi32>,
        %parallel_loop3A_122 = arith.constant 32 : i32
        %parallel_loop3A_123 = arith.addi %parallel_loop3A_101, %parallel_loop3A_122 : i32
        %parallel_loop3A_124 = arith.index_cast %parallel_loop3A_99 : i32 to index
        %parallel_loop3A_125 = arith.index_cast %parallel_loop3A_123 : i32 to index
        %parallel_loop3A_126 = tpu.vector_load %arg4[%parallel_loop3A_124, %parallel_loop3A_125] {strides = array<i32>} : memref<64x512xf32, #tpu.memory_space<vmem>>, vector<16xf32>,
        %parallel_loop3A_127 = arith.constant 2.560000e+02 : f32
        %parallel_loop3A_128 = vector.broadcast %parallel_loop3A_127 : f32 to vector<16xf32>
        %parallel_loop3A_129 = arith.mulf %parallel_loop3A_126, %parallel_loop3A_128 : vector<16xf32>
        %parallel_loop3A_130 = arith.fptosi %parallel_loop3A_129 : vector<16xf32> to vector<16xi32>
        %parallel_loop3A_131 = arith.addi %parallel_loop3A_130, %add3A_65 : vector<16xi32>
        tpu.vector_store_idx %arg6[%parallel_loop3A_131], %broadcast_in_dim3A_1 {add = true} : memref<12288xi32, #tpu.memory_space<vmem>>[vector<16xi32>], vector<16xi32>,
        %parallel_loop3A_132 = arith.constant 48 : i32
        %parallel_loop3A_133 = arith.addi %parallel_loop3A_101, %parallel_loop3A_132 : i32
        %parallel_loop3A_134 = arith.index_cast %parallel_loop3A_99 : i32 to index
        %parallel_loop3A_135 = arith.index_cast %parallel_loop3A_133 : i32 to index
        %parallel_loop3A_136 = tpu.vector_load %arg4[%parallel_loop3A_134, %parallel_loop3A_135] {strides = array<i32>} : memref<64x512xf32, #tpu.memory_space<vmem>>, vector<16xf32>,
        %parallel_loop3A_137 = arith.constant 2.560000e+02 : f32
        %parallel_loop3A_138 = vector.broadcast %parallel_loop3A_137 : f32 to vector<16xf32>
        %parallel_loop3A_139 = arith.mulf %parallel_loop3A_136, %parallel_loop3A_138 : vector<16xf32>
        %parallel_loop3A_140 = arith.fptosi %parallel_loop3A_139 : vector<16xf32> to vector<16xi32>
        %parallel_loop3A_141 = arith.addi %parallel_loop3A_140, %add3A_65 : vector<16xi32>
        tpu.vector_store_idx %arg6[%parallel_loop3A_141], %broadcast_in_dim3A_1 {add = true} : memref<12288xi32, #tpu.memory_space<vmem>>[vector<16xi32>], vector<16xi32>,
        %parallel_loop3A_142 = arith.constant 64 : i32
        %parallel_loop3A_143 = arith.addi %parallel_loop3A_101, %parallel_loop3A_142 : i32
        %parallel_loop3A_144 = arith.index_cast %parallel_loop3A_99 : i32 to index
        %parallel_loop3A_145 = arith.index_cast %parallel_loop3A_143 : i32 to index
        %parallel_loop3A_146 = tpu.vector_load %arg4[%parallel_loop3A_144, %parallel_loop3A_145] {strides = array<i32>} : memref<64x512xf32, #tpu.memory_space<vmem>>, vector<16xf32>,
        %parallel_loop3A_147 = arith.constant 2.560000e+02 : f32
        %parallel_loop3A_148 = vector.broadcast %parallel_loop3A_147 : f32 to vector<16xf32>
        %parallel_loop3A_149 = arith.mulf %parallel_loop3A_146, %parallel_loop3A_148 : vector<16xf32>
        %parallel_loop3A_150 = arith.fptosi %parallel_loop3A_149 : vector<16xf32> to vector<16xi32>
        %parallel_loop3A_151 = arith.addi %parallel_loop3A_150, %add3A_65 : vector<16xi32>
        tpu.vector_store_idx %arg6[%parallel_loop3A_151], %broadcast_in_dim3A_1 {add = true} : memref<12288xi32, #tpu.memory_space<vmem>>[vector<16xi32>], vector<16xi32>,
        %parallel_loop3A_152 = arith.constant 80 : i32
        %parallel_loop3A_153 = arith.addi %parallel_loop3A_101, %parallel_loop3A_152 : i32
        %parallel_loop3A_154 = arith.index_cast %parallel_loop3A_99 : i32 to index
        %parallel_loop3A_155 = arith.index_cast %parallel_loop3A_153 : i32 to index
        %parallel_loop3A_156 = tpu.vector_load %arg4[%parallel_loop3A_154, %parallel_loop3A_155] {strides = array<i32>} : memref<64x512xf32, #tpu.memory_space<vmem>>, vector<16xf32>,
        %parallel_loop3A_157 = arith.constant 2.560000e+02 : f32
        %parallel_loop3A_158 = vector.broadcast %parallel_loop3A_157 : f32 to vector<16xf32>
        %parallel_loop3A_159 = arith.mulf %parallel_loop3A_156, %parallel_loop3A_158 : vector<16xf32>
        %parallel_loop3A_160 = arith.fptosi %parallel_loop3A_159 : vector<16xf32> to vector<16xi32>
        %parallel_loop3A_161 = arith.addi %parallel_loop3A_160, %add3A_65 : vector<16xi32>
        tpu.vector_store_idx %arg6[%parallel_loop3A_161], %broadcast_in_dim3A_1 {add = true} : memref<12288xi32, #tpu.memory_space<vmem>>[vector<16xi32>], vector<16xi32>,
        %parallel_loop3A_162 = arith.constant 96 : i32
        %parallel_loop3A_163 = arith.addi %parallel_loop3A_101, %parallel_loop3A_162 : i32
        %parallel_loop3A_164 = arith.index_cast %parallel_loop3A_99 : i32 to index
        %parallel_loop3A_165 = arith.index_cast %parallel_loop3A_163 : i32 to index
        %parallel_loop3A_166 = tpu.vector_load %arg4[%parallel_loop3A_164, %parallel_loop3A_165] {strides = array<i32>} : memref<64x512xf32, #tpu.memory_space<vmem>>, vector<16xf32>,
        %parallel_loop3A_167 = arith.constant 2.560000e+02 : f32
        %parallel_loop3A_168 = vector.broadcast %parallel_loop3A_167 : f32 to vector<16xf32>
        %parallel_loop3A_169 = arith.mulf %parallel_loop3A_166, %parallel_loop3A_168 : vector<16xf32>
        %parallel_loop3A_170 = arith.fptosi %parallel_loop3A_169 : vector<16xf32> to vector<16xi32>
        %parallel_loop3A_171 = arith.addi %parallel_loop3A_170, %add3A_65 : vector<16xi32>
        tpu.vector_store_idx %arg6[%parallel_loop3A_171], %broadcast_in_dim3A_1 {add = true} : memref<12288xi32, #tpu.memory_space<vmem>>[vector<16xi32>], vector<16xi32>,
        %parallel_loop3A_172 = arith.constant 112 : i32
        %parallel_loop3A_173 = arith.addi %parallel_loop3A_101, %parallel_loop3A_172 : i32
        %parallel_loop3A_174 = arith.index_cast %parallel_loop3A_99 : i32 to index
        %parallel_loop3A_175 = arith.index_cast %parallel_loop3A_173 : i32 to index
        %parallel_loop3A_176 = tpu.vector_load %arg4[%parallel_loop3A_174, %parallel_loop3A_175] {strides = array<i32>} : memref<64x512xf32, #tpu.memory_space<vmem>>, vector<16xf32>,
        %parallel_loop3A_177 = arith.constant 2.560000e+02 : f32
        %parallel_loop3A_178 = vector.broadcast %parallel_loop3A_177 : f32 to vector<16xf32>
        %parallel_loop3A_179 = arith.mulf %parallel_loop3A_176, %parallel_loop3A_178 : vector<16xf32>
        %parallel_loop3A_180 = arith.fptosi %parallel_loop3A_179 : vector<16xf32> to vector<16xi32>
        %parallel_loop3A_181 = arith.addi %parallel_loop3A_180, %add3A_65 : vector<16xi32>
        tpu.vector_store_idx %arg6[%parallel_loop3A_181], %broadcast_in_dim3A_1 {add = true} : memref<12288xi32, #tpu.memory_space<vmem>>[vector<16xi32>], vector<16xi32>,
      } {sc.loop_unroll_factor = 16 : i64, sc.parallel_access}
      %add3A_69 = arith.constant 2 : i32
      %add3A_70 = arith.addi %add3A_55, %add3A_69 : i32
      %lt3A = arith.constant 24 : i32
      %lt3A_71 = arith.cmpi slt, %add3A_70, %lt3A : i32
      %convert_element_type3A = arith.extui %lt3A_71 : i1 to i32
      %cond3A = arith.constant 0 : i32
      %cond3A_72 = arith.cmpi ne, %convert_element_type3A, %cond3A : i32
      scf.if %cond3A_72 {
        %add3A_97 = arith.constant 24 : i32
        %add3A_98 = arith.addi %add3A_97, %add3A_55 : i32
        %add3A_99 = arith.constant 2 : i32
        %add3A_100 = arith.addi %add3A_98, %add3A_99 : i32
        %mul3A_101 = arith.constant 64 : i32
        %mul3A_102 = arith.muli %add3A_100, %mul3A_101 : i32
        %add3A_103 = arith.addi %mul3A_12, %mul3A_102 : i32
        %dma_start3A_104 = arith.constant 0 : i32
        %dma_start3A_105 = tpu.memref_slice %arg2[%add3A_103, %dma_start3A_104] : memref<98304x512xf32, #tpu.memory_space<hbm>> -> memref<64x512xf32, #tpu.memory_space<hbm>>
        %dma_start3A_106 = arith.constant 0 : i32
        %dma_start3A_107 = tpu.memref_slice %arg2[%add3A_103, %dma_start3A_106] : memref<98304x512xf32, #tpu.memory_space<hbm>> -> memref<64x512xf32, #tpu.memory_space<hbm>>
        tpu.enqueue_dma source(%dma_start3A_107 : memref<64x512xf32, #tpu.memory_space<hbm>>) target(%arg4 : memref<64x512xf32, #tpu.memory_space<vmem>>) target_semaphore(%arg8 : memref<!tpu.dma_semaphore, #tpu.memory_space<semaphore_mem>>)
      } else {
      }
      %add3A_73 = arith.constant 1 : i32
      %add3A_74 = arith.addi %add3A_55, %add3A_73 : i32
      %dma_wait3A_75 = arith.constant 0 : i32
      %dma_wait3A_76 = arith.constant 0 : i32
      %dma_wait3A_77 = tpu.memref_slice %arg2[%dma_wait3A_75, %dma_wait3A_76] : memref<98304x512xf32, #tpu.memory_space<hbm>> -> memref<64x512xf32, #tpu.memory_space<hbm>>
      %dma_wait3A_78 = arith.constant 0 : i32
      %dma_wait3A_79 = arith.constant 0 : i32
      %dma_wait3A_80 = tpu.memref_slice %arg2[%dma_wait3A_78, %dma_wait3A_79] : memref<98304x512xf32, #tpu.memory_space<hbm>> -> memref<64x512xf32, #tpu.memory_space<hbm>>
      tpu.wait_dma2 semaphore(%arg9 : memref<!tpu.dma_semaphore, #tpu.memory_space<semaphore_mem>>) src(%dma_wait3A_80 : memref<64x512xf32, #tpu.memory_space<hbm>>) dst(%arg5 : memref<64x512xf32, #tpu.memory_space<vmem>>)
      %shift_right_logical3A_81 = arith.constant 3 : i32
      %shift_right_logical3A_82 = arith.shrui %add3A_74, %shift_right_logical3A_81 : i32
      %mul3A_83 = arith.constant 256 : i32
      %mul3A_84 = arith.muli %shift_right_logical3A_82, %mul3A_83 : i32
      %add3A_85 = vector.broadcast %mul3A_84 : i32 to vector<16xi32>
      %add3A_86 = arith.addi %mul3A_6, %add3A_85 : vector<16xi32>
      %parallel_loop3A_87 = arith.constant 0 : i32
      %parallel_loop3A_88 = arith.constant 32768 : i32
      %parallel_loop3A_89 = arith.constant 128 : i32
      scf.for %parallel_loop3A_97 = %parallel_loop3A_87 to %parallel_loop3A_88 step %parallel_loop3A_89  : i32 {
        %parallel_loop3A_98 = arith.constant 9 : i32
        %parallel_loop3A_99 = arith.shrui %parallel_loop3A_97, %parallel_loop3A_98 : i32
        %parallel_loop3A_100 = arith.constant 511 : i32
        %parallel_loop3A_101 = arith.andi %parallel_loop3A_97, %parallel_loop3A_100 : i32
        %parallel_loop3A_102 = arith.constant 0 : i32
        %parallel_loop3A_103 = arith.addi %parallel_loop3A_101, %parallel_loop3A_102 : i32
        %parallel_loop3A_104 = arith.index_cast %parallel_loop3A_99 : i32 to index
        %parallel_loop3A_105 = arith.index_cast %parallel_loop3A_103 : i32 to index
        %parallel_loop3A_106 = tpu.vector_load %arg5[%parallel_loop3A_104, %parallel_loop3A_105] {strides = array<i32>} : memref<64x512xf32, #tpu.memory_space<vmem>>, vector<16xf32>,
        %parallel_loop3A_107 = arith.constant 2.560000e+02 : f32
        %parallel_loop3A_108 = vector.broadcast %parallel_loop3A_107 : f32 to vector<16xf32>
        %parallel_loop3A_109 = arith.mulf %parallel_loop3A_106, %parallel_loop3A_108 : vector<16xf32>
        %parallel_loop3A_110 = arith.fptosi %parallel_loop3A_109 : vector<16xf32> to vector<16xi32>
        %parallel_loop3A_111 = arith.addi %parallel_loop3A_110, %add3A_86 : vector<16xi32>
        tpu.vector_store_idx %arg6[%parallel_loop3A_111], %broadcast_in_dim3A_1 {add = true} : memref<12288xi32, #tpu.memory_space<vmem>>[vector<16xi32>], vector<16xi32>,
        %parallel_loop3A_112 = arith.constant 16 : i32
        %parallel_loop3A_113 = arith.addi %parallel_loop3A_101, %parallel_loop3A_112 : i32
        %parallel_loop3A_114 = arith.index_cast %parallel_loop3A_99 : i32 to index
        %parallel_loop3A_115 = arith.index_cast %parallel_loop3A_113 : i32 to index
        %parallel_loop3A_116 = tpu.vector_load %arg5[%parallel_loop3A_114, %parallel_loop3A_115] {strides = array<i32>} : memref<64x512xf32, #tpu.memory_space<vmem>>, vector<16xf32>,
        %parallel_loop3A_117 = arith.constant 2.560000e+02 : f32
        %parallel_loop3A_118 = vector.broadcast %parallel_loop3A_117 : f32 to vector<16xf32>
        %parallel_loop3A_119 = arith.mulf %parallel_loop3A_116, %parallel_loop3A_118 : vector<16xf32>
        %parallel_loop3A_120 = arith.fptosi %parallel_loop3A_119 : vector<16xf32> to vector<16xi32>
        %parallel_loop3A_121 = arith.addi %parallel_loop3A_120, %add3A_86 : vector<16xi32>
        tpu.vector_store_idx %arg6[%parallel_loop3A_121], %broadcast_in_dim3A_1 {add = true} : memref<12288xi32, #tpu.memory_space<vmem>>[vector<16xi32>], vector<16xi32>,
        %parallel_loop3A_122 = arith.constant 32 : i32
        %parallel_loop3A_123 = arith.addi %parallel_loop3A_101, %parallel_loop3A_122 : i32
        %parallel_loop3A_124 = arith.index_cast %parallel_loop3A_99 : i32 to index
        %parallel_loop3A_125 = arith.index_cast %parallel_loop3A_123 : i32 to index
        %parallel_loop3A_126 = tpu.vector_load %arg5[%parallel_loop3A_124, %parallel_loop3A_125] {strides = array<i32>} : memref<64x512xf32, #tpu.memory_space<vmem>>, vector<16xf32>,
        %parallel_loop3A_127 = arith.constant 2.560000e+02 : f32
        %parallel_loop3A_128 = vector.broadcast %parallel_loop3A_127 : f32 to vector<16xf32>
        %parallel_loop3A_129 = arith.mulf %parallel_loop3A_126, %parallel_loop3A_128 : vector<16xf32>
        %parallel_loop3A_130 = arith.fptosi %parallel_loop3A_129 : vector<16xf32> to vector<16xi32>
        %parallel_loop3A_131 = arith.addi %parallel_loop3A_130, %add3A_86 : vector<16xi32>
        tpu.vector_store_idx %arg6[%parallel_loop3A_131], %broadcast_in_dim3A_1 {add = true} : memref<12288xi32, #tpu.memory_space<vmem>>[vector<16xi32>], vector<16xi32>,
        %parallel_loop3A_132 = arith.constant 48 : i32
        %parallel_loop3A_133 = arith.addi %parallel_loop3A_101, %parallel_loop3A_132 : i32
        %parallel_loop3A_134 = arith.index_cast %parallel_loop3A_99 : i32 to index
        %parallel_loop3A_135 = arith.index_cast %parallel_loop3A_133 : i32 to index
        %parallel_loop3A_136 = tpu.vector_load %arg5[%parallel_loop3A_134, %parallel_loop3A_135] {strides = array<i32>} : memref<64x512xf32, #tpu.memory_space<vmem>>, vector<16xf32>,
        %parallel_loop3A_137 = arith.constant 2.560000e+02 : f32
        %parallel_loop3A_138 = vector.broadcast %parallel_loop3A_137 : f32 to vector<16xf32>
        %parallel_loop3A_139 = arith.mulf %parallel_loop3A_136, %parallel_loop3A_138 : vector<16xf32>
        %parallel_loop3A_140 = arith.fptosi %parallel_loop3A_139 : vector<16xf32> to vector<16xi32>
        %parallel_loop3A_141 = arith.addi %parallel_loop3A_140, %add3A_86 : vector<16xi32>
        tpu.vector_store_idx %arg6[%parallel_loop3A_141], %broadcast_in_dim3A_1 {add = true} : memref<12288xi32, #tpu.memory_space<vmem>>[vector<16xi32>], vector<16xi32>,
        %parallel_loop3A_142 = arith.constant 64 : i32
        %parallel_loop3A_143 = arith.addi %parallel_loop3A_101, %parallel_loop3A_142 : i32
        %parallel_loop3A_144 = arith.index_cast %parallel_loop3A_99 : i32 to index
        %parallel_loop3A_145 = arith.index_cast %parallel_loop3A_143 : i32 to index
        %parallel_loop3A_146 = tpu.vector_load %arg5[%parallel_loop3A_144, %parallel_loop3A_145] {strides = array<i32>} : memref<64x512xf32, #tpu.memory_space<vmem>>, vector<16xf32>,
        %parallel_loop3A_147 = arith.constant 2.560000e+02 : f32
        %parallel_loop3A_148 = vector.broadcast %parallel_loop3A_147 : f32 to vector<16xf32>
        %parallel_loop3A_149 = arith.mulf %parallel_loop3A_146, %parallel_loop3A_148 : vector<16xf32>
        %parallel_loop3A_150 = arith.fptosi %parallel_loop3A_149 : vector<16xf32> to vector<16xi32>
        %parallel_loop3A_151 = arith.addi %parallel_loop3A_150, %add3A_86 : vector<16xi32>
        tpu.vector_store_idx %arg6[%parallel_loop3A_151], %broadcast_in_dim3A_1 {add = true} : memref<12288xi32, #tpu.memory_space<vmem>>[vector<16xi32>], vector<16xi32>,
        %parallel_loop3A_152 = arith.constant 80 : i32
        %parallel_loop3A_153 = arith.addi %parallel_loop3A_101, %parallel_loop3A_152 : i32
        %parallel_loop3A_154 = arith.index_cast %parallel_loop3A_99 : i32 to index
        %parallel_loop3A_155 = arith.index_cast %parallel_loop3A_153 : i32 to index
        %parallel_loop3A_156 = tpu.vector_load %arg5[%parallel_loop3A_154, %parallel_loop3A_155] {strides = array<i32>} : memref<64x512xf32, #tpu.memory_space<vmem>>, vector<16xf32>,
        %parallel_loop3A_157 = arith.constant 2.560000e+02 : f32
        %parallel_loop3A_158 = vector.broadcast %parallel_loop3A_157 : f32 to vector<16xf32>
        %parallel_loop3A_159 = arith.mulf %parallel_loop3A_156, %parallel_loop3A_158 : vector<16xf32>
        %parallel_loop3A_160 = arith.fptosi %parallel_loop3A_159 : vector<16xf32> to vector<16xi32>
        %parallel_loop3A_161 = arith.addi %parallel_loop3A_160, %add3A_86 : vector<16xi32>
        tpu.vector_store_idx %arg6[%parallel_loop3A_161], %broadcast_in_dim3A_1 {add = true} : memref<12288xi32, #tpu.memory_space<vmem>>[vector<16xi32>], vector<16xi32>,
        %parallel_loop3A_162 = arith.constant 96 : i32
        %parallel_loop3A_163 = arith.addi %parallel_loop3A_101, %parallel_loop3A_162 : i32
        %parallel_loop3A_164 = arith.index_cast %parallel_loop3A_99 : i32 to index
        %parallel_loop3A_165 = arith.index_cast %parallel_loop3A_163 : i32 to index
        %parallel_loop3A_166 = tpu.vector_load %arg5[%parallel_loop3A_164, %parallel_loop3A_165] {strides = array<i32>} : memref<64x512xf32, #tpu.memory_space<vmem>>, vector<16xf32>,
        %parallel_loop3A_167 = arith.constant 2.560000e+02 : f32
        %parallel_loop3A_168 = vector.broadcast %parallel_loop3A_167 : f32 to vector<16xf32>
        %parallel_loop3A_169 = arith.mulf %parallel_loop3A_166, %parallel_loop3A_168 : vector<16xf32>
        %parallel_loop3A_170 = arith.fptosi %parallel_loop3A_169 : vector<16xf32> to vector<16xi32>
        %parallel_loop3A_171 = arith.addi %parallel_loop3A_170, %add3A_86 : vector<16xi32>
        tpu.vector_store_idx %arg6[%parallel_loop3A_171], %broadcast_in_dim3A_1 {add = true} : memref<12288xi32, #tpu.memory_space<vmem>>[vector<16xi32>], vector<16xi32>,
        %parallel_loop3A_172 = arith.constant 112 : i32
        %parallel_loop3A_173 = arith.addi %parallel_loop3A_101, %parallel_loop3A_172 : i32
        %parallel_loop3A_174 = arith.index_cast %parallel_loop3A_99 : i32 to index
        %parallel_loop3A_175 = arith.index_cast %parallel_loop3A_173 : i32 to index
        %parallel_loop3A_176 = tpu.vector_load %arg5[%parallel_loop3A_174, %parallel_loop3A_175] {strides = array<i32>} : memref<64x512xf32, #tpu.memory_space<vmem>>, vector<16xf32>,
        %parallel_loop3A_177 = arith.constant 2.560000e+02 : f32
        %parallel_loop3A_178 = vector.broadcast %parallel_loop3A_177 : f32 to vector<16xf32>
        %parallel_loop3A_179 = arith.mulf %parallel_loop3A_176, %parallel_loop3A_178 : vector<16xf32>
        %parallel_loop3A_180 = arith.fptosi %parallel_loop3A_179 : vector<16xf32> to vector<16xi32>
        %parallel_loop3A_181 = arith.addi %parallel_loop3A_180, %add3A_86 : vector<16xi32>
        tpu.vector_store_idx %arg6[%parallel_loop3A_181], %broadcast_in_dim3A_1 {add = true} : memref<12288xi32, #tpu.memory_space<vmem>>[vector<16xi32>], vector<16xi32>,
      } {sc.loop_unroll_factor = 16 : i64, sc.parallel_access}
      %add3A_90 = arith.constant 3 : i32
      %add3A_91 = arith.addi %add3A_55, %add3A_90 : i32
      %lt3A_92 = arith.constant 24 : i32
      %lt3A_93 = arith.cmpi slt, %add3A_91, %lt3A_92 : i32
      %convert_element_type3A_94 = arith.extui %lt3A_93 : i1 to i32
      %cond3A_95 = arith.constant 0 : i32
      %cond3A_96 = arith.cmpi ne, %convert_element_type3A_94, %cond3A_95 : i32
      scf.if %cond3A_96 {
        %add3A_97 = arith.constant 24 : i32
        %add3A_98 = arith.addi %add3A_97, %add3A_55 : i32
        %add3A_99 = arith.constant 3 : i32
        %add3A_100 = arith.addi %add3A_98, %add3A_99 : i32
        %mul3A_101 = arith.constant 64 : i32
        %mul3A_102 = arith.muli %add3A_100, %mul3A_101 : i32
        %add3A_103 = arith.addi %mul3A_12, %mul3A_102 : i32
        %dma_start3A_104 = arith.constant 0 : i32
        %dma_start3A_105 = tpu.memref_slice %arg2[%add3A_103, %dma_start3A_104] : memref<98304x512xf32, #tpu.memory_space<hbm>> -> memref<64x512xf32, #tpu.memory_space<hbm>>
        %dma_start3A_106 = arith.constant 0 : i32
        %dma_start3A_107 = tpu.memref_slice %arg2[%add3A_103, %dma_start3A_106] : memref<98304x512xf32, #tpu.memory_space<hbm>> -> memref<64x512xf32, #tpu.memory_space<hbm>>
        tpu.enqueue_dma source(%dma_start3A_107 : memref<64x512xf32, #tpu.memory_space<hbm>>) target(%arg5 : memref<64x512xf32, #tpu.memory_space<vmem>>) target_semaphore(%arg9 : memref<!tpu.dma_semaphore, #tpu.memory_space<semaphore_mem>>)
      } else {
      }
    }
    %scan3A_41 = arith.constant 12 : i32
    %mul3A_42 = arith.constant 2 : i32
    %mul3A_43 = arith.muli %add3A, %mul3A_42 : i32
    %add3A_44 = arith.constant 1 : i32
    %add3A_45 = arith.addi %mul3A_43, %add3A_44 : i32
    %parallel_loop3A_46 = arith.constant 0 : i32
    %parallel_loop3A_47 = arith.constant 768 : i32
    %parallel_loop3A_48 = arith.constant 16 : i32
    scf.for %parallel_loop3A_51 = %parallel_loop3A_46 to %parallel_loop3A_47 step %parallel_loop3A_48  : i32 {
      %parallel_loop3A_52 = arith.index_cast %parallel_loop3A_51 : i32 to index
      %parallel_loop3A_53 = tpu.vector_load %arg6[%parallel_loop3A_52] {strides = array<i32>} : memref<12288xi32, #tpu.memory_space<vmem>>, vector<16xi32>,
      %parallel_loop3A_54 = arith.index_cast %parallel_loop3A_51 : i32 to index
      %parallel_loop3A_55 = tpu.vector_load %arg6[%parallel_loop3A_54] {strides = array<i32>} : memref<12288xi32, #tpu.memory_space<vmem>>, vector<16xi32>,
      tpu.vector_store %arg6[%parallel_loop3A_54], %broadcast_in_dim3A_3 {strides = array<i32>} : memref<12288xi32, #tpu.memory_space<vmem>>, vector<16xi32>,
      %parallel_loop3A_56 = arith.constant 768 : i32
      %parallel_loop3A_57 = arith.addi %parallel_loop3A_56, %parallel_loop3A_51 : i32
      %parallel_loop3A_58 = arith.index_cast %parallel_loop3A_57 : i32 to index
      %parallel_loop3A_59 = tpu.vector_load %arg6[%parallel_loop3A_58] {strides = array<i32>} : memref<12288xi32, #tpu.memory_space<vmem>>, vector<16xi32>,
      %parallel_loop3A_60 = arith.addi %parallel_loop3A_53, %parallel_loop3A_59 : vector<16xi32>
      %parallel_loop3A_61 = arith.constant 768 : i32
      %parallel_loop3A_62 = arith.addi %parallel_loop3A_61, %parallel_loop3A_51 : i32
      %parallel_loop3A_63 = arith.index_cast %parallel_loop3A_62 : i32 to index
      %parallel_loop3A_64 = tpu.vector_load %arg6[%parallel_loop3A_63] {strides = array<i32>} : memref<12288xi32, #tpu.memory_space<vmem>>, vector<16xi32>,
      tpu.vector_store %arg6[%parallel_loop3A_63], %broadcast_in_dim3A_3 {strides = array<i32>} : memref<12288xi32, #tpu.memory_space<vmem>>, vector<16xi32>,
      %parallel_loop3A_65 = arith.constant 1536 : i32
      %parallel_loop3A_66 = arith.addi %parallel_loop3A_65, %parallel_loop3A_51 : i32
      %parallel_loop3A_67 = arith.index_cast %parallel_loop3A_66 : i32 to index
      %parallel_loop3A_68 = tpu.vector_load %arg6[%parallel_loop3A_67] {strides = array<i32>} : memref<12288xi32, #tpu.memory_space<vmem>>, vector<16xi32>,
      %parallel_loop3A_69 = arith.addi %parallel_loop3A_60, %parallel_loop3A_68 : vector<16xi32>
      %parallel_loop3A_70 = arith.constant 1536 : i32
      %parallel_loop3A_71 = arith.addi %parallel_loop3A_70, %parallel_loop3A_51 : i32
      %parallel_loop3A_72 = arith.index_cast %parallel_loop3A_71 : i32 to index
      %parallel_loop3A_73 = tpu.vector_load %arg6[%parallel_loop3A_72] {strides = array<i32>} : memref<12288xi32, #tpu.memory_space<vmem>>, vector<16xi32>,
      tpu.vector_store %arg6[%parallel_loop3A_72], %broadcast_in_dim3A_3 {strides = array<i32>} : memref<12288xi32, #tpu.memory_space<vmem>>, vector<16xi32>,
      %parallel_loop3A_74 = arith.constant 2304 : i32
      %parallel_loop3A_75 = arith.addi %parallel_loop3A_74, %parallel_loop3A_51 : i32
      %parallel_loop3A_76 = arith.index_cast %parallel_loop3A_75 : i32 to index
      %parallel_loop3A_77 = tpu.vector_load %arg6[%parallel_loop3A_76] {strides = array<i32>} : memref<12288xi32, #tpu.memory_space<vmem>>, vector<16xi32>,
      %parallel_loop3A_78 = arith.addi %parallel_loop3A_69, %parallel_loop3A_77 : vector<16xi32>
      %parallel_loop3A_79 = arith.constant 2304 : i32
      %parallel_loop3A_80 = arith.addi %parallel_loop3A_79, %parallel_loop3A_51 : i32
      %parallel_loop3A_81 = arith.index_cast %parallel_loop3A_80 : i32 to index
      %parallel_loop3A_82 = tpu.vector_load %arg6[%parallel_loop3A_81] {strides = array<i32>} : memref<12288xi32, #tpu.memory_space<vmem>>, vector<16xi32>,
      tpu.vector_store %arg6[%parallel_loop3A_81], %broadcast_in_dim3A_3 {strides = array<i32>} : memref<12288xi32, #tpu.memory_space<vmem>>, vector<16xi32>,
      %parallel_loop3A_83 = arith.constant 3072 : i32
      %parallel_loop3A_84 = arith.addi %parallel_loop3A_83, %parallel_loop3A_51 : i32
      %parallel_loop3A_85 = arith.index_cast %parallel_loop3A_84 : i32 to index
      %parallel_loop3A_86 = tpu.vector_load %arg6[%parallel_loop3A_85] {strides = array<i32>} : memref<12288xi32, #tpu.memory_space<vmem>>, vector<16xi32>,
      %parallel_loop3A_87 = arith.addi %parallel_loop3A_78, %parallel_loop3A_86 : vector<16xi32>
      %parallel_loop3A_88 = arith.constant 3072 : i32
      %parallel_loop3A_89 = arith.addi %parallel_loop3A_88, %parallel_loop3A_51 : i32
      %parallel_loop3A_90 = arith.index_cast %parallel_loop3A_89 : i32 to index
      %parallel_loop3A_91 = tpu.vector_load %arg6[%parallel_loop3A_90] {strides = array<i32>} : memref<12288xi32, #tpu.memory_space<vmem>>, vector<16xi32>,
      tpu.vector_store %arg6[%parallel_loop3A_90], %broadcast_in_dim3A_3 {strides = array<i32>} : memref<12288xi32, #tpu.memory_space<vmem>>, vector<16xi32>,
      %parallel_loop3A_92 = arith.constant 3840 : i32
      %parallel_loop3A_93 = arith.addi %parallel_loop3A_92, %parallel_loop3A_51 : i32
      %parallel_loop3A_94 = arith.index_cast %parallel_loop3A_93 : i32 to index
      %parallel_loop3A_95 = tpu.vector_load %arg6[%parallel_loop3A_94] {strides = array<i32>} : memref<12288xi32, #tpu.memory_space<vmem>>, vector<16xi32>,
      %parallel_loop3A_96 = arith.addi %parallel_loop3A_87, %parallel_loop3A_95 : vector<16xi32>
      %parallel_loop3A_97 = arith.constant 3840 : i32
      %parallel_loop3A_98 = arith.addi %parallel_loop3A_97, %parallel_loop3A_51 : i32
      %parallel_loop3A_99 = arith.index_cast %parallel_loop3A_98 : i32 to index
      %parallel_loop3A_100 = tpu.vector_load %arg6[%parallel_loop3A_99] {strides = array<i32>} : memref<12288xi32, #tpu.memory_space<vmem>>, vector<16xi32>,
      tpu.vector_store %arg6[%parallel_loop3A_99], %broadcast_in_dim3A_3 {strides = array<i32>} : memref<12288xi32, #tpu.memory_space<vmem>>, vector<16xi32>,
      %parallel_loop3A_101 = arith.constant 4608 : i32
      %parallel_loop3A_102 = arith.addi %parallel_loop3A_101, %parallel_loop3A_51 : i32
      %parallel_loop3A_103 = arith.index_cast %parallel_loop3A_102 : i32 to index
      %parallel_loop3A_104 = tpu.vector_load %arg6[%parallel_loop3A_103] {strides = array<i32>} : memref<12288xi32, #tpu.memory_space<vmem>>, vector<16xi32>,
      %parallel_loop3A_105 = arith.addi %parallel_loop3A_96, %parallel_loop3A_104 : vector<16xi32>
      %parallel_loop3A_106 = arith.constant 4608 : i32
      %parallel_loop3A_107 = arith.addi %parallel_loop3A_106, %parallel_loop3A_51 : i32
      %parallel_loop3A_108 = arith.index_cast %parallel_loop3A_107 : i32 to index
      %parallel_loop3A_109 = tpu.vector_load %arg6[%parallel_loop3A_108] {strides = array<i32>} : memref<12288xi32, #tpu.memory_space<vmem>>, vector<16xi32>,
      tpu.vector_store %arg6[%parallel_loop3A_108], %broadcast_in_dim3A_3 {strides = array<i32>} : memref<12288xi32, #tpu.memory_space<vmem>>, vector<16xi32>,
      %parallel_loop3A_110 = arith.constant 5376 : i32
      %parallel_loop3A_111 = arith.addi %parallel_loop3A_110, %parallel_loop3A_51 : i32
      %parallel_loop3A_112 = arith.index_cast %parallel_loop3A_111 : i32 to index
      %parallel_loop3A_113 = tpu.vector_load %arg6[%parallel_loop3A_112] {strides = array<i32>} : memref<12288xi32, #tpu.memory_space<vmem>>, vector<16xi32>,
      %parallel_loop3A_114 = arith.addi %parallel_loop3A_105, %parallel_loop3A_113 : vector<16xi32>
      %parallel_loop3A_115 = arith.constant 5376 : i32
      %parallel_loop3A_116 = arith.addi %parallel_loop3A_115, %parallel_loop3A_51 : i32
      %parallel_loop3A_117 = arith.index_cast %parallel_loop3A_116 : i32 to index
      %parallel_loop3A_118 = tpu.vector_load %arg6[%parallel_loop3A_117] {strides = array<i32>} : memref<12288xi32, #tpu.memory_space<vmem>>, vector<16xi32>,
      tpu.vector_store %arg6[%parallel_loop3A_117], %broadcast_in_dim3A_3 {strides = array<i32>} : memref<12288xi32, #tpu.memory_space<vmem>>, vector<16xi32>,
      %parallel_loop3A_119 = arith.constant 6144 : i32
      %parallel_loop3A_120 = arith.addi %parallel_loop3A_119, %parallel_loop3A_51 : i32
      %parallel_loop3A_121 = arith.index_cast %parallel_loop3A_120 : i32 to index
      %parallel_loop3A_122 = tpu.vector_load %arg6[%parallel_loop3A_121] {strides = array<i32>} : memref<12288xi32, #tpu.memory_space<vmem>>, vector<16xi32>,
      %parallel_loop3A_123 = arith.addi %parallel_loop3A_114, %parallel_loop3A_122 : vector<16xi32>
      %parallel_loop3A_124 = arith.constant 6144 : i32
      %parallel_loop3A_125 = arith.addi %parallel_loop3A_124, %parallel_loop3A_51 : i32
      %parallel_loop3A_126 = arith.index_cast %parallel_loop3A_125 : i32 to index
      %parallel_loop3A_127 = tpu.vector_load %arg6[%parallel_loop3A_126] {strides = array<i32>} : memref<12288xi32, #tpu.memory_space<vmem>>, vector<16xi32>,
      tpu.vector_store %arg6[%parallel_loop3A_126], %broadcast_in_dim3A_3 {strides = array<i32>} : memref<12288xi32, #tpu.memory_space<vmem>>, vector<16xi32>,
      %parallel_loop3A_128 = arith.constant 6912 : i32
      %parallel_loop3A_129 = arith.addi %parallel_loop3A_128, %parallel_loop3A_51 : i32
      %parallel_loop3A_130 = arith.index_cast %parallel_loop3A_129 : i32 to index
      %parallel_loop3A_131 = tpu.vector_load %arg6[%parallel_loop3A_130] {strides = array<i32>} : memref<12288xi32, #tpu.memory_space<vmem>>, vector<16xi32>,
      %parallel_loop3A_132 = arith.addi %parallel_loop3A_123, %parallel_loop3A_131 : vector<16xi32>
      %parallel_loop3A_133 = arith.constant 6912 : i32
      %parallel_loop3A_134 = arith.addi %parallel_loop3A_133, %parallel_loop3A_51 : i32
      %parallel_loop3A_135 = arith.index_cast %parallel_loop3A_134 : i32 to index
      %parallel_loop3A_136 = tpu.vector_load %arg6[%parallel_loop3A_135] {strides = array<i32>} : memref<12288xi32, #tpu.memory_space<vmem>>, vector<16xi32>,
      tpu.vector_store %arg6[%parallel_loop3A_135], %broadcast_in_dim3A_3 {strides = array<i32>} : memref<12288xi32, #tpu.memory_space<vmem>>, vector<16xi32>,
      %parallel_loop3A_137 = arith.constant 7680 : i32
      %parallel_loop3A_138 = arith.addi %parallel_loop3A_137, %parallel_loop3A_51 : i32
      %parallel_loop3A_139 = arith.index_cast %parallel_loop3A_138 : i32 to index
      %parallel_loop3A_140 = tpu.vector_load %arg6[%parallel_loop3A_139] {strides = array<i32>} : memref<12288xi32, #tpu.memory_space<vmem>>, vector<16xi32>,
      %parallel_loop3A_141 = arith.addi %parallel_loop3A_132, %parallel_loop3A_140 : vector<16xi32>
      %parallel_loop3A_142 = arith.constant 7680 : i32
      %parallel_loop3A_143 = arith.addi %parallel_loop3A_142, %parallel_loop3A_51 : i32
      %parallel_loop3A_144 = arith.index_cast %parallel_loop3A_143 : i32 to index
      %parallel_loop3A_145 = tpu.vector_load %arg6[%parallel_loop3A_144] {strides = array<i32>} : memref<12288xi32, #tpu.memory_space<vmem>>, vector<16xi32>,
      tpu.vector_store %arg6[%parallel_loop3A_144], %broadcast_in_dim3A_3 {strides = array<i32>} : memref<12288xi32, #tpu.memory_space<vmem>>, vector<16xi32>,
      %parallel_loop3A_146 = arith.constant 8448 : i32
      %parallel_loop3A_147 = arith.addi %parallel_loop3A_146, %parallel_loop3A_51 : i32
      %parallel_loop3A_148 = arith.index_cast %parallel_loop3A_147 : i32 to index
      %parallel_loop3A_149 = tpu.vector_load %arg6[%parallel_loop3A_148] {strides = array<i32>} : memref<12288xi32, #tpu.memory_space<vmem>>, vector<16xi32>,
      %parallel_loop3A_150 = arith.addi %parallel_loop3A_141, %parallel_loop3A_149 : vector<16xi32>
      %parallel_loop3A_151 = arith.constant 8448 : i32
      %parallel_loop3A_152 = arith.addi %parallel_loop3A_151, %parallel_loop3A_51 : i32
      %parallel_loop3A_153 = arith.index_cast %parallel_loop3A_152 : i32 to index
      %parallel_loop3A_154 = tpu.vector_load %arg6[%parallel_loop3A_153] {strides = array<i32>} : memref<12288xi32, #tpu.memory_space<vmem>>, vector<16xi32>,
      tpu.vector_store %arg6[%parallel_loop3A_153], %broadcast_in_dim3A_3 {strides = array<i32>} : memref<12288xi32, #tpu.memory_space<vmem>>, vector<16xi32>,
      %parallel_loop3A_155 = arith.constant 9216 : i32
      %parallel_loop3A_156 = arith.addi %parallel_loop3A_155, %parallel_loop3A_51 : i32
      %parallel_loop3A_157 = arith.index_cast %parallel_loop3A_156 : i32 to index
      %parallel_loop3A_158 = tpu.vector_load %arg6[%parallel_loop3A_157] {strides = array<i32>} : memref<12288xi32, #tpu.memory_space<vmem>>, vector<16xi32>,
      %parallel_loop3A_159 = arith.addi %parallel_loop3A_150, %parallel_loop3A_158 : vector<16xi32>
      %parallel_loop3A_160 = arith.constant 9216 : i32
      %parallel_loop3A_161 = arith.addi %parallel_loop3A_160, %parallel_loop3A_51 : i32
      %parallel_loop3A_162 = arith.index_cast %parallel_loop3A_161 : i32 to index
      %parallel_loop3A_163 = tpu.vector_load %arg6[%parallel_loop3A_162] {strides = array<i32>} : memref<12288xi32, #tpu.memory_space<vmem>>, vector<16xi32>,
      tpu.vector_store %arg6[%parallel_loop3A_162], %broadcast_in_dim3A_3 {strides = array<i32>} : memref<12288xi32, #tpu.memory_space<vmem>>, vector<16xi32>,
      %parallel_loop3A_164 = arith.constant 9984 : i32
      %parallel_loop3A_165 = arith.addi %parallel_loop3A_164, %parallel_loop3A_51 : i32
      %parallel_loop3A_166 = arith.index_cast %parallel_loop3A_165 : i32 to index
      %parallel_loop3A_167 = tpu.vector_load %arg6[%parallel_loop3A_166] {strides = array<i32>} : memref<12288xi32, #tpu.memory_space<vmem>>, vector<16xi32>,
      %parallel_loop3A_168 = arith.addi %parallel_loop3A_159, %parallel_loop3A_167 : vector<16xi32>
      %parallel_loop3A_169 = arith.constant 9984 : i32
      %parallel_loop3A_170 = arith.addi %parallel_loop3A_169, %parallel_loop3A_51 : i32
      %parallel_loop3A_171 = arith.index_cast %parallel_loop3A_170 : i32 to index
      %parallel_loop3A_172 = tpu.vector_load %arg6[%parallel_loop3A_171] {strides = array<i32>} : memref<12288xi32, #tpu.memory_space<vmem>>, vector<16xi32>,
      tpu.vector_store %arg6[%parallel_loop3A_171], %broadcast_in_dim3A_3 {strides = array<i32>} : memref<12288xi32, #tpu.memory_space<vmem>>, vector<16xi32>,
      %parallel_loop3A_173 = arith.constant 10752 : i32
      %parallel_loop3A_174 = arith.addi %parallel_loop3A_173, %parallel_loop3A_51 : i32
      %parallel_loop3A_175 = arith.index_cast %parallel_loop3A_174 : i32 to index
      %parallel_loop3A_176 = tpu.vector_load %arg6[%parallel_loop3A_175] {strides = array<i32>} : memref<12288xi32, #tpu.memory_space<vmem>>, vector<16xi32>,
      %parallel_loop3A_177 = arith.addi %parallel_loop3A_168, %parallel_loop3A_176 : vector<16xi32>
      %parallel_loop3A_178 = arith.constant 10752 : i32
      %parallel_loop3A_179 = arith.addi %parallel_loop3A_178, %parallel_loop3A_51 : i32
      %parallel_loop3A_180 = arith.index_cast %parallel_loop3A_179 : i32 to index
      %parallel_loop3A_181 = tpu.vector_load %arg6[%parallel_loop3A_180] {strides = array<i32>} : memref<12288xi32, #tpu.memory_space<vmem>>, vector<16xi32>,
      tpu.vector_store %arg6[%parallel_loop3A_180], %broadcast_in_dim3A_3 {strides = array<i32>} : memref<12288xi32, #tpu.memory_space<vmem>>, vector<16xi32>,
      %parallel_loop3A_182 = arith.constant 11520 : i32
      %parallel_loop3A_183 = arith.addi %parallel_loop3A_182, %parallel_loop3A_51 : i32
      %parallel_loop3A_184 = arith.index_cast %parallel_loop3A_183 : i32 to index
      %parallel_loop3A_185 = tpu.vector_load %arg6[%parallel_loop3A_184] {strides = array<i32>} : memref<12288xi32, #tpu.memory_space<vmem>>, vector<16xi32>,
      %parallel_loop3A_186 = arith.addi %parallel_loop3A_177, %parallel_loop3A_185 : vector<16xi32>
      %parallel_loop3A_187 = arith.constant 11520 : i32
      %parallel_loop3A_188 = arith.addi %parallel_loop3A_187, %parallel_loop3A_51 : i32
      %parallel_loop3A_189 = arith.index_cast %parallel_loop3A_188 : i32 to index
      %parallel_loop3A_190 = tpu.vector_load %arg6[%parallel_loop3A_189] {strides = array<i32>} : memref<12288xi32, #tpu.memory_space<vmem>>, vector<16xi32>,
      tpu.vector_store %arg6[%parallel_loop3A_189], %broadcast_in_dim3A_3 {strides = array<i32>} : memref<12288xi32, #tpu.memory_space<vmem>>, vector<16xi32>,
      %parallel_loop3A_191 = arith.sitofp %parallel_loop3A_186 : vector<16xi32> to vector<16xf32>
      %parallel_loop3A_192 = arith.constant 3.81469727E-6 : f32
      %parallel_loop3A_193 = vector.broadcast %parallel_loop3A_192 : f32 to vector<16xf32>
      %parallel_loop3A_194 = arith.mulf %parallel_loop3A_191, %parallel_loop3A_193 : vector<16xf32>
      %parallel_loop3A_195 = arith.index_cast %parallel_loop3A_51 : i32 to index
      %parallel_loop3A_196 = tpu.vector_load %arg7[%parallel_loop3A_195] {strides = array<i32>} : memref<768xf32, #tpu.memory_space<vmem>>, vector<16xf32>,
      tpu.vector_store %arg7[%parallel_loop3A_195], %parallel_loop3A_194 {strides = array<i32>} : memref<768xf32, #tpu.memory_space<vmem>>, vector<16xf32>,
    } {sc.loop_unroll_factor = 1 : i64, sc.parallel_access}
    %mul3A_49 = arith.constant 768 : i32
    %mul3A_50 = arith.muli %add3A_45, %mul3A_49 : i32
    "tpu.region"() ({
      %run_scoped3A = tpu.sem_alloc : memref<!tpu.dma_semaphore, #tpu.memory_space<semaphore_mem>>
      %dma_start3A_51 = tpu.memref_slice %arg3[%mul3A_50] : memref<49152xf32, #tpu.memory_space<hbm>> -> memref<768xf32, #tpu.memory_space<hbm>>
      %dma_start3A_52 = tpu.memref_slice %arg3[%mul3A_50] : memref<49152xf32, #tpu.memory_space<hbm>> -> memref<768xf32, #tpu.memory_space<hbm>>
      tpu.enqueue_dma source(%arg7 : memref<768xf32, #tpu.memory_space<vmem>>) target(%dma_start3A_52 : memref<768xf32, #tpu.memory_space<hbm>>) target_semaphore(%run_scoped3A : memref<!tpu.dma_semaphore, #tpu.memory_space<semaphore_mem>>)
      %dma_wait3A = tpu.memref_slice %arg3[%mul3A_50] : memref<49152xf32, #tpu.memory_space<hbm>> -> memref<768xf32, #tpu.memory_space<hbm>>
      %dma_wait3A_53 = tpu.memref_slice %arg3[%mul3A_50] : memref<49152xf32, #tpu.memory_space<hbm>> -> memref<768xf32, #tpu.memory_space<hbm>>
      tpu.wait_dma2 semaphore(%run_scoped3A : memref<!tpu.dma_semaphore, #tpu.memory_space<semaphore_mem>>) src(%arg7 : memref<768xf32, #tpu.memory_space<vmem>>) dst(%dma_wait3A_53 : memref<768xf32, #tpu.memory_space<hbm>>)
      tpu.yield
    }) : () -> ()
    return
  }
}

</mosaic_0001>

<sc_bundles>
// kernel: _hist_sc.3.cloned.1.call-start
scs
__scs_entry_jumppad:
0x0: {  	(pc) =	sbr.rel $0x88, $3  }
0x1: {  	(tag) =	ssettag $0x0;
	lr =	simm.s32 $0x1  }
0x2: {  	[smem:$0x3FA0] =	sst lr;
	_ =	strace $0xD0000000  }
0x3: {  	_ = 	snop  }
0x4: {  	_ = 	snop  }
0x5: {  	_ = 	snop  }
0x6: {  	_ = 	snop  }
0x7: {  	_ = 	snop  }
__scs_overlays_trampoline_lowered:
0x8: {  	[smem:$0x3FAF] =	sst s0  }
0x9: {  	[smem:$0x3FB0] =	sst s1  }
0xa: {  	[smem:$0x3FB1] =	sst s2  }
0xb: {  	[smem:$0x3FB2] =	sst s3  }
0xc: {  	[smem:$0x3FB3] =	sst s4  }
0xd: {  	[smem:$0x3FB4] =	sst s5  }
0xe: {  	[smem:$0x3FB5] =	sst s6  }
0xf: {  	[smem:$0x3FB6] =	sst s7  }
0x10: {  	[smem:$0x3FB7] =	sst s8  }
0x11: {  	[smem:$0x3FB8] =	sst s9;
	s0 =	simm.s32 @!p0 $0x0  }
0x12: {  	s1 =	sld [smem:$0x3F9E];
	s0 =	simm.s32 @p0 $0x1  }
0x13: {  	[smem:$0x3FB9] =	sst s0;
	s0 =	simm.s32 @!p1 $0x0  }
0x14: {  	s2 =	sld [smem:$0x3F9D];
	s0 =	simm.s32 @p1 $0x1  }
0x15: {  	[smem:$0x3FBA] =	sst s0;
	s0 =	simm.s32 @!p2 $0x0  }
0x16: {  	s3 =	sld [smem:$0x3FDB];
	s0 =	simm.s32 @p2 $0x1  }
0x17: {  	s4 =	simm.s32 $0x1BF5;
	[smem:$0x3FBC] =	sst s0  }
0x18: {  	s0 =	sld [smem:$0x3F9F];
	_ =	swait.ge [sflag:s4], $0x0  }
0x19: {  	s7 =	sld [smem:$0x3FA0]  }
0x1a: {  	s8 =	sadd.s32 $0xFFFFE003, lr  }
0x1b: {  	s9 =	sadd.s32 $0xFFFFFEF7, lr;
	s5 =	simm.s32 $0xFFFFFFFF;
	p2 =	slt.u32 s8, $0xFFFFF086  }
0x1c: {  	p1 =	slt.u32 s9, $0xF7A;
	s5 =	simm.s32 @!p2 $0x0  }
0x1d: {  	s5 =	simm.s32 @p1 $0x1;
	p0 =	seq.s32 s7, s2  }
0x1e: {  	s7 =	smul.u32 @!p0 $0xF7A, s2;
	p2 =	seq.s32 @!p0 s5, $0x0  }
0x1f: {  	s9 =	smul.u32 $0xF7A, s1;
	s8 =	simm.s32 @!p0 $0x1BF5;
	p2 =	por !p2, p0  }
0x20: {  	[sflag:s8] =	ssyncset.s32 @!p0 $0xFFFFF086;
	s6 =	sadd.s32 @!p0 s3, s7;
	s7 =	simm.s32 @!p0 $0x108  }
0x21: {  	s3 =	sadd.s32 s3, s9;
	s6 =	sadd.s32 @!p0 $0x88, s6;
	s7 =	simm.s32 @p2 $0x1082  }
0x22: {  	[simem:s7], [sflag:s8] =	dma.local @!p0 [hbm:s6], $0xF7A  }
0x23: {  	s9 =	sor.u32 $0xD0000000, s2;
	s6 =	simm.s32 $0x108;
	_ =	swait.ge @!p0 [sflag:s8], $0x0  }
0x24: {  	s3 =	sadd.s32 $0x88, s3;
	s6 =	simm.s32 @!p1 $0x1082;
	[sflag:s4] =	ssyncset.s32 $0xFFFFF086  }
0x25: {  	[simem:s6], [sflag:s4] =	dma.local [hbm:s3], $0xF7A  }
0x26: {  	[smem:$0x3FA0] =	sst s1;
	(tag) =	ssettag s2;
	_ =	strace s9  }
0x27: {  	s1 =	sld [smem:$0x3FB0]  }
0x28: {  	s2 =	sld [smem:$0x3FB1]  }
0x29: {  	s4 =	sld [smem:$0x3FB3]  }
0x2a: {  	p0 =	seq.s32 s5, $0x0;
	s5 =	sld [smem:$0x3FB4]  }
0x2b: {  	s6 =	sld [smem:$0x3FB5]  }
0x2c: {  	s7 =	sld [smem:$0x3FB6]  }
0x2d: {  	s3 =	simm.s32 $0x108;
	s8 =	sld [smem:$0x3FB7]  }
0x2e: {  	s3 =	simm.s32 @!p0 $0x1082;
	s9 =	sld [smem:$0x3FB8]  }
0x2f: {  	lr =	sadd.s32 s0, s3;
	s0 =	sld [smem:$0x3FAF]  }
0x30: {  	s3 =	sld [smem:$0x3FB2]  }
0x31: {  	[smem:$0x3FBB] =	sst s10  }
0x32: {  	s10 =	sld [smem:$0x3FB9];
	_ =	sdelay $0x3  }
0x33: {  	p0 =	seq.s32 s10, $0x1;
	s10 =	sld [smem:$0x3FBB];
	_ =	sdelay $0x3  }
0x34: {  	[smem:$0x3FBB] =	sst s10  }
0x35: {  	s10 =	sld [smem:$0x3FBA];
	_ =	sdelay $0x3  }
0x36: {  	p1 =	seq.s32 s10, $0x1;
	s10 =	sld [smem:$0x3FBB];
	_ =	sdelay $0x3  }
0x37: {  	[smem:$0x3FBB] =	sst s10  }
0x38: {  	s10 =	sld [smem:$0x3FBC]  }
0x39: {  	_ = 	snop;
	(pc) =	sbr.ind lr, $3  }
0x3a: {  	_ = 	snop  }
0x3b: {  	_ = 	snop  }
0x3c: {  	p2 =	seq.s32 s10, $0x1;
	s10 =	sld [smem:$0x3FBB]  }
0x3d: {  	_ =	shalt  }
0x3e: {  	_ =	shalt  }
0x3f: {  	_ =	shalt  }
0x40: {  	_ =	shalt  }
0x41: {  	_ =	shalt  }
0x42: {  	_ =	shalt  }
0x43: {  	_ =	shalt  }
0x44: {  	_ =	shalt  }
0x45: {  	_ =	shalt  }
0x46: {  	_ =	shalt  }
0x47: {  	_ =	shalt  }
0x48: {  	_ =	shalt  }
0x49: {  	_ =	shalt  }
0x4a: {  	_ =	shalt  }
0x4b: {  	_ =	shalt  }
0x4c: {  	_ =	shalt  }
0x4d: {  	_ =	shalt  }
0x4e: {  	_ =	shalt  }
0x4f: {  	_ =	shalt  }
0x50: {  	_ =	shalt  }
0x51: {  	_ =	shalt  }
0x52: {  	_ =	shalt  }
0x53: {  	_ =	shalt  }
0x54: {  	_ =	shalt  }
0x55: {  	_ =	shalt  }
0x56: {  	_ =	shalt  }
0x57: {  	_ =	shalt  }
0x58: {  	_ =	shalt  }
0x59: {  	_ =	shalt  }
0x5a: {  	_ =	shalt  }
0x5b: {  	_ =	shalt  }
0x5c: {  	_ =	shalt  }
0x5d: {  	_ =	shalt  }
0x5e: {  	_ =	shalt  }
0x5f: {  	_ =	shalt  }
0x60: {  	_ =	shalt  }
0x61: {  	_ =	shalt  }
0x62: {  	_ =	shalt  }
0x63: {  	_ =	shalt  }
0x64: {  	_ =	shalt  }
0x65: {  	_ =	shalt  }
0x66: {  	_ =	shalt  }
0x67: {  	_ =	shalt  }
0x68: {  	_ =	shalt  }
0x69: {  	_ =	shalt  }
0x6a: {  	_ =	shalt  }
0x6b: {  	_ =	shalt  }
0x6c: {  	_ =	shalt  }
0x6d: {  	_ =	shalt  }
0x6e: {  	_ =	shalt  }
0x6f: {  	_ =	shalt  }
0x70: {  	_ =	shalt  }
0x71: {  	_ =	shalt  }
0x72: {  	_ =	shalt  }
0x73: {  	_ =	shalt  }
0x74: {  	_ =	shalt  }
0x75: {  	_ =	shalt  }
0x76: {  	_ =	shalt  }
0x77: {  	_ =	shalt  }
0x78: {  	_ =	shalt  }
0x79: {  	_ =	shalt  }
0x7a: {  	_ =	shalt  }
0x7b: {  	_ =	shalt  }
0x7c: {  	_ =	shalt  }
0x7d: {  	_ =	shalt  }
0x7e: {  	_ =	shalt  }
0x7f: {  	_ =	shalt  }
0x80: {  	_ =	shalt  }
0x81: {  	_ =	shalt  }
0x82: {  	_ =	shalt  }
0x83: {  	_ =	shalt  }
0x84: {  	_ =	shalt  }
0x85: {  	_ =	shalt  }
0x86: {  	_ =	shalt  }
0x87: {  	_ =	shalt  }
.Lfunc_end0:
.L_simem_size_0:
called_computation_lowered:
.L_overlay_start_0:
0x88: {  	s2 =	sld [smem:$0x3FD9]  }
0x89: {  	s3 =	sld [smem:$0x3FFE];
	_ =	sdelay $0x1  }
0x8a: {  	s1 =	srdreg.scid  }
0x8b: {  	s0 =	sand.u32 $0x1, s1  }
0x8c: {  	s18 =	sshll.u32 s0, $0xA;
	s2 =	sadd.s32 s3, s2  }
0x8d: {  	s2 =	sadd.s32 s2, s18  }
0x8e: {  	[smem:$0x3FC7] =	sst s2  }
0x8f: {  	_ = 	snop  }
0x90: {  	s2 =	sld [smem:$0x3FC9]  }
0x91: {  	s19 =	sld [smem:$0x3FD0];
	(tm) =	ssettm $0x1  }
0x92: {  	s4 =	sld [smem:$0x3FFB];
	_ =	sdelay $0x3  }
0x93: {  	_ =	strace s4  }
0x94: {  	s4 =	sld [smem:$0x3FFC];
	_ =	sdelay $0x3  }
0x95: {  	_ =	strace s4  }
0x96: {  	s4 =	sld [smem:$0x3FFD];
	_ =	sdelay $0x3  }
0x97: {  	_ =	strace s4  }
0x98: {  	_ =	strace $0x8FFFFFFF  }
0x99: {  	s20 =	sld [smem:$0x3FDB];
	_ =	sdelay $0x1  }
0x9a: {  	s5 =	simm.s32 $_scs_section_size  }
0x9b: {  	s6 =	simm.s32 $_size__tile_overlayer_lowered;
	s7 =	simm.s32 $_tile_overlayer_lowered  }
0x9c: {  	s23 =	simm.s32 $0x1BFF;
	s22 =	sshll.u32 s7, $0x1;
	s4 =	sadd.s32 s5, s20  }
0x9d: {  	s8 =	simm.s32 $0x0;
	s21 =	sshll.u32 s6, $0x1;
	s6 =	sadd.s32 s22, s4  }
0x9e: {  	[timem:s8], [sflag:s23] =	dma.local [hbm:s6], s21  }
0x9f: {  	_ =	swait.ge [sflag:s23], s21  }
0xa0: {  	s5 =	ssub.s32 $0x0, s21;
	[sflag:s23] =	ssyncset.done $0x0  }
0xa1: {  	[sflag:s23] =	ssyncadd.s32 s5;
	_ =	sdelay $0x1  }
0xa2: {  	s24 =	simm.s32 $0x1B8B  }
0xa3: {  	_ =	swait.ge [sflag:s24], $0x1  }
0xa4: {  	[sflag:s24] =	ssyncset.done $0x0  }
0xa5: {  	s25 =	simm.s32 $0x1B8E;
	[sflag:s24] =	ssyncadd.s32 $0xFFFFFFFF  }
0xa6: {  	s26 =	simm.s32 $execute0_lowered;
	[smem:$0x3FD2] =	sst s25  }
0xa7: {  	s5 =	sshll.u32 s26, $0x1;
	_ =	strace $0x80000046;
	[dreg:$0x1] =	wrdreg $0xFFFFFFFF  }
0xa8: {  	s28 =	simm.s32 $_size_execute0_lowered;
	s4 =	sadd.s32 s4, s5;
	[dreg:$0x0] =	wrdreg $0x0  }
0xa9: {  	s5 =	sshll.u32 s28, $0x1;
	[dreg:$0x2] =	wrdreg s4  }
0xaa: {  	[dreg:$0x3] =	wrdreg s5  }
0xab: {  	[dreg:$0x4] =	wrdreg $0xC0  }
0xac: {  	_ =	task [dreg:s8], $0x5FFFF  }
0xad: {  	[dreg:$0x1] =	wrdreg $0xFFFFFFFF  }
0xae: {  	[dreg:$0x0] =	wrdreg $0x60  }
0xaf: {  	[dreg:$0x2] =	wrdreg s2  }
0xb0: {  	[dreg:$0x3] =	wrdreg s19  }
0xb1: {  	[dreg:$0x4] =	wrdreg $0x9  }
0xb2: {  	_ =	task.clear_ibuf [dreg:s8], $0x5FFFF;
	_ =	strace $0x90000046  }
0xb3: {  	s29 =	simm.s32 $0x9;
	_ =	strace $0x80000048  }
0xb4: {  	_ =	swait.ge [sflag:s29], $0x1  }
0xb5: {  	[sflag:s29] =	ssyncadd.s32 $0xFFFFFFFF  }
0xb6: {  	_ =	strace $0x90000048  }
0xb7: {  	_ =	sfence  }
0xb8: {  	s30 =	sld [smem:$0x0];
	_ =	sdelay $0x2  }
0xb9: {  	s31 =	sshll.u32 s1, $0xD;
	s1 =	sshrl.u32 s1, $0x2  }
0xba: {  	s3 =	sand.u32 $0x4000, s31;
	s1 =	sadd.s32 s1, s30  }
0xbb: {  	s0 =	sor.u32 s3, s0;
	s1 =	sshll.u32 s1, $0x11  }
0xbc: {  	s0 =	sor.u32 s1, s0  }
0xbd: {  	s0 =	sadd.s32 $0x8F2B, s0  }
0xbe: {  	[sflag:s0] =	ssyncadd.remote.s32 $0x1  }
0xbf: {  	_ =	sfence.sel $0xFFFF  }
0xc0: {  	[dreg:$0x0] =	wrdreg $0xFFFFFFFF;
	(pc) =	sbr.abs _section_cstart, $3  }
0xc1: {  	[dreg:$0x1] =	wrdreg $0xFFFFFFFF  }
0xc2: {  	_ =	task.clear_ibuf [dreg:s8], $0x2FFFF;
	_ =	strace $0x9FFFFFFF  }
0xc3: {  	(tm) =	ssettm $0x7FFFFFFF  }
tec
execute0_lowered:
.L_overlay_start_1:
0x0: {  	(tag) =	ssettag $0x1  }
0x1: {  	s0 =	srdreg.scid;
	s2 =	stileid.u32  }
0x2: {  	s0 =	sand.u32 $0x1, s0;
	s2 =	sshll.u32 s2, $0x1  }
0x3: {  	s6 =	rddreg [dreg:$0x0];
	s3 =	simm.s32 $0x0;
	s2 =	sor.u32 s0, s2  }
0x4: {  	[smem:$0x7FF] =	sst s3;
	s25 =	smul.u32 $0xC00, s2  }
0x5: {  	s1 =	rddreg [dreg:$0x1];
	s0 =	ssub.s32 $0x2, s0;
	_ =	strace $0x80000047  }
0x6: {  	s24 =	smul.u32 $0x30000, s2;
	s4 =	sshrl.u32 s0, $0x1;
	s28 =	sor.u32 $0x80, s25  }
0x7: {  	s0 =	ssub.s32 s0, s4;
	s4 =	sor.u32 $0xC0, s25;
	[smem:$0x7F6] =	sst s28  }
0x8: {  	s0 =	smax.u32 s0, $0x1;
	[smem:$0x7F7] =	sst s4  }
0x9: {  	s6 =	sadd.s32 s6, s24;
	[smem:$0x7FA] =	sst s0  }
0xa: {  	s5 =	smul.u32 $0x600, s2;
	s3 =	sadd.s32 $0x1000, s6;
	[smem:$0x7FC] =	sst s6  }
0xb: {  	s2 =	smul.u32 $0xC0, s2;
	s30 =	sadd.s32 $0x1A000, s6;
	[smem:$0x7F5] =	sst s3  }
0xc: {  	s26 =	sshrl.u32 s5, $0x3;
	s31 =	sadd.s32 $0x1B000, s6;
	[smem:$0x7FB] =	sst s30  }
0xd: {  	s3 =	sadd.s32 s1, s26;
	s1 =	sadd.s32 s1, s2;
	[smem:$0x7FD] =	sst s31  }
0xe: {  	v1 =	vlaneseq.u32;
	[smem:$0x7F8] =	sst s1;
	s29 =	sadd.s32 $0x60, s3  }
0xf: {  	s15 =	simm.s32 $0x10000;
	v0 =	vimm.s32 $0x0;
	v2 =	vimm.s32 $0x1;
	v1 =	vmul.u32 $0x300, v1;
	s2 =	simm.s32 $0x0;
	[smem:$0x7F9] =	sst s29  }
.LBB2_1:
0x10: {  	[smem:$0x7F4] =	sst s2  }
0x11: {  	s0 =	simm.s32 $0x0;
	s1 =	simm.s32 $0x10000;
	[tilespmem:s15+$0x0] =	vst v0  }
.LBB2_2:
0x12: {  	s0 =	sadd.s32 $0x10, s0  }
0x13: {  	p0 =	slt.u32 s0, $0x2FF0  }
.Ltmp0:
0x14: {  	_ = 	snop;
	(pc) =	sbr.rel @p0 .LBB2_2-.Ltmp0, $3  }
0x15: {  	_ =	sdelay $0x1  }
0x16: {  	s1 =	sadd.s32 $0x10, s1  }
0x17: {  	[tilespmem:s1+$0x0] =	vst v0  }
0x18: {  	s0 =	sld [smem:$0x7FC];
	_ =	sdelay $0x1  }
0x19: {  	s2 =	simm.s32 $0x0;
	s31 =	sld [smem:$0x7F5]  }
0x1a: {  	[tilespmem:s2], [sflag:$0x1] =	stream.linear.gather [hbm4b:s0+s2], $0x8000, $0x38;
	[tilespmem:$0x13300] =	vst v63  }
0x1b: {  	s1 =	simm.s32 $0x8000;
	s3 =	simm.s32 $0x0  }
0x1c: {  	[tilespmem:s1], [sflag:$0x2] =	stream.linear.gather [hbm4b:s31+s2], $0x8000, $0x38;
	[tilespmem:$0x13300] =	vst v63  }
.LBB2_4:
0x1d: {  	p0 =	por $0x0, $0x0;
	s0 =	simm.s32 $0x1  }
0x1e: {  	s0 =	simm.s32 @!p0 $0x0  }
0x1f: {  	s0 =	sshll.u32 s0, $0x9  }
0x20: {  	s2 =	simm.s32 $0x1;
	s1 =	sadd.s32 $0x0, s0  }
0x21: {  	_ =	swait.ge [sflag:s2], $0x8000;
	s1 =	sadd.s32 $0x180, s1  }
0x22: {  	[sflag:s2] =	ssyncset.done $0x0;
	s18 =	sor.u32 $0xC00, s1  }
0x23: {  	[sflag:s2] =	ssyncadd.s32 $0xFFFF8000;
	[smem:$0x7B2] =	sst s18  }
0x24: {  	v3 =	vld [tilespmem:s18+$0x0];
	_ =	sdelay $0x4  }
0x25: {  	v3 =	vmul.f32 $2.560000000e+02, v3;
	_ =	sdelay $0x1  }
0x26: {  	s19 =	sshll.u32 s3, $0x6;
	v3 =	vtrunc.f32 v3  }
0x27: {  	s2 =	sand.u32 $0x300, s19;
	v4 =	vcvt.f32.s32 v3  }
0x28: {  	v3 =	vadd.s32 s2, v1  }
0x29: {  	v4 =	vadd.s32 v4, v3;
	_ =	sdelay $0x3  }
0x2a: {  	[smem:$0x7B3] =	sst s3  }
0x2b: {  	s20 =	sor.u32 $0xC10, s1;
	[tilespmem:v4+s15+$0x0] =	vst.idx.add.s32.msk $0xffff, v2  }
0x2c: {  	[smem:$0x7B4] =	sst s20  }
0x2d: {  	v4 =	vld [tilespmem:s20+$0x0];
	_ =	sdelay $0x4  }
0x2e: {  	v4 =	vmul.f32 $2.560000000e+02, v4;
	_ =	sdelay $0x1  }
0x2f: {  	s21 =	sadd.s32 $0x180, s0;
	v4 =	vtrunc.f32 v4  }
0x30: {  	s2 =	sadd.s32 $0xFFFFFE80, s21;
	v4 =	vcvt.f32.s32 v4  }
0x31: {  	s4 =	sor.u32 $0x800, s2  }
0x32: {  	s0 =	sadd.s32 $0xFFFFFF00, s21;
	s5 =	sor.u32 $0xC00, s2;
	[smem:$0x7B5] =	sst s4;
	v4 =	vadd.s32 v4, v3  }
0x33: {  	s22 =	sor.u32 $0x800, s0;
	v5 =	vld [tilespmem:s4+$0x0];
	[smem:$0x7B6] =	sst s5  }
0x34: {  	s23 =	sor.u32 $0xC00, s0;
	s3 =	sadd.s32 $0xFFFFFF80, s21;
	v6 =	vld [tilespmem:s5+$0x0];
	[smem:$0x7B7] =	sst s22  }
0x35: {  	s24 =	sor.u32 $0x800, s3;
	v7 =	vld [tilespmem:s22+$0x0];
	[smem:$0x7B8] =	sst s23  }
0x36: {  	v8 =	vld [tilespmem:s23+$0x0];
	[smem:$0x7B9] =	sst s24  }
0x37: {  	s25 =	sor.u32 $0xC20, s1;
	[tilespmem:v4+s15+$0x0] =	vst.idx.add.s32.msk $0xffff, v2  }
0x38: {  	v9 =	vld [tilespmem:s24+$0x0];
	[smem:$0x7BA] =	sst s25  }
0x39: {  	v4 =	vld [tilespmem:s25+$0x0]  }
0x3a: {  	s28 =	simm.s32 $0x0;
	s26 =	sor.u32 $0xC00, s3  }
0x3b: {  	s4 =	sand.u32 $0x7000, s28;
	v5 =	vmul.f32 $2.560000000e+02, v5;
	[smem:$0x7BB] =	sst s26  }
0x3c: {  	s30 =	simm.s32 $0x0;
	s6 =	sor.u32 $0x800, s1;
	v6 =	vmul.f32 $2.560000000e+02, v6;
	v7 =	vmul.f32 $2.560000000e+02, v7;
	v10 =	vld [tilespmem:s26+$0x0];
	[smem:$0x7BC] =	sst s4  }
0x3d: {  	s5 =	sand.u32 $0x200, s30;
	v5 =	vtrunc.f32 v5;
	v8 =	vmul.f32 $2.560000000e+02, v8;
	[smem:$0x7BD] =	sst s6  }
0x3e: {  	s14 =	sor.u32 s5, s4;
	v6 =	vtrunc.f32 v6;
	v11 =	vld [tilespmem:s6+$0x0];
	v4 =	vmul.f32 $2.560000000e+02, v4  }
0x3f: {  	v5 =	vcvt.f32.s32 v5;
	v9 =	vmul.f32 $2.560000000e+02, v9;
	v12 =	vld [tilespmem:s14+$0x0]  }
0x40: {  	v7 =	vtrunc.f32 v7;
	v13 =	vld [tilespmem:s14+$0x400];
	v4 =	vtrunc.f32 v4  }
0x41: {  	v6 =	vcvt.f32.s32 v6;
	v14 =	vld [tilespmem:s14+$0x80];
	v4 =	vcvt.f32.s32 v4  }
0x42: {  	v8 =	vtrunc.f32 v8;
	v7 =	vcvt.f32.s32 v7;
	v15 =	vld [tilespmem:s14+$0x480]  }
0x43: {  	v9 =	vtrunc.f32 v9;
	v8 =	vcvt.f32.s32 v8;
	v4 =	vadd.s32 v4, v3  }
0x44: {  	v9 =	vcvt.f32.s32 v9;
	v10 =	vmul.f32 $2.560000000e+02, v10  }
0x45: {  	v16 =	vld [tilespmem:s14+$0x100];
	v11 =	vmul.f32 $2.560000000e+02, v11;
	v12 =	vmul.f32 $2.560000000e+02, v12  }
0x46: {  	v5 =	vadd.s32 v5, v3;
	v17 =	vld [tilespmem:s14+$0x500];
	v13 =	vmul.f32 $2.560000000e+02, v13;
	v14 =	vmul.f32 $2.560000000e+02, v14  }
0x47: {  	v6 =	vadd.s32 v6, v3;
	v18 =	vld [tilespmem:s14+$0x180];
	v15 =	vmul.f32 $2.560000000e+02, v15;
	v10 =	vtrunc.f32 v10  }
0x48: {  	s31 =	sor.u32 $0xC30, s1;
	v11 =	vtrunc.f32 v11;
	v12 =	vtrunc.f32 v12;
	[tilespmem:v4+s15+$0x0] =	vst.idx.add.s32.msk $0xffff, v2  }
0x49: {  	v7 =	vadd.s32 v7, v3;
	v19 =	vld [tilespmem:s14+$0x580];
	v13 =	vtrunc.f32 v13;
	v10 =	vcvt.f32.s32 v10;
	[smem:$0x7BE] =	sst s31  }
0x4a: {  	v8 =	vadd.s32 v8, v3;
	v14 =	vtrunc.f32 v14;
	v4 =	vmul.f32 $2.560000000e+02, v16;
	v16 =	vld [tilespmem:s31+$0x0]  }
0x4b: {  	v11 =	vcvt.f32.s32 v11;
	v12 =	vcvt.f32.s32 v12;
	[tilespmem:v5+s15+$0x0] =	vst.idx.add.s32.msk $0xffff, v2;
	v5 =	vadd.s32 v9, v3  }
0x4c: {  	s5 =	sor.u32 $0x810, s2;
	v13 =	vcvt.f32.s32 v13;
	v14 =	vcvt.f32.s32 v14;
	[tilespmem:v6+s15+$0x0] =	vst.idx.add.s32.msk $0xffff, v2;
	v6 =	vadd.s32 v10, v3  }
0x4d: {  	v11 =	vadd.s32 v11, v3;
	v9 =	vmul.f32 $2.560000000e+02, v17;
	v4 =	vtrunc.f32 v4;
	[smem:$0x7BF] =	sst s5  }
0x4e: {  	v12 =	vadd.s32 v12, v3;
	v10 =	vtrunc.f32 v15;
	v4 =	vcvt.f32.s32 v4;
	[tilespmem:v7+s15+$0x0] =	vst.idx.add.s32.msk $0xffff, v2  }
0x4f: {  	v7 =	vcvt.f32.s32 v10;
	v10 =	vadd.s32 v13, v3;
	[tilespmem:v8+s15+$0x0] =	vst.idx.add.s32.msk $0xffff, v2;
	v8 =	vmul.f32 $2.560000000e+02, v16  }
0x50: {  	v9 =	vtrunc.f32 v9;
	v13 =	vadd.s32 v14, v3;
	[tilespmem:v5+s15+$0x0] =	vst.idx.add.s32.msk $0xffff, v2  }
0x51: {  	v4 =	vadd.s32 v4, v3;
	v5 =	vcvt.f32.s32 v9;
	[tilespmem:v6+s15+$0x0] =	vst.idx.add.s32.msk $0xffff, v2;
	v6 =	vtrunc.f32 v8  }
0x52: {  	[tilespmem:v11+s15+$0x0] =	vst.idx.add.s32.msk $0xffff, v2;
	v7 =	vadd.s32 v7, v3;
	v6 =	vcvt.f32.s32 v6  }
0x53: {  	[tilespmem:v12+s15+$0x0] =	vst.idx.add.s32.msk $0xffff, v2;
	v5 =	vadd.s32 v5, v3  }
0x54: {  	[tilespmem:v10+s15+$0x0] =	vst.idx.add.s32.msk $0xffff, v2;
	v6 =	vadd.s32 v6, v3  }
0x55: {  	[tilespmem:v13+s15+$0x0] =	vst.idx.add.s32.msk $0xffff, v2  }
0x56: {  	[tilespmem:v4+s15+$0x0] =	vst.idx.add.s32.msk $0xffff, v2  }
0x57: {  	[tilespmem:v7+s15+$0x0] =	vst.idx.add.s32.msk $0xffff, v2  }
0x58: {  	[tilespmem:v5+s15+$0x0] =	vst.idx.add.s32.msk $0xffff, v2  }
0x59: {  	s6 =	sor.u32 $0xC40, s1;
	[tilespmem:v6+s15+$0x0] =	vst.idx.add.s32.msk $0xffff, v2  }
0x5a: {  	v15 =	vld [tilespmem:s5+$0x0];
	[smem:$0x7C0] =	sst s6  }
0x5b: {  	s7 =	sor.u32 $0xC10, s2;
	v4 =	vmul.f32 $2.560000000e+02, v18;
	v5 =	vld [tilespmem:s6+$0x0]  }
0x5c: {  	s8 =	sor.u32 $0x810, s0;
	[smem:$0x7C1] =	sst s7  }
0x5d: {  	s9 =	sor.u32 $0xC10, s0;
	v4 =	vtrunc.f32 v4;
	v7 =	vld [tilespmem:s7+$0x0];
	[smem:$0x7C2] =	sst s8  }
0x5e: {  	s10 =	sor.u32 $0x810, s3;
	v4 =	vcvt.f32.s32 v4;
	v6 =	vmul.f32 $2.560000000e+02, v19;
	v8 =	vld [tilespmem:s8+$0x0];
	[smem:$0x7C3] =	sst s9  }
0x5f: {  	s11 =	sor.u32 $0xC10, s3;
	v10 =	vld [tilespmem:s9+$0x0];
	[smem:$0x7C4] =	sst s10  }
0x60: {  	s12 =	sor.u32 $0x810, s1;
	v4 =	vadd.s32 v4, v3;
	v6 =	vtrunc.f32 v6;
	v11 =	vld [tilespmem:s10+$0x0];
	[smem:$0x7C5] =	sst s11;
	v5 =	vmul.f32 $2.560000000e+02, v5  }
0x61: {  	v9 =	vmul.f32 $2.560000000e+02, v15;
	v6 =	vcvt.f32.s32 v6;
	v12 =	vld [tilespmem:s11+$0x0];
	[smem:$0x7C6] =	sst s12  }
0x62: {  	v13 =	vld [tilespmem:s12+$0x0];
	v5 =	vtrunc.f32 v5  }
0x63: {  	v9 =	vtrunc.f32 v9;
	v6 =	vadd.s32 v6, v3;
	v14 =	vld [tilespmem:s14+$0x10];
	v5 =	vcvt.f32.s32 v5  }
0x64: {  	v9 =	vcvt.f32.s32 v9;
	v7 =	vmul.f32 $2.560000000e+02, v7;
	v15 =	vld [tilespmem:s14+$0x410]  }
0x65: {  	[tilespmem:v4+s15+$0x0] =	vst.idx.add.s32.msk $0xffff, v2;
	v8 =	vmul.f32 $2.560000000e+02, v8;
	v4 =	vmul.f32 $2.560000000e+02, v10;
	v5 =	vadd.s32 v5, v3  }
0x66: {  	v16 =	vld [tilespmem:s14+$0x110];
	v7 =	vtrunc.f32 v7;
	v11 =	vmul.f32 $2.560000000e+02, v11  }
0x67: {  	v17 =	vld [tilespmem:s14+$0x510];
	v8 =	vtrunc.f32 v8;
	v7 =	vcvt.f32.s32 v7  }
0x68: {  	[tilespmem:v6+s15+$0x0] =	vst.idx.add.s32.msk $0xffff, v2;
	v6 =	vmul.f32 $2.560000000e+02, v12;
	v4 =	vtrunc.f32 v4  }
0x69: {  	v10 =	vld [tilespmem:s14+$0x90];
	v8 =	vcvt.f32.s32 v8;
	v13 =	vmul.f32 $2.560000000e+02, v13  }
0x6a: {  	s13 =	sor.u32 $0xC50, s1;
	v9 =	vadd.s32 v9, v3;
	v14 =	vmul.f32 $2.560000000e+02, v14;
	v11 =	vtrunc.f32 v11;
	[tilespmem:v5+s15+$0x0] =	vst.idx.add.s32.msk $0xffff, v2  }
0x6b: {  	v12 =	vld [tilespmem:s14+$0x490];
	v15 =	vmul.f32 $2.560000000e+02, v15;
	v4 =	vcvt.f32.s32 v4;
	[smem:$0x7C7] =	sst s13  }
0x6c: {  	v7 =	vadd.s32 v7, v3;
	v16 =	vmul.f32 $2.560000000e+02, v16;
	v5 =	vtrunc.f32 v14;
	v14 =	vld [tilespmem:s13+$0x0]  }
0x6d: {  	v6 =	vtrunc.f32 v6;
	v11 =	vcvt.f32.s32 v11  }
0x6e: {  	v8 =	vadd.s32 v8, v3;
	v10 =	vmul.f32 $2.560000000e+02, v10;
	v13 =	vtrunc.f32 v13;
	v18 =	vld [tilespmem:s14+$0x190]  }
0x6f: {  	s16 =	sor.u32 $0x820, s2;
	v15 =	vtrunc.f32 v15;
	v6 =	vcvt.f32.s32 v6;
	v4 =	vadd.s32 v4, v3;
	[tilespmem:v9+s15+$0x0] =	vst.idx.add.s32.msk $0xffff, v2  }
0x70: {  	v13 =	vcvt.f32.s32 v13;
	v11 =	vadd.s32 v11, v3;
	v5 =	vcvt.f32.s32 v5;
	v19 =	vld [tilespmem:s14+$0x590];
	[smem:$0x7C8] =	sst s16  }
0x71: {  	s17 =	sor.u32 $0xC20, s2;
	v6 =	vadd.s32 v6, v3;
	v9 =	vtrunc.f32 v10;
	[tilespmem:v7+s15+$0x0] =	vst.idx.add.s32.msk $0xffff, v2;
	v7 =	vmul.f32 $2.560000000e+02, v14  }
0x72: {  	v15 =	vcvt.f32.s32 v15;
	v13 =	vadd.s32 v13, v3;
	v9 =	vcvt.f32.s32 v9;
	v10 =	vld [tilespmem:s16+$0x0];
	[smem:$0x7C9] =	sst s17  }
0x73: {  	v12 =	vmul.f32 $2.560000000e+02, v12;
	v5 =	vadd.s32 v5, v3;
	[tilespmem:v8+s15+$0x0] =	vst.idx.add.s32.msk $0xffff, v2;
	v7 =	vtrunc.f32 v7  }
0x74: {  	v9 =	vadd.s32 v9, v3;
	[tilespmem:v4+s15+$0x0] =	vst.idx.add.s32.msk $0xffff, v2;
	v4 =	vcvt.f32.s32 v7  }
0x75: {  	v8 =	vtrunc.f32 v12;
	v12 =	vadd.s32 v15, v3;
	v15 =	vtrunc.f32 v16;
	[tilespmem:v11+s15+$0x0] =	vst.idx.add.s32.msk $0xffff, v2  }
0x76: {  	[tilespmem:v6+s15+$0x0] =	vst.idx.add.s32.msk $0xffff, v2;
	v14 =	vmul.f32 $2.560000000e+02, v17;
	v11 =	vmul.f32 $2.560000000e+02, v19;
	v4 =	vadd.s32 v4, v3  }
0x77: {  	[tilespmem:v13+s15+$0x0] =	vst.idx.add.s32.msk $0xffff, v2;
	v8 =	vcvt.f32.s32 v8;
	v7 =	vmul.f32 $2.560000000e+02, v18  }
0x78: {  	[tilespmem:v5+s15+$0x0] =	vst.idx.add.s32.msk $0xffff, v2;
	v6 =	vtrunc.f32 v14;
	v14 =	vcvt.f32.s32 v15  }
0x79: {  	v8 =	vadd.s32 v8, v3;
	v6 =	vcvt.f32.s32 v6;
	[tilespmem:v9+s15+$0x0] =	vst.idx.add.s32.msk $0xffff, v2;
	v7 =	vtrunc.f32 v7  }
0x7a: {  	v5 =	vtrunc.f32 v11;
	v11 =	vadd.s32 v14, v3;
	[tilespmem:v12+s15+$0x0] =	vst.idx.add.s32.msk $0xffff, v2;
	v7 =	vcvt.f32.s32 v7  }
0x7b: {  	s18 =	sor.u32 $0xC60, s1;
	v5 =	vcvt.f32.s32 v5;
	v6 =	vadd.s32 v6, v3;
	[tilespmem:v4+s15+$0x0] =	vst.idx.add.s32.msk $0xffff, v2  }
0x7c: {  	v17 =	vld [tilespmem:s17+$0x0];
	v7 =	vadd.s32 v7, v3;
	[smem:$0x7CA] =	sst s18  }
0x7d: {  	v4 =	vadd.s32 v5, v3;
	v5 =	vld [tilespmem:s18+$0x0]  }
0x7e: {  	[tilespmem:v8+s15+$0x0] =	vst.idx.add.s32.msk $0xffff, v2  }
0x7f: {  	[tilespmem:v11+s15+$0x0] =	vst.idx.add.s32.msk $0xffff, v2  }
0x80: {  	[tilespmem:v6+s15+$0x0] =	vst.idx.add.s32.msk $0xffff, v2  }
0x81: {  	[tilespmem:v7+s15+$0x0] =	vst.idx.add.s32.msk $0xffff, v2  }
0x82: {  	s19 =	sor.u32 $0x820, s0;
	[tilespmem:v4+s15+$0x0] =	vst.idx.add.s32.msk $0xffff, v2  }
0x83: {  	s20 =	sor.u32 $0xC20, s0;
	[smem:$0x7CB] =	sst s19;
	v4 =	vmul.f32 $2.560000000e+02, v5  }
0x84: {  	s21 =	sor.u32 $0x820, s3;
	v5 =	vld [tilespmem:s19+$0x0];
	[smem:$0x7CC] =	sst s20  }
0x85: {  	s22 =	sor.u32 $0xC20, s3;
	v6 =	vld [tilespmem:s20+$0x0];
	[smem:$0x7CD] =	sst s21;
	v4 =	vtrunc.f32 v4  }
0x86: {  	s23 =	sor.u32 $0x820, s1;
	v8 =	vld [tilespmem:s21+$0x0];
	[smem:$0x7CE] =	sst s22;
	v4 =	vcvt.f32.s32 v4  }
0x87: {  	v9 =	vmul.f32 $2.560000000e+02, v17;
	v7 =	vmul.f32 $2.560000000e+02, v10;
	v10 =	vld [tilespmem:s22+$0x0];
	[smem:$0x7CF] =	sst s23  }
0x88: {  	v11 =	vld [tilespmem:s23+$0x0];
	v4 =	vadd.s32 v4, v3  }
0x89: {  	v9 =	vtrunc.f32 v9;
	v12 =	vld [tilespmem:s14+$0x20]  }
0x8a: {  	v7 =	vtrunc.f32 v7;
	v13 =	vld [tilespmem:s14+$0x420];
	v5 =	vmul.f32 $2.560000000e+02, v5  }
0x8b: {  	v9 =	vcvt.f32.s32 v9;
	v7 =	vcvt.f32.s32 v7;
	v14 =	vld [tilespmem:s14+$0xA0]  }
0x8c: {  	v15 =	vld [tilespmem:s14+$0x4A0];
	v6 =	vmul.f32 $2.560000000e+02, v6;
	v5 =	vtrunc.f32 v5  }
0x8d: {  	s24 =	sor.u32 $0xC70, s1;
	v8 =	vmul.f32 $2.560000000e+02, v8;
	v5 =	vcvt.f32.s32 v5;
	[tilespmem:v4+s15+$0x0] =	vst.idx.add.s32.msk $0xffff, v2  }
0x8e: {  	v9 =	vadd.s32 v9, v3;
	v10 =	vmul.f32 $2.560000000e+02, v10;
	v6 =	vtrunc.f32 v6;
	[smem:$0x7D0] =	sst s24  }
0x8f: {  	v4 =	vadd.s32 v7, v3;
	v7 =	vmul.f32 $2.560000000e+02, v11;
	v11 =	vmul.f32 $2.560000000e+02, v12;
	v12 =	vld [tilespmem:s24+$0x0]  }
0x90: {  	v8 =	vtrunc.f32 v8;
	v13 =	vmul.f32 $2.560000000e+02, v13;
	v5 =	vadd.s32 v5, v3;
	v16 =	vld [tilespmem:s14+$0x120]  }
0x91: {  	v14 =	vmul.f32 $2.560000000e+02, v14;
	v15 =	vmul.f32 $2.560000000e+02, v15;
	v17 =	vld [tilespmem:s14+$0x520]  }
0x92: {  	v6 =	vcvt.f32.s32 v6;
	v10 =	vtrunc.f32 v10;
	v18 =	vld [tilespmem:s14+$0x1A0]  }
0x93: {  	v8 =	vcvt.f32.s32 v8;
	v15 =	vtrunc.f32 v15;
	[tilespmem:v9+s15+$0x0] =	vst.idx.add.s32.msk $0xffff, v2  }
0x94: {  	v6 =	vadd.s32 v6, v3;
	v7 =	vtrunc.f32 v7;
	v11 =	vtrunc.f32 v11;
	[tilespmem:v4+s15+$0x0] =	vst.idx.add.s32.msk $0xffff, v2  }
0x95: {  	s25 =	sor.u32 $0x830, s2;
	v15 =	vcvt.f32.s32 v15;
	[tilespmem:v5+s15+$0x0] =	vst.idx.add.s32.msk $0xffff, v2;
	v12 =	vmul.f32 $2.560000000e+02, v12  }
0x96: {  	s26 =	sor.u32 $0xC30, s2;
	v19 =	vld [tilespmem:s14+$0x5A0];
	v7 =	vcvt.f32.s32 v7;
	v4 =	vtrunc.f32 v13;
	[smem:$0x7D1] =	sst s25  }
0x97: {  	s28 =	sor.u32 $0x830, s0;
	v8 =	vadd.s32 v8, v3;
	v5 =	vcvt.f32.s32 v10;
	v13 =	vld [tilespmem:s25+$0x0];
	[smem:$0x7D2] =	sst s26;
	v10 =	vtrunc.f32 v12  }
0x98: {  	v7 =	vadd.s32 v7, v3;
	v9 =	vmul.f32 $2.560000000e+02, v16;
	v16 =	vld [tilespmem:s26+$0x0];
	[smem:$0x7D3] =	sst s28;
	v10 =	vcvt.f32.s32 v10  }
0x99: {  	s30 =	sor.u32 $0xC30, s0;
	v11 =	vcvt.f32.s32 v11;
	v4 =	vcvt.f32.s32 v4;
	v5 =	vadd.s32 v5, v3;
	[tilespmem:v6+s15+$0x0] =	vst.idx.add.s32.msk $0xffff, v2  }
0x9a: {  	v12 =	vtrunc.f32 v14;
	v14 =	vmul.f32 $2.560000000e+02, v17;
	v17 =	vld [tilespmem:s28+$0x0];
	[smem:$0x7D4] =	sst s30;
	v10 =	vadd.s32 v10, v3  }
0x9b: {  	v11 =	vadd.s32 v11, v3;
	v6 =	vtrunc.f32 v9;
	v9 =	vcvt.f32.s32 v12;
	v12 =	vld [tilespmem:s30+$0x0]  }
0x9c: {  	v18 =	vmul.f32 $2.560000000e+02, v18;
	v19 =	vmul.f32 $2.560000000e+02, v19;
	v4 =	vadd.s32 v4, v3;
	[tilespmem:v8+s15+$0x0] =	vst.idx.add.s32.msk $0xffff, v2  }
0x9d: {  	v6 =	vcvt.f32.s32 v6;
	v8 =	vtrunc.f32 v14;
	v14 =	vadd.s32 v15, v3;
	[tilespmem:v7+s15+$0x0] =	vst.idx.add.s32.msk $0xffff, v2  }
0x9e: {  	v9 =	vadd.s32 v9, v3;
	[tilespmem:v5+s15+$0x0] =	vst.idx.add.s32.msk $0xffff, v2;
	v5 =	vtrunc.f32 v18;
	v8 =	vcvt.f32.s32 v8  }
0x9f: {  	v6 =	vadd.s32 v6, v3;
	v5 =	vcvt.f32.s32 v5;
	[tilespmem:v10+s15+$0x0] =	vst.idx.add.s32.msk $0xffff, v2;
	v10 =	vtrunc.f32 v19  }
0xa0: {  	[tilespmem:v11+s15+$0x0] =	vst.idx.add.s32.msk $0xffff, v2;
	v8 =	vadd.s32 v8, v3;
	v7 =	vcvt.f32.s32 v10  }
0xa1: {  	[tilespmem:v4+s15+$0x0] =	vst.idx.add.s32.msk $0xffff, v2;
	v5 =	vadd.s32 v5, v3  }
0xa2: {  	[tilespmem:v14+s15+$0x0] =	vst.idx.add.s32.msk $0xffff, v2;
	v4 =	vadd.s32 v7, v3  }
0xa3: {  	[tilespmem:v9+s15+$0x0] =	vst.idx.add.s32.msk $0xffff, v2  }
0xa4: {  	[tilespmem:v6+s15+$0x0] =	vst.idx.add.s32.msk $0xffff, v2  }
0xa5: {  	[tilespmem:v8+s15+$0x0] =	vst.idx.add.s32.msk $0xffff, v2  }
0xa6: {  	[tilespmem:v5+s15+$0x0] =	vst.idx.add.s32.msk $0xffff, v2  }
0xa7: {  	s31 =	sor.u32 $0x830, s3;
	[tilespmem:v4+s15+$0x0] =	vst.idx.add.s32.msk $0xffff, v2  }
0xa8: {  	s5 =	sor.u32 $0xC30, s3;
	[smem:$0x7D5] =	sst s31  }
0xa9: {  	s6 =	sor.u32 $0x830, s1;
	v7 =	vld [tilespmem:s31+$0x0];
	[smem:$0x7D6] =	sst s5  }
0xaa: {  	v5 =	vmul.f32 $2.560000000e+02, v13;
	v8 =	vld [tilespmem:s5+$0x0];
	[smem:$0x7D7] =	sst s6  }
0xab: {  	v6 =	vmul.f32 $2.560000000e+02, v17;
	v9 =	vld [tilespmem:s6+$0x0]  }
0xac: {  	v10 =	vmul.f32 $2.560000000e+02, v12;
	v5 =	vtrunc.f32 v5;
	v11 =	vld [tilespmem:s14+$0x30]  }
0xad: {  	v6 =	vtrunc.f32 v6;
	v5 =	vcvt.f32.s32 v5;
	v12 =	vld [tilespmem:s14+$0x430]  }
0xae: {  	v10 =	vtrunc.f32 v10;
	v4 =	vmul.f32 $2.560000000e+02, v16;
	v13 =	vld [tilespmem:s14+$0xB0]  }
0xaf: {  	v6 =	vcvt.f32.s32 v6;
	v10 =	vcvt.f32.s32 v10;
	v5 =	vadd.s32 v5, v3;
	v14 =	vld [tilespmem:s14+$0x4B0]  }
0xb0: {  	v4 =	vtrunc.f32 v4;
	v18 =	vld [tilespmem:s14+$0x5B0];
	v7 =	vmul.f32 $2.560000000e+02, v7  }
0xb1: {  	v6 =	vadd.s32 v6, v3;
	v4 =	vcvt.f32.s32 v4;
	v8 =	vmul.f32 $2.560000000e+02, v8  }
0xb2: {  	v10 =	vadd.s32 v10, v3;
	v15 =	vld [tilespmem:s14+$0x130];
	v7 =	vtrunc.f32 v7;
	v9 =	vmul.f32 $2.560000000e+02, v9  }
0xb3: {  	v16 =	vld [tilespmem:s14+$0x530];
	v4 =	vadd.s32 v4, v3;
	v11 =	vmul.f32 $2.560000000e+02, v11;
	v12 =	vmul.f32 $2.560000000e+02, v12  }
0xb4: {  	[tilespmem:v5+s15+$0x0] =	vst.idx.add.s32.msk $0xffff, v2;
	v13 =	vmul.f32 $2.560000000e+02, v13;
	v5 =	vmul.f32 $2.560000000e+02, v14  }
0xb5: {  	v17 =	vld [tilespmem:s14+$0x1B0];
	v18 =	vmul.f32 $2.560000000e+02, v18;
	v8 =	vtrunc.f32 v8  }
0xb6: {  	[tilespmem:v6+s15+$0x0] =	vst.idx.add.s32.msk $0xffff, v2;
	v7 =	vcvt.f32.s32 v7;
	v9 =	vtrunc.f32 v9  }
0xb7: {  	[tilespmem:v10+s15+$0x0] =	vst.idx.add.s32.msk $0xffff, v2;
	v11 =	vtrunc.f32 v11;
	v12 =	vtrunc.f32 v12  }
0xb8: {  	s7 =	sor.u32 $0x840, s2;
	[tilespmem:v4+s15+$0x0] =	vst.idx.add.s32.msk $0xffff, v2;
	v4 =	vtrunc.f32 v13;
	v6 =	vcvt.f32.s32 v8  }
0xb9: {  	s8 =	sor.u32 $0xC40, s2;
	v13 =	vmul.f32 $2.560000000e+02, v15;
	[smem:$0x7D8] =	sst s7;
	v7 =	vadd.s32 v7, v3;
	v8 =	vcvt.f32.s32 v9  }
0xba: {  	s9 =	sor.u32 $0x840, s0;
	v5 =	vtrunc.f32 v5;
	v10 =	vld [tilespmem:s7+$0x0];
	v11 =	vcvt.f32.s32 v11;
	[smem:$0x7D9] =	sst s8;
	v6 =	vadd.s32 v6, v3  }
0xbb: {  	s10 =	sor.u32 $0xC40, s0;
	v15 =	vmul.f32 $2.560000000e+02, v17;
	v12 =	vcvt.f32.s32 v12;
	v14 =	vld [tilespmem:s8+$0x0];
	[smem:$0x7DA] =	sst s9;
	v8 =	vadd.s32 v8, v3  }
0xbc: {  	v9 =	vmul.f32 $2.560000000e+02, v16;
	v4 =	vcvt.f32.s32 v4;
	v16 =	vld [tilespmem:s9+$0x0];
	v11 =	vadd.s32 v11, v3;
	[smem:$0x7DB] =	sst s10  }
0xbd: {  	v5 =	vcvt.f32.s32 v5;
	v13 =	vtrunc.f32 v13;
	v12 =	vadd.s32 v12, v3;
	v17 =	vld [tilespmem:s10+$0x0]  }
0xbe: {  	v9 =	vtrunc.f32 v9;
	v13 =	vcvt.f32.s32 v13;
	v4 =	vadd.s32 v4, v3;
	[tilespmem:v7+s15+$0x0] =	vst.idx.add.s32.msk $0xffff, v2  }
0xbf: {  	v5 =	vadd.s32 v5, v3;
	v9 =	vcvt.f32.s32 v9;
	v7 =	vtrunc.f32 v15;
	[tilespmem:v6+s15+$0x0] =	vst.idx.add.s32.msk $0xffff, v2  }
0xc0: {  	v13 =	vadd.s32 v13, v3;
	v6 =	vtrunc.f32 v18;
	v7 =	vcvt.f32.s32 v7;
	[tilespmem:v8+s15+$0x0] =	vst.idx.add.s32.msk $0xffff, v2  }
0xc1: {  	v6 =	vcvt.f32.s32 v6;
	v8 =	vadd.s32 v9, v3;
	[tilespmem:v11+s15+$0x0] =	vst.idx.add.s32.msk $0xffff, v2  }
0xc2: {  	[tilespmem:v12+s15+$0x0] =	vst.idx.add.s32.msk $0xffff, v2;
	v7 =	vadd.s32 v7, v3  }
0xc3: {  	[tilespmem:v4+s15+$0x0] =	vst.idx.add.s32.msk $0xffff, v2;
	v6 =	vadd.s32 v6, v3  }
0xc4: {  	[tilespmem:v5+s15+$0x0] =	vst.idx.add.s32.msk $0xffff, v2  }
0xc5: {  	[tilespmem:v13+s15+$0x0] =	vst.idx.add.s32.msk $0xffff, v2  }
0xc6: {  	[tilespmem:v8+s15+$0x0] =	vst.idx.add.s32.msk $0xffff, v2  }
0xc7: {  	[tilespmem:v7+s15+$0x0] =	vst.idx.add.s32.msk $0xffff, v2  }
0xc8: {  	s11 =	sor.u32 $0x840, s3;
	[tilespmem:v6+s15+$0x0] =	vst.idx.add.s32.msk $0xffff, v2  }
0xc9: {  	s12 =	sor.u32 $0xC40, s3;
	[smem:$0x7DC] =	sst s11  }
0xca: {  	s13 =	sor.u32 $0x840, s1;
	v6 =	vld [tilespmem:s11+$0x0];
	[smem:$0x7DD] =	sst s12  }
0xcb: {  	v8 =	vld [tilespmem:s12+$0x0];
	[smem:$0x7DE] =	sst s13  }
0xcc: {  	v4 =	vmul.f32 $2.560000000e+02, v10;
	v5 =	vmul.f32 $2.560000000e+02, v14;
	v10 =	vld [tilespmem:s13+$0x0]  }
0xcd: {  	v9 =	vmul.f32 $2.560000000e+02, v17;
	v11 =	vld [tilespmem:s14+$0x40]  }
0xce: {  	v4 =	vtrunc.f32 v4;
	v5 =	vtrunc.f32 v5;
	v12 =	vld [tilespmem:s14+$0x440]  }
0xcf: {  	v4 =	vcvt.f32.s32 v4;
	v9 =	vtrunc.f32 v9;
	v13 =	vld [tilespmem:s14+$0xC0]  }
0xd0: {  	v9 =	vcvt.f32.s32 v9;
	v7 =	vmul.f32 $2.560000000e+02, v16;
	v14 =	vld [tilespmem:s14+$0x4C0]  }
0xd1: {  	v5 =	vcvt.f32.s32 v5;
	v4 =	vadd.s32 v4, v3;
	v16 =	vld [tilespmem:s14+$0x540]  }
0xd2: {  	v9 =	vadd.s32 v9, v3;
	v7 =	vtrunc.f32 v7;
	v18 =	vld [tilespmem:s14+$0x5C0];
	v6 =	vmul.f32 $2.560000000e+02, v6  }
0xd3: {  	v7 =	vcvt.f32.s32 v7;
	v8 =	vmul.f32 $2.560000000e+02, v8  }
0xd4: {  	v5 =	vadd.s32 v5, v3;
	v6 =	vtrunc.f32 v6;
	v10 =	vmul.f32 $2.560000000e+02, v10  }
0xd5: {  	v15 =	vld [tilespmem:s14+$0x140];
	v7 =	vadd.s32 v7, v3;
	v11 =	vmul.f32 $2.560000000e+02, v11;
	v12 =	vmul.f32 $2.560000000e+02, v12  }
0xd6: {  	[tilespmem:v4+s15+$0x0] =	vst.idx.add.s32.msk $0xffff, v2;
	v13 =	vmul.f32 $2.560000000e+02, v13;
	v4 =	vmul.f32 $2.560000000e+02, v14  }
0xd7: {  	[tilespmem:v9+s15+$0x0] =	vst.idx.add.s32.msk $0xffff, v2;
	v9 =	vmul.f32 $2.560000000e+02, v16;
	v18 =	vmul.f32 $2.560000000e+02, v18  }
0xd8: {  	v17 =	vld [tilespmem:s14+$0x1C0];
	v8 =	vtrunc.f32 v8;
	v6 =	vcvt.f32.s32 v6  }
0xd9: {  	[tilespmem:v5+s15+$0x0] =	vst.idx.add.s32.msk $0xffff, v2;
	v10 =	vtrunc.f32 v10;
	v11 =	vtrunc.f32 v11  }
0xda: {  	s16 =	sor.u32 $0x850, s2;
	[tilespmem:v7+s15+$0x0] =	vst.idx.add.s32.msk $0xffff, v2;
	v12 =	vtrunc.f32 v12;
	v7 =	vcvt.f32.s32 v8  }
0xdb: {  	s17 =	sor.u32 $0xC50, s2;
	[smem:$0x7DF] =	sst s16;
	v5 =	vtrunc.f32 v13;
	v6 =	vadd.s32 v6, v3;
	v8 =	vcvt.f32.s32 v10  }
0xdc: {  	s18 =	sor.u32 $0x850, s0;
	v13 =	vmul.f32 $2.560000000e+02, v15;
	v10 =	vld [tilespmem:s16+$0x0];
	v11 =	vcvt.f32.s32 v11;
	[smem:$0x7E0] =	sst s17;
	v7 =	vadd.s32 v7, v3  }
0xdd: {  	s19 =	sor.u32 $0xC50, s0;
	v4 =	vtrunc.f32 v4;
	v12 =	vcvt.f32.s32 v12;
	v14 =	vld [tilespmem:s17+$0x0];
	[smem:$0x7E1] =	sst s18;
	v8 =	vadd.s32 v8, v3  }
0xde: {  	v15 =	vmul.f32 $2.560000000e+02, v17;
	v5 =	vcvt.f32.s32 v5;
	v16 =	vld [tilespmem:s18+$0x0];
	v11 =	vadd.s32 v11, v3;
	[smem:$0x7E2] =	sst s19  }
0xdf: {  	v4 =	vcvt.f32.s32 v4;
	v13 =	vtrunc.f32 v13;
	v12 =	vadd.s32 v12, v3;
	v17 =	vld [tilespmem:s19+$0x0]  }
0xe0: {  	v9 =	vtrunc.f32 v9;
	v13 =	vcvt.f32.s32 v13;
	v5 =	vadd.s32 v5, v3;
	[tilespmem:v6+s15+$0x0] =	vst.idx.add.s32.msk $0xffff, v2  }
0xe1: {  	v9 =	vcvt.f32.s32 v9;
	v4 =	vadd.s32 v4, v3;
	v6 =	vtrunc.f32 v15;
	[tilespmem:v7+s15+$0x0] =	vst.idx.add.s32.msk $0xffff, v2  }
0xe2: {  	v13 =	vadd.s32 v13, v3;
	v7 =	vtrunc.f32 v18;
	v6 =	vcvt.f32.s32 v6;
	[tilespmem:v8+s15+$0x0] =	vst.idx.add.s32.msk $0xffff, v2  }
0xe3: {  	v7 =	vcvt.f32.s32 v7;
	v8 =	vadd.s32 v9, v3;
	[tilespmem:v11+s15+$0x0] =	vst.idx.add.s32.msk $0xffff, v2  }
0xe4: {  	[tilespmem:v12+s15+$0x0] =	vst.idx.add.s32.msk $0xffff, v2;
	v6 =	vadd.s32 v6, v3  }
0xe5: {  	[tilespmem:v5+s15+$0x0] =	vst.idx.add.s32.msk $0xffff, v2;
	v7 =	vadd.s32 v7, v3  }
0xe6: {  	[tilespmem:v4+s15+$0x0] =	vst.idx.add.s32.msk $0xffff, v2  }
0xe7: {  	[tilespmem:v13+s15+$0x0] =	vst.idx.add.s32.msk $0xffff, v2  }
0xe8: {  	[tilespmem:v8+s15+$0x0] =	vst.idx.add.s32.msk $0xffff, v2  }
0xe9: {  	[tilespmem:v6+s15+$0x0] =	vst.idx.add.s32.msk $0xffff, v2  }
0xea: {  	s20 =	sor.u32 $0x850, s3;
	[tilespmem:v7+s15+$0x0] =	vst.idx.add.s32.msk $0xffff, v2  }
0xeb: {  	s21 =	sor.u32 $0xC50, s3;
	[smem:$0x7E3] =	sst s20  }
0xec: {  	s22 =	sor.u32 $0x850, s1;
	v6 =	vld [tilespmem:s20+$0x0];
	[smem:$0x7E4] =	sst s21  }
0xed: {  	v8 =	vld [tilespmem:s21+$0x0];
	[smem:$0x7E5] =	sst s22  }
0xee: {  	v4 =	vmul.f32 $2.560000000e+02, v10;
	v5 =	vmul.f32 $2.560000000e+02, v14;
	v10 =	vld [tilespmem:s22+$0x0]  }
0xef: {  	v9 =	vmul.f32 $2.560000000e+02, v17;
	v11 =	vld [tilespmem:s14+$0x50]  }
0xf0: {  	v4 =	vtrunc.f32 v4;
	v5 =	vtrunc.f32 v5;
	v12 =	vld [tilespmem:s14+$0x450]  }
0xf1: {  	v4 =	vcvt.f32.s32 v4;
	v9 =	vtrunc.f32 v9;
	v13 =	vld [tilespmem:s14+$0xD0]  }
0xf2: {  	v9 =	vcvt.f32.s32 v9;
	v7 =	vmul.f32 $2.560000000e+02, v16;
	v14 =	vld [tilespmem:s14+$0x4D0]  }
0xf3: {  	v5 =	vcvt.f32.s32 v5;
	v4 =	vadd.s32 v4, v3;
	v16 =	vld [tilespmem:s14+$0x550]  }
0xf4: {  	v9 =	vadd.s32 v9, v3;
	v7 =	vtrunc.f32 v7;
	v18 =	vld [tilespmem:s14+$0x5D0];
	v6 =	vmul.f32 $2.560000000e+02, v6  }
0xf5: {  	v7 =	vcvt.f32.s32 v7;
	v8 =	vmul.f32 $2.560000000e+02, v8  }
0xf6: {  	v6 =	vtrunc.f32 v6;
	v10 =	vmul.f32 $2.560000000e+02, v10  }
0xf7: {  	v15 =	vld [tilespmem:s14+$0x150];
	v7 =	vadd.s32 v7, v3;
	v11 =	vmul.f32 $2.560000000e+02, v11;
	v12 =	vmul.f32 $2.560000000e+02, v12  }
0xf8: {  	v5 =	vadd.s32 v5, v3;
	[tilespmem:v4+s15+$0x0] =	vst.idx.add.s32.msk $0xffff, v2;
	v13 =	vmul.f32 $2.560000000e+02, v13;
	v4 =	vmul.f32 $2.560000000e+02, v14  }
0xf9: {  	[tilespmem:v9+s15+$0x0] =	vst.idx.add.s32.msk $0xffff, v2;
	v9 =	vmul.f32 $2.560000000e+02, v16;
	v18 =	vmul.f32 $2.560000000e+02, v18  }
0xfa: {  	v8 =	vtrunc.f32 v8;
	v6 =	vcvt.f32.s32 v6  }
0xfb: {  	v17 =	vld [tilespmem:s14+$0x1D0];
	v10 =	vtrunc.f32 v10;
	v11 =	vtrunc.f32 v11  }
0xfc: {  	[tilespmem:v7+s15+$0x0] =	vst.idx.add.s32.msk $0xffff, v2;
	v12 =	vtrunc.f32 v12;
	v7 =	vcvt.f32.s32 v8  }
0xfd: {  	s23 =	sor.u32 $0x860, s2;
	[tilespmem:v5+s15+$0x0] =	vst.idx.add.s32.msk $0xffff, v2;
	v5 =	vtrunc.f32 v13;
	v6 =	vadd.s32 v6, v3;
	v8 =	vcvt.f32.s32 v10  }
0xfe: {  	s24 =	sor.u32 $0xC60, s2;
	v13 =	vmul.f32 $2.560000000e+02, v15;
	[smem:$0x7E6] =	sst s23;
	v11 =	vcvt.f32.s32 v11;
	v7 =	vadd.s32 v7, v3  }
0xff: {  	s25 =	sor.u32 $0x860, s0;
	v4 =	vtrunc.f32 v4;
	v10 =	vld [tilespmem:s23+$0x0];
	[smem:$0x7E7] =	sst s24;
	v12 =	vcvt.f32.s32 v12;
	v8 =	vadd.s32 v8, v3  }
0x100: {  	s26 =	sor.u32 $0xC60, s0;
	v15 =	vmul.f32 $2.560000000e+02, v17;
	v5 =	vcvt.f32.s32 v5;
	v14 =	vld [tilespmem:s24+$0x0];
	[smem:$0x7E8] =	sst s25;
	v11 =	vadd.s32 v11, v3  }
0x101: {  	v4 =	vcvt.f32.s32 v4;
	v13 =	vtrunc.f32 v13;
	v16 =	vld [tilespmem:s25+$0x0];
	[smem:$0x7E9] =	sst s26;
	v12 =	vadd.s32 v12, v3  }
0x102: {  	v9 =	vtrunc.f32 v9;
	v13 =	vcvt.f32.s32 v13;
	v5 =	vadd.s32 v5, v3;
	[tilespmem:v6+s15+$0x0] =	vst.idx.add.s32.msk $0xffff, v2  }
0x103: {  	v9 =	vcvt.f32.s32 v9;
	v4 =	vadd.s32 v4, v3;
	v6 =	vtrunc.f32 v15;
	[tilespmem:v7+s15+$0x0] =	vst.idx.add.s32.msk $0xffff, v2  }
0x104: {  	v13 =	vadd.s32 v13, v3;
	v7 =	vtrunc.f32 v18;
	v6 =	vcvt.f32.s32 v6;
	[tilespmem:v8+s15+$0x0] =	vst.idx.add.s32.msk $0xffff, v2  }
0x105: {  	v7 =	vcvt.f32.s32 v7;
	v8 =	vadd.s32 v9, v3;
	[tilespmem:v11+s15+$0x0] =	vst.idx.add.s32.msk $0xffff, v2  }
0x106: {  	[tilespmem:v12+s15+$0x0] =	vst.idx.add.s32.msk $0xffff, v2;
	v6 =	vadd.s32 v6, v3  }
0x107: {  	[tilespmem:v5+s15+$0x0] =	vst.idx.add.s32.msk $0xffff, v2;
	v7 =	vadd.s32 v7, v3  }
0x108: {  	[tilespmem:v4+s15+$0x0] =	vst.idx.add.s32.msk $0xffff, v2  }
0x109: {  	[tilespmem:v13+s15+$0x0] =	vst.idx.add.s32.msk $0xffff, v2  }
0x10a: {  	[tilespmem:v8+s15+$0x0] =	vst.idx.add.s32.msk $0xffff, v2  }
0x10b: {  	[tilespmem:v6+s15+$0x0] =	vst.idx.add.s32.msk $0xffff, v2  }
0x10c: {  	s28 =	sor.u32 $0x860, s3;
	[tilespmem:v7+s15+$0x0] =	vst.idx.add.s32.msk $0xffff, v2  }
0x10d: {  	s30 =	sor.u32 $0xC60, s3;
	v17 =	vld [tilespmem:s26+$0x0];
	v5 =	vmul.f32 $2.560000000e+02, v14;
	[smem:$0x7EA] =	sst s28  }
0x10e: {  	s31 =	sor.u32 $0x860, s1;
	v4 =	vmul.f32 $2.560000000e+02, v10;
	v6 =	vld [tilespmem:s28+$0x0];
	[smem:$0x7EB] =	sst s30  }
0x10f: {  	v5 =	vtrunc.f32 v5;
	v8 =	vld [tilespmem:s30+$0x0];
	[smem:$0x7EC] =	sst s31  }
0x110: {  	v4 =	vtrunc.f32 v4;
	v5 =	vcvt.f32.s32 v5;
	v10 =	vld [tilespmem:s31+$0x0]  }
0x111: {  	v4 =	vcvt.f32.s32 v4;
	v11 =	vld [tilespmem:s14+$0x60]  }
0x112: {  	v19 =	vadd.s32 v5, v3;
	v12 =	vld [tilespmem:s14+$0x460]  }
0x113: {  	v7 =	vmul.f32 $2.560000000e+02, v16;
	v16 =	vadd.s32 v4, v3;
	v15 =	vld [tilespmem:s14+$0xE0]  }
0x114: {  	v18 =	vld [tilespmem:s14+$0x4E0]  }
0x115: {  	v20 =	vld [tilespmem:s14+$0x160]  }
0x116: {  	v14 =	vld [tilespmem:s14+$0x560]  }
0x117: {  	v9 =	vmul.f32 $2.560000000e+02, v17;
	[tilespmem:v19+s15+$0x0] =	vst.idx.add.s32.msk $0xffff, v2;
	v4 =	vmul.f32 $2.560000000e+02, v8  }
0x118: {  	v7 =	vtrunc.f32 v7;
	[tilespmem:v16+s15+$0x0] =	vst.idx.add.s32.msk $0xffff, v2;
	v5 =	vmul.f32 $2.560000000e+02, v10  }
0x119: {  	s16 =	sor.u32 $0x870, s2;
	v13 =	vcvt.f32.s32 v7;
	v7 =	vtrunc.f32 v4;
	v4 =	vld [tilespmem:s14+$0x1E0]  }
0x11a: {  	s12 =	sor.u32 $0xC70, s2;
	v6 =	vmul.f32 $2.560000000e+02, v6;
	v8 =	vtrunc.f32 v5;
	v5 =	vld [tilespmem:s14+$0x5E0];
	[smem:$0x7ED] =	sst s16  }
0x11b: {  	p1 =	por $0x1, $0x1;
	s13 =	sor.u32 $0x870, s0;
	v9 =	vtrunc.f32 v9;
	[smem:$0x7EE] =	sst s12  }
.Ltmp1:
0x11c: {  	s19 =	sor.u32 $0xC70, s0;
	v17 =	vcvt.f32.s32 v9;
	v6 =	vtrunc.f32 v6;
	[smem:$0x7EF] =	sst s13;
	(pc) =	sbr.rel @!p1 .LBB2_6-.Ltmp1, $4  }
0x11d: {  	s18 =	sor.u32 $0x870, s3;
	v13 =	vadd.s32 v13, v3;
	v9 =	vmul.f32 $2.560000000e+02, v11;
	v11 =	vmul.f32 $2.560000000e+02, v12;
	[smem:$0x7F0] =	sst s19  }
0x11e: {  	s8 =	sor.u32 $0xC70, s3;
	v15 =	vmul.f32 $2.560000000e+02, v15;
	v16 =	vmul.f32 $2.560000000e+02, v18;
	v12 =	vadd.s32 v17, v3;
	[smem:$0x7F1] =	sst s18  }
0x11f: {  	p2 =	por !p0, !p0;
	s29 =	sor.u32 $0x870, s1;
	v10 =	vtrunc.f32 v9;
	v9 =	vtrunc.f32 v11;
	[smem:$0x7F2] =	sst s8  }
0x120: {  	s1 =	simm.s32 $0x180;
	s5 =	simm.s32 $0x0;
	v11 =	vtrunc.f32 v15;
	v15 =	vmul.f32 $2.560000000e+02, v20;
	[smem:$0x7F3] =	sst s29  }
.LBB2_5:
0x121: {  	_ = 	snop  }
0x122: {  	[tilespmem:v13+s15+$0x0] =	vst.idx.add.s32.msk $0xffff, v2  }
0x123: {  	s1 =	sadd.s32 $0x800, s1;
	[tilespmem:v12+s15+$0x0] =	vst.idx.add.s32.msk $0xffff, v2  }
0x124: {  	s5 =	sadd.s32 $0x200, s5;
	v17 =	vcvt.f32.s32 v6;
	s28 =	sadd.s32 $0xFFFFFE80, s1;
	v6 =	vld [tilespmem:s13+$0x0]  }
0x125: {  	s2 =	sand.u32 $0x200, s5;
	s6 =	sand.u32 $0x7000, s28;
	v13 =	vmul.f32 $2.560000000e+02, v14;
	v14 =	vmul.f32 $2.560000000e+02, v4;
	v4 =	vld [tilespmem:s16+$0x0]  }
0x126: {  	v12 =	vtrunc.f32 v15;
	s6 =	sor.u32 s2, s6;
	v15 =	vmul.f32 $2.560000000e+02, v5;
	v5 =	vld [tilespmem:s12+$0x0]  }
0x127: {  	v26 =	vld [tilespmem:s6+$0x0]  }
0x128: {  	v27 =	vld [tilespmem:s6+$0x400]  }
0x129: {  	s0 =	simm.s32 $0x1;
	v28 =	vld [tilespmem:s6+$0x80]  }
0x12a: {  	s0 =	simm.s32 @!p2 $0x0;
	v29 =	vld [tilespmem:s6+$0x480]  }
0x12b: {  	s0 =	sshll.u32 s0, $0x9;
	v30 =	vld [tilespmem:s6+$0x100]  }
0x12c: {  	s4 =	sadd.s32 s28, s0;
	v31 =	vld [tilespmem:s6+$0x500]  }
0x12d: {  	s0 =	sadd.s32 s1, s0;
	s7 =	sadd.s32 $0x180, s4;
	v32 =	vld [tilespmem:s6+$0x180]  }
0x12e: {  	s22 =	sadd.s32 $0xFFFFFE80, s0;
	v33 =	vld [tilespmem:s6+$0x580];
	s25 =	sor.u32 $0xC00, s7  }
0x12f: {  	v18 =	vcvt.f32.s32 v7;
	s24 =	sor.u32 $0x800, s22;
	v19 =	vld [tilespmem:s25+$0x0]  }
0x130: {  	s3 =	sadd.s32 $0xFFFFFF00, s0;
	s26 =	sor.u32 $0xC00, s22;
	v20 =	vld [tilespmem:s24+$0x0]  }
0x131: {  	v7 =	vadd.s32 v17, v3;
	v17 =	vcvt.f32.s32 v8;
	v8 =	vadd.s32 v18, v3;
	s9 =	sor.u32 $0x800, s3;
	v18 =	vld [tilespmem:s26+$0x0]  }
0x132: {  	v10 =	vcvt.f32.s32 v10;
	s10 =	sadd.s32 $0xFFFFFF80, s0;
	s31 =	sor.u32 $0xC00, s3;
	v21 =	vld [tilespmem:s9+$0x0]  }
0x133: {  	v9 =	vcvt.f32.s32 v9;
	s13 =	sor.u32 $0x800, s10;
	v22 =	vld [tilespmem:s31+$0x0]  }
0x134: {  	v11 =	vcvt.f32.s32 v11;
	v16 =	vtrunc.f32 v16;
	v10 =	vadd.s32 v10, v3;
	s16 =	sor.u32 $0xC00, s10;
	v23 =	vld [tilespmem:s13+$0x0]  }
0x135: {  	v16 =	vcvt.f32.s32 v16;
	v12 =	vcvt.f32.s32 v12;
	v9 =	vadd.s32 v9, v3;
	s23 =	sor.u32 $0x800, s7;
	v24 =	vld [tilespmem:s16+$0x0]  }
0x136: {  	v11 =	vadd.s32 v11, v3;
	v13 =	vtrunc.f32 v13;
	v14 =	vtrunc.f32 v14;
	v25 =	vld [tilespmem:s23+$0x0]  }
0x137: {  	v17 =	vadd.s32 v17, v3;
	v15 =	vtrunc.f32 v15;
	v13 =	vcvt.f32.s32 v13;
	[tilespmem:v7+s15+$0x0] =	vst.idx.add.s32.msk $0xffff, v2  }
0x138: {  	v16 =	vadd.s32 v16, v3;
	v14 =	vcvt.f32.s32 v14;
	[tilespmem:v8+s15+$0x0] =	vst.idx.add.s32.msk $0xffff, v2;
	v40 =	vmul.f32 $2.560000000e+02, v29  }
0x139: {  	v12 =	vadd.s32 v12, v3;
	v15 =	vcvt.f32.s32 v15;
	[tilespmem:v10+s15+$0x0] =	vst.idx.add.s32.msk $0xffff, v2;
	v30 =	vmul.f32 $2.560000000e+02, v30  }
0x13a: {  	[tilespmem:v9+s15+$0x0] =	vst.idx.add.s32.msk $0xffff, v2;
	v13 =	vadd.s32 v13, v3;
	v27 =	vmul.f32 $2.560000000e+02, v27;
	v7 =	vtrunc.f32 v40  }
0x13b: {  	[tilespmem:v11+s15+$0x0] =	vst.idx.add.s32.msk $0xffff, v2;
	v14 =	vadd.s32 v14, v3;
	v8 =	vtrunc.f32 v30;
	v7 =	vcvt.f32.s32 v7  }
0x13c: {  	v15 =	vadd.s32 v15, v3;
	[tilespmem:v17+s15+$0x0] =	vst.idx.add.s32.msk $0xffff, v2;
	v19 =	vmul.f32 $2.560000000e+02, v19;
	v8 =	vcvt.f32.s32 v8  }
0x13d: {  	v42 =	vmul.f32 $2.560000000e+02, v32;
	[tilespmem:v16+s15+$0x0] =	vst.idx.add.s32.msk $0xffff, v2;
	v20 =	vmul.f32 $2.560000000e+02, v20;
	v7 =	vadd.s32 v7, v3  }
0x13e: {  	[tilespmem:v12+s15+$0x0] =	vst.idx.add.s32.msk $0xffff, v2;
	v18 =	vmul.f32 $2.560000000e+02, v18;
	v19 =	vtrunc.f32 v19;
	v8 =	vadd.s32 v8, v3  }
0x13f: {  	v20 =	vtrunc.f32 v20;
	v19 =	vcvt.f32.s32 v19;
	[tilespmem:v13+s15+$0x0] =	vst.idx.add.s32.msk $0xffff, v2  }
0x140: {  	v21 =	vmul.f32 $2.560000000e+02, v21;
	v10 =	vcvt.f32.s32 v20;
	[tilespmem:v14+s15+$0x0] =	vst.idx.add.s32.msk $0xffff, v2  }
0x141: {  	v22 =	vmul.f32 $2.560000000e+02, v22;
	v18 =	vtrunc.f32 v18;
	[tilespmem:v15+s15+$0x0] =	vst.idx.add.s32.msk $0xffff, v2;
	v19 =	vadd.s32 v19, v3  }
0x142: {  	v21 =	vtrunc.f32 v21;
	v9 =	vcvt.f32.s32 v18;
	v10 =	vadd.s32 v10, v3;
	[tilespmem:v7+s15+$0x0] =	vst.idx.add.s32.msk $0xffff, v2  }
0x143: {  	v22 =	vtrunc.f32 v22;
	v16 =	vcvt.f32.s32 v21;
	[tilespmem:v8+s15+$0x0] =	vst.idx.add.s32.msk $0xffff, v2  }
0x144: {  	v27 =	vtrunc.f32 v27;
	v46 =	vcvt.f32.s32 v22;
	v9 =	vadd.s32 v9, v3;
	v61 =	vld [tilespmem:s14+$0x4F0]  }
0x145: {  	v17 =	vtrunc.f32 v42;
	v14 =	vcvt.f32.s32 v27;
	v16 =	vadd.s32 v16, v3;
	v62 =	vld [tilespmem:s14+$0x170]  }
0x146: {  	v15 =	vcvt.f32.s32 v17;
	v20 =	vadd.s32 v46, v3;
	[tilespmem:v19+s15+$0x0] =	vst.idx.add.s32.msk $0xffff, v2  }
0x147: {  	s12 =	sor.u32 $0xC10, s7;
	v14 =	vadd.s32 v14, v3;
	[tilespmem:v10+s15+$0x0] =	vst.idx.add.s32.msk $0xffff, v2  }
0x148: {  	v15 =	vadd.s32 v15, v3;
	v41 =	vld [tilespmem:s12+$0x0]  }
0x149: {  	[tilespmem:v9+s15+$0x0] =	vst.idx.add.s32.msk $0xffff, v2  }
0x14a: {  	v23 =	vmul.f32 $2.560000000e+02, v23;
	v24 =	vmul.f32 $2.560000000e+02, v24;
	[tilespmem:v16+s15+$0x0] =	vst.idx.add.s32.msk $0xffff, v2  }
0x14b: {  	v45 =	vmul.f32 $2.560000000e+02, v33;
	[tilespmem:v20+s15+$0x0] =	vst.idx.add.s32.msk $0xffff, v2  }
0x14c: {  	v23 =	vtrunc.f32 v23;
	v24 =	vtrunc.f32 v24;
	[tilespmem:v14+s15+$0x0] =	vst.idx.add.s32.msk $0xffff, v2  }
0x14d: {  	s25 =	sor.u32 $0x810, s22;
	v12 =	vcvt.f32.s32 v23;
	[tilespmem:v15+s15+$0x0] =	vst.idx.add.s32.msk $0xffff, v2;
	v44 =	vmul.f32 $2.560000000e+02, v41  }
0x14e: {  	s26 =	sor.u32 $0x810, s3;
	v11 =	vtrunc.f32 v45;
	v47 =	vcvt.f32.s32 v24;
	v49 =	vld [tilespmem:s25+$0x0]  }
0x14f: {  	s17 =	sor.u32 $0xC10, s3;
	v11 =	vcvt.f32.s32 v11;
	v10 =	vadd.s32 v12, v3;
	v7 =	vld [tilespmem:s26+$0x0];
	v18 =	vtrunc.f32 v44  }
0x150: {  	v12 =	vadd.s32 v47, v3;
	v8 =	vld [tilespmem:s17+$0x0];
	v18 =	vcvt.f32.s32 v18  }
0x151: {  	v16 =	vadd.s32 v11, v3;
	v51 =	vld [tilespmem:s6+$0x190]  }
0x152: {  	v31 =	vmul.f32 $2.560000000e+02, v31;
	v25 =	vmul.f32 $2.560000000e+02, v25;
	v54 =	vld [tilespmem:s19+$0x0];
	v18 =	vadd.s32 v18, v3  }
0x153: {  	v26 =	vmul.f32 $2.560000000e+02, v26;
	v59 =	vld [tilespmem:s14+$0x470]  }
0x154: {  	v43 =	vtrunc.f32 v31;
	v25 =	vtrunc.f32 v25;
	[tilespmem:v10+s15+$0x0] =	vst.idx.add.s32.msk $0xffff, v2  }
0x155: {  	v19 =	vtrunc.f32 v26;
	v9 =	vcvt.f32.s32 v43;
	[tilespmem:v12+s15+$0x0] =	vst.idx.add.s32.msk $0xffff, v2  }
0x156: {  	v13 =	vcvt.f32.s32 v19;
	v19 =	vcvt.f32.s32 v25;
	[tilespmem:v16+s15+$0x0] =	vst.idx.add.s32.msk $0xffff, v2  }
0x157: {  	p3 =	slt.u32 s28, $0x7800;
	s28 =	sor.u32 $0xC20, s7;
	[tilespmem:v18+s15+$0x0] =	vst.idx.add.s32.msk $0xffff, v2  }
0x158: {  	v6 =	vmul.f32 $2.560000000e+02, v6;
	v9 =	vadd.s32 v9, v3;
	v17 =	vadd.s32 v19, v3;
	v19 =	vld [tilespmem:s28+$0x0]  }
0x159: {  	v4 =	vmul.f32 $2.560000000e+02, v4;
	v16 =	vld [tilespmem:s6+$0x410]  }
0x15a: {  	v6 =	vtrunc.f32 v6;
	v5 =	vmul.f32 $2.560000000e+02, v5;
	v52 =	vld [tilespmem:s6+$0x590]  }
0x15b: {  	s30 =	smov.u32 s8;
	v28 =	vmul.f32 $2.560000000e+02, v28;
	v4 =	vtrunc.f32 v4;
	v13 =	vadd.s32 v13, v3;
	v55 =	vld [tilespmem:s18+$0x0]  }
0x15c: {  	v5 =	vtrunc.f32 v5;
	v4 =	vcvt.f32.s32 v4;
	v56 =	vld [tilespmem:s30+$0x0]  }
0x15d: {  	s9 =	sor.u32 $0x810, s10;
	v5 =	vcvt.f32.s32 v5;
	[tilespmem:v9+s15+$0x0] =	vst.idx.add.s32.msk $0xffff, v2;
	v10 =	vmul.f32 $2.560000000e+02, v19  }
0x15e: {  	v11 =	vmul.f32 $2.560000000e+02, v49;
	v7 =	vmul.f32 $2.560000000e+02, v7;
	v9 =	vld [tilespmem:s9+$0x0]  }
0x15f: {  	v8 =	vmul.f32 $2.560000000e+02, v8;
	[tilespmem:v17+s15+$0x0] =	vst.idx.add.s32.msk $0xffff, v2;
	v10 =	vtrunc.f32 v10  }
0x160: {  	[tilespmem:v13+s15+$0x0] =	vst.idx.add.s32.msk $0xffff, v2;
	v12 =	vtrunc.f32 v11;
	v13 =	vcvt.f32.s32 v10  }
0x161: {  	v11 =	vadd.s32 v4, v3;
	v7 =	vtrunc.f32 v7;
	v50 =	vld [tilespmem:s6+$0x510];
	v4 =	vcvt.f32.s32 v12  }
0x162: {  	s4 =	sor.u32 $0x810, s7;
	v63 =	vld [tilespmem:s14+$0x570];
	v10 =	vadd.s32 v5, v3;
	v5 =	vcvt.f32.s32 v6;
	v6 =	vadd.s32 v13, v3  }
0x163: {  	v8 =	vtrunc.f32 v8;
	v14 =	vld [tilespmem:s4+$0x0];
	v7 =	vcvt.f32.s32 v7  }
0x164: {  	v15 =	vld [tilespmem:s6+$0x10];
	v8 =	vcvt.f32.s32 v8;
	v4 =	vadd.s32 v4, v3  }
0x165: {  	v28 =	vtrunc.f32 v28;
	v57 =	vld [tilespmem:s29+$0x0];
	v7 =	vadd.s32 v7, v3  }
0x166: {  	v48 =	vcvt.f32.s32 v28;
	v58 =	vld [tilespmem:s14+$0x70];
	v22 =	vmul.f32 $2.560000000e+02, v52;
	v8 =	vadd.s32 v8, v3  }
0x167: {  	s28 =	sor.u32 $0xC30, s7;
	[tilespmem:v6+s15+$0x0] =	vst.idx.add.s32.msk $0xffff, v2  }
0x168: {  	v22 =	vtrunc.f32 v22;
	v18 =	vadd.s32 v48, v3;
	v12 =	vadd.s32 v5, v3;
	v5 =	vld [tilespmem:s28+$0x0]  }
0x169: {  	v35 =	vcvt.f32.s32 v22;
	[tilespmem:v4+s15+$0x0] =	vst.idx.add.s32.msk $0xffff, v2  }
0x16a: {  	v9 =	vmul.f32 $2.560000000e+02, v9;
	[tilespmem:v7+s15+$0x0] =	vst.idx.add.s32.msk $0xffff, v2  }
0x16b: {  	s11 =	sor.u32 $0x820, s22;
	s13 =	sor.u32 $0x820, s7;
	v7 =	vadd.s32 v35, v3;
	[tilespmem:v8+s15+$0x0] =	vst.idx.add.s32.msk $0xffff, v2  }
0x16c: {  	s16 =	sor.u32 $0x830, s22;
	[smem:$0x79C] =	sst s13;
	v9 =	vtrunc.f32 v9;
	v53 =	vld [tilespmem:s11+$0x0]  }
0x16d: {  	s8 =	sor.u32 $0xC10, s22;
	s23 =	sor.u32 $0xC30, s10;
	[smem:$0x79D] =	sst s16;
	v9 =	vcvt.f32.s32 v9;
	[tilespmem:v18+s15+$0x0] =	vst.idx.add.s32.msk $0xffff, v2;
	v5 =	vmul.f32 $2.560000000e+02, v5  }
0x16e: {  	s13 =	sor.u32 $0xC30, s22;
	[smem:$0x7A2] =	sst s23;
	v6 =	vld [tilespmem:s8+$0x0]  }
0x16f: {  	s16 =	sor.u32 $0x830, s3;
	[smem:$0x79E] =	sst s13;
	v14 =	vmul.f32 $2.560000000e+02, v14;
	v9 =	vadd.s32 v9, v3;
	v18 =	vld [tilespmem:s6+$0x490];
	v5 =	vtrunc.f32 v5  }
0x170: {  	s23 =	sor.u32 $0x830, s7;
	[smem:$0x79F] =	sst s16;
	v15 =	vmul.f32 $2.560000000e+02, v15;
	[tilespmem:v7+s15+$0x0] =	vst.idx.add.s32.msk $0xffff, v2;
	v5 =	vcvt.f32.s32 v5  }
0x171: {  	s13 =	sor.u32 $0xC30, s3;
	[smem:$0x7A3] =	sst s23;
	v16 =	vmul.f32 $2.560000000e+02, v16;
	v14 =	vtrunc.f32 v14;
	v17 =	vld [tilespmem:s6+$0x90]  }
0x172: {  	s16 =	sor.u32 $0x830, s10;
	[smem:$0x7A0] =	sst s13;
	v15 =	vtrunc.f32 v15;
	v14 =	vcvt.f32.s32 v14;
	v19 =	vld [tilespmem:s6+$0x110];
	v5 =	vadd.s32 v5, v3  }
0x173: {  	s23 =	sor.u32 $0x840, s10;
	[smem:$0x7A1] =	sst s16;
	v60 =	vld [tilespmem:s14+$0xF0];
	v20 =	vmul.f32 $2.560000000e+02, v53;
	v6 =	vmul.f32 $2.560000000e+02, v6  }
0x174: {  	s13 =	sor.u32 $0x840, s22;
	[smem:$0x7A8] =	sst s23;
	v8 =	vmul.f32 $2.560000000e+02, v55;
	v15 =	vcvt.f32.s32 v15;
	[tilespmem:v9+s15+$0x0] =	vst.idx.add.s32.msk $0xffff, v2  }
0x175: {  	s2 =	sor.u32 $0xC10, s10;
	s16 =	sor.u32 $0xC40, s22;
	[smem:$0x7A4] =	sst s13;
	v14 =	vadd.s32 v14, v3;
	v55 =	vld [tilespmem:s6+$0x5A0];
	v20 =	vtrunc.f32 v20;
	v6 =	vtrunc.f32 v6  }
0x176: {  	s23 =	sor.u32 $0x840, s7;
	[smem:$0x7A5] =	sst s16;
	v15 =	vadd.s32 v15, v3;
	v20 =	vcvt.f32.s32 v20;
	v13 =	vld [tilespmem:s2+$0x0];
	v6 =	vcvt.f32.s32 v6  }
0x177: {  	s13 =	sor.u32 $0x840, s3;
	[smem:$0x7AA] =	sst s23;
	s9 =	sor.u32 $0xC40, s7;
	v18 =	vmul.f32 $2.560000000e+02, v18;
	v17 =	vmul.f32 $2.560000000e+02, v17;
	[tilespmem:v5+s15+$0x0] =	vst.idx.add.s32.msk $0xffff, v2  }
0x178: {  	[smem:$0x7A6] =	sst s13;
	v6 =	vadd.s32 v6, v3;
	v5 =	vtrunc.f32 v16;
	v16 =	vmul.f32 $2.560000000e+02, v19;
	v19 =	vld [tilespmem:s9+$0x0]  }
0x179: {  	s16 =	sor.u32 $0xC40, s3;
	s17 =	sld [smem:$0x79C];
	v34 =	vld [tilespmem:s14+$0x5F0];
	v18 =	vtrunc.f32 v18;
	v4 =	vtrunc.f32 v17  }
0x17a: {  	s23 =	sor.u32 $0xC50, s3;
	[smem:$0x7A7] =	sst s16;
	[tilespmem:v14+s15+$0x0] =	vst.idx.add.s32.msk $0xffff, v2;
	v17 =	vmul.f32 $2.560000000e+02, v50;
	v18 =	vcvt.f32.s32 v18  }
0x17b: {  	s13 =	sor.u32 $0x850, s22;
	[smem:$0x7AE] =	sst s23;
	[tilespmem:v15+s15+$0x0] =	vst.idx.add.s32.msk $0xffff, v2;
	v20 =	vadd.s32 v20, v3;
	v4 =	vcvt.f32.s32 v4  }
0x17c: {  	s16 =	sor.u32 $0xC40, s10;
	[smem:$0x7AB] =	sst s13;
	v43 =	vld [tilespmem:s17+$0x0];
	v17 =	vtrunc.f32 v17;
	v18 =	vadd.s32 v18, v3  }
0x17d: {  	s20 =	sor.u32 $0xC20, s22;
	s23 =	sor.u32 $0x850, s7;
	[smem:$0x7A9] =	sst s16;
	v13 =	vmul.f32 $2.560000000e+02, v13;
	v4 =	vadd.s32 v4, v3;
	[tilespmem:v6+s15+$0x0] =	vst.idx.add.s32.msk $0xffff, v2;
	v19 =	vmul.f32 $2.560000000e+02, v19  }
0x17e: {  	s13 =	sor.u32 $0xC50, s22;
	[smem:$0x7B1] =	sst s23;
	v21 =	vmul.f32 $2.560000000e+02, v51;
	v17 =	vcvt.f32.s32 v17;
	v36 =	vld [tilespmem:s20+$0x0]  }
0x17f: {  	s16 =	sor.u32 $0x850, s3;
	[smem:$0x7AC] =	sst s13;
	v44 =	vld [tilespmem:s6+$0x20];
	v13 =	vtrunc.f32 v13;
	v19 =	vtrunc.f32 v19  }
0x180: {  	s23 =	sor.u32 $0x860, s3;
	[smem:$0x7AD] =	sst s16;
	[tilespmem:v20+s15+$0x0] =	vst.idx.add.s32.msk $0xffff, v2;
	v17 =	vadd.s32 v17, v3;
	v13 =	vcvt.f32.s32 v13;
	v19 =	vcvt.f32.s32 v19  }
0x181: {  	s13 =	sor.u32 $0x850, s10;
	[dreg:$0x11] =	wrdreg s23;
	v21 =	vtrunc.f32 v21;
	[tilespmem:v18+s15+$0x0] =	vst.idx.add.s32.msk $0xffff, v2  }
0x182: {  	s21 =	sor.u32 $0x820, s10;
	s16 =	sor.u32 $0xC50, s10;
	[smem:$0x7AF] =	sst s13;
	[tilespmem:v4+s15+$0x0] =	vst.idx.add.s32.msk $0xffff, v2;
	v6 =	vadd.s32 v13, v3;
	v13 =	vcvt.f32.s32 v21;
	v19 =	vadd.s32 v19, v3  }
0x183: {  	s0 =	sor.u32 $0xC20, s10;
	[smem:$0x7B0] =	sst s16;
	s16 =	sor.u32 $0xC60, s22;
	v49 =	vld [tilespmem:s6+$0x4A0];
	v5 =	vcvt.f32.s32 v5;
	v22 =	vmul.f32 $2.560000000e+02, v36  }
0x184: {  	s23 =	sor.u32 $0xC60, s10;
	[dreg:$0x19] =	wrdreg s16;
	s16 =	sor.u32 $0x860, s10;
	v47 =	vld [tilespmem:s6+$0xA0];
	v13 =	vadd.s32 v13, v3;
	v16 =	vtrunc.f32 v16  }
0x185: {  	s13 =	sor.u32 $0x860, s22;
	[dreg:$0x5] =	wrdreg s16;
	s16 =	sor.u32 $0x870, s22;
	[tilespmem:v17+s15+$0x0] =	vst.idx.add.s32.msk $0xffff, v2;
	v16 =	vcvt.f32.s32 v16;
	v5 =	vadd.s32 v5, v3;
	v22 =	vtrunc.f32 v22  }
0x186: {  	s12 =	sor.u32 $0xC70, s22;
	s22 =	sor.u32 $0x870, s10;
	s10 =	sor.u32 $0xC70, s10;
	v52 =	vld [tilespmem:s6+$0x520];
	v15 =	vcvt.f32.s32 v22  }
0x187: {  	v37 =	vmul.f32 $2.560000000e+02, v54;
	s8 =	smov.u32 s10;
	s10 =	sor.u32 $0xC50, s7;
	v16 =	vadd.s32 v16, v3;
	[tilespmem:v19+s15+$0x0] =	vst.idx.add.s32.msk $0xffff, v2  }
0x188: {  	v38 =	vmul.f32 $2.560000000e+02, v57;
	v9 =	vmul.f32 $2.560000000e+02, v56;
	v22 =	vadd.s32 v15, v3;
	v19 =	vld [tilespmem:s10+$0x0]  }
0x189: {  	v8 =	vtrunc.f32 v8;
	v51 =	vmul.f32 $2.560000000e+02, v44;
	[tilespmem:v13+s15+$0x0] =	vst.idx.add.s32.msk $0xffff, v2  }
0x18a: {  	v8 =	vcvt.f32.s32 v8;
	v9 =	vtrunc.f32 v9;
	[tilespmem:v5+s15+$0x0] =	vst.idx.add.s32.msk $0xffff, v2  }
0x18b: {  	s18 =	smov.u32 s22;
	s22 =	sld [smem:$0x79E];
	v25 =	vtrunc.f32 v51;
	v27 =	vmul.f32 $2.560000000e+02, v52;
	v45 =	vld [tilespmem:s6+$0x420]  }
0x18c: {  	v25 =	vcvt.f32.s32 v25;
	v17 =	vtrunc.f32 v38;
	[tilespmem:v16+s15+$0x0] =	vst.idx.add.s32.msk $0xffff, v2  }
0x18d: {  	v27 =	vtrunc.f32 v27;
	[tilespmem:v22+s15+$0x0] =	vst.idx.add.s32.msk $0xffff, v2;
	v14 =	vmul.f32 $2.560000000e+02, v19  }
0x18e: {  	v15 =	vmul.f32 $2.560000000e+02, v62;
	v62 =	vld [tilespmem:s22+$0x0];
	v19 =	vmul.f32 $2.560000000e+02, v59  }
0x18f: {  	s31 =	sor.u32 $0x820, s3;
	v38 =	vcvt.f32.s32 v27;
	[tilespmem:v10+s15+$0x0] =	vst.idx.add.s32.msk $0xffff, v2;
	v5 =	vtrunc.f32 v14  }
0x190: {  	v10 =	vadd.s32 v25, v3;
	v13 =	vtrunc.f32 v19;
	v19 =	vld [tilespmem:s31+$0x0];
	v4 =	vcvt.f32.s32 v5  }
0x191: {  	v9 =	vcvt.f32.s32 v9;
	v18 =	vmul.f32 $2.560000000e+02, v63;
	v50 =	vld [tilespmem:s6+$0x120];
	v25 =	vadd.s32 v38, v3  }
0x192: {  	[tilespmem:v6+s15+$0x0] =	vst.idx.add.s32.msk $0xffff, v2;
	v21 =	vmul.f32 $2.560000000e+02, v45;
	v14 =	vmul.f32 $2.560000000e+02, v60;
	v4 =	vadd.s32 v4, v3  }
0x193: {  	v56 =	vmul.f32 $2.560000000e+02, v49;
	v54 =	vld [tilespmem:s6+$0x1A0];
	v16 =	vtrunc.f32 v37  }
0x194: {  	v36 =	vld [tilespmem:s14+$0x1F0];
	v21 =	vtrunc.f32 v21;
	v7 =	vtrunc.f32 v14  }
0x195: {  	[tilespmem:v10+s15+$0x0] =	vst.idx.add.s32.msk $0xffff, v2;
	v41 =	vcvt.f32.s32 v7;
	v7 =	vmul.f32 $2.560000000e+02, v19  }
0x196: {  	v57 =	vmul.f32 $2.560000000e+02, v50;
	v21 =	vcvt.f32.s32 v21;
	[tilespmem:v25+s15+$0x0] =	vst.idx.add.s32.msk $0xffff, v2  }
0x197: {  	s24 =	sor.u32 $0xC20, s3;
	v14 =	vadd.s32 v8, v3;
	v8 =	vtrunc.f32 v7;
	[tilespmem:v4+s15+$0x0] =	vst.idx.add.s32.msk $0xffff, v2;
	v4 =	vcvt.f32.s32 v16  }
0x198: {  	s14 =	smov.u32 s6;
	v16 =	vcvt.f32.s32 v17;
	v17 =	vld [tilespmem:s24+$0x0];
	v46 =	vcvt.f32.s32 v8  }
0x199: {  	s11 =	sor.u32 $0xC60, s7;
	v6 =	vmul.f32 $2.560000000e+02, v58;
	v15 =	vtrunc.f32 v15;
	v21 =	vadd.s32 v21, v3;
	v49 =	vld [tilespmem:s14+$0x30]  }
0x19a: {  	v58 =	vmul.f32 $2.560000000e+02, v54;
	v22 =	vtrunc.f32 v57;
	v39 =	vld [tilespmem:s11+$0x0];
	v23 =	vadd.s32 v46, v3  }
0x19b: {  	[dreg:$0xd] =	wrdreg s23;
	s23 =	sor.u32 $0x860, s7;
	v5 =	vmul.f32 $2.560000000e+02, v61;
	v40 =	vcvt.f32.s32 v13;
	v13 =	vadd.s32 v4, v3;
	v4 =	vld [tilespmem:s21+$0x0]  }
0x19c: {  	[dreg:$0x9] =	wrdreg s23;
	s23 =	sor.u32 $0xC70, s3;
	v42 =	vcvt.f32.s32 v15;
	v22 =	vcvt.f32.s32 v22;
	v54 =	vld [tilespmem:s14+$0x530]  }
0x19d: {  	s19 =	smov.u32 s23;
	s23 =	sld [smem:$0x79F];
	v5 =	vtrunc.f32 v5;
	v19 =	vld [tilespmem:s0+$0x0];
	v17 =	vmul.f32 $2.560000000e+02, v17  }
0x19e: {  	v15 =	vadd.s32 v9, v3;
	v20 =	vtrunc.f32 v58;
	[tilespmem:v21+s15+$0x0] =	vst.idx.add.s32.msk $0xffff, v2;
	v5 =	vcvt.f32.s32 v5  }
0x19f: {  	v22 =	vadd.s32 v22, v3;
	v9 =	vmul.f32 $2.560000000e+02, v39;
	v17 =	vtrunc.f32 v17;
	[tilespmem:v23+s15+$0x0] =	vst.idx.add.s32.msk $0xffff, v2  }
0x1a0: {  	s21 =	sld [smem:$0x79D];
	v48 =	vmul.f32 $2.560000000e+02, v4;
	v17 =	vcvt.f32.s32 v17;
	v63 =	vld [tilespmem:s23+$0x0]  }
0x1a1: {  	v4 =	vtrunc.f32 v9;
	v9 =	vadd.s32 v5, v3;
	[tilespmem:v12+s15+$0x0] =	vst.idx.add.s32.msk $0xffff, v2;
	v12 =	vcvt.f32.s32 v20  }
0x1a2: {  	v50 =	vld [tilespmem:s14+$0x430];
	v5 =	vmul.f32 $2.560000000e+02, v19;
	v19 =	vcvt.f32.s32 v4;
	v17 =	vadd.s32 v17, v3  }
0x1a3: {  	v18 =	vtrunc.f32 v18;
	v61 =	vld [tilespmem:s21+$0x0];
	v12 =	vadd.s32 v12, v3  }
0x1a4: {  	v18 =	vcvt.f32.s32 v18;
	[tilespmem:v22+s15+$0x0] =	vst.idx.add.s32.msk $0xffff, v2;
	v19 =	vadd.s32 v19, v3  }
0x1a5: {  	[tilespmem:v11+s15+$0x0] =	vst.idx.add.s32.msk $0xffff, v2;
	v28 =	vtrunc.f32 v48;
	v53 =	vtrunc.f32 v5  }
0x1a6: {  	v28 =	vcvt.f32.s32 v28;
	v31 =	vcvt.f32.s32 v53;
	v53 =	vld [tilespmem:s14+$0x130]  }
0x1a7: {  	s24 =	sld [smem:$0x7A0];
	v5 =	vadd.s32 v18, v3;
	v18 =	vmul.f32 $2.560000000e+02, v47;
	[tilespmem:v17+s15+$0x0] =	vst.idx.add.s32.msk $0xffff, v2  }
0x1a8: {  	v24 =	vmul.f32 $2.560000000e+02, v61;
	v28 =	vadd.s32 v28, v3;
	[tilespmem:v12+s15+$0x0] =	vst.idx.add.s32.msk $0xffff, v2  }
0x1a9: {  	v26 =	vmul.f32 $2.560000000e+02, v43;
	v18 =	vtrunc.f32 v18;
	v31 =	vadd.s32 v31, v3;
	[tilespmem:v19+s15+$0x0] =	vst.idx.add.s32.msk $0xffff, v2  }
0x1aa: {  	v7 =	vadd.s32 v40, v3;
	v24 =	vtrunc.f32 v24;
	v18 =	vcvt.f32.s32 v18;
	v40 =	vld [tilespmem:s24+$0x0]  }
0x1ab: {  	s20 =	sor.u32 $0xC70, s7;
	v60 =	vmul.f32 $2.560000000e+02, v55;
	v10 =	vcvt.f32.s32 v24;
	v55 =	vld [tilespmem:s14+$0x1B0]  }
0x1ac: {  	s25 =	sld [smem:$0x7A1];
	v18 =	vadd.s32 v18, v3;
	v59 =	vld [tilespmem:s20+$0x0]  }
0x1ad: {  	v26 =	vtrunc.f32 v26;
	v46 =	vadd.s32 v10, v3;
	[tilespmem:v28+s15+$0x0] =	vst.idx.add.s32.msk $0xffff, v2  }
0x1ae: {  	v26 =	vcvt.f32.s32 v26;
	v23 =	vtrunc.f32 v60;
	[tilespmem:v31+s15+$0x0] =	vst.idx.add.s32.msk $0xffff, v2  }
0x1af: {  	v17 =	vcvt.f32.s32 v23;
	v19 =	vtrunc.f32 v56;
	v12 =	vld [tilespmem:s25+$0x0]  }
0x1b0: {  	v11 =	vcvt.f32.s32 v19;
	v19 =	vadd.s32 v26, v3;
	[tilespmem:v14+s15+$0x0] =	vst.idx.add.s32.msk $0xffff, v2  }
0x1b1: {  	s30 =	sld [smem:$0x7A4];
	v17 =	vadd.s32 v17, v3;
	[tilespmem:v18+s15+$0x0] =	vst.idx.add.s32.msk $0xffff, v2  }
0x1b2: {  	v22 =	vmul.f32 $2.560000000e+02, v49;
	[tilespmem:v46+s15+$0x0] =	vst.idx.add.s32.msk $0xffff, v2  }
0x1b3: {  	v51 =	vld [tilespmem:s14+$0xB0]  }
0x1b4: {  	s26 =	sld [smem:$0x7A2];
	v22 =	vtrunc.f32 v22;
	v61 =	vld [tilespmem:s30+$0x0]  }
0x1b5: {  	v22 =	vcvt.f32.s32 v22;
	v4 =	vadd.s32 v42, v3;
	v42 =	vmul.f32 $2.560000000e+02, v63;
	[tilespmem:v19+s15+$0x0] =	vst.idx.add.s32.msk $0xffff, v2  }
0x1b6: {  	s28 =	sld [smem:$0x7A3];
	v16 =	vadd.s32 v16, v3;
	[tilespmem:v17+s15+$0x0] =	vst.idx.add.s32.msk $0xffff, v2  }
0x1b7: {  	v24 =	vmul.f32 $2.560000000e+02, v50;
	v44 =	vtrunc.f32 v42;
	v14 =	vadd.s32 v22, v3;
	v17 =	vld [tilespmem:s26+$0x0]  }
0x1b8: {  	v43 =	vmul.f32 $2.560000000e+02, v36;
	v20 =	vcvt.f32.s32 v44;
	v11 =	vadd.s32 v11, v3;
	[tilespmem:v15+s15+$0x0] =	vst.idx.add.s32.msk $0xffff, v2  }
0x1b9: {  	v8 =	vadd.s32 v41, v3;
	v41 =	vmul.f32 $2.560000000e+02, v62;
	v24 =	vtrunc.f32 v24;
	v48 =	vld [tilespmem:s28+$0x0]  }
0x1ba: {  	v47 =	vmul.f32 $2.560000000e+02, v34;
	v24 =	vcvt.f32.s32 v24;
	v18 =	vadd.s32 v20, v3;
	v56 =	vld [tilespmem:s14+$0x5B0]  }
0x1bb: {  	v58 =	vmul.f32 $2.560000000e+02, v53;
	v26 =	vtrunc.f32 v41;
	[tilespmem:v16+s15+$0x0] =	vst.idx.add.s32.msk $0xffff, v2  }
0x1bc: {  	v23 =	vmul.f32 $2.560000000e+02, v40;
	v60 =	vmul.f32 $2.560000000e+02, v55;
	v15 =	vadd.s32 v24, v3;
	[tilespmem:v14+s15+$0x0] =	vst.idx.add.s32.msk $0xffff, v2  }
0x1bd: {  	s2 =	sld [smem:$0x7A6];
	v29 =	vmul.f32 $2.560000000e+02, v59;
	v19 =	vcvt.f32.s32 v26;
	[tilespmem:v11+s15+$0x0] =	vst.idx.add.s32.msk $0xffff, v2  }
0x1be: {  	v45 =	vtrunc.f32 v23;
	v12 =	vmul.f32 $2.560000000e+02, v12;
	v52 =	vld [tilespmem:s14+$0x4B0]  }
0x1bf: {  	v29 =	vtrunc.f32 v29;
	v19 =	vadd.s32 v19, v3;
	v10 =	vcvt.f32.s32 v45;
	[tilespmem:v18+s15+$0x0] =	vst.idx.add.s32.msk $0xffff, v2  }
0x1c0: {  	v59 =	vtrunc.f32 v58;
	v37 =	vcvt.f32.s32 v29;
	v33 =	vld [tilespmem:s2+$0x0]  }
0x1c1: {  	v12 =	vtrunc.f32 v12;
	v18 =	vmul.f32 $2.560000000e+02, v54;
	v21 =	vadd.s32 v10, v3;
	[tilespmem:v15+s15+$0x0] =	vst.idx.add.s32.msk $0xffff, v2  }
0x1c2: {  	s31 =	sld [smem:$0x7A5];
	v11 =	vtrunc.f32 v43;
	v12 =	vcvt.f32.s32 v12;
	v39 =	vadd.s32 v37, v3;
	v43 =	vld [tilespmem:s14+$0x440]  }
0x1c3: {  	[dreg:$0x1d] =	wrdreg s13;
	s13 =	sor.u32 $0xC60, s3;
	v17 =	vmul.f32 $2.560000000e+02, v17;
	v18 =	vtrunc.f32 v18;
	[tilespmem:v7+s15+$0x0] =	vst.idx.add.s32.msk $0xffff, v2  }
0x1c4: {  	[dreg:$0x12] =	wrdreg s13;
	s13 =	sor.u32 $0x870, s3;
	s3 =	sor.u32 $0x870, s7;
	v25 =	vmul.f32 $2.560000000e+02, v51;
	v18 =	vcvt.f32.s32 v18;
	[tilespmem:v19+s15+$0x0] =	vst.idx.add.s32.msk $0xffff, v2  }
0x1c5: {  	s29 =	smov.u32 s3;
	s3 =	sld [smem:$0x7A7];
	v20 =	vmul.f32 $2.560000000e+02, v48;
	v12 =	vadd.s32 v12, v3;
	v17 =	vtrunc.f32 v17;
	v63 =	vld [tilespmem:s31+$0x0]  }
0x1c6: {  	v19 =	vtrunc.f32 v25;
	v17 =	vcvt.f32.s32 v17;
	v18 =	vadd.s32 v18, v3;
	[tilespmem:v21+s15+$0x0] =	vst.idx.add.s32.msk $0xffff, v2  }
0x1c7: {  	v20 =	vtrunc.f32 v20;
	v19 =	vcvt.f32.s32 v19;
	[tilespmem:v39+s15+$0x0] =	vst.idx.add.s32.msk $0xffff, v2  }
0x1c8: {  	v62 =	vmul.f32 $2.560000000e+02, v56;
	v20 =	vcvt.f32.s32 v20;
	v34 =	vld [tilespmem:s3+$0x0];
	v17 =	vadd.s32 v17, v3  }
0x1c9: {  	v25 =	vtrunc.f32 v60;
	v21 =	vcvt.f32.s32 v59;
	[tilespmem:v13+s15+$0x0] =	vst.idx.add.s32.msk $0xffff, v2;
	v19 =	vadd.s32 v19, v3  }
0x1ca: {  	v27 =	vtrunc.f32 v62;
	v35 =	vcvt.f32.s32 v25;
	v20 =	vadd.s32 v20, v3;
	[tilespmem:v12+s15+$0x0] =	vst.idx.add.s32.msk $0xffff, v2  }
0x1cb: {  	v36 =	vcvt.f32.s32 v27;
	v16 =	vadd.s32 v21, v3;
	[tilespmem:v18+s15+$0x0] =	vst.idx.add.s32.msk $0xffff, v2  }
0x1cc: {  	v10 =	vcvt.f32.s32 v11;
	v11 =	vtrunc.f32 v47;
	v12 =	vadd.s32 v35, v3;
	v47 =	vld [tilespmem:s14+$0x540]  }
0x1cd: {  	v38 =	vadd.s32 v36, v3;
	[tilespmem:v17+s15+$0x0] =	vst.idx.add.s32.msk $0xffff, v2  }
0x1ce: {  	[tilespmem:v19+s15+$0x0] =	vst.idx.add.s32.msk $0xffff, v2  }
0x1cf: {  	v57 =	vmul.f32 $2.560000000e+02, v52;
	[tilespmem:v20+s15+$0x0] =	vst.idx.add.s32.msk $0xffff, v2  }
0x1d0: {  	s4 =	sld [smem:$0x7A8];
	[tilespmem:v16+s15+$0x0] =	vst.idx.add.s32.msk $0xffff, v2  }
0x1d1: {  	s6 =	sld [smem:$0x7A9];
	v23 =	vtrunc.f32 v57;
	[tilespmem:v12+s15+$0x0] =	vst.idx.add.s32.msk $0xffff, v2  }
0x1d2: {  	v13 =	vcvt.f32.s32 v23;
	[tilespmem:v38+s15+$0x0] =	vst.idx.add.s32.msk $0xffff, v2  }
0x1d3: {  	v6 =	vtrunc.f32 v6;
	v40 =	vmul.f32 $2.560000000e+02, v33;
	v12 =	vld [tilespmem:s4+$0x0]  }
0x1d4: {  	s7 =	sld [smem:$0x7AA];
	v6 =	vcvt.f32.s32 v6;
	v37 =	vmul.f32 $2.560000000e+02, v61;
	v13 =	vadd.s32 v13, v3;
	v16 =	vld [tilespmem:s6+$0x0]  }
0x1d5: {  	v42 =	vtrunc.f32 v40;
	v39 =	vmul.f32 $2.560000000e+02, v63;
	v44 =	vld [tilespmem:s14+$0xC0]  }
0x1d6: {  	v17 =	vtrunc.f32 v37;
	v41 =	vmul.f32 $2.560000000e+02, v34;
	[tilespmem:v8+s15+$0x0] =	vst.idx.add.s32.msk $0xffff, v2  }
0x1d7: {  	v14 =	vtrunc.f32 v39;
	v19 =	vcvt.f32.s32 v42;
	v18 =	vld [tilespmem:s7+$0x0]  }
0x1d8: {  	v15 =	vcvt.f32.s32 v17;
	v14 =	vcvt.f32.s32 v14;
	v46 =	vld [tilespmem:s14+$0x140]  }
0x1d9: {  	v6 =	vadd.s32 v6, v3;
	v20 =	vmul.f32 $2.560000000e+02, v43;
	v17 =	vtrunc.f32 v41;
	[tilespmem:v13+s15+$0x0] =	vst.idx.add.s32.msk $0xffff, v2  }
0x1da: {  	v13 =	vcvt.f32.s32 v17;
	v17 =	vadd.s32 v19, v3;
	v19 =	vld [tilespmem:s14+$0x40]  }
0x1db: {  	v48 =	vld [tilespmem:s14+$0x1C0];
	v14 =	vadd.s32 v14, v3;
	v20 =	vtrunc.f32 v20  }
0x1dc: {  	v49 =	vld [tilespmem:s14+$0x5C0];
	v20 =	vcvt.f32.s32 v20;
	v12 =	vmul.f32 $2.560000000e+02, v12  }
0x1dd: {  	v15 =	vadd.s32 v15, v3;
	v45 =	vld [tilespmem:s14+$0x4C0];
	v16 =	vmul.f32 $2.560000000e+02, v16;
	v21 =	vmul.f32 $2.560000000e+02, v44  }
0x1de: {  	[tilespmem:v6+s15+$0x0] =	vst.idx.add.s32.msk $0xffff, v2;
	v18 =	vmul.f32 $2.560000000e+02, v18;
	v50 =	vmul.f32 $2.560000000e+02, v46  }
0x1df: {  	[tilespmem:v9+s15+$0x0] =	vst.idx.add.s32.msk $0xffff, v2;
	v13 =	vadd.s32 v13, v3;
	v12 =	vtrunc.f32 v12;
	v19 =	vmul.f32 $2.560000000e+02, v19  }
0x1e0: {  	s9 =	sld [smem:$0x7AB];
	v16 =	vtrunc.f32 v16;
	[tilespmem:v14+s15+$0x0] =	vst.idx.add.s32.msk $0xffff, v2;
	v14 =	vtrunc.f32 v21  }
0x1e1: {  	[tilespmem:v17+s15+$0x0] =	vst.idx.add.s32.msk $0xffff, v2;
	v17 =	vmul.f32 $2.560000000e+02, v47;
	v18 =	vtrunc.f32 v18  }
0x1e2: {  	s10 =	sld [smem:$0x7AC];
	[tilespmem:v15+s15+$0x0] =	vst.idx.add.s32.msk $0xffff, v2;
	v15 =	vmul.f32 $2.560000000e+02, v45;
	v12 =	vcvt.f32.s32 v12  }
0x1e3: {  	s11 =	sld [smem:$0x7AD];
	v8 =	vadd.s32 v20, v3;
	v52 =	vld [tilespmem:s9+$0x0];
	v16 =	vcvt.f32.s32 v16;
	v14 =	vcvt.f32.s32 v14  }
0x1e4: {  	s17 =	sld [smem:$0x7AE];
	v19 =	vtrunc.f32 v19;
	[tilespmem:v13+s15+$0x0] =	vst.idx.add.s32.msk $0xffff, v2;
	v13 =	vtrunc.f32 v50;
	v12 =	vadd.s32 v12, v3  }
0x1e5: {  	v54 =	vld [tilespmem:s10+$0x0];
	v17 =	vtrunc.f32 v17;
	v18 =	vcvt.f32.s32 v18;
	v16 =	vadd.s32 v16, v3  }
0x1e6: {  	v55 =	vld [tilespmem:s11+$0x0];
	v15 =	vtrunc.f32 v15;
	v19 =	vcvt.f32.s32 v19;
	v14 =	vadd.s32 v14, v3  }
0x1e7: {  	v56 =	vld [tilespmem:s17+$0x0];
	v13 =	vcvt.f32.s32 v13;
	v6 =	vcvt.f32.s32 v15;
	v15 =	vadd.s32 v18, v3  }
0x1e8: {  	v17 =	vcvt.f32.s32 v17;
	[tilespmem:v8+s15+$0x0] =	vst.idx.add.s32.msk $0xffff, v2;
	v7 =	vadd.s32 v19, v3  }
0x1e9: {  	v9 =	vadd.s32 v13, v3;
	[tilespmem:v12+s15+$0x0] =	vst.idx.add.s32.msk $0xffff, v2  }
0x1ea: {  	v13 =	vadd.s32 v17, v3;
	[tilespmem:v16+s15+$0x0] =	vst.idx.add.s32.msk $0xffff, v2  }
0x1eb: {  	[tilespmem:v14+s15+$0x0] =	vst.idx.add.s32.msk $0xffff, v2  }
0x1ec: {  	v51 =	vmul.f32 $2.560000000e+02, v48;
	[tilespmem:v15+s15+$0x0] =	vst.idx.add.s32.msk $0xffff, v2  }
0x1ed: {  	s20 =	sld [smem:$0x7AF];
	v53 =	vmul.f32 $2.560000000e+02, v49;
	[tilespmem:v7+s15+$0x0] =	vst.idx.add.s32.msk $0xffff, v2  }
0x1ee: {  	s22 =	sld [smem:$0x7B1];
	v21 =	vtrunc.f32 v51;
	v6 =	vadd.s32 v6, v3;
	v17 =	vmul.f32 $2.560000000e+02, v52;
	[tilespmem:v9+s15+$0x0] =	vst.idx.add.s32.msk $0xffff, v2  }
0x1ef: {  	v23 =	vtrunc.f32 v53;
	v18 =	vcvt.f32.s32 v21;
	[tilespmem:v13+s15+$0x0] =	vst.idx.add.s32.msk $0xffff, v2  }
0x1f0: {  	v16 =	vtrunc.f32 v17;
	v17 =	vmul.f32 $2.560000000e+02, v56;
	v9 =	vld [tilespmem:s20+$0x0]  }
0x1f1: {  	v19 =	vcvt.f32.s32 v23;
	v57 =	vmul.f32 $2.560000000e+02, v55;
	v13 =	vld [tilespmem:s22+$0x0]  }
0x1f2: {  	v8 =	vcvt.f32.s32 v16;
	v16 =	vtrunc.f32 v17;
	v17 =	vld [tilespmem:s14+$0xD0]  }
0x1f3: {  	v12 =	vadd.s32 v18, v3;
	v15 =	vtrunc.f32 v57;
	[tilespmem:v6+s15+$0x0] =	vst.idx.add.s32.msk $0xffff, v2  }
0x1f4: {  	v18 =	vadd.s32 v19, v3;
	v19 =	vmul.f32 $2.560000000e+02, v54;
	v14 =	vcvt.f32.s32 v15;
	v15 =	vld [tilespmem:s14+$0x50]  }
0x1f5: {  	v6 =	vcvt.f32.s32 v16;
	v16 =	vld [tilespmem:s14+$0x450]  }
0x1f6: {  	v7 =	vtrunc.f32 v19;
	v19 =	vld [tilespmem:s14+$0x150]  }
0x1f7: {  	v58 =	vld [tilespmem:s14+$0x550]  }
0x1f8: {  	[tilespmem:v4+s15+$0x0] =	vst.idx.add.s32.msk $0xffff, v2  }
0x1f9: {  	s21 =	sld [smem:$0x7B0];
	[tilespmem:v5+s15+$0x0] =	vst.idx.add.s32.msk $0xffff, v2  }
0x1fa: {  	v11 =	vcvt.f32.s32 v11;
	[tilespmem:v12+s15+$0x0] =	vst.idx.add.s32.msk $0xffff, v2  }
0x1fb: {  	v10 =	vadd.s32 v10, v3;
	[tilespmem:v18+s15+$0x0] =	vst.idx.add.s32.msk $0xffff, v2  }
0x1fc: {  	v11 =	vadd.s32 v11, v3;
	v12 =	vld [tilespmem:s21+$0x0]  }
0x1fd: {  	v7 =	vcvt.f32.s32 v7;
	v8 =	vadd.s32 v8, v3;
	v18 =	vld [tilespmem:s14+$0x4D0]  }
0x1fe: {  	v14 =	vadd.s32 v14, v3;
	v59 =	vld [tilespmem:s14+$0x1D0];
	v9 =	vmul.f32 $2.560000000e+02, v9;
	v13 =	vmul.f32 $2.560000000e+02, v13  }
0x1ff: {  	v7 =	vadd.s32 v7, v3;
	v60 =	vld [tilespmem:s14+$0x5D0];
	v17 =	vmul.f32 $2.560000000e+02, v17;
	v15 =	vmul.f32 $2.560000000e+02, v15  }
0x200: {  	v6 =	vadd.s32 v6, v3;
	[tilespmem:v10+s15+$0x0] =	vst.idx.add.s32.msk $0xffff, v2;
	v16 =	vmul.f32 $2.560000000e+02, v16;
	v9 =	vtrunc.f32 v9  }
0x201: {  	[tilespmem:v11+s15+$0x0] =	vst.idx.add.s32.msk $0xffff, v2;
	v13 =	vtrunc.f32 v13;
	v12 =	vmul.f32 $2.560000000e+02, v12  }
0x202: {  	[tilespmem:v8+s15+$0x0] =	vst.idx.add.s32.msk $0xffff, v2;
	v15 =	vtrunc.f32 v15;
	v16 =	vtrunc.f32 v16  }
0x203: {  	[tilespmem:v14+s15+$0x0] =	vst.idx.add.s32.msk $0xffff, v2;
	v8 =	vmul.f32 $2.560000000e+02, v18;
	v9 =	vcvt.f32.s32 v9  }
0x204: {  	[tilespmem:v7+s15+$0x0] =	vst.idx.add.s32.msk $0xffff, v2;
	v7 =	vtrunc.f32 v17;
	v13 =	vcvt.f32.s32 v13  }
0x205: {  	s23 =	rddreg [dreg:$0x1d];
	[tilespmem:v6+s15+$0x0] =	vst.idx.add.s32.msk $0xffff, v2;
	v15 =	vcvt.f32.s32 v15;
	v8 =	vtrunc.f32 v8;
	v9 =	vadd.s32 v9, v3  }
0x206: {  	s25 =	rddreg [dreg:$0x11];
	v18 =	vld [tilespmem:s23+$0x0];
	v16 =	vcvt.f32.s32 v16;
	v4 =	vcvt.f32.s32 v8;
	v8 =	vadd.s32 v13, v3  }
0x207: {  	s24 =	rddreg [dreg:$0x19];
	v14 =	vmul.f32 $2.560000000e+02, v58;
	v62 =	vld [tilespmem:s25+$0x0];
	v7 =	vcvt.f32.s32 v7;
	v5 =	vadd.s32 v15, v3  }
0x208: {  	s26 =	rddreg [dreg:$0x12];
	v17 =	vmul.f32 $2.560000000e+02, v19;
	v61 =	vld [tilespmem:s24+$0x0];
	v12 =	vtrunc.f32 v12;
	v10 =	vadd.s32 v16, v3  }
0x209: {  	v14 =	vtrunc.f32 v14;
	v63 =	vld [tilespmem:s26+$0x0];
	v12 =	vcvt.f32.s32 v12;
	v7 =	vadd.s32 v7, v3  }
0x20a: {  	v19 =	vmul.f32 $2.560000000e+02, v60;
	v6 =	vtrunc.f32 v17;
	[tilespmem:v9+s15+$0x0] =	vst.idx.add.s32.msk $0xffff, v2  }
0x20b: {  	v17 =	vmul.f32 $2.560000000e+02, v59;
	v6 =	vcvt.f32.s32 v6;
	v12 =	vadd.s32 v12, v3;
	[tilespmem:v8+s15+$0x0] =	vst.idx.add.s32.msk $0xffff, v2  }
0x20c: {  	v13 =	vcvt.f32.s32 v14;
	v4 =	vadd.s32 v4, v3;
	v16 =	vmul.f32 $2.560000000e+02, v62;
	[tilespmem:v5+s15+$0x0] =	vst.idx.add.s32.msk $0xffff, v2  }
0x20d: {  	v19 =	vtrunc.f32 v19;
	v6 =	vadd.s32 v6, v3;
	[tilespmem:v10+s15+$0x0] =	vst.idx.add.s32.msk $0xffff, v2  }
0x20e: {  	v17 =	vtrunc.f32 v17;
	v11 =	vadd.s32 v13, v3;
	v8 =	vtrunc.f32 v16;
	[tilespmem:v7+s15+$0x0] =	vst.idx.add.s32.msk $0xffff, v2  }
0x20f: {  	v14 =	vcvt.f32.s32 v17;
	v7 =	vcvt.f32.s32 v8;
	v8 =	vld [tilespmem:s14+$0x60]  }
0x210: {  	v15 =	vcvt.f32.s32 v19;
	[tilespmem:v12+s15+$0x0] =	vst.idx.add.s32.msk $0xffff, v2  }
0x211: {  	v9 =	vadd.s32 v14, v3;
	[tilespmem:v4+s15+$0x0] =	vst.idx.add.s32.msk $0xffff, v2  }
0x212: {  	v14 =	vadd.s32 v15, v3;
	v15 =	vmul.f32 $2.560000000e+02, v61;
	[tilespmem:v6+s15+$0x0] =	vst.idx.add.s32.msk $0xffff, v2  }
0x213: {  	[tilespmem:v11+s15+$0x0] =	vst.idx.add.s32.msk $0xffff, v2  }
0x214: {  	v13 =	vmul.f32 $2.560000000e+02, v18;
	v5 =	vtrunc.f32 v15;
	v11 =	vld [tilespmem:s14+$0xE0]  }
0x215: {  	v5 =	vcvt.f32.s32 v5;
	v16 =	vld [tilespmem:s14+$0x4E0]  }
0x216: {  	s30 =	rddreg [dreg:$0xd];
	v12 =	vtrunc.f32 v13;
	v13 =	vmul.f32 $2.560000000e+02, v63;
	[tilespmem:v9+s15+$0x0] =	vst.idx.add.s32.msk $0xffff, v2  }
0x217: {  	s31 =	rddreg [dreg:$0x9];
	v17 =	vadd.s32 v5, v3;
	v5 =	vld [tilespmem:s30+$0x0]  }
0x218: {  	v10 =	vcvt.f32.s32 v12;
	v12 =	vtrunc.f32 v13;
	v13 =	vadd.s32 v7, v3;
	v7 =	vld [tilespmem:s31+$0x0]  }
0x219: {  	v9 =	vld [tilespmem:s14+$0x460];
	v4 =	vcvt.f32.s32 v12  }
0x21a: {  	s28 =	rddreg [dreg:$0x5];
	v18 =	vld [tilespmem:s14+$0x160];
	v15 =	vadd.s32 v10, v3  }
0x21b: {  	v12 =	vadd.s32 v4, v3;
	v4 =	vld [tilespmem:s28+$0x0]  }
0x21c: {  	v19 =	vmul.f32 $2.560000000e+02, v8;
	v11 =	vmul.f32 $2.560000000e+02, v11  }
0x21d: {  	[tilespmem:v14+s15+$0x0] =	vst.idx.add.s32.msk $0xffff, v2;
	v16 =	vmul.f32 $2.560000000e+02, v16;
	v5 =	vmul.f32 $2.560000000e+02, v5  }
.Ltmp2:
0x21e: {  	v14 =	vld [tilespmem:s14+$0x560];
	v10 =	vmul.f32 $2.560000000e+02, v7;
	v9 =	vmul.f32 $2.560000000e+02, v9;
	(pc) =	sbr.rel @p3 .LBB2_5-.Ltmp2, $4  }
0x21f: {  	v11 =	vtrunc.f32 v11;
	[tilespmem:v15+s15+$0x0] =	vst.idx.add.s32.msk $0xffff, v2;
	v15 =	vmul.f32 $2.560000000e+02, v18  }
0x220: {  	[tilespmem:v17+s15+$0x0] =	vst.idx.add.s32.msk $0xffff, v2;
	v7 =	vtrunc.f32 v5;
	v4 =	vmul.f32 $2.560000000e+02, v4  }
0x221: {  	v8 =	vtrunc.f32 v10;
	v10 =	vtrunc.f32 v19;
	v5 =	vld [tilespmem:s14+$0x5E0]  }
0x222: {  	p2 =	por !p2, !p2;
	v9 =	vtrunc.f32 v9;
	v6 =	vtrunc.f32 v4;
	v4 =	vld [tilespmem:s14+$0x1E0]  }
.LBB2_6:
0x223: {  	_ = 	snop  }
0x224: {  	v6 =	vcvt.f32.s32 v6  }
0x225: {  	v17 =	vld [tilespmem:s16+$0x0];
	v7 =	vcvt.f32.s32 v7  }
0x226: {  	v18 =	vld [tilespmem:s12+$0x0];
	v8 =	vcvt.f32.s32 v8;
	v6 =	vadd.s32 v6, v3  }
0x227: {  	[tilespmem:v13+s15+$0x0] =	vst.idx.add.s32.msk $0xffff, v2;
	v10 =	vcvt.f32.s32 v10;
	v7 =	vadd.s32 v7, v3  }
0x228: {  	[tilespmem:v12+s15+$0x0] =	vst.idx.add.s32.msk $0xffff, v2;
	v9 =	vcvt.f32.s32 v9;
	v8 =	vadd.s32 v8, v3  }
0x229: {  	v11 =	vcvt.f32.s32 v11;
	v13 =	vld [tilespmem:s13+$0x0];
	v10 =	vadd.s32 v10, v3  }
0x22a: {  	v12 =	vld [tilespmem:s19+$0x0];
	v9 =	vadd.s32 v9, v3  }
0x22b: {  	v11 =	vadd.s32 v11, v3;
	[tilespmem:v6+s15+$0x0] =	vst.idx.add.s32.msk $0xffff, v2  }
0x22c: {  	v16 =	vtrunc.f32 v16;
	[tilespmem:v7+s15+$0x0] =	vst.idx.add.s32.msk $0xffff, v2  }
0x22d: {  	v16 =	vcvt.f32.s32 v16;
	[tilespmem:v8+s15+$0x0] =	vst.idx.add.s32.msk $0xffff, v2  }
0x22e: {  	v15 =	vtrunc.f32 v15;
	[tilespmem:v10+s15+$0x0] =	vst.idx.add.s32.msk $0xffff, v2  }
0x22f: {  	v14 =	vmul.f32 $2.560000000e+02, v14;
	v15 =	vcvt.f32.s32 v15;
	v16 =	vadd.s32 v16, v3;
	[tilespmem:v9+s15+$0x0] =	vst.idx.add.s32.msk $0xffff, v2  }
0x230: {  	[tilespmem:v11+s15+$0x0] =	vst.idx.add.s32.msk $0xffff, v2  }
0x231: {  	v14 =	vtrunc.f32 v14;
	v15 =	vadd.s32 v15, v3;
	v6 =	vld [tilespmem:s18+$0x0]  }
0x232: {  	v14 =	vcvt.f32.s32 v14;
	v7 =	vld [tilespmem:s8+$0x0]  }
0x233: {  	v5 =	vmul.f32 $2.560000000e+02, v5;
	v4 =	vmul.f32 $2.560000000e+02, v4;
	v8 =	vld [tilespmem:s29+$0x0]  }
0x234: {  	v14 =	vadd.s32 v14, v3;
	[tilespmem:v16+s15+$0x0] =	vst.idx.add.s32.msk $0xffff, v2  }
0x235: {  	v5 =	vtrunc.f32 v5;
	v4 =	vtrunc.f32 v4;
	v10 =	vld [tilespmem:s14+$0x70]  }
0x236: {  	v13 =	vmul.f32 $2.560000000e+02, v13;
	v5 =	vcvt.f32.s32 v5;
	[tilespmem:v15+s15+$0x0] =	vst.idx.add.s32.msk $0xffff, v2  }
0x237: {  	v12 =	vmul.f32 $2.560000000e+02, v12;
	v4 =	vcvt.f32.s32 v4;
	v15 =	vld [tilespmem:s14+$0xF0]  }
0x238: {  	v9 =	vmul.f32 $2.560000000e+02, v17;
	v11 =	vmul.f32 $2.560000000e+02, v18;
	v16 =	vld [tilespmem:s14+$0x4F0]  }
0x239: {  	v13 =	vtrunc.f32 v13;
	v12 =	vtrunc.f32 v12;
	[tilespmem:v14+s15+$0x0] =	vst.idx.add.s32.msk $0xffff, v2  }
0x23a: {  	v9 =	vtrunc.f32 v9;
	v11 =	vtrunc.f32 v11;
	v4 =	vadd.s32 v4, v3;
	v14 =	vld [tilespmem:s14+$0x470]  }
0x23b: {  	v13 =	vcvt.f32.s32 v13;
	v9 =	vcvt.f32.s32 v9;
	v17 =	vld [tilespmem:s14+$0x170]  }
0x23c: {  	v5 =	vadd.s32 v5, v3;
	v11 =	vcvt.f32.s32 v11;
	v6 =	vmul.f32 $2.560000000e+02, v6  }
0x23d: {  	v7 =	vmul.f32 $2.560000000e+02, v7;
	v10 =	vmul.f32 $2.560000000e+02, v10  }
0x23e: {  	v8 =	vmul.f32 $2.560000000e+02, v8;
	v15 =	vmul.f32 $2.560000000e+02, v15  }
0x23f: {  	v16 =	vmul.f32 $2.560000000e+02, v16;
	[tilespmem:v4+s15+$0x0] =	vst.idx.add.s32.msk $0xffff, v2;
	v4 =	vadd.s32 v11, v3;
	v11 =	vcvt.f32.s32 v12  }
0x240: {  	v18 =	vld [tilespmem:s14+$0x570];
	v9 =	vadd.s32 v9, v3;
	v14 =	vmul.f32 $2.560000000e+02, v14;
	v17 =	vmul.f32 $2.560000000e+02, v17  }
0x241: {  	[tilespmem:v5+s15+$0x0] =	vst.idx.add.s32.msk $0xffff, v2;
	v5 =	vadd.s32 v13, v3;
	v6 =	vtrunc.f32 v6;
	v7 =	vtrunc.f32 v7  }
0x242: {  	v8 =	vtrunc.f32 v8;
	v6 =	vcvt.f32.s32 v6  }
0x243: {  	v10 =	vtrunc.f32 v10;
	v13 =	vld [tilespmem:s14+$0x1F0];
	v7 =	vcvt.f32.s32 v7;
	v11 =	vadd.s32 v11, v3  }
0x244: {  	v8 =	vcvt.f32.s32 v8;
	v12 =	vtrunc.f32 v14;
	v14 =	vld [tilespmem:s14+$0x5F0];
	v6 =	vadd.s32 v6, v3  }
0x245: {  	v18 =	vmul.f32 $2.560000000e+02, v18;
	v10 =	vcvt.f32.s32 v10;
	[tilespmem:v9+s15+$0x0] =	vst.idx.add.s32.msk $0xffff, v2;
	v7 =	vadd.s32 v7, v3  }
0x246: {  	v16 =	vtrunc.f32 v16;
	v12 =	vcvt.f32.s32 v12;
	v8 =	vadd.s32 v8, v3;
	[tilespmem:v5+s15+$0x0] =	vst.idx.add.s32.msk $0xffff, v2  }
0x247: {  	v15 =	vtrunc.f32 v15;
	v10 =	vadd.s32 v10, v3;
	v5 =	vcvt.f32.s32 v16;
	[tilespmem:v4+s15+$0x0] =	vst.idx.add.s32.msk $0xffff, v2  }
0x248: {  	v9 =	vtrunc.f32 v17;
	v15 =	vcvt.f32.s32 v15;
	v12 =	vadd.s32 v12, v3;
	[tilespmem:v11+s15+$0x0] =	vst.idx.add.s32.msk $0xffff, v2  }
0x249: {  	v9 =	vcvt.f32.s32 v9;
	v4 =	vtrunc.f32 v18;
	v5 =	vadd.s32 v5, v3;
	[tilespmem:v6+s15+$0x0] =	vst.idx.add.s32.msk $0xffff, v2  }
0x24a: {  	v4 =	vcvt.f32.s32 v4;
	v11 =	vadd.s32 v15, v3;
	[tilespmem:v7+s15+$0x0] =	vst.idx.add.s32.msk $0xffff, v2  }
0x24b: {  	v7 =	vadd.s32 v9, v3;
	[tilespmem:v8+s15+$0x0] =	vst.idx.add.s32.msk $0xffff, v2  }
0x24c: {  	v13 =	vmul.f32 $2.560000000e+02, v13;
	v4 =	vadd.s32 v4, v3;
	[tilespmem:v10+s15+$0x0] =	vst.idx.add.s32.msk $0xffff, v2  }
0x24d: {  	v14 =	vmul.f32 $2.560000000e+02, v14;
	[tilespmem:v12+s15+$0x0] =	vst.idx.add.s32.msk $0xffff, v2  }
0x24e: {  	v6 =	vtrunc.f32 v13;
	[tilespmem:v5+s15+$0x0] =	vst.idx.add.s32.msk $0xffff, v2  }
0x24f: {  	v6 =	vcvt.f32.s32 v6;
	v9 =	vtrunc.f32 v14;
	[tilespmem:v11+s15+$0x0] =	vst.idx.add.s32.msk $0xffff, v2  }
0x250: {  	v8 =	vcvt.f32.s32 v9;
	[tilespmem:v7+s15+$0x0] =	vst.idx.add.s32.msk $0xffff, v2  }
0x251: {  	v6 =	vadd.s32 v6, v3;
	s0 =	sld [smem:$0x7B3];
	[tilespmem:v4+s15+$0x0] =	vst.idx.add.s32.msk $0xffff, v2  }
0x252: {  	v8 =	vadd.s32 v8, v3;
	s22 =	sld [smem:$0x7F6];
	_ =	sdelay $0x1  }
0x253: {  	s1 =	sshll.u32 s0, $0x7  }
0x254: {  	[smem:$0x79B] =	sst s1;
	s0 =	sadd.s32 s1, s22  }
0x255: {  	s23 =	rddreg [dreg:$0x0];
	[tilespmem:v6+s15+$0x0] =	vst.idx.add.s32.msk $0xffff, v2;
	s0 =	sshll.u32 s0, $0x6  }
0x256: {  	s2 =	simm.s32 $0x0;
	s24 =	simm.s32 $0x2;
	[tilespmem:v8+s15+$0x0] =	vst.idx.add.s32.msk $0xffff, v2;
	s0 =	sadd.s32 s23, s0  }
0x257: {  	[tilespmem:s2], [sflag:$0x1] =	stream.linear.gather [hbm4b:s0+s2], $0x8000, $0x38;
	[tilespmem:$0x13300] =	vst v63  }
0x258: {  	_ =	swait.ge [sflag:s24], $0x8000  }
0x259: {  	s25 =	sld [smem:$0x7B2]  }
0x25a: {  	[sflag:s24] =	ssyncset.done $0x0  }
0x25b: {  	[sflag:s24] =	ssyncadd.s32 $0xFFFF8000  }
0x25c: {  	v4 =	vld [tilespmem:s25+$0x8000];
	_ =	sdelay $0x4  }
0x25d: {  	v4 =	vmul.f32 $2.560000000e+02, v4;
	_ =	sdelay $0x1  }
0x25e: {  	v4 =	vtrunc.f32 v4  }
0x25f: {  	v4 =	vcvt.f32.s32 v4;
	_ =	sdelay $0x1  }
0x260: {  	v4 =	vadd.s32 v4, v3;
	_ =	sdelay $0x4  }
0x261: {  	[tilespmem:v4+s15+$0x0] =	vst.idx.add.s32.msk $0xffff, v2  }
0x262: {  	s26 =	sld [smem:$0x7B4];
	_ =	sdelay $0x2  }
0x263: {  	v4 =	vld [tilespmem:s26+$0x8000];
	_ =	sdelay $0x4  }
0x264: {  	v4 =	vmul.f32 $2.560000000e+02, v4;
	_ =	sdelay $0x1  }
0x265: {  	v4 =	vtrunc.f32 v4  }
0x266: {  	v4 =	vcvt.f32.s32 v4;
	_ =	sdelay $0x1  }
0x267: {  	v4 =	vadd.s32 v4, v3;
	_ =	sdelay $0x4  }
0x268: {  	[tilespmem:v4+s15+$0x0] =	vst.idx.add.s32.msk $0xffff, v2  }
0x269: {  	s28 =	sld [smem:$0x7BA];
	_ =	sdelay $0x2  }
0x26a: {  	v4 =	vld [tilespmem:s28+$0x8000];
	_ =	sdelay $0x4  }
0x26b: {  	v4 =	vmul.f32 $2.560000000e+02, v4;
	_ =	sdelay $0x1  }
0x26c: {  	v4 =	vtrunc.f32 v4  }
0x26d: {  	v4 =	vcvt.f32.s32 v4;
	_ =	sdelay $0x1  }
0x26e: {  	v4 =	vadd.s32 v4, v3;
	_ =	sdelay $0x4  }
0x26f: {  	[tilespmem:v4+s15+$0x0] =	vst.idx.add.s32.msk $0xffff, v2  }
0x270: {  	s29 =	sld [smem:$0x7BE];
	_ =	sdelay $0x1  }
0x271: {  	s30 =	sld [smem:$0x7B5]  }
0x272: {  	s1 =	sld [smem:$0x7B6];
	v4 =	vld [tilespmem:s29+$0x8000]  }
0x273: {  	s3 =	sld [smem:$0x7B7]  }
0x274: {  	v5 =	vld [tilespmem:s30+$0x8000]  }
0x275: {  	v6 =	vld [tilespmem:s1+$0x8000]  }
0x276: {  	v7 =	vld [tilespmem:s3+$0x8000]  }
0x277: {  	v4 =	vmul.f32 $2.560000000e+02, v4;
	_ =	sdelay $0x1  }
0x278: {  	v5 =	vmul.f32 $2.560000000e+02, v5;
	v4 =	vtrunc.f32 v4  }
0x279: {  	s4 =	sld [smem:$0x7B8];
	v6 =	vmul.f32 $2.560000000e+02, v6;
	v4 =	vcvt.f32.s32 v4  }
0x27a: {  	s5 =	sld [smem:$0x7B9];
	v7 =	vmul.f32 $2.560000000e+02, v7;
	v5 =	vtrunc.f32 v5  }
0x27b: {  	s6 =	sld [smem:$0x7BB];
	v6 =	vtrunc.f32 v6;
	v5 =	vcvt.f32.s32 v5;
	v4 =	vadd.s32 v4, v3  }
0x27c: {  	v8 =	vld [tilespmem:s4+$0x8000];
	v7 =	vtrunc.f32 v7;
	v6 =	vcvt.f32.s32 v6  }
0x27d: {  	v9 =	vld [tilespmem:s5+$0x8000];
	v7 =	vcvt.f32.s32 v7;
	v5 =	vadd.s32 v5, v3  }
0x27e: {  	v10 =	vld [tilespmem:s6+$0x8000];
	v6 =	vadd.s32 v6, v3  }
0x27f: {  	v7 =	vadd.s32 v7, v3  }
0x280: {  	[tilespmem:v4+s15+$0x0] =	vst.idx.add.s32.msk $0xffff, v2  }
0x281: {  	v8 =	vmul.f32 $2.560000000e+02, v8;
	s7 =	sld [smem:$0x7C0]  }
0x282: {  	v9 =	vmul.f32 $2.560000000e+02, v9;
	s8 =	sld [smem:$0x7BD];
	[tilespmem:v5+s15+$0x0] =	vst.idx.add.s32.msk $0xffff, v2  }
0x283: {  	v10 =	vmul.f32 $2.560000000e+02, v10;
	v8 =	vtrunc.f32 v8;
	s9 =	sld [smem:$0x7BF];
	[tilespmem:v6+s15+$0x0] =	vst.idx.add.s32.msk $0xffff, v2  }
0x284: {  	v9 =	vtrunc.f32 v9;
	v8 =	vcvt.f32.s32 v8;
	s10 =	sld [smem:$0x7C1];
	[tilespmem:v7+s15+$0x0] =	vst.idx.add.s32.msk $0xffff, v2  }
0x285: {  	v10 =	vtrunc.f32 v10;
	v9 =	vcvt.f32.s32 v9;
	v4 =	vld [tilespmem:s7+$0x8000]  }
0x286: {  	v10 =	vcvt.f32.s32 v10;
	v8 =	vadd.s32 v8, v3;
	v11 =	vld [tilespmem:s8+$0x8000]  }
0x287: {  	v9 =	vadd.s32 v9, v3;
	s11 =	sld [smem:$0x7C2];
	v5 =	vld [tilespmem:s9+$0x8000]  }
0x288: {  	v10 =	vadd.s32 v10, v3;
	v6 =	vld [tilespmem:s10+$0x8000];
	_ =	sdelay $0x1  }
0x289: {  	v7 =	vld [tilespmem:s11+$0x8000];
	v4 =	vmul.f32 $2.560000000e+02, v4  }
0x28a: {  	[tilespmem:v8+s15+$0x0] =	vst.idx.add.s32.msk $0xffff, v2;
	v11 =	vmul.f32 $2.560000000e+02, v11  }
0x28b: {  	s12 =	sld [smem:$0x7C3];
	[tilespmem:v9+s15+$0x0] =	vst.idx.add.s32.msk $0xffff, v2;
	v5 =	vmul.f32 $2.560000000e+02, v5;
	v4 =	vtrunc.f32 v4  }
0x28c: {  	s13 =	sld [smem:$0x7C4];
	[tilespmem:v10+s15+$0x0] =	vst.idx.add.s32.msk $0xffff, v2;
	v11 =	vtrunc.f32 v11;
	v6 =	vmul.f32 $2.560000000e+02, v6  }
0x28d: {  	s14 =	sld [smem:$0x7C5];
	v4 =	vcvt.f32.s32 v4;
	v11 =	vcvt.f32.s32 v11  }
0x28e: {  	v8 =	vld [tilespmem:s12+$0x8000];
	v5 =	vtrunc.f32 v5;
	v7 =	vmul.f32 $2.560000000e+02, v7  }
0x28f: {  	v9 =	vld [tilespmem:s13+$0x8000];
	v5 =	vcvt.f32.s32 v5;
	v6 =	vtrunc.f32 v6;
	v4 =	vadd.s32 v4, v3  }
0x290: {  	v10 =	vld [tilespmem:s14+$0x8000];
	v11 =	vadd.s32 v11, v3;
	v6 =	vcvt.f32.s32 v6  }
0x291: {  	v7 =	vtrunc.f32 v7;
	v5 =	vadd.s32 v5, v3  }
0x292: {  	v7 =	vcvt.f32.s32 v7;
	v6 =	vadd.s32 v6, v3  }
0x293: {  	v8 =	vmul.f32 $2.560000000e+02, v8  }
0x294: {  	v9 =	vmul.f32 $2.560000000e+02, v9;
	v7 =	vadd.s32 v7, v3;
	[tilespmem:v4+s15+$0x0] =	vst.idx.add.s32.msk $0xffff, v2  }
0x295: {  	v8 =	vtrunc.f32 v8;
	v10 =	vmul.f32 $2.560000000e+02, v10;
	s16 =	sld [smem:$0x7C7];
	[tilespmem:v11+s15+$0x0] =	vst.idx.add.s32.msk $0xffff, v2  }
0x296: {  	v8 =	vcvt.f32.s32 v8;
	v9 =	vtrunc.f32 v9;
	s17 =	sld [smem:$0x7C6];
	[tilespmem:v5+s15+$0x0] =	vst.idx.add.s32.msk $0xffff, v2  }
0x297: {  	v9 =	vcvt.f32.s32 v9;
	v10 =	vtrunc.f32 v10;
	s18 =	sld [smem:$0x7C8];
	[tilespmem:v6+s15+$0x0] =	vst.idx.add.s32.msk $0xffff, v2  }
0x298: {  	v8 =	vadd.s32 v8, v3;
	v10 =	vcvt.f32.s32 v10;
	v4 =	vld [tilespmem:s16+$0x8000]  }
0x299: {  	v9 =	vadd.s32 v9, v3;
	s19 =	sld [smem:$0x7C9];
	[tilespmem:v7+s15+$0x0] =	vst.idx.add.s32.msk $0xffff, v2  }
0x29a: {  	v10 =	vadd.s32 v10, v3;
	v11 =	vld [tilespmem:s17+$0x8000]  }
0x29b: {  	v5 =	vld [tilespmem:s18+$0x8000]  }
0x29c: {  	v6 =	vld [tilespmem:s19+$0x8000]  }
0x29d: {  	s20 =	sld [smem:$0x7CB];
	[tilespmem:v8+s15+$0x0] =	vst.idx.add.s32.msk $0xffff, v2;
	v4 =	vmul.f32 $2.560000000e+02, v4  }
0x29e: {  	s21 =	sld [smem:$0x7CC];
	[tilespmem:v9+s15+$0x0] =	vst.idx.add.s32.msk $0xffff, v2  }
0x29f: {  	s22 =	sld [smem:$0x7CD];
	[tilespmem:v10+s15+$0x0] =	vst.idx.add.s32.msk $0xffff, v2;
	v11 =	vmul.f32 $2.560000000e+02, v11;
	v4 =	vtrunc.f32 v4  }
0x2a0: {  	v7 =	vld [tilespmem:s20+$0x8000];
	v5 =	vmul.f32 $2.560000000e+02, v5;
	v4 =	vcvt.f32.s32 v4  }
0x2a1: {  	s23 =	sld [smem:$0x7CE];
	v11 =	vtrunc.f32 v11;
	v6 =	vmul.f32 $2.560000000e+02, v6  }
0x2a2: {  	v8 =	vld [tilespmem:s21+$0x8000];
	v11 =	vcvt.f32.s32 v11;
	v5 =	vtrunc.f32 v5;
	v4 =	vadd.s32 v4, v3  }
0x2a3: {  	v9 =	vld [tilespmem:s22+$0x8000];
	v5 =	vcvt.f32.s32 v5;
	v6 =	vtrunc.f32 v6  }
0x2a4: {  	v10 =	vld [tilespmem:s23+$0x8000];
	v11 =	vadd.s32 v11, v3;
	v6 =	vcvt.f32.s32 v6  }
0x2a5: {  	v7 =	vmul.f32 $2.560000000e+02, v7;
	v5 =	vadd.s32 v5, v3  }
0x2a6: {  	v6 =	vadd.s32 v6, v3  }
0x2a7: {  	[tilespmem:v4+s15+$0x0] =	vst.idx.add.s32.msk $0xffff, v2;
	v4 =	vtrunc.f32 v7;
	v7 =	vmul.f32 $2.560000000e+02, v8  }
0x2a8: {  	v9 =	vmul.f32 $2.560000000e+02, v9;
	v4 =	vcvt.f32.s32 v4  }
0x2a9: {  	v10 =	vmul.f32 $2.560000000e+02, v10;
	s24 =	sld [smem:$0x7CA];
	[tilespmem:v11+s15+$0x0] =	vst.idx.add.s32.msk $0xffff, v2;
	v7 =	vtrunc.f32 v7  }
0x2aa: {  	v9 =	vtrunc.f32 v9;
	s25 =	sld [smem:$0x7CF];
	[tilespmem:v5+s15+$0x0] =	vst.idx.add.s32.msk $0xffff, v2;
	v4 =	vadd.s32 v4, v3;
	v7 =	vcvt.f32.s32 v7  }
0x2ab: {  	v9 =	vcvt.f32.s32 v9;
	s26 =	sld [smem:$0x7D1];
	[tilespmem:v6+s15+$0x0] =	vst.idx.add.s32.msk $0xffff, v2  }
0x2ac: {  	v10 =	vtrunc.f32 v10;
	v8 =	vld [tilespmem:s24+$0x8000];
	v7 =	vadd.s32 v7, v3  }
0x2ad: {  	v10 =	vcvt.f32.s32 v10;
	v9 =	vadd.s32 v9, v3;
	s28 =	sld [smem:$0x7D2];
	v11 =	vld [tilespmem:s25+$0x8000]  }
0x2ae: {  	v5 =	vld [tilespmem:s26+$0x8000]  }
0x2af: {  	v10 =	vadd.s32 v10, v3;
	[tilespmem:v4+s15+$0x0] =	vst.idx.add.s32.msk $0xffff, v2  }
0x2b0: {  	v6 =	vld [tilespmem:s28+$0x8000];
	s29 =	sld [smem:$0x7D3]  }
0x2b1: {  	v8 =	vmul.f32 $2.560000000e+02, v8;
	[tilespmem:v7+s15+$0x0] =	vst.idx.add.s32.msk $0xffff, v2  }
0x2b2: {  	s30 =	sld [smem:$0x7D4];
	[tilespmem:v9+s15+$0x0] =	vst.idx.add.s32.msk $0xffff, v2  }
0x2b3: {  	v11 =	vmul.f32 $2.560000000e+02, v11;
	v8 =	vtrunc.f32 v8;
	v4 =	vld [tilespmem:s29+$0x8000]  }
0x2b4: {  	v5 =	vmul.f32 $2.560000000e+02, v5;
	v8 =	vcvt.f32.s32 v8;
	s1 =	sld [smem:$0x7D5];
	[tilespmem:v10+s15+$0x0] =	vst.idx.add.s32.msk $0xffff, v2  }
0x2b5: {  	v11 =	vtrunc.f32 v11;
	v6 =	vmul.f32 $2.560000000e+02, v6;
	s3 =	sld [smem:$0x7D6]  }
0x2b6: {  	v11 =	vcvt.f32.s32 v11;
	v5 =	vtrunc.f32 v5;
	v7 =	vld [tilespmem:s30+$0x8000];
	v8 =	vadd.s32 v8, v3  }
0x2b7: {  	v5 =	vcvt.f32.s32 v5;
	v6 =	vtrunc.f32 v6;
	v9 =	vld [tilespmem:s1+$0x8000]  }
0x2b8: {  	v11 =	vadd.s32 v11, v3;
	v6 =	vcvt.f32.s32 v6;
	v10 =	vld [tilespmem:s3+$0x8000]  }
0x2b9: {  	v5 =	vadd.s32 v5, v3;
	v4 =	vmul.f32 $2.560000000e+02, v4  }
0x2ba: {  	v6 =	vadd.s32 v6, v3  }
0x2bb: {  	[tilespmem:v8+s15+$0x0] =	vst.idx.add.s32.msk $0xffff, v2;
	v8 =	vtrunc.f32 v4;
	v7 =	vmul.f32 $2.560000000e+02, v7  }
0x2bc: {  	v8 =	vcvt.f32.s32 v8;
	v9 =	vmul.f32 $2.560000000e+02, v9  }
0x2bd: {  	s4 =	sld [smem:$0x7D0];
	[tilespmem:v11+s15+$0x0] =	vst.idx.add.s32.msk $0xffff, v2;
	v7 =	vtrunc.f32 v7;
	v10 =	vmul.f32 $2.560000000e+02, v10  }
0x2be: {  	s5 =	sld [smem:$0x7D7];
	[tilespmem:v5+s15+$0x0] =	vst.idx.add.s32.msk $0xffff, v2;
	v7 =	vcvt.f32.s32 v7;
	v9 =	vtrunc.f32 v9  }
0x2bf: {  	v8 =	vadd.s32 v8, v3;
	s6 =	sld [smem:$0x7D8];
	[tilespmem:v6+s15+$0x0] =	vst.idx.add.s32.msk $0xffff, v2;
	v9 =	vcvt.f32.s32 v9;
	v10 =	vtrunc.f32 v10  }
0x2c0: {  	s7 =	sld [smem:$0x7D9];
	v7 =	vadd.s32 v7, v3;
	v10 =	vcvt.f32.s32 v10  }
0x2c1: {  	v11 =	vld [tilespmem:s5+$0x8000];
	v9 =	vadd.s32 v9, v3  }
0x2c2: {  	v5 =	vld [tilespmem:s6+$0x8000];
	v10 =	vadd.s32 v10, v3  }
0x2c3: {  	v6 =	vld [tilespmem:s7+$0x8000]  }
0x2c4: {  	[tilespmem:v8+s15+$0x0] =	vst.idx.add.s32.msk $0xffff, v2  }
0x2c5: {  	s8 =	sld [smem:$0x7DA];
	[tilespmem:v7+s15+$0x0] =	vst.idx.add.s32.msk $0xffff, v2  }
0x2c6: {  	s9 =	sld [smem:$0x7DB];
	[tilespmem:v9+s15+$0x0] =	vst.idx.add.s32.msk $0xffff, v2  }
0x2c7: {  	s10 =	sld [smem:$0x7DC];
	[tilespmem:v10+s15+$0x0] =	vst.idx.add.s32.msk $0xffff, v2  }
0x2c8: {  	v11 =	vmul.f32 $2.560000000e+02, v11;
	v8 =	vld [tilespmem:s8+$0x8000];
	s12 =	sld [smem:$0x7BC]  }
0x2c9: {  	v4 =	vld [tilespmem:s4+$0x8000];
	v5 =	vmul.f32 $2.560000000e+02, v5  }
0x2ca: {  	s11 =	sand.u32 $0x200, s2;
	v7 =	vtrunc.f32 v11;
	v6 =	vmul.f32 $2.560000000e+02, v6;
	v12 =	vld [tilespmem:s9+$0x8000]  }
0x2cb: {  	v7 =	vcvt.f32.s32 v7;
	v5 =	vtrunc.f32 v5;
	v9 =	vld [tilespmem:s10+$0x8000];
	s1 =	sor.u32 s11, s12  }
0x2cc: {  	v5 =	vcvt.f32.s32 v5;
	v11 =	vld [tilespmem:s1+$0x8000]  }
0x2cd: {  	s13 =	sld [smem:$0x7DD];
	v6 =	vtrunc.f32 v6;
	v7 =	vadd.s32 v7, v3;
	v8 =	vmul.f32 $2.560000000e+02, v8;
	v13 =	vld [tilespmem:s1+$0x8400]  }
0x2ce: {  	v6 =	vcvt.f32.s32 v6;
	v5 =	vadd.s32 v5, v3;
	v14 =	vld [tilespmem:s1+$0x8080]  }
0x2cf: {  	v15 =	vld [tilespmem:s1+$0x8480];
	v8 =	vtrunc.f32 v8  }
0x2d0: {  	v10 =	vld [tilespmem:s13+$0x8000];
	v6 =	vadd.s32 v6, v3;
	v8 =	vcvt.f32.s32 v8  }
0x2d1: {  	v18 =	vld [tilespmem:s1+$0x8180]  }
0x2d2: {  	[tilespmem:v7+s15+$0x0] =	vst.idx.add.s32.msk $0xffff, v2;
	v17 =	vadd.s32 v8, v3;
	v8 =	vmul.f32 $2.560000000e+02, v11  }
0x2d3: {  	s14 =	sld [smem:$0x7DE];
	[tilespmem:v5+s15+$0x0] =	vst.idx.add.s32.msk $0xffff, v2;
	v5 =	vmul.f32 $2.560000000e+02, v13;
	v11 =	vmul.f32 $2.560000000e+02, v14  }
0x2d4: {  	v19 =	vld [tilespmem:s1+$0x8580];
	v14 =	vmul.f32 $2.560000000e+02, v15;
	v13 =	vtrunc.f32 v8  }
0x2d5: {  	s16 =	sld [smem:$0x7DF];
	[tilespmem:v6+s15+$0x0] =	vst.idx.add.s32.msk $0xffff, v2;
	v5 =	vtrunc.f32 v5;
	v13 =	vcvt.f32.s32 v13  }
0x2d6: {  	v15 =	vld [tilespmem:s1+$0x8100];
	v11 =	vtrunc.f32 v11;
	v5 =	vcvt.f32.s32 v5  }
0x2d7: {  	v16 =	vld [tilespmem:s14+$0x8000];
	v14 =	vtrunc.f32 v14;
	v11 =	vcvt.f32.s32 v11;
	v13 =	vadd.s32 v13, v3  }
0x2d8: {  	s17 =	sld [smem:$0x7E0];
	v14 =	vcvt.f32.s32 v14;
	[tilespmem:v17+s15+$0x0] =	vst.idx.add.s32.msk $0xffff, v2;
	v5 =	vadd.s32 v5, v3  }
0x2d9: {  	v9 =	vmul.f32 $2.560000000e+02, v9;
	v17 =	vld [tilespmem:s1+$0x8500];
	v11 =	vadd.s32 v11, v3  }
0x2da: {  	v12 =	vmul.f32 $2.560000000e+02, v12;
	v7 =	vld [tilespmem:s16+$0x8000];
	v14 =	vadd.s32 v14, v3  }
0x2db: {  	v9 =	vtrunc.f32 v9;
	v8 =	vld [tilespmem:s17+$0x8000]  }
0x2dc: {  	v12 =	vtrunc.f32 v12;
	v9 =	vcvt.f32.s32 v9;
	s18 =	sld [smem:$0x7E1];
	[tilespmem:v13+s15+$0x0] =	vst.idx.add.s32.msk $0xffff, v2  }
0x2dd: {  	v13 =	vmul.f32 $2.560000000e+02, v15;
	[tilespmem:v5+s15+$0x0] =	vst.idx.add.s32.msk $0xffff, v2;
	v5 =	vcvt.f32.s32 v12  }
0x2de: {  	v12 =	vmul.f32 $2.560000000e+02, v17;
	[tilespmem:v11+s15+$0x0] =	vst.idx.add.s32.msk $0xffff, v2;
	v11 =	vmul.f32 $2.560000000e+02, v18  }
0x2df: {  	[tilespmem:v14+s15+$0x0] =	vst.idx.add.s32.msk $0xffff, v2;
	v15 =	vmul.f32 $2.560000000e+02, v19;
	v13 =	vtrunc.f32 v13  }
0x2e0: {  	v14 =	vld [tilespmem:s1+$0x8010];
	v5 =	vadd.s32 v5, v3;
	v12 =	vtrunc.f32 v12;
	v13 =	vcvt.f32.s32 v13  }
0x2e1: {  	v9 =	vadd.s32 v9, v3;
	v17 =	vld [tilespmem:s1+$0x8410];
	v11 =	vtrunc.f32 v11;
	v12 =	vcvt.f32.s32 v12  }
0x2e2: {  	v18 =	vld [tilespmem:s1+$0x8090];
	v15 =	vtrunc.f32 v15;
	v19 =	vcvt.f32.s32 v11;
	v13 =	vadd.s32 v13, v3  }
0x2e3: {  	v6 =	vld [tilespmem:s18+$0x8000];
	v15 =	vcvt.f32.s32 v15;
	v12 =	vadd.s32 v12, v3  }
0x2e4: {  	v20 =	vld [tilespmem:s1+$0x8490];
	v19 =	vadd.s32 v19, v3  }
0x2e5: {  	v15 =	vadd.s32 v15, v3;
	v14 =	vmul.f32 $2.560000000e+02, v14;
	[tilespmem:v5+s15+$0x0] =	vst.idx.add.s32.msk $0xffff, v2  }
0x2e6: {  	s19 =	sld [smem:$0x7E2];
	[tilespmem:v9+s15+$0x0] =	vst.idx.add.s32.msk $0xffff, v2;
	v9 =	vmul.f32 $2.560000000e+02, v17  }
0x2e7: {  	v17 =	vmul.f32 $2.560000000e+02, v18;
	s20 =	sld [smem:$0x7E3];
	[tilespmem:v13+s15+$0x0] =	vst.idx.add.s32.msk $0xffff, v2;
	v13 =	vtrunc.f32 v14  }
0x2e8: {  	[tilespmem:v12+s15+$0x0] =	vst.idx.add.s32.msk $0xffff, v2;
	v9 =	vtrunc.f32 v9;
	v12 =	vcvt.f32.s32 v13  }
0x2e9: {  	[tilespmem:v19+s15+$0x0] =	vst.idx.add.s32.msk $0xffff, v2;
	v9 =	vcvt.f32.s32 v9  }
0x2ea: {  	v14 =	vmul.f32 $2.560000000e+02, v20;
	[tilespmem:v15+s15+$0x0] =	vst.idx.add.s32.msk $0xffff, v2;
	v13 =	vtrunc.f32 v17;
	v12 =	vadd.s32 v12, v3  }
0x2eb: {  	v15 =	vld [tilespmem:s1+$0x8110];
	v13 =	vcvt.f32.s32 v13;
	v9 =	vadd.s32 v9, v3  }
0x2ec: {  	v17 =	vld [tilespmem:s1+$0x8510];
	v14 =	vtrunc.f32 v14  }
0x2ed: {  	v10 =	vmul.f32 $2.560000000e+02, v10;
	v18 =	vld [tilespmem:s1+$0x8190];
	v14 =	vcvt.f32.s32 v14;
	v13 =	vadd.s32 v13, v3  }
0x2ee: {  	v19 =	vld [tilespmem:s1+$0x8590]  }
0x2ef: {  	v10 =	vtrunc.f32 v10;
	v14 =	vadd.s32 v14, v3;
	[tilespmem:v12+s15+$0x0] =	vst.idx.add.s32.msk $0xffff, v2  }
0x2f0: {  	v12 =	vmul.f32 $2.560000000e+02, v16;
	[tilespmem:v9+s15+$0x0] =	vst.idx.add.s32.msk $0xffff, v2;
	v9 =	vcvt.f32.s32 v10  }
0x2f1: {  	v7 =	vmul.f32 $2.560000000e+02, v7;
	v11 =	vld [tilespmem:s19+$0x8000];
	v15 =	vmul.f32 $2.560000000e+02, v15  }
0x2f2: {  	v10 =	vmul.f32 $2.560000000e+02, v17;
	[tilespmem:v13+s15+$0x0] =	vst.idx.add.s32.msk $0xffff, v2;
	v12 =	vtrunc.f32 v12;
	v9 =	vadd.s32 v9, v3  }
0x2f3: {  	v13 =	vmul.f32 $2.560000000e+02, v18;
	v16 =	vld [tilespmem:s1+$0x8020];
	v12 =	vcvt.f32.s32 v12  }
0x2f4: {  	[tilespmem:v14+s15+$0x0] =	vst.idx.add.s32.msk $0xffff, v2;
	v14 =	vtrunc.f32 v15;
	v15 =	vmul.f32 $2.560000000e+02, v19  }
0x2f5: {  	v17 =	vld [tilespmem:s1+$0x8420];
	v10 =	vtrunc.f32 v10;
	v14 =	vcvt.f32.s32 v14;
	v12 =	vadd.s32 v12, v3  }
0x2f6: {  	v18 =	vld [tilespmem:s1+$0x80A0];
	v13 =	vtrunc.f32 v13;
	v10 =	vcvt.f32.s32 v10  }
0x2f7: {  	v7 =	vtrunc.f32 v7;
	v13 =	vcvt.f32.s32 v13;
	v14 =	vadd.s32 v14, v3;
	[tilespmem:v9+s15+$0x0] =	vst.idx.add.s32.msk $0xffff, v2  }
0x2f8: {  	v7 =	vcvt.f32.s32 v7;
	v19 =	vld [tilespmem:s1+$0x84A0];
	v15 =	vtrunc.f32 v15;
	v62 =	vadd.s32 v10, v3;
	s21 =	sld [smem:$0x7E4]  }
0x2f9: {  	v5 =	vld [tilespmem:s20+$0x8000];
	v15 =	vcvt.f32.s32 v15;
	v13 =	vadd.s32 v13, v3  }
0x2fa: {  	v7 =	vadd.s32 v7, v3;
	[tilespmem:v12+s15+$0x0] =	vst.idx.add.s32.msk $0xffff, v2  }
0x2fb: {  	v16 =	vmul.f32 $2.560000000e+02, v16;
	v15 =	vadd.s32 v15, v3;
	v9 =	vld [tilespmem:s21+$0x8000]  }
0x2fc: {  	v12 =	vmul.f32 $2.560000000e+02, v17;
	v17 =	vmul.f32 $2.560000000e+02, v18;
	s22 =	sld [smem:$0x7E5];
	[tilespmem:v14+s15+$0x0] =	vst.idx.add.s32.msk $0xffff, v2  }
0x2fd: {  	v14 =	vtrunc.f32 v16;
	v16 =	vmul.f32 $2.560000000e+02, v19;
	[tilespmem:v62+s15+$0x0] =	vst.idx.add.s32.msk $0xffff, v2  }
0x2fe: {  	[tilespmem:v13+s15+$0x0] =	vst.idx.add.s32.msk $0xffff, v2;
	v12 =	vtrunc.f32 v12;
	v14 =	vcvt.f32.s32 v14  }
0x2ff: {  	[tilespmem:v7+s15+$0x0] =	vst.idx.add.s32.msk $0xffff, v2;
	v13 =	vtrunc.f32 v17;
	v12 =	vcvt.f32.s32 v12  }
0x300: {  	[tilespmem:v15+s15+$0x0] =	vst.idx.add.s32.msk $0xffff, v2;
	v13 =	vcvt.f32.s32 v13;
	v14 =	vadd.s32 v14, v3  }
0x301: {  	v17 =	vld [tilespmem:s1+$0x8520];
	v15 =	vtrunc.f32 v16;
	v12 =	vadd.s32 v12, v3  }
0x302: {  	v16 =	vld [tilespmem:s1+$0x8120];
	v15 =	vcvt.f32.s32 v15;
	v13 =	vadd.s32 v13, v3  }
0x303: {  	v8 =	vmul.f32 $2.560000000e+02, v8;
	v18 =	vld [tilespmem:s1+$0x81A0]  }
0x304: {  	v6 =	vmul.f32 $2.560000000e+02, v6;
	v19 =	vld [tilespmem:s1+$0x85A0];
	v15 =	vadd.s32 v15, v3  }
0x305: {  	v8 =	vtrunc.f32 v8;
	[tilespmem:v14+s15+$0x0] =	vst.idx.add.s32.msk $0xffff, v2  }
0x306: {  	v8 =	vcvt.f32.s32 v8;
	v6 =	vtrunc.f32 v6;
	[tilespmem:v12+s15+$0x0] =	vst.idx.add.s32.msk $0xffff, v2  }
0x307: {  	v6 =	vcvt.f32.s32 v6;
	v14 =	vmul.f32 $2.560000000e+02, v16;
	[tilespmem:v13+s15+$0x0] =	vst.idx.add.s32.msk $0xffff, v2  }
0x308: {  	v12 =	vmul.f32 $2.560000000e+02, v17;
	v13 =	vmul.f32 $2.560000000e+02, v18;
	v16 =	vld [tilespmem:s1+$0x8030]  }
0x309: {  	v8 =	vadd.s32 v8, v3;
	[tilespmem:v15+s15+$0x0] =	vst.idx.add.s32.msk $0xffff, v2;
	v14 =	vtrunc.f32 v14;
	v15 =	vmul.f32 $2.560000000e+02, v19  }
0x30a: {  	v6 =	vadd.s32 v6, v3;
	v17 =	vld [tilespmem:s1+$0x8430];
	v12 =	vtrunc.f32 v12;
	v14 =	vcvt.f32.s32 v14  }
0x30b: {  	v10 =	vld [tilespmem:s22+$0x8000];
	v13 =	vtrunc.f32 v13;
	v12 =	vcvt.f32.s32 v12  }
0x30c: {  	v18 =	vld [tilespmem:s1+$0x80B0];
	v13 =	vcvt.f32.s32 v13;
	v14 =	vadd.s32 v14, v3  }
0x30d: {  	v19 =	vld [tilespmem:s1+$0x84B0];
	s23 =	sld [smem:$0x7E6];
	v15 =	vtrunc.f32 v15;
	v12 =	vadd.s32 v12, v3  }
0x30e: {  	[tilespmem:v8+s15+$0x0] =	vst.idx.add.s32.msk $0xffff, v2;
	v15 =	vcvt.f32.s32 v15;
	v13 =	vadd.s32 v13, v3;
	v16 =	vmul.f32 $2.560000000e+02, v16  }
0x30f: {  	s24 =	sld [smem:$0x7E7];
	[tilespmem:v6+s15+$0x0] =	vst.idx.add.s32.msk $0xffff, v2;
	v17 =	vmul.f32 $2.560000000e+02, v17  }
0x310: {  	v7 =	vld [tilespmem:s23+$0x8000];
	v15 =	vadd.s32 v15, v3;
	v16 =	vtrunc.f32 v16  }
0x311: {  	v17 =	vtrunc.f32 v17;
	[tilespmem:v14+s15+$0x0] =	vst.idx.add.s32.msk $0xffff, v2;
	v14 =	vmul.f32 $2.560000000e+02, v18  }
0x312: {  	v16 =	vcvt.f32.s32 v16;
	[tilespmem:v12+s15+$0x0] =	vst.idx.add.s32.msk $0xffff, v2;
	v12 =	vmul.f32 $2.560000000e+02, v19  }
0x313: {  	[tilespmem:v13+s15+$0x0] =	vst.idx.add.s32.msk $0xffff, v2;
	v13 =	vtrunc.f32 v14;
	v14 =	vcvt.f32.s32 v17  }
0x314: {  	v16 =	vadd.s32 v16, v3;
	v17 =	vld [tilespmem:s1+$0x8130];
	v12 =	vtrunc.f32 v12;
	v13 =	vcvt.f32.s32 v13  }
0x315: {  	[tilespmem:v15+s15+$0x0] =	vst.idx.add.s32.msk $0xffff, v2;
	v12 =	vcvt.f32.s32 v12;
	v14 =	vadd.s32 v14, v3  }
0x316: {  	v15 =	vld [tilespmem:s1+$0x8530];
	v13 =	vadd.s32 v13, v3  }
0x317: {  	v11 =	vmul.f32 $2.560000000e+02, v11;
	v18 =	vld [tilespmem:s1+$0x81B0];
	v12 =	vadd.s32 v12, v3  }
0x318: {  	v19 =	vld [tilespmem:s1+$0x85B0]  }
0x319: {  	v11 =	vtrunc.f32 v11;
	[tilespmem:v16+s15+$0x0] =	vst.idx.add.s32.msk $0xffff, v2;
	v17 =	vmul.f32 $2.560000000e+02, v17  }
0x31a: {  	v11 =	vcvt.f32.s32 v11;
	[tilespmem:v14+s15+$0x0] =	vst.idx.add.s32.msk $0xffff, v2  }
0x31b: {  	v14 =	vmul.f32 $2.560000000e+02, v15;
	v15 =	vtrunc.f32 v17;
	[tilespmem:v13+s15+$0x0] =	vst.idx.add.s32.msk $0xffff, v2  }
0x31c: {  	v13 =	vcvt.f32.s32 v15;
	[tilespmem:v12+s15+$0x0] =	vst.idx.add.s32.msk $0xffff, v2  }
0x31d: {  	v5 =	vmul.f32 $2.560000000e+02, v5;
	v11 =	vadd.s32 v11, v3;
	v12 =	vtrunc.f32 v14;
	v14 =	vld [tilespmem:s1+$0x8040]  }
0x31e: {  	v16 =	vmul.f32 $2.560000000e+02, v18;
	v15 =	vld [tilespmem:s1+$0x8440];
	v12 =	vcvt.f32.s32 v12;
	v13 =	vadd.s32 v13, v3  }
0x31f: {  	v5 =	vtrunc.f32 v5;
	v18 =	vld [tilespmem:s1+$0x84C0]  }
0x320: {  	v19 =	vmul.f32 $2.560000000e+02, v19;
	v16 =	vtrunc.f32 v16;
	v17 =	vld [tilespmem:s1+$0x80C0];
	v12 =	vadd.s32 v12, v3  }
0x321: {  	v5 =	vcvt.f32.s32 v5;
	v8 =	vld [tilespmem:s24+$0x8000];
	v16 =	vcvt.f32.s32 v16  }
0x322: {  	v19 =	vtrunc.f32 v19;
	s25 =	sld [smem:$0x7E8];
	[tilespmem:v11+s15+$0x0] =	vst.idx.add.s32.msk $0xffff, v2;
	v14 =	vmul.f32 $2.560000000e+02, v14  }
0x323: {  	v16 =	vadd.s32 v16, v3;
	[tilespmem:v13+s15+$0x0] =	vst.idx.add.s32.msk $0xffff, v2;
	v13 =	vmul.f32 $2.560000000e+02, v15;
	v15 =	vcvt.f32.s32 v19  }
0x324: {  	v5 =	vadd.s32 v5, v3;
	v18 =	vmul.f32 $2.560000000e+02, v18;
	v19 =	vld [tilespmem:s1+$0x8140]  }
0x325: {  	v14 =	vtrunc.f32 v14;
	[tilespmem:v12+s15+$0x0] =	vst.idx.add.s32.msk $0xffff, v2;
	v12 =	vmul.f32 $2.560000000e+02, v17;
	v15 =	vadd.s32 v15, v3  }
0x326: {  	v6 =	vld [tilespmem:s25+$0x8000];
	v13 =	vtrunc.f32 v13;
	v14 =	vcvt.f32.s32 v14  }
0x327: {  	v18 =	vtrunc.f32 v18;
	v17 =	vld [tilespmem:s1+$0x8540];
	v13 =	vcvt.f32.s32 v13  }
0x328: {  	s26 =	sld [smem:$0x7E9];
	[tilespmem:v16+s15+$0x0] =	vst.idx.add.s32.msk $0xffff, v2;
	v18 =	vcvt.f32.s32 v18;
	v12 =	vtrunc.f32 v12  }
0x329: {  	[tilespmem:v5+s15+$0x0] =	vst.idx.add.s32.msk $0xffff, v2;
	v14 =	vadd.s32 v14, v3;
	v12 =	vcvt.f32.s32 v12;
	v16 =	vmul.f32 $2.560000000e+02, v19  }
0x32a: {  	v13 =	vadd.s32 v13, v3;
	[tilespmem:v15+s15+$0x0] =	vst.idx.add.s32.msk $0xffff, v2  }
0x32b: {  	v12 =	vadd.s32 v12, v3;
	v15 =	vtrunc.f32 v16;
	v16 =	vadd.s32 v18, v3;
	v18 =	vld [tilespmem:s1+$0x85C0]  }
0x32c: {  	v11 =	vld [tilespmem:s26+$0x8000]  }
0x32d: {  	v19 =	vld [tilespmem:s1+$0x81C0];
	v17 =	vmul.f32 $2.560000000e+02, v17  }
0x32e: {  	v15 =	vcvt.f32.s32 v15;
	[tilespmem:v14+s15+$0x0] =	vst.idx.add.s32.msk $0xffff, v2  }
0x32f: {  	v14 =	vtrunc.f32 v17;
	[tilespmem:v13+s15+$0x0] =	vst.idx.add.s32.msk $0xffff, v2  }
0x330: {  	v15 =	vadd.s32 v15, v3;
	v14 =	vcvt.f32.s32 v14;
	[tilespmem:v12+s15+$0x0] =	vst.idx.add.s32.msk $0xffff, v2;
	v12 =	vmul.f32 $2.560000000e+02, v18  }
0x331: {  	v17 =	vld [tilespmem:s1+$0x8450]  }
0x332: {  	v13 =	vmul.f32 $2.560000000e+02, v19;
	[tilespmem:v16+s15+$0x0] =	vst.idx.add.s32.msk $0xffff, v2;
	v14 =	vadd.s32 v14, v3;
	v12 =	vtrunc.f32 v12  }
0x333: {  	v4 =	vmul.f32 $2.560000000e+02, v4;
	v16 =	vld [tilespmem:s1+$0x8050];
	v12 =	vcvt.f32.s32 v12  }
0x334: {  	v9 =	vmul.f32 $2.560000000e+02, v9;
	v13 =	vtrunc.f32 v13;
	v18 =	vld [tilespmem:s1+$0x84D0]  }
0x335: {  	v10 =	vmul.f32 $2.560000000e+02, v10;
	v13 =	vcvt.f32.s32 v13;
	[tilespmem:v15+s15+$0x0] =	vst.idx.add.s32.msk $0xffff, v2;
	v12 =	vadd.s32 v12, v3  }
0x336: {  	v4 =	vtrunc.f32 v4;
	v9 =	vtrunc.f32 v9;
	v15 =	vld [tilespmem:s1+$0x80D0]  }
0x337: {  	v9 =	vcvt.f32.s32 v9;
	v10 =	vtrunc.f32 v10;
	v13 =	vadd.s32 v13, v3;
	[tilespmem:v14+s15+$0x0] =	vst.idx.add.s32.msk $0xffff, v2  }
0x338: {  	v10 =	vcvt.f32.s32 v10;
	v14 =	vmul.f32 $2.560000000e+02, v16;
	v16 =	vld [tilespmem:s1+$0x8150]  }
0x339: {  	v4 =	vcvt.f32.s32 v4;
	v9 =	vadd.s32 v9, v3;
	v17 =	vmul.f32 $2.560000000e+02, v17;
	v19 =	vld [tilespmem:s1+$0x8550]  }
0x33a: {  	v10 =	vadd.s32 v10, v3;
	[tilespmem:v12+s15+$0x0] =	vst.idx.add.s32.msk $0xffff, v2  }
0x33b: {  	v4 =	vadd.s32 v4, v3;
	v18 =	vmul.f32 $2.560000000e+02, v18;
	v12 =	vtrunc.f32 v17;
	v17 =	vld [tilespmem:s1+$0x85D0]  }
0x33c: {  	[tilespmem:v13+s15+$0x0] =	vst.idx.add.s32.msk $0xffff, v2;
	v13 =	vtrunc.f32 v14;
	v14 =	vmul.f32 $2.560000000e+02, v15  }
0x33d: {  	v18 =	vtrunc.f32 v18;
	v15 =	vld [tilespmem:s1+$0x81D0];
	v13 =	vcvt.f32.s32 v13  }
0x33e: {  	v18 =	vcvt.f32.s32 v18;
	v14 =	vtrunc.f32 v14;
	s28 =	sld [smem:$0x7EA];
	[tilespmem:v9+s15+$0x0] =	vst.idx.add.s32.msk $0xffff, v2  }
0x33f: {  	v16 =	vmul.f32 $2.560000000e+02, v16;
	v19 =	vmul.f32 $2.560000000e+02, v19;
	v13 =	vadd.s32 v13, v3;
	s29 =	sld [smem:$0x7EB];
	[tilespmem:v10+s15+$0x0] =	vst.idx.add.s32.msk $0xffff, v2  }
0x340: {  	v12 =	vcvt.f32.s32 v12;
	v18 =	vadd.s32 v18, v3;
	s30 =	sld [smem:$0x7EC];
	[tilespmem:v4+s15+$0x0] =	vst.idx.add.s32.msk $0xffff, v2;
	v17 =	vmul.f32 $2.560000000e+02, v17  }
0x341: {  	v14 =	vcvt.f32.s32 v14;
	v16 =	vtrunc.f32 v16;
	v5 =	vld [tilespmem:s28+$0x8000]  }
0x342: {  	v12 =	vadd.s32 v12, v3;
	v16 =	vcvt.f32.s32 v16;
	v9 =	vld [tilespmem:s29+$0x8000];
	v4 =	vtrunc.f32 v17  }
0x343: {  	v8 =	vmul.f32 $2.560000000e+02, v8;
	v14 =	vadd.s32 v14, v3;
	v10 =	vld [tilespmem:s30+$0x8000];
	v4 =	vcvt.f32.s32 v4  }
0x344: {  	v19 =	vtrunc.f32 v19;
	v15 =	vmul.f32 $2.560000000e+02, v15;
	v16 =	vadd.s32 v16, v3;
	[tilespmem:v13+s15+$0x0] =	vst.idx.add.s32.msk $0xffff, v2  }
0x345: {  	v8 =	vtrunc.f32 v8;
	v19 =	vcvt.f32.s32 v19;
	[tilespmem:v18+s15+$0x0] =	vst.idx.add.s32.msk $0xffff, v2;
	v4 =	vadd.s32 v4, v3  }
0x346: {  	v8 =	vcvt.f32.s32 v8;
	v15 =	vtrunc.f32 v15;
	v18 =	vld [tilespmem:s1+$0x84E0]  }
0x347: {  	v7 =	vmul.f32 $2.560000000e+02, v7;
	v15 =	vcvt.f32.s32 v15;
	v17 =	vadd.s32 v19, v3;
	[tilespmem:v12+s15+$0x0] =	vst.idx.add.s32.msk $0xffff, v2  }
0x348: {  	v6 =	vmul.f32 $2.560000000e+02, v6;
	[tilespmem:v14+s15+$0x0] =	vst.idx.add.s32.msk $0xffff, v2;
	v19 =	vadd.s32 v8, v3  }
0x349: {  	v7 =	vtrunc.f32 v7;
	v13 =	vadd.s32 v15, v3;
	[tilespmem:v16+s15+$0x0] =	vst.idx.add.s32.msk $0xffff, v2  }
0x34a: {  	[tilespmem:v4+s15+$0x0] =	vst.idx.add.s32.msk $0xffff, v2;
	v4 =	vtrunc.f32 v6;
	v6 =	vcvt.f32.s32 v7  }
0x34b: {  	v16 =	vld [tilespmem:s1+$0x80E0]  }
0x34c: {  	[tilespmem:v17+s15+$0x0] =	vst.idx.add.s32.msk $0xffff, v2;
	v17 =	vadd.s32 v6, v3  }
0x34d: {  	[tilespmem:v19+s15+$0x0] =	vst.idx.add.s32.msk $0xffff, v2  }
0x34e: {  	v11 =	vmul.f32 $2.560000000e+02, v11;
	[tilespmem:v13+s15+$0x0] =	vst.idx.add.s32.msk $0xffff, v2  }
0x34f: {  	v13 =	vld [tilespmem:s1+$0x8460]  }
0x350: {  	v11 =	vtrunc.f32 v11;
	v7 =	vld [tilespmem:s1+$0x8060]  }
0x351: {  	v11 =	vcvt.f32.s32 v11;
	v8 =	vmul.f32 $2.560000000e+02, v10;
	[tilespmem:v17+s15+$0x0] =	vst.idx.add.s32.msk $0xffff, v2  }
0x352: {  	v63 =	vld [tilespmem:s1+$0x8160];
	v21 =	vmul.f32 $2.560000000e+02, v16;
	v16 =	vmul.f32 $2.560000000e+02, v18;
	s19 =	sld [smem:$0x7F1]  }
0x353: {  	v15 =	vcvt.f32.s32 v4;
	v4 =	vmul.f32 $2.560000000e+02, v5;
	s16 =	sld [smem:$0x7F2]  }
.Ltmp3:
0x354: {  	v5 =	vmul.f32 $2.560000000e+02, v9;
	v9 =	vtrunc.f32 v8;
	s24 =	sld [smem:$0x7F3];
	(pc) =	sbr.rel @!p1 .LBB2_8-.Ltmp3, $4  }
0x355: {  	v6 =	vtrunc.f32 v4;
	v10 =	vmul.f32 $2.560000000e+02, v13;
	v13 =	vadd.s32 v15, v3;
	s31 =	sld [smem:$0x7F0]  }
0x356: {  	v11 =	vadd.s32 v11, v3;
	v14 =	vld [tilespmem:s1+$0x8560];
	v12 =	vtrunc.f32 v5;
	v7 =	vmul.f32 $2.560000000e+02, v7;
	s6 =	sld [smem:$0x7EF]  }
0x357: {  	v4 =	vld [tilespmem:s1+$0x81E0];
	v15 =	vmul.f32 $2.560000000e+02, v63;
	v8 =	vtrunc.f32 v10;
	s25 =	sld [smem:$0x7EE]  }
0x358: {  	p0 =	por !p0, !p0;
	s26 =	simm.s32 $0x180;
	v5 =	vld [tilespmem:s1+$0x85E0];
	v10 =	vtrunc.f32 v21;
	v7 =	vtrunc.f32 v7;
	s8 =	sld [smem:$0x7ED]  }
.LBB2_7:
0x359: {  	_ = 	snop  }
0x35a: {  	[tilespmem:v13+s15+$0x0] =	vst.idx.add.s32.msk $0xffff, v2  }
0x35b: {  	s26 =	sadd.s32 $0x800, s26;
	[tilespmem:v11+s15+$0x0] =	vst.idx.add.s32.msk $0xffff, v2  }
0x35c: {  	s2 =	sadd.s32 $0x200, s2;
	v17 =	vcvt.f32.s32 v6;
	s23 =	sadd.s32 $0xFFFFFE80, s26;
	v6 =	vld [tilespmem:s6+$0x8000]  }
0x35d: {  	s3 =	sand.u32 $0x200, s2;
	s5 =	sand.u32 $0x7000, s23;
	v13 =	vmul.f32 $2.560000000e+02, v14;
	v14 =	vmul.f32 $2.560000000e+02, v4;
	v4 =	vld [tilespmem:s8+$0x8000]  }
0x35e: {  	v11 =	vtrunc.f32 v15;
	s29 =	sor.u32 s3, s5;
	v15 =	vmul.f32 $2.560000000e+02, v5;
	v5 =	vld [tilespmem:s25+$0x8000]  }
0x35f: {  	v26 =	vld [tilespmem:s29+$0x8000]  }
0x360: {  	v27 =	vld [tilespmem:s29+$0x8400]  }
0x361: {  	s0 =	simm.s32 $0x1;
	v28 =	vld [tilespmem:s29+$0x8080]  }
0x362: {  	s0 =	simm.s32 @!p0 $0x0;
	v29 =	vld [tilespmem:s29+$0x8480]  }
0x363: {  	s0 =	sshll.u32 s0, $0x9;
	v30 =	vld [tilespmem:s29+$0x8100]  }
0x364: {  	s4 =	sadd.s32 s23, s0;
	v31 =	vld [tilespmem:s29+$0x8500]  }
0x365: {  	s0 =	sadd.s32 s26, s0;
	s30 =	sadd.s32 $0x180, s4;
	v32 =	vld [tilespmem:s29+$0x8180]  }
0x366: {  	s8 =	sadd.s32 $0xFFFFFE80, s0;
	v33 =	vld [tilespmem:s29+$0x8580];
	s21 =	sor.u32 $0xC00, s30  }
0x367: {  	v12 =	vcvt.f32.s32 v12;
	s18 =	sor.u32 $0x800, s8;
	v18 =	vld [tilespmem:s21+$0x8000]  }
0x368: {  	v19 =	vcvt.f32.s32 v7;
	[dreg:$0x4] =	wrdreg s2;
	v7 =	vadd.s32 v17, v3;
	s2 =	sadd.s32 $0xFFFFFF00, s0;
	s22 =	sor.u32 $0xC00, s8;
	v17 =	vld [tilespmem:s18+$0x8000]  }
0x369: {  	v20 =	vcvt.f32.s32 v8;
	v8 =	vadd.s32 v12, v3;
	s9 =	sor.u32 $0x800, s2;
	v12 =	vld [tilespmem:s22+$0x8000]  }
0x36a: {  	v9 =	vcvt.f32.s32 v9;
	s20 =	sadd.s32 $0xFFFFFF80, s0;
	s10 =	sor.u32 $0xC00, s2;
	v21 =	vld [tilespmem:s9+$0x8000]  }
0x36b: {  	s28 =	sor.u32 $0x800, s20;
	v22 =	vld [tilespmem:s10+$0x8000]  }
0x36c: {  	v10 =	vcvt.f32.s32 v10;
	v16 =	vtrunc.f32 v16;
	v9 =	vadd.s32 v9, v3;
	s11 =	sor.u32 $0xC00, s20;
	v23 =	vld [tilespmem:s28+$0x8000]  }
0x36d: {  	v16 =	vcvt.f32.s32 v16;
	v11 =	vcvt.f32.s32 v11;
	v19 =	vadd.s32 v19, v3;
	s25 =	sor.u32 $0x800, s30;
	v24 =	vld [tilespmem:s11+$0x8000]  }
0x36e: {  	v20 =	vadd.s32 v20, v3;
	v13 =	vtrunc.f32 v13;
	v14 =	vtrunc.f32 v14;
	v25 =	vld [tilespmem:s25+$0x8000]  }
0x36f: {  	v10 =	vadd.s32 v10, v3;
	v15 =	vtrunc.f32 v15;
	v13 =	vcvt.f32.s32 v13;
	[tilespmem:v7+s15+$0x0] =	vst.idx.add.s32.msk $0xffff, v2  }
0x370: {  	v16 =	vadd.s32 v16, v3;
	v14 =	vcvt.f32.s32 v14;
	[tilespmem:v8+s15+$0x0] =	vst.idx.add.s32.msk $0xffff, v2;
	v39 =	vmul.f32 $2.560000000e+02, v29  }
0x371: {  	v11 =	vadd.s32 v11, v3;
	v15 =	vcvt.f32.s32 v15;
	[tilespmem:v9+s15+$0x0] =	vst.idx.add.s32.msk $0xffff, v2;
	v30 =	vmul.f32 $2.560000000e+02, v30  }
0x372: {  	[tilespmem:v19+s15+$0x0] =	vst.idx.add.s32.msk $0xffff, v2;
	v13 =	vadd.s32 v13, v3;
	v41 =	vmul.f32 $2.560000000e+02, v32;
	v7 =	vtrunc.f32 v39  }
0x373: {  	[tilespmem:v20+s15+$0x0] =	vst.idx.add.s32.msk $0xffff, v2;
	v14 =	vadd.s32 v14, v3;
	v8 =	vtrunc.f32 v30;
	v7 =	vcvt.f32.s32 v7  }
0x374: {  	[tilespmem:v10+s15+$0x0] =	vst.idx.add.s32.msk $0xffff, v2;
	v15 =	vadd.s32 v15, v3;
	v9 =	vtrunc.f32 v41;
	v8 =	vcvt.f32.s32 v8  }
0x375: {  	[tilespmem:v16+s15+$0x0] =	vst.idx.add.s32.msk $0xffff, v2;
	v9 =	vcvt.f32.s32 v9;
	v7 =	vadd.s32 v7, v3  }
0x376: {  	[tilespmem:v11+s15+$0x0] =	vst.idx.add.s32.msk $0xffff, v2;
	v18 =	vmul.f32 $2.560000000e+02, v18;
	v8 =	vadd.s32 v8, v3  }
0x377: {  	s9 =	sor.u32 $0x830, s8;
	v27 =	vmul.f32 $2.560000000e+02, v27;
	v17 =	vmul.f32 $2.560000000e+02, v17;
	[tilespmem:v13+s15+$0x0] =	vst.idx.add.s32.msk $0xffff, v2;
	v9 =	vadd.s32 v9, v3  }
0x378: {  	[smem:$0x786] =	sst s9;
	s9 =	sor.u32 $0x830, s2;
	v12 =	vmul.f32 $2.560000000e+02, v12;
	v18 =	vtrunc.f32 v18;
	[tilespmem:v14+s15+$0x0] =	vst.idx.add.s32.msk $0xffff, v2  }
0x379: {  	[smem:$0x788] =	sst s9;
	s9 =	sor.u32 $0x830, s20;
	v17 =	vtrunc.f32 v17;
	v18 =	vcvt.f32.s32 v18;
	[tilespmem:v15+s15+$0x0] =	vst.idx.add.s32.msk $0xffff, v2  }
0x37a: {  	[smem:$0x78A] =	sst s9;
	s9 =	sor.u32 $0xC40, s8;
	v21 =	vmul.f32 $2.560000000e+02, v21;
	v17 =	vcvt.f32.s32 v17;
	[tilespmem:v7+s15+$0x0] =	vst.idx.add.s32.msk $0xffff, v2  }
0x37b: {  	[smem:$0x78E] =	sst s9;
	s9 =	sor.u32 $0xC40, s2;
	v22 =	vmul.f32 $2.560000000e+02, v22;
	v12 =	vtrunc.f32 v12;
	v18 =	vadd.s32 v18, v3;
	[tilespmem:v8+s15+$0x0] =	vst.idx.add.s32.msk $0xffff, v2  }
0x37c: {  	[smem:$0x790] =	sst s9;
	s9 =	sor.u32 $0xC40, s20;
	v21 =	vtrunc.f32 v21;
	v12 =	vcvt.f32.s32 v12;
	v10 =	vadd.s32 v17, v3;
	[tilespmem:v9+s15+$0x0] =	vst.idx.add.s32.msk $0xffff, v2  }
0x37d: {  	[smem:$0x792] =	sst s9;
	s9 =	sor.u32 $0x850, s2;
	v22 =	vtrunc.f32 v22;
	v16 =	vcvt.f32.s32 v21;
	v51 =	vld [tilespmem:s29+$0x8190]  }
0x37e: {  	v27 =	vtrunc.f32 v27;
	[smem:$0x796] =	sst s9;
	s9 =	sor.u32 $0xC50, s20;
	v45 =	vcvt.f32.s32 v22;
	v12 =	vadd.s32 v12, v3;
	v61 =	vld [tilespmem:s1+$0x84F0]  }
0x37f: {  	[smem:$0x799] =	sst s9;
	s9 =	sor.u32 $0xC60, s8;
	v14 =	vcvt.f32.s32 v27;
	v16 =	vadd.s32 v16, v3;
	v62 =	vld [tilespmem:s1+$0x8170]  }
0x380: {  	[dreg:$0x1a] =	wrdreg s9;
	s9 =	sor.u32 $0x860, s20;
	v20 =	vadd.s32 v45, v3;
	[tilespmem:v18+s15+$0x0] =	vst.idx.add.s32.msk $0xffff, v2  }
0x381: {  	[dreg:$0x6] =	wrdreg s9;
	s9 =	sor.u32 $0xC10, s30;
	v14 =	vadd.s32 v14, v3;
	[tilespmem:v10+s15+$0x0] =	vst.idx.add.s32.msk $0xffff, v2  }
0x382: {  	v40 =	vld [tilespmem:s9+$0x8000]  }
0x383: {  	v19 =	vmul.f32 $2.560000000e+02, v33;
	[tilespmem:v12+s15+$0x0] =	vst.idx.add.s32.msk $0xffff, v2  }
0x384: {  	[tilespmem:v16+s15+$0x0] =	vst.idx.add.s32.msk $0xffff, v2  }
0x385: {  	v23 =	vmul.f32 $2.560000000e+02, v23;
	v17 =	vtrunc.f32 v19;
	[tilespmem:v20+s15+$0x0] =	vst.idx.add.s32.msk $0xffff, v2  }
0x386: {  	s17 =	sor.u32 $0x810, s8;
	v24 =	vmul.f32 $2.560000000e+02, v24;
	v15 =	vcvt.f32.s32 v17;
	[tilespmem:v14+s15+$0x0] =	vst.idx.add.s32.msk $0xffff, v2  }
0x387: {  	s3 =	sor.u32 $0x810, s2;
	v23 =	vtrunc.f32 v23;
	v48 =	vld [tilespmem:s17+$0x8000];
	v43 =	vmul.f32 $2.560000000e+02, v40  }
0x388: {  	s4 =	sor.u32 $0xC10, s2;
	v24 =	vtrunc.f32 v24;
	v11 =	vcvt.f32.s32 v23;
	v15 =	vadd.s32 v15, v3;
	v7 =	vld [tilespmem:s3+$0x8000]  }
0x389: {  	v46 =	vcvt.f32.s32 v24;
	v8 =	vld [tilespmem:s4+$0x8000];
	v44 =	vtrunc.f32 v43  }
0x38a: {  	v10 =	vadd.s32 v11, v3;
	v16 =	vld [tilespmem:s29+$0x8410];
	v19 =	vcvt.f32.s32 v44  }
0x38b: {  	v12 =	vadd.s32 v46, v3;
	v54 =	vld [tilespmem:s31+$0x8000]  }
0x38c: {  	v31 =	vmul.f32 $2.560000000e+02, v31;
	v25 =	vmul.f32 $2.560000000e+02, v25;
	v59 =	vld [tilespmem:s1+$0x8470];
	v19 =	vadd.s32 v19, v3  }
0x38d: {  	v26 =	vmul.f32 $2.560000000e+02, v26;
	v28 =	vmul.f32 $2.560000000e+02, v28;
	[tilespmem:v15+s15+$0x0] =	vst.idx.add.s32.msk $0xffff, v2  }
0x38e: {  	v42 =	vtrunc.f32 v31;
	v25 =	vtrunc.f32 v25;
	v52 =	vld [tilespmem:s29+$0x8590]  }
0x38f: {  	v18 =	vtrunc.f32 v26;
	v11 =	vcvt.f32.s32 v42;
	[tilespmem:v10+s15+$0x0] =	vst.idx.add.s32.msk $0xffff, v2  }
0x390: {  	v13 =	vcvt.f32.s32 v18;
	v18 =	vcvt.f32.s32 v25;
	[tilespmem:v12+s15+$0x0] =	vst.idx.add.s32.msk $0xffff, v2  }
0x391: {  	p1 =	slt.u32 s23, $0x7800;
	s23 =	sor.u32 $0xC20, s30;
	v28 =	vtrunc.f32 v28;
	v49 =	vadd.s32 v11, v3;
	[tilespmem:v19+s15+$0x0] =	vst.idx.add.s32.msk $0xffff, v2  }
0x392: {  	s12 =	sor.u32 $0x810, s20;
	v47 =	vcvt.f32.s32 v28;
	v17 =	vadd.s32 v18, v3;
	v19 =	vld [tilespmem:s23+$0x8000]  }
0x393: {  	v13 =	vadd.s32 v13, v3;
	v9 =	vld [tilespmem:s12+$0x8000]  }
0x394: {  	v18 =	vadd.s32 v47, v3;
	v55 =	vld [tilespmem:s19+$0x8000]  }
0x395: {  	v6 =	vmul.f32 $2.560000000e+02, v6;
	v56 =	vld [tilespmem:s16+$0x8000]  }
0x396: {  	v4 =	vmul.f32 $2.560000000e+02, v4;
	v5 =	vmul.f32 $2.560000000e+02, v5;
	[tilespmem:v49+s15+$0x0] =	vst.idx.add.s32.msk $0xffff, v2  }
0x397: {  	v6 =	vtrunc.f32 v6;
	[tilespmem:v17+s15+$0x0] =	vst.idx.add.s32.msk $0xffff, v2;
	v10 =	vmul.f32 $2.560000000e+02, v19  }
0x398: {  	v4 =	vtrunc.f32 v4;
	v5 =	vtrunc.f32 v5;
	[tilespmem:v13+s15+$0x0] =	vst.idx.add.s32.msk $0xffff, v2  }
0x399: {  	v4 =	vcvt.f32.s32 v4;
	[tilespmem:v18+s15+$0x0] =	vst.idx.add.s32.msk $0xffff, v2;
	v10 =	vtrunc.f32 v10  }
0x39a: {  	v5 =	vcvt.f32.s32 v5;
	v18 =	vld [tilespmem:s29+$0x8490];
	v13 =	vcvt.f32.s32 v10  }
0x39b: {  	v11 =	vmul.f32 $2.560000000e+02, v48;
	v7 =	vmul.f32 $2.560000000e+02, v7;
	v50 =	vld [tilespmem:s29+$0x8510]  }
0x39c: {  	s18 =	sor.u32 $0x810, s30;
	v63 =	vld [tilespmem:s1+$0x8570];
	v10 =	vadd.s32 v5, v3;
	v5 =	vcvt.f32.s32 v6;
	v6 =	vadd.s32 v13, v3  }
0x39d: {  	v8 =	vmul.f32 $2.560000000e+02, v8;
	v12 =	vtrunc.f32 v11;
	v14 =	vld [tilespmem:s18+$0x8000]  }
0x39e: {  	v11 =	vadd.s32 v4, v3;
	v7 =	vtrunc.f32 v7;
	v4 =	vcvt.f32.s32 v12;
	v15 =	vld [tilespmem:s29+$0x8010]  }
0x39f: {  	v8 =	vtrunc.f32 v8;
	v17 =	vld [tilespmem:s29+$0x8090];
	v7 =	vcvt.f32.s32 v7  }
0x3a0: {  	v57 =	vld [tilespmem:s24+$0x8000];
	v8 =	vcvt.f32.s32 v8;
	v4 =	vadd.s32 v4, v3;
	v9 =	vmul.f32 $2.560000000e+02, v9  }
0x3a1: {  	v22 =	vmul.f32 $2.560000000e+02, v52;
	v7 =	vadd.s32 v7, v3;
	s23 =	sor.u32 $0xC30, s30;
	[tilespmem:v6+s15+$0x0] =	vst.idx.add.s32.msk $0xffff, v2  }
0x3a2: {  	v8 =	vadd.s32 v8, v3;
	v9 =	vtrunc.f32 v9;
	v12 =	vadd.s32 v5, v3;
	v5 =	vld [tilespmem:s23+$0x8000]  }
0x3a3: {  	v58 =	vld [tilespmem:s1+$0x8070];
	v22 =	vtrunc.f32 v22;
	v9 =	vcvt.f32.s32 v9  }
0x3a4: {  	v60 =	vld [tilespmem:s1+$0x80F0];
	v34 =	vcvt.f32.s32 v22  }
0x3a5: {  	v18 =	vmul.f32 $2.560000000e+02, v18;
	[tilespmem:v4+s15+$0x0] =	vst.idx.add.s32.msk $0xffff, v2;
	v9 =	vadd.s32 v9, v3  }
0x3a6: {  	v14 =	vmul.f32 $2.560000000e+02, v14;
	v15 =	vmul.f32 $2.560000000e+02, v15;
	[tilespmem:v7+s15+$0x0] =	vst.idx.add.s32.msk $0xffff, v2;
	v7 =	vadd.s32 v34, v3  }
0x3a7: {  	s13 =	sor.u32 $0x820, s8;
	v18 =	vtrunc.f32 v18;
	[tilespmem:v8+s15+$0x0] =	vst.idx.add.s32.msk $0xffff, v2;
	v5 =	vmul.f32 $2.560000000e+02, v5  }
0x3a8: {  	s7 =	sor.u32 $0xC10, s8;
	v14 =	vtrunc.f32 v14;
	v18 =	vcvt.f32.s32 v18;
	v53 =	vld [tilespmem:s13+$0x8000]  }
0x3a9: {  	v14 =	vcvt.f32.s32 v14;
	v6 =	vld [tilespmem:s7+$0x8000];
	v5 =	vtrunc.f32 v5  }
0x3aa: {  	v17 =	vmul.f32 $2.560000000e+02, v17;
	v18 =	vadd.s32 v18, v3;
	[tilespmem:v9+s15+$0x0] =	vst.idx.add.s32.msk $0xffff, v2;
	v5 =	vcvt.f32.s32 v5  }
0x3ab: {  	v15 =	vtrunc.f32 v15;
	v14 =	vadd.s32 v14, v3;
	[tilespmem:v7+s15+$0x0] =	vst.idx.add.s32.msk $0xffff, v2  }
0x3ac: {  	v4 =	vtrunc.f32 v17;
	v15 =	vcvt.f32.s32 v15;
	v19 =	vld [tilespmem:s29+$0x8110];
	v5 =	vadd.s32 v5, v3  }
0x3ad: {  	v36 =	vmul.f32 $2.560000000e+02, v54;
	v4 =	vcvt.f32.s32 v4;
	v54 =	vld [tilespmem:s29+$0x85A0]  }
0x3ae: {  	v15 =	vadd.s32 v15, v3;
	v34 =	vld [tilespmem:s1+$0x85F0];
	v6 =	vmul.f32 $2.560000000e+02, v6  }
0x3af: {  	v4 =	vadd.s32 v4, v3;
	[tilespmem:v18+s15+$0x0] =	vst.idx.add.s32.msk $0xffff, v2  }
0x3b0: {  	v16 =	vmul.f32 $2.560000000e+02, v16;
	[tilespmem:v14+s15+$0x0] =	vst.idx.add.s32.msk $0xffff, v2;
	v6 =	vtrunc.f32 v6  }
0x3b1: {  	v17 =	vmul.f32 $2.560000000e+02, v50;
	s7 =	sor.u32 $0xC40, s30;
	v6 =	vcvt.f32.s32 v6;
	[tilespmem:v5+s15+$0x0] =	vst.idx.add.s32.msk $0xffff, v2  }
0x3b2: {  	v5 =	vtrunc.f32 v16;
	v16 =	vmul.f32 $2.560000000e+02, v19;
	v19 =	vld [tilespmem:s7+$0x8000]  }
0x3b3: {  	[tilespmem:v15+s15+$0x0] =	vst.idx.add.s32.msk $0xffff, v2  }
0x3b4: {  	s21 =	sor.u32 $0xC10, s20;
	v17 =	vtrunc.f32 v17;
	[tilespmem:v4+s15+$0x0] =	vst.idx.add.s32.msk $0xffff, v2;
	v6 =	vadd.s32 v6, v3  }
0x3b5: {  	v17 =	vcvt.f32.s32 v17;
	v13 =	vld [tilespmem:s21+$0x8000]  }
0x3b6: {  	s28 =	sor.u32 $0x820, s30;
	v20 =	vmul.f32 $2.560000000e+02, v53;
	v48 =	vld [tilespmem:s29+$0x84A0];
	v5 =	vcvt.f32.s32 v5  }
0x3b7: {  	v17 =	vadd.s32 v17, v3;
	v42 =	vld [tilespmem:s28+$0x8000];
	v19 =	vmul.f32 $2.560000000e+02, v19  }
0x3b8: {  	v20 =	vtrunc.f32 v20;
	v43 =	vld [tilespmem:s29+$0x8020];
	v5 =	vadd.s32 v5, v3  }
0x3b9: {  	s5 =	sor.u32 $0xC20, s8;
	v20 =	vcvt.f32.s32 v20;
	[tilespmem:v6+s15+$0x0] =	vst.idx.add.s32.msk $0xffff, v2;
	v19 =	vtrunc.f32 v19  }
0x3ba: {  	v13 =	vmul.f32 $2.560000000e+02, v13;
	v35 =	vld [tilespmem:s5+$0x8000];
	v19 =	vcvt.f32.s32 v19  }
0x3bb: {  	v21 =	vmul.f32 $2.560000000e+02, v51;
	v46 =	vld [tilespmem:s29+$0x80A0];
	v20 =	vadd.s32 v20, v3;
	v16 =	vtrunc.f32 v16  }
0x3bc: {  	[tilespmem:v17+s15+$0x0] =	vst.idx.add.s32.msk $0xffff, v2;
	v13 =	vtrunc.f32 v13;
	v16 =	vcvt.f32.s32 v16;
	v19 =	vadd.s32 v19, v3  }
0x3bd: {  	v13 =	vcvt.f32.s32 v13;
	[tilespmem:v5+s15+$0x0] =	vst.idx.add.s32.msk $0xffff, v2  }
0x3be: {  	v21 =	vtrunc.f32 v21;
	v8 =	vmul.f32 $2.560000000e+02, v55;
	v16 =	vadd.s32 v16, v3;
	v44 =	vld [tilespmem:s29+$0x8420]  }
0x3bf: {  	v51 =	vld [tilespmem:s29+$0x8520];
	v6 =	vadd.s32 v13, v3;
	v13 =	vcvt.f32.s32 v21;
	v22 =	vmul.f32 $2.560000000e+02, v35  }
0x3c0: {  	v37 =	vmul.f32 $2.560000000e+02, v57;
	v8 =	vtrunc.f32 v8;
	[tilespmem:v20+s15+$0x0] =	vst.idx.add.s32.msk $0xffff, v2  }
0x3c1: {  	s6 =	sor.u32 $0xC30, s8;
	s12 =	sor.u32 $0xC50, s30;
	v9 =	vmul.f32 $2.560000000e+02, v56;
	v13 =	vadd.s32 v13, v3;
	v22 =	vtrunc.f32 v22;
	[tilespmem:v19+s15+$0x0] =	vst.idx.add.s32.msk $0xffff, v2  }
0x3c2: {  	[smem:$0x787] =	sst s6;
	s6 =	sor.u32 $0xC30, s2;
	v8 =	vcvt.f32.s32 v8;
	v15 =	vcvt.f32.s32 v22;
	v19 =	vld [tilespmem:s12+$0x8000]  }
0x3c3: {  	s25 =	sor.u32 $0xC30, s20;
	[smem:$0x789] =	sst s6;
	v9 =	vtrunc.f32 v9;
	[tilespmem:v16+s15+$0x0] =	vst.idx.add.s32.msk $0xffff, v2;
	v21 =	vmul.f32 $2.560000000e+02, v44  }
0x3c4: {  	[smem:$0x78B] =	sst s25;
	s6 =	sor.u32 $0x840, s8;
	v18 =	vmul.f32 $2.560000000e+02, v63;
	v9 =	vcvt.f32.s32 v9;
	v22 =	vadd.s32 v15, v3;
	v49 =	vld [tilespmem:s29+$0x8120]  }
0x3c5: {  	s25 =	sor.u32 $0x830, s30;
	[smem:$0x78D] =	sst s6;
	v50 =	vmul.f32 $2.560000000e+02, v43;
	[tilespmem:v6+s15+$0x0] =	vst.idx.add.s32.msk $0xffff, v2;
	v21 =	vtrunc.f32 v21  }
0x3c6: {  	[smem:$0x78C] =	sst s25;
	s6 =	sor.u32 $0x840, s2;
	v17 =	vtrunc.f32 v37;
	[tilespmem:v13+s15+$0x0] =	vst.idx.add.s32.msk $0xffff, v2;
	v21 =	vcvt.f32.s32 v21  }
0x3c7: {  	[smem:$0x78F] =	sst s6;
	v25 =	vtrunc.f32 v50;
	v53 =	vld [tilespmem:s29+$0x81A0];
	v14 =	vmul.f32 $2.560000000e+02, v19  }
0x3c8: {  	s25 =	sor.u32 $0x840, s20;
	s17 =	sld [smem:$0x786];
	v27 =	vmul.f32 $2.560000000e+02, v51;
	v63 =	vld [tilespmem:s1+$0x81F0];
	v21 =	vadd.s32 v21, v3;
	v19 =	vmul.f32 $2.560000000e+02, v59  }
0x3c9: {  	s10 =	sor.u32 $0x820, s2;
	[smem:$0x791] =	sst s25;
	s6 =	sor.u32 $0x850, s8;
	[tilespmem:v22+s15+$0x0] =	vst.idx.add.s32.msk $0xffff, v2;
	v56 =	vmul.f32 $2.560000000e+02, v49;
	v5 =	vtrunc.f32 v14  }
0x3ca: {  	[smem:$0x794] =	sst s6;
	v13 =	vtrunc.f32 v19;
	v19 =	vld [tilespmem:s10+$0x8000];
	v4 =	vcvt.f32.s32 v5  }
0x3cb: {  	s25 =	sor.u32 $0x840, s30;
	s18 =	sld [smem:$0x787];
	v22 =	vtrunc.f32 v56;
	v14 =	vmul.f32 $2.560000000e+02, v60;
	v60 =	vld [tilespmem:s17+$0x8000]  }
0x3cc: {  	[smem:$0x793] =	sst s25;
	s6 =	sor.u32 $0xC50, s8;
	v27 =	vtrunc.f32 v27;
	v22 =	vcvt.f32.s32 v22;
	[tilespmem:v11+s15+$0x0] =	vst.idx.add.s32.msk $0xffff, v2;
	v4 =	vadd.s32 v4, v3  }
0x3cd: {  	s25 =	sor.u32 $0xC50, s2;
	[smem:$0x795] =	sst s6;
	v25 =	vcvt.f32.s32 v25;
	v37 =	vcvt.f32.s32 v27;
	[tilespmem:v21+s15+$0x0] =	vst.idx.add.s32.msk $0xffff, v2  }
0x3ce: {  	s14 =	sor.u32 $0xC20, s2;
	[smem:$0x797] =	sst s25;
	s6 =	sor.u32 $0x850, s20;
	v22 =	vadd.s32 v22, v3;
	v5 =	vmul.f32 $2.560000000e+02, v61;
	v61 =	vld [tilespmem:s18+$0x8000];
	v7 =	vtrunc.f32 v14  }
0x3cf: {  	s25 =	sor.u32 $0x850, s30;
	[smem:$0x798] =	sst s6;
	s1 =	smov.u32 s29;
	[tilespmem:v10+s15+$0x0] =	vst.idx.add.s32.msk $0xffff, v2;
	v40 =	vcvt.f32.s32 v7;
	v7 =	vmul.f32 $2.560000000e+02, v19  }
0x3d0: {  	s0 =	sor.u32 $0x870, s8;
	[smem:$0x79A] =	sst s25;
	s6 =	sor.u32 $0x860, s8;
	v15 =	vmul.f32 $2.560000000e+02, v62;
	v16 =	vtrunc.f32 v36;
	v49 =	vld [tilespmem:s1+$0x8430]  }
0x3d1: {  	s22 =	sor.u32 $0x820, s20;
	s25 =	sor.u32 $0x860, s2;
	[dreg:$0x1e] =	wrdreg s6;
	v14 =	vadd.s32 v8, v3;
	v8 =	vtrunc.f32 v7;
	[tilespmem:v4+s15+$0x0] =	vst.idx.add.s32.msk $0xffff, v2;
	v4 =	vcvt.f32.s32 v16  }
0x3d2: {  	s11 =	sor.u32 $0xC20, s20;
	[dreg:$0x13] =	wrdreg s25;
	s6 =	sor.u32 $0xC60, s2;
	v10 =	vadd.s32 v25, v3;
	v16 =	vcvt.f32.s32 v17;
	v17 =	vld [tilespmem:s14+$0x8000];
	v45 =	vcvt.f32.s32 v8  }
0x3d3: {  	s25 =	sor.u32 $0xC60, s20;
	[dreg:$0x14] =	wrdreg s6;
	s13 =	sor.u32 $0xC60, s30;
	v55 =	vmul.f32 $2.560000000e+02, v48;
	v15 =	vtrunc.f32 v15;
	v25 =	vadd.s32 v37, v3;
	[tilespmem:v22+s15+$0x0] =	vst.idx.add.s32.msk $0xffff, v2  }
0x3d4: {  	[dreg:$0xe] =	wrdreg s25;
	s25 =	sor.u32 $0x860, s30;
	s6 =	sor.u32 $0x870, s2;
	v57 =	vmul.f32 $2.560000000e+02, v53;
	v24 =	vmul.f32 $2.560000000e+02, v60;
	v38 =	vld [tilespmem:s13+$0x8000];
	v23 =	vadd.s32 v45, v3  }
0x3d5: {  	[dreg:$0xa] =	wrdreg s25;
	s25 =	sor.u32 $0xC70, s8;
	s8 =	sor.u32 $0xC70, s2;
	v41 =	vcvt.f32.s32 v15;
	v39 =	vcvt.f32.s32 v13;
	v13 =	vadd.s32 v4, v3;
	v4 =	vld [tilespmem:s22+$0x8000]  }
0x3d6: {  	s2 =	sor.u32 $0xC70, s20;
	s9 =	sor.u32 $0x870, s20;
	s20 =	sor.u32 $0x870, s30;
	v5 =	vtrunc.f32 v5;
	v19 =	vld [tilespmem:s11+$0x8000];
	v24 =	vtrunc.f32 v24  }
0x3d7: {  	s24 =	smov.u32 s20;
	s20 =	sld [smem:$0x788];
	[tilespmem:v10+s15+$0x0] =	vst.idx.add.s32.msk $0xffff, v2;
	v10 =	vcvt.f32.s32 v24;
	v17 =	vmul.f32 $2.560000000e+02, v17  }
0x3d8: {  	v15 =	vadd.s32 v9, v3;
	v20 =	vtrunc.f32 v57;
	v5 =	vcvt.f32.s32 v5;
	[tilespmem:v25+s15+$0x0] =	vst.idx.add.s32.msk $0xffff, v2  }
0x3d9: {  	v45 =	vadd.s32 v10, v3;
	v9 =	vmul.f32 $2.560000000e+02, v38;
	v17 =	vtrunc.f32 v17;
	[tilespmem:v23+s15+$0x0] =	vst.idx.add.s32.msk $0xffff, v2  }
0x3da: {  	v47 =	vmul.f32 $2.560000000e+02, v4;
	v17 =	vcvt.f32.s32 v17;
	v62 =	vld [tilespmem:s20+$0x8000]  }
0x3db: {  	v4 =	vtrunc.f32 v9;
	v9 =	vadd.s32 v5, v3;
	[tilespmem:v12+s15+$0x0] =	vst.idx.add.s32.msk $0xffff, v2;
	v12 =	vcvt.f32.s32 v20  }
0x3dc: {  	s29 =	sld [smem:$0x78D];
	v48 =	vld [tilespmem:s1+$0x8030];
	v5 =	vmul.f32 $2.560000000e+02, v19;
	v19 =	vcvt.f32.s32 v4;
	v17 =	vadd.s32 v17, v3  }
0x3dd: {  	v18 =	vtrunc.f32 v18;
	v53 =	vld [tilespmem:s1+$0x8530];
	v12 =	vadd.s32 v12, v3  }
0x3de: {  	v18 =	vcvt.f32.s32 v18;
	[tilespmem:v45+s15+$0x0] =	vst.idx.add.s32.msk $0xffff, v2;
	v19 =	vadd.s32 v19, v3  }
0x3df: {  	v60 =	vld [tilespmem:s29+$0x8000];
	v28 =	vtrunc.f32 v47;
	v52 =	vtrunc.f32 v5  }
0x3e0: {  	v28 =	vcvt.f32.s32 v28;
	v31 =	vcvt.f32.s32 v52;
	v52 =	vld [tilespmem:s1+$0x8130]  }
0x3e1: {  	s21 =	sld [smem:$0x789];
	v26 =	vmul.f32 $2.560000000e+02, v42;
	v5 =	vadd.s32 v18, v3;
	v18 =	vmul.f32 $2.560000000e+02, v46;
	[tilespmem:v17+s15+$0x0] =	vst.idx.add.s32.msk $0xffff, v2  }
0x3e2: {  	v28 =	vadd.s32 v28, v3;
	[tilespmem:v12+s15+$0x0] =	vst.idx.add.s32.msk $0xffff, v2  }
0x3e3: {  	v26 =	vtrunc.f32 v26;
	v18 =	vtrunc.f32 v18;
	v31 =	vadd.s32 v31, v3;
	[tilespmem:v19+s15+$0x0] =	vst.idx.add.s32.msk $0xffff, v2  }
0x3e4: {  	v59 =	vmul.f32 $2.560000000e+02, v54;
	v7 =	vadd.s32 v39, v3;
	v18 =	vcvt.f32.s32 v18;
	v39 =	vld [tilespmem:s21+$0x8000]  }
0x3e5: {  	v26 =	vcvt.f32.s32 v26;
	s14 =	sor.u32 $0xC70, s30;
	v54 =	vld [tilespmem:s1+$0x81B0]  }
0x3e6: {  	v6 =	vmul.f32 $2.560000000e+02, v58;
	s22 =	sld [smem:$0x78A];
	v23 =	vtrunc.f32 v59;
	v18 =	vadd.s32 v18, v3;
	v58 =	vld [tilespmem:s14+$0x8000]  }
0x3e7: {  	v17 =	vcvt.f32.s32 v23;
	v19 =	vtrunc.f32 v55;
	[tilespmem:v28+s15+$0x0] =	vst.idx.add.s32.msk $0xffff, v2  }
0x3e8: {  	v11 =	vcvt.f32.s32 v19;
	v19 =	vadd.s32 v26, v3;
	[tilespmem:v31+s15+$0x0] =	vst.idx.add.s32.msk $0xffff, v2  }
0x3e9: {  	v17 =	vadd.s32 v17, v3;
	v12 =	vld [tilespmem:s22+$0x8000]  }
0x3ea: {  	v22 =	vmul.f32 $2.560000000e+02, v48;
	[tilespmem:v14+s15+$0x0] =	vst.idx.add.s32.msk $0xffff, v2  }
0x3eb: {  	[tilespmem:v18+s15+$0x0] =	vst.idx.add.s32.msk $0xffff, v2  }
0x3ec: {  	s23 =	sld [smem:$0x78B];
	v22 =	vtrunc.f32 v22;
	v50 =	vld [tilespmem:s1+$0x80B0]  }
0x3ed: {  	v22 =	vcvt.f32.s32 v22;
	v4 =	vadd.s32 v41, v3;
	v41 =	vmul.f32 $2.560000000e+02, v62;
	[tilespmem:v19+s15+$0x0] =	vst.idx.add.s32.msk $0xffff, v2  }
0x3ee: {  	s28 =	sld [smem:$0x78C];
	v16 =	vadd.s32 v16, v3;
	[tilespmem:v17+s15+$0x0] =	vst.idx.add.s32.msk $0xffff, v2  }
0x3ef: {  	v24 =	vmul.f32 $2.560000000e+02, v49;
	v43 =	vtrunc.f32 v41;
	v14 =	vadd.s32 v22, v3;
	v17 =	vld [tilespmem:s23+$0x8000]  }
0x3f0: {  	v42 =	vmul.f32 $2.560000000e+02, v63;
	v20 =	vcvt.f32.s32 v43;
	v11 =	vadd.s32 v11, v3;
	[tilespmem:v15+s15+$0x0] =	vst.idx.add.s32.msk $0xffff, v2  }
0x3f1: {  	v8 =	vadd.s32 v40, v3;
	v40 =	vmul.f32 $2.560000000e+02, v61;
	v24 =	vtrunc.f32 v24;
	v47 =	vld [tilespmem:s28+$0x8000]  }
0x3f2: {  	v24 =	vcvt.f32.s32 v24;
	v46 =	vmul.f32 $2.560000000e+02, v34;
	v18 =	vadd.s32 v20, v3;
	v55 =	vld [tilespmem:s1+$0x85B0]  }
0x3f3: {  	v57 =	vmul.f32 $2.560000000e+02, v52;
	v26 =	vtrunc.f32 v40;
	[tilespmem:v16+s15+$0x0] =	vst.idx.add.s32.msk $0xffff, v2  }
0x3f4: {  	v23 =	vmul.f32 $2.560000000e+02, v39;
	v59 =	vmul.f32 $2.560000000e+02, v54;
	v15 =	vadd.s32 v24, v3;
	[tilespmem:v14+s15+$0x0] =	vst.idx.add.s32.msk $0xffff, v2  }
0x3f5: {  	s3 =	sld [smem:$0x78F];
	v29 =	vmul.f32 $2.560000000e+02, v58;
	v19 =	vcvt.f32.s32 v26;
	[tilespmem:v11+s15+$0x0] =	vst.idx.add.s32.msk $0xffff, v2  }
0x3f6: {  	v44 =	vtrunc.f32 v23;
	v12 =	vmul.f32 $2.560000000e+02, v12;
	v51 =	vld [tilespmem:s1+$0x84B0]  }
0x3f7: {  	v29 =	vtrunc.f32 v29;
	v19 =	vadd.s32 v19, v3;
	v10 =	vcvt.f32.s32 v44;
	[tilespmem:v18+s15+$0x0] =	vst.idx.add.s32.msk $0xffff, v2  }
0x3f8: {  	v58 =	vtrunc.f32 v57;
	v36 =	vcvt.f32.s32 v29;
	v63 =	vld [tilespmem:s3+$0x8000]  }
0x3f9: {  	v12 =	vtrunc.f32 v12;
	v18 =	vmul.f32 $2.560000000e+02, v53;
	v21 =	vadd.s32 v10, v3;
	[tilespmem:v15+s15+$0x0] =	vst.idx.add.s32.msk $0xffff, v2  }
0x3fa: {  	s30 =	sld [smem:$0x78E];
	v11 =	vtrunc.f32 v42;
	v12 =	vcvt.f32.s32 v12;
	v38 =	vadd.s32 v36, v3;
	v42 =	vld [tilespmem:s1+$0x8440]  }
0x3fb: {  	v17 =	vmul.f32 $2.560000000e+02, v17;
	v18 =	vtrunc.f32 v18;
	[tilespmem:v7+s15+$0x0] =	vst.idx.add.s32.msk $0xffff, v2  }
0x3fc: {  	v25 =	vmul.f32 $2.560000000e+02, v50;
	v18 =	vcvt.f32.s32 v18;
	[tilespmem:v19+s15+$0x0] =	vst.idx.add.s32.msk $0xffff, v2  }
0x3fd: {  	s4 =	sld [smem:$0x790];
	v20 =	vmul.f32 $2.560000000e+02, v47;
	v12 =	vadd.s32 v12, v3;
	v17 =	vtrunc.f32 v17;
	v62 =	vld [tilespmem:s30+$0x8000]  }
0x3fe: {  	v19 =	vtrunc.f32 v25;
	v17 =	vcvt.f32.s32 v17;
	v18 =	vadd.s32 v18, v3;
	[tilespmem:v21+s15+$0x0] =	vst.idx.add.s32.msk $0xffff, v2  }
0x3ff: {  	v20 =	vtrunc.f32 v20;
	v19 =	vcvt.f32.s32 v19;
	[tilespmem:v38+s15+$0x0] =	vst.idx.add.s32.msk $0xffff, v2  }
0x400: {  	v61 =	vmul.f32 $2.560000000e+02, v55;
	v20 =	vcvt.f32.s32 v20;
	v33 =	vld [tilespmem:s4+$0x8000];
	v17 =	vadd.s32 v17, v3  }
0x401: {  	v25 =	vtrunc.f32 v59;
	v21 =	vcvt.f32.s32 v58;
	[tilespmem:v13+s15+$0x0] =	vst.idx.add.s32.msk $0xffff, v2;
	v19 =	vadd.s32 v19, v3  }
0x402: {  	v27 =	vtrunc.f32 v61;
	v34 =	vcvt.f32.s32 v25;
	v20 =	vadd.s32 v20, v3;
	[tilespmem:v12+s15+$0x0] =	vst.idx.add.s32.msk $0xffff, v2  }
0x403: {  	v35 =	vcvt.f32.s32 v27;
	v16 =	vadd.s32 v21, v3;
	[tilespmem:v18+s15+$0x0] =	vst.idx.add.s32.msk $0xffff, v2  }
0x404: {  	v10 =	vcvt.f32.s32 v11;
	v11 =	vtrunc.f32 v46;
	v12 =	vadd.s32 v34, v3;
	v46 =	vld [tilespmem:s1+$0x8540]  }
0x405: {  	v37 =	vadd.s32 v35, v3;
	[tilespmem:v17+s15+$0x0] =	vst.idx.add.s32.msk $0xffff, v2  }
0x406: {  	[tilespmem:v19+s15+$0x0] =	vst.idx.add.s32.msk $0xffff, v2  }
0x407: {  	v56 =	vmul.f32 $2.560000000e+02, v51;
	[tilespmem:v20+s15+$0x0] =	vst.idx.add.s32.msk $0xffff, v2  }
0x408: {  	s5 =	sld [smem:$0x791];
	[tilespmem:v16+s15+$0x0] =	vst.idx.add.s32.msk $0xffff, v2  }
0x409: {  	s7 =	sld [smem:$0x792];
	v23 =	vtrunc.f32 v56;
	[tilespmem:v12+s15+$0x0] =	vst.idx.add.s32.msk $0xffff, v2  }
0x40a: {  	v13 =	vcvt.f32.s32 v23;
	[tilespmem:v37+s15+$0x0] =	vst.idx.add.s32.msk $0xffff, v2  }
0x40b: {  	v6 =	vtrunc.f32 v6;
	v39 =	vmul.f32 $2.560000000e+02, v63;
	v12 =	vld [tilespmem:s5+$0x8000]  }
0x40c: {  	s19 =	smov.u32 s9;
	s9 =	sld [smem:$0x793];
	v6 =	vcvt.f32.s32 v6;
	v36 =	vmul.f32 $2.560000000e+02, v60;
	v13 =	vadd.s32 v13, v3;
	v16 =	vld [tilespmem:s7+$0x8000]  }
0x40d: {  	v41 =	vtrunc.f32 v39;
	v38 =	vmul.f32 $2.560000000e+02, v62;
	v43 =	vld [tilespmem:s1+$0x80C0]  }
0x40e: {  	v17 =	vtrunc.f32 v36;
	v40 =	vmul.f32 $2.560000000e+02, v33;
	[tilespmem:v8+s15+$0x0] =	vst.idx.add.s32.msk $0xffff, v2  }
0x40f: {  	v14 =	vtrunc.f32 v38;
	v19 =	vcvt.f32.s32 v41;
	v18 =	vld [tilespmem:s9+$0x8000]  }
0x410: {  	v15 =	vcvt.f32.s32 v17;
	v14 =	vcvt.f32.s32 v14;
	v45 =	vld [tilespmem:s1+$0x8140]  }
0x411: {  	v6 =	vadd.s32 v6, v3;
	v20 =	vmul.f32 $2.560000000e+02, v42;
	v17 =	vtrunc.f32 v40;
	[tilespmem:v13+s15+$0x0] =	vst.idx.add.s32.msk $0xffff, v2  }
0x412: {  	v13 =	vcvt.f32.s32 v17;
	v17 =	vadd.s32 v19, v3;
	v19 =	vld [tilespmem:s1+$0x8040]  }
0x413: {  	v47 =	vld [tilespmem:s1+$0x81C0];
	v14 =	vadd.s32 v14, v3;
	v20 =	vtrunc.f32 v20  }
0x414: {  	v48 =	vld [tilespmem:s1+$0x85C0];
	v20 =	vcvt.f32.s32 v20;
	v12 =	vmul.f32 $2.560000000e+02, v12  }
0x415: {  	v15 =	vadd.s32 v15, v3;
	v44 =	vld [tilespmem:s1+$0x84C0];
	v16 =	vmul.f32 $2.560000000e+02, v16;
	v21 =	vmul.f32 $2.560000000e+02, v43  }
0x416: {  	[tilespmem:v6+s15+$0x0] =	vst.idx.add.s32.msk $0xffff, v2;
	v18 =	vmul.f32 $2.560000000e+02, v18;
	v49 =	vmul.f32 $2.560000000e+02, v45  }
0x417: {  	[tilespmem:v9+s15+$0x0] =	vst.idx.add.s32.msk $0xffff, v2;
	v13 =	vadd.s32 v13, v3;
	v12 =	vtrunc.f32 v12;
	v19 =	vmul.f32 $2.560000000e+02, v19  }
0x418: {  	s10 =	sld [smem:$0x794];
	v16 =	vtrunc.f32 v16;
	[tilespmem:v14+s15+$0x0] =	vst.idx.add.s32.msk $0xffff, v2;
	v14 =	vtrunc.f32 v21  }
0x419: {  	[tilespmem:v17+s15+$0x0] =	vst.idx.add.s32.msk $0xffff, v2;
	v17 =	vmul.f32 $2.560000000e+02, v46;
	v18 =	vtrunc.f32 v18  }
0x41a: {  	s11 =	sld [smem:$0x795];
	[tilespmem:v15+s15+$0x0] =	vst.idx.add.s32.msk $0xffff, v2;
	v15 =	vmul.f32 $2.560000000e+02, v44;
	v12 =	vcvt.f32.s32 v12  }
0x41b: {  	s12 =	sld [smem:$0x796];
	v8 =	vadd.s32 v20, v3;
	v51 =	vld [tilespmem:s10+$0x8000];
	v16 =	vcvt.f32.s32 v16;
	v14 =	vcvt.f32.s32 v14  }
0x41c: {  	s13 =	sld [smem:$0x797];
	v19 =	vtrunc.f32 v19;
	[tilespmem:v13+s15+$0x0] =	vst.idx.add.s32.msk $0xffff, v2;
	v13 =	vtrunc.f32 v49;
	v12 =	vadd.s32 v12, v3  }
0x41d: {  	v53 =	vld [tilespmem:s11+$0x8000];
	v17 =	vtrunc.f32 v17;
	v18 =	vcvt.f32.s32 v18;
	v16 =	vadd.s32 v16, v3  }
0x41e: {  	v54 =	vld [tilespmem:s12+$0x8000];
	v15 =	vtrunc.f32 v15;
	v19 =	vcvt.f32.s32 v19;
	v14 =	vadd.s32 v14, v3  }
0x41f: {  	v55 =	vld [tilespmem:s13+$0x8000];
	v13 =	vcvt.f32.s32 v13;
	v6 =	vcvt.f32.s32 v15;
	v15 =	vadd.s32 v18, v3  }
0x420: {  	v17 =	vcvt.f32.s32 v17;
	[tilespmem:v8+s15+$0x0] =	vst.idx.add.s32.msk $0xffff, v2;
	v7 =	vadd.s32 v19, v3  }
0x421: {  	v9 =	vadd.s32 v13, v3;
	[tilespmem:v12+s15+$0x0] =	vst.idx.add.s32.msk $0xffff, v2  }
0x422: {  	v13 =	vadd.s32 v17, v3;
	[tilespmem:v16+s15+$0x0] =	vst.idx.add.s32.msk $0xffff, v2  }
0x423: {  	[tilespmem:v14+s15+$0x0] =	vst.idx.add.s32.msk $0xffff, v2  }
0x424: {  	v50 =	vmul.f32 $2.560000000e+02, v47;
	[tilespmem:v15+s15+$0x0] =	vst.idx.add.s32.msk $0xffff, v2  }
0x425: {  	s14 =	sld [smem:$0x798];
	v52 =	vmul.f32 $2.560000000e+02, v48;
	[tilespmem:v7+s15+$0x0] =	vst.idx.add.s32.msk $0xffff, v2  }
0x426: {  	s18 =	sld [smem:$0x79A];
	v21 =	vtrunc.f32 v50;
	v6 =	vadd.s32 v6, v3;
	v17 =	vmul.f32 $2.560000000e+02, v51;
	[tilespmem:v9+s15+$0x0] =	vst.idx.add.s32.msk $0xffff, v2  }
0x427: {  	v23 =	vtrunc.f32 v52;
	v18 =	vcvt.f32.s32 v21;
	[tilespmem:v13+s15+$0x0] =	vst.idx.add.s32.msk $0xffff, v2  }
0x428: {  	v16 =	vtrunc.f32 v17;
	v17 =	vmul.f32 $2.560000000e+02, v55;
	v9 =	vld [tilespmem:s14+$0x8000]  }
0x429: {  	v19 =	vcvt.f32.s32 v23;
	v56 =	vmul.f32 $2.560000000e+02, v54;
	v13 =	vld [tilespmem:s18+$0x8000]  }
0x42a: {  	v8 =	vcvt.f32.s32 v16;
	v16 =	vtrunc.f32 v17;
	v17 =	vld [tilespmem:s1+$0x80D0]  }
0x42b: {  	v12 =	vadd.s32 v18, v3;
	v15 =	vtrunc.f32 v56;
	[tilespmem:v6+s15+$0x0] =	vst.idx.add.s32.msk $0xffff, v2  }
0x42c: {  	v18 =	vadd.s32 v19, v3;
	v19 =	vmul.f32 $2.560000000e+02, v53;
	v14 =	vcvt.f32.s32 v15;
	v15 =	vld [tilespmem:s1+$0x8050]  }
0x42d: {  	v6 =	vcvt.f32.s32 v16;
	v16 =	vld [tilespmem:s1+$0x8450]  }
0x42e: {  	v7 =	vtrunc.f32 v19;
	v19 =	vld [tilespmem:s1+$0x8150]  }
0x42f: {  	v57 =	vld [tilespmem:s1+$0x8550]  }
0x430: {  	[tilespmem:v4+s15+$0x0] =	vst.idx.add.s32.msk $0xffff, v2  }
0x431: {  	s17 =	sld [smem:$0x799];
	[tilespmem:v5+s15+$0x0] =	vst.idx.add.s32.msk $0xffff, v2  }
0x432: {  	[tilespmem:v12+s15+$0x0] =	vst.idx.add.s32.msk $0xffff, v2  }
0x433: {  	v14 =	vadd.s32 v14, v3;
	[tilespmem:v18+s15+$0x0] =	vst.idx.add.s32.msk $0xffff, v2  }
0x434: {  	v11 =	vcvt.f32.s32 v11;
	v10 =	vadd.s32 v10, v3;
	v7 =	vcvt.f32.s32 v7;
	v12 =	vld [tilespmem:s17+$0x8000]  }
0x435: {  	v8 =	vadd.s32 v8, v3;
	v18 =	vld [tilespmem:s1+$0x84D0];
	v9 =	vmul.f32 $2.560000000e+02, v9;
	v13 =	vmul.f32 $2.560000000e+02, v13  }
0x436: {  	v7 =	vadd.s32 v7, v3;
	v58 =	vld [tilespmem:s1+$0x81D0];
	v17 =	vmul.f32 $2.560000000e+02, v17;
	v15 =	vmul.f32 $2.560000000e+02, v15  }
0x437: {  	v11 =	vadd.s32 v11, v3;
	v59 =	vld [tilespmem:s1+$0x85D0];
	v16 =	vmul.f32 $2.560000000e+02, v16;
	v9 =	vtrunc.f32 v9  }
0x438: {  	v6 =	vadd.s32 v6, v3;
	v13 =	vtrunc.f32 v13;
	[tilespmem:v14+s15+$0x0] =	vst.idx.add.s32.msk $0xffff, v2;
	v14 =	vmul.f32 $2.560000000e+02, v57  }
0x439: {  	[tilespmem:v10+s15+$0x0] =	vst.idx.add.s32.msk $0xffff, v2;
	v12 =	vmul.f32 $2.560000000e+02, v12;
	v15 =	vtrunc.f32 v15  }
0x43a: {  	[tilespmem:v8+s15+$0x0] =	vst.idx.add.s32.msk $0xffff, v2;
	v16 =	vtrunc.f32 v16;
	v8 =	vmul.f32 $2.560000000e+02, v18  }
0x43b: {  	[tilespmem:v7+s15+$0x0] =	vst.idx.add.s32.msk $0xffff, v2;
	v7 =	vtrunc.f32 v17;
	v9 =	vcvt.f32.s32 v9  }
0x43c: {  	[tilespmem:v11+s15+$0x0] =	vst.idx.add.s32.msk $0xffff, v2;
	v17 =	vmul.f32 $2.560000000e+02, v19;
	v13 =	vcvt.f32.s32 v13  }
0x43d: {  	s20 =	rddreg [dreg:$0x1e];
	[tilespmem:v6+s15+$0x0] =	vst.idx.add.s32.msk $0xffff, v2;
	v15 =	vcvt.f32.s32 v15;
	v8 =	vtrunc.f32 v8;
	v9 =	vadd.s32 v9, v3  }
0x43e: {  	s22 =	rddreg [dreg:$0x13];
	v18 =	vld [tilespmem:s20+$0x8000];
	v16 =	vcvt.f32.s32 v16;
	v4 =	vcvt.f32.s32 v8;
	v8 =	vadd.s32 v13, v3  }
0x43f: {  	s21 =	rddreg [dreg:$0x1a];
	v61 =	vld [tilespmem:s22+$0x8000];
	v7 =	vcvt.f32.s32 v7;
	v12 =	vtrunc.f32 v12;
	v5 =	vadd.s32 v15, v3  }
0x440: {  	s23 =	rddreg [dreg:$0x14];
	v60 =	vld [tilespmem:s21+$0x8000];
	v12 =	vcvt.f32.s32 v12;
	v10 =	vadd.s32 v16, v3  }
0x441: {  	v14 =	vtrunc.f32 v14;
	v62 =	vld [tilespmem:s23+$0x8000];
	v6 =	vtrunc.f32 v17;
	v7 =	vadd.s32 v7, v3  }
0x442: {  	v19 =	vmul.f32 $2.560000000e+02, v59;
	v6 =	vcvt.f32.s32 v6;
	v12 =	vadd.s32 v12, v3;
	[tilespmem:v9+s15+$0x0] =	vst.idx.add.s32.msk $0xffff, v2  }
0x443: {  	v17 =	vmul.f32 $2.560000000e+02, v58;
	v13 =	vcvt.f32.s32 v14;
	v4 =	vadd.s32 v4, v3;
	[tilespmem:v8+s15+$0x0] =	vst.idx.add.s32.msk $0xffff, v2  }
0x444: {  	v6 =	vadd.s32 v6, v3;
	[tilespmem:v5+s15+$0x0] =	vst.idx.add.s32.msk $0xffff, v2  }
0x445: {  	v19 =	vtrunc.f32 v19;
	v17 =	vtrunc.f32 v17;
	v16 =	vadd.s32 v13, v3;
	[tilespmem:v10+s15+$0x0] =	vst.idx.add.s32.msk $0xffff, v2  }
0x446: {  	v15 =	vcvt.f32.s32 v19;
	v14 =	vcvt.f32.s32 v17;
	[tilespmem:v7+s15+$0x0] =	vst.idx.add.s32.msk $0xffff, v2  }
0x447: {  	v13 =	vmul.f32 $2.560000000e+02, v60;
	[tilespmem:v12+s15+$0x0] =	vst.idx.add.s32.msk $0xffff, v2  }
0x448: {  	v9 =	vadd.s32 v14, v3;
	v14 =	vadd.s32 v15, v3;
	v15 =	vmul.f32 $2.560000000e+02, v61;
	[tilespmem:v4+s15+$0x0] =	vst.idx.add.s32.msk $0xffff, v2  }
0x449: {  	[tilespmem:v6+s15+$0x0] =	vst.idx.add.s32.msk $0xffff, v2  }
0x44a: {  	v5 =	vtrunc.f32 v13;
	v8 =	vtrunc.f32 v15;
	[tilespmem:v16+s15+$0x0] =	vst.idx.add.s32.msk $0xffff, v2  }
0x44b: {  	v5 =	vcvt.f32.s32 v5;
	v7 =	vcvt.f32.s32 v8;
	v8 =	vld [tilespmem:s1+$0x8060]  }
0x44c: {  	s29 =	rddreg [dreg:$0xe];
	v16 =	vld [tilespmem:s1+$0x80E0]  }
0x44d: {  	v11 =	vmul.f32 $2.560000000e+02, v18;
	v15 =	vadd.s32 v5, v3;
	v5 =	vld [tilespmem:s29+$0x8000]  }
0x44e: {  	v12 =	vmul.f32 $2.560000000e+02, v62;
	v17 =	vld [tilespmem:s1+$0x84E0]  }
0x44f: {  	v11 =	vtrunc.f32 v11;
	v18 =	vld [tilespmem:s1+$0x8160]  }
0x450: {  	s30 =	rddreg [dreg:$0xa];
	v10 =	vcvt.f32.s32 v11;
	v11 =	vtrunc.f32 v12;
	[tilespmem:v9+s15+$0x0] =	vst.idx.add.s32.msk $0xffff, v2  }
0x451: {  	v13 =	vadd.s32 v7, v3;
	v7 =	vld [tilespmem:s30+$0x8000];
	v4 =	vcvt.f32.s32 v11  }
0x452: {  	s28 =	rddreg [dreg:$0x6];
	v10 =	vadd.s32 v10, v3;
	v9 =	vld [tilespmem:s1+$0x8460]  }
0x453: {  	v11 =	vadd.s32 v4, v3;
	v4 =	vld [tilespmem:s28+$0x8000]  }
0x454: {  	v8 =	vmul.f32 $2.560000000e+02, v8;
	v63 =	vmul.f32 $2.560000000e+02, v16  }
0x455: {  	[tilespmem:v14+s15+$0x0] =	vst.idx.add.s32.msk $0xffff, v2;
	v5 =	vmul.f32 $2.560000000e+02, v5;
	v16 =	vmul.f32 $2.560000000e+02, v17  }
.Ltmp4:
0x456: {  	[tilespmem:v15+s15+$0x0] =	vst.idx.add.s32.msk $0xffff, v2;
	v15 =	vmul.f32 $2.560000000e+02, v18;
	v7 =	vmul.f32 $2.560000000e+02, v7;
	(pc) =	sbr.rel @p1 .LBB2_7-.Ltmp4, $4  }
0x457: {  	[tilespmem:v10+s15+$0x0] =	vst.idx.add.s32.msk $0xffff, v2;
	v19 =	vmul.f32 $2.560000000e+02, v9;
	v10 =	vtrunc.f32 v63  }
0x458: {  	v14 =	vld [tilespmem:s1+$0x8560];
	v12 =	vtrunc.f32 v5;
	v4 =	vmul.f32 $2.560000000e+02, v4  }
0x459: {  	p0 =	por !p0, !p0;
	s31 =	smov.u32 s8;
	v5 =	vld [tilespmem:s1+$0x85E0];
	v9 =	vtrunc.f32 v7;
	v7 =	vtrunc.f32 v8  }
0x45a: {  	s8 =	smov.u32 s0;
	s16 =	smov.u32 s2;
	s2 =	rddreg [dreg:$0x4];
	v8 =	vtrunc.f32 v19;
	v6 =	vtrunc.f32 v4;
	v4 =	vld [tilespmem:s1+$0x81E0]  }
.LBB2_8:
0x45b: {  	_ =	sdelay $0x2  }
0x45c: {  	v6 =	vcvt.f32.s32 v6  }
0x45d: {  	v12 =	vcvt.f32.s32 v12;
	[tilespmem:v13+s15+$0x0] =	vst.idx.add.s32.msk $0xffff, v2  }
0x45e: {  	v9 =	vcvt.f32.s32 v9;
	[tilespmem:v11+s15+$0x0] =	vst.idx.add.s32.msk $0xffff, v2;
	v6 =	vadd.s32 v6, v3  }
0x45f: {  	v7 =	vcvt.f32.s32 v7;
	v36 =	vld [tilespmem:s25+$0x8000];
	v33 =	vadd.s32 v12, v3  }
0x460: {  	v8 =	vcvt.f32.s32 v8;
	v17 =	vld [tilespmem:s6+$0x8000];
	v9 =	vadd.s32 v9, v3  }
0x461: {  	v10 =	vcvt.f32.s32 v10;
	v15 =	vtrunc.f32 v15;
	v39 =	vld [tilespmem:s31+$0x8000];
	v7 =	vadd.s32 v7, v3  }
0x462: {  	v15 =	vcvt.f32.s32 v15;
	v35 =	vld [tilespmem:s8+$0x8000];
	v8 =	vadd.s32 v8, v3  }
0x463: {  	v10 =	vadd.s32 v10, v3;
	[tilespmem:v6+s15+$0x0] =	vst.idx.add.s32.msk $0xffff, v2  }
0x464: {  	v38 =	vadd.s32 v15, v3;
	[tilespmem:v33+s15+$0x0] =	vst.idx.add.s32.msk $0xffff, v2  }
0x465: {  	[tilespmem:v9+s15+$0x0] =	vst.idx.add.s32.msk $0xffff, v2  }
0x466: {  	[tilespmem:v7+s15+$0x0] =	vst.idx.add.s32.msk $0xffff, v2  }
0x467: {  	[tilespmem:v8+s15+$0x0] =	vst.idx.add.s32.msk $0xffff, v2  }
0x468: {  	v34 =	vtrunc.f32 v16;
	[tilespmem:v10+s15+$0x0] =	vst.idx.add.s32.msk $0xffff, v2  }
0x469: {  	v14 =	vmul.f32 $2.560000000e+02, v14;
	v12 =	vcvt.f32.s32 v34;
	[tilespmem:v38+s15+$0x0] =	vst.idx.add.s32.msk $0xffff, v2  }
0x46a: {  	v4 =	vmul.f32 $2.560000000e+02, v4;
	v40 =	vld [tilespmem:s19+$0x8000]  }
0x46b: {  	v14 =	vtrunc.f32 v14;
	v12 =	vadd.s32 v12, v3;
	v5 =	vmul.f32 $2.560000000e+02, v5;
	v41 =	vld [tilespmem:s16+$0x8000]  }
0x46c: {  	v37 =	vcvt.f32.s32 v14;
	v4 =	vtrunc.f32 v4;
	v9 =	vld [tilespmem:s24+$0x8000]  }
0x46d: {  	v5 =	vtrunc.f32 v5;
	v44 =	vmul.f32 $2.560000000e+02, v36;
	v43 =	vld [tilespmem:s1+$0x8070]  }
0x46e: {  	v45 =	vmul.f32 $2.560000000e+02, v17;
	v6 =	vadd.s32 v37, v3;
	v42 =	vmul.f32 $2.560000000e+02, v35;
	v46 =	vld [tilespmem:s1+$0x8470]  }
0x46f: {  	v4 =	vcvt.f32.s32 v4;
	v5 =	vcvt.f32.s32 v5;
	v47 =	vld [tilespmem:s1+$0x80F0]  }
0x470: {  	v13 =	vtrunc.f32 v45;
	[tilespmem:v12+s15+$0x0] =	vst.idx.add.s32.msk $0xffff, v2;
	v10 =	vtrunc.f32 v42  }
0x471: {  	v12 =	vtrunc.f32 v44;
	v49 =	vld [tilespmem:s1+$0x8170];
	v13 =	vcvt.f32.s32 v13  }
0x472: {  	v48 =	vld [tilespmem:s1+$0x84F0];
	v10 =	vcvt.f32.s32 v10;
	v12 =	vcvt.f32.s32 v12  }
0x473: {  	[tilespmem:v6+s15+$0x0] =	vst.idx.add.s32.msk $0xffff, v2;
	v6 =	vmul.f32 $2.560000000e+02, v39;
	v7 =	vmul.f32 $2.560000000e+02, v40  }
0x474: {  	v4 =	vadd.s32 v4, v3;
	v8 =	vmul.f32 $2.560000000e+02, v41;
	v11 =	vmul.f32 $2.560000000e+02, v43  }
0x475: {  	v5 =	vadd.s32 v5, v3;
	v9 =	vmul.f32 $2.560000000e+02, v9;
	v14 =	vmul.f32 $2.560000000e+02, v46  }
0x476: {  	v15 =	vmul.f32 $2.560000000e+02, v47;
	v17 =	vmul.f32 $2.560000000e+02, v49  }
0x477: {  	v6 =	vtrunc.f32 v6;
	v16 =	vmul.f32 $2.560000000e+02, v48  }
0x478: {  	v51 =	vadd.s32 v13, v3;
	v18 =	vld [tilespmem:s1+$0x8570];
	v7 =	vtrunc.f32 v7;
	v8 =	vtrunc.f32 v8  }
0x479: {  	v10 =	vadd.s32 v10, v3;
	[tilespmem:v4+s15+$0x0] =	vst.idx.add.s32.msk $0xffff, v2;
	v9 =	vtrunc.f32 v9;
	v6 =	vcvt.f32.s32 v6  }
0x47a: {  	v50 =	vadd.s32 v12, v3;
	[tilespmem:v5+s15+$0x0] =	vst.idx.add.s32.msk $0xffff, v2;
	v11 =	vtrunc.f32 v11;
	v7 =	vcvt.f32.s32 v7  }
0x47b: {  	v52 =	vtrunc.f32 v14;
	v53 =	vld [tilespmem:s1+$0x81F0];
	v8 =	vcvt.f32.s32 v8;
	v6 =	vadd.s32 v6, v3  }
0x47c: {  	v54 =	vtrunc.f32 v15;
	v55 =	vld [tilespmem:s1+$0x85F0];
	v9 =	vcvt.f32.s32 v9;
	v7 =	vadd.s32 v7, v3  }
0x47d: {  	v11 =	vcvt.f32.s32 v11;
	v56 =	vtrunc.f32 v17;
	[tilespmem:v51+s15+$0x0] =	vst.idx.add.s32.msk $0xffff, v2;
	v8 =	vadd.s32 v8, v3  }
0x47e: {  	v12 =	vcvt.f32.s32 v52;
	v14 =	vcvt.f32.s32 v54;
	[tilespmem:v10+s15+$0x0] =	vst.idx.add.s32.msk $0xffff, v2;
	v9 =	vadd.s32 v9, v3  }
0x47f: {  	v16 =	vtrunc.f32 v16;
	[tilespmem:v50+s15+$0x0] =	vst.idx.add.s32.msk $0xffff, v2;
	v18 =	vmul.f32 $2.560000000e+02, v18;
	v11 =	vadd.s32 v11, v3  }
0x480: {  	v59 =	vcvt.f32.s32 v56;
	v58 =	vcvt.f32.s32 v16;
	v12 =	vadd.s32 v12, v3;
	[tilespmem:v6+s15+$0x0] =	vst.idx.add.s32.msk $0xffff, v2  }
0x481: {  	v60 =	vadd.s32 v14, v3;
	v57 =	vtrunc.f32 v18;
	v13 =	vmul.f32 $2.560000000e+02, v53;
	[tilespmem:v7+s15+$0x0] =	vst.idx.add.s32.msk $0xffff, v2  }
0x482: {  	v61 =	vmul.f32 $2.560000000e+02, v55;
	v5 =	vadd.s32 v58, v3;
	v4 =	vcvt.f32.s32 v57;
	[tilespmem:v8+s15+$0x0] =	vst.idx.add.s32.msk $0xffff, v2  }
0x483: {  	v62 =	vtrunc.f32 v13;
	v6 =	vadd.s32 v59, v3;
	[tilespmem:v9+s15+$0x0] =	vst.idx.add.s32.msk $0xffff, v2  }
0x484: {  	v63 =	vtrunc.f32 v61;
	v7 =	vcvt.f32.s32 v62;
	v4 =	vadd.s32 v4, v3;
	[tilespmem:v11+s15+$0x0] =	vst.idx.add.s32.msk $0xffff, v2  }
0x485: {  	v8 =	vcvt.f32.s32 v63;
	[tilespmem:v12+s15+$0x0] =	vst.idx.add.s32.msk $0xffff, v2  }
0x486: {  	[tilespmem:v60+s15+$0x0] =	vst.idx.add.s32.msk $0xffff, v2;
	v7 =	vadd.s32 v7, v3  }
0x487: {  	v3 =	vadd.s32 v8, v3;
	[tilespmem:v5+s15+$0x0] =	vst.idx.add.s32.msk $0xffff, v2  }
0x488: {  	[tilespmem:v6+s15+$0x0] =	vst.idx.add.s32.msk $0xffff, v2  }
0x489: {  	[tilespmem:v4+s15+$0x0] =	vst.idx.add.s32.msk $0xffff, v2  }
0x48a: {  	s0 =	sld [smem:$0x7F7]  }
0x48b: {  	s29 =	sld [smem:$0x79B];
	[tilespmem:v7+s15+$0x0] =	vst.idx.add.s32.msk $0xffff, v2  }
0x48c: {  	[tilespmem:v3+s15+$0x0] =	vst.idx.add.s32.msk $0xffff, v2  }
0x48d: {  	s3 =	sld [smem:$0x7B3];
	_ =	sdelay $0x2  }
0x48e: {  	s3 =	sadd.s32 $0x1, s3  }
0x48f: {  	p0 =	sne.s32 s3, $0xC  }
.Ltmp5:
0x490: {  	_ = 	snop;
	(pc) =	sbr.rel @p0 .LBB2_4-.Ltmp5, $4  }
0x491: {  	s0 =	sadd.s32 s29, s0  }
0x492: {  	s30 =	rddreg [dreg:$0x0];
	s0 =	sshll.u32 s0, $0x6  }
0x493: {  	s2 =	simm.s32 $0x8000;
	s31 =	simm.s32 $0x0;
	s0 =	sadd.s32 s30, s0  }
0x494: {  	[tilespmem:s2], [sflag:$0x2] =	stream.linear.gather [hbm4b:s0+s31], $0x8000, $0x38;
	[tilespmem:$0x13300] =	vst v63  }
0x495: {  	s0 =	simm.s32 $0x10000;
	s1 =	simm.s32 $0x0  }
0x496: {  	v3 =	vld [tilespmem:s0+$0x0];
	[tilespmem:s0+$0x0] =	vst v0;
	s3 =	sand.u32 $0x3F0, s1  }
0x497: {  	v4 =	vld [tilespmem:s3+$0x10300]  }
0x498: {  	v5 =	vld [tilespmem:s3+$0x10600]  }
0x499: {  	v6 =	vld [tilespmem:s3+$0x10900]  }
0x49a: {  	s1 =	simm.s32 $0x10010;
	v7 =	vld [tilespmem:s3+$0x10C00];
	[tilespmem:s3+$0x10300] =	vst v0  }
0x49b: {  	v12 =	vld [tilespmem:s1+$0x0];
	[tilespmem:s1+$0x0] =	vst v0  }
0x49c: {  	v8 =	vld [tilespmem:s3+$0x10F00];
	[tilespmem:s3+$0x10600] =	vst v0  }
0x49d: {  	v9 =	vld [tilespmem:s3+$0x11200];
	[tilespmem:s3+$0x10900] =	vst v0  }
0x49e: {  	v10 =	vld [tilespmem:s3+$0x11500];
	[tilespmem:s3+$0x10C00] =	vst v0  }
0x49f: {  	v13 =	vld [tilespmem:s3+$0x11B00];
	[tilespmem:s3+$0x11B00] =	vst v0  }
0x4a0: {  	v15 =	vld [tilespmem:s3+$0x11E00];
	[tilespmem:s3+$0x11E00] =	vst v0  }
0x4a1: {  	v17 =	vld [tilespmem:s3+$0x12100];
	[tilespmem:s3+$0x12100] =	vst v0  }
0x4a2: {  	v19 =	vld [tilespmem:s3+$0x12400];
	[tilespmem:s3+$0x12400] =	vst v0;
	v3 =	vadd.s32 v3, v4  }
0x4a3: {  	s2 =	simm.s32 $0x10;
	v11 =	vld [tilespmem:s3+$0x11800];
	[tilespmem:s3+$0x11800] =	vst v0;
	v3 =	vadd.s32 v5, v3  }
0x4a4: {  	s0 =	sand.u32 $0x3F0, s2;
	[tilespmem:s3+$0x11500] =	vst v0;
	v62 =	vld [tilespmem:s3+$0x12D00];
	v3 =	vadd.s32 v6, v3  }
0x4a5: {  	[tilespmem:s3+$0x11200] =	vst v0;
	v14 =	vld [tilespmem:s0+$0x10300];
	v3 =	vadd.s32 v7, v3  }
0x4a6: {  	[tilespmem:s3+$0x10F00] =	vst v0;
	v16 =	vld [tilespmem:s0+$0x10600];
	v3 =	vadd.s32 v8, v3  }
0x4a7: {  	[tilespmem:s3+$0x12D00] =	vst v0;
	v18 =	vld [tilespmem:s0+$0x10900];
	v3 =	vadd.s32 v9, v3  }
0x4a8: {  	[tilespmem:s0+$0x10300] =	vst v0;
	v20 =	vld [tilespmem:s0+$0x10C00];
	v3 =	vadd.s32 v10, v3  }
0x4a9: {  	[tilespmem:s0+$0x10600] =	vst v0;
	v4 =	vld [tilespmem:s3+$0x12700];
	v3 =	vadd.s32 v11, v3  }
0x4aa: {  	[tilespmem:s0+$0x10900] =	vst v0;
	v10 =	vld [tilespmem:s3+$0x12A00];
	v3 =	vadd.s32 v13, v3  }
0x4ab: {  	[tilespmem:s0+$0x10C00] =	vst v0;
	v5 =	vld [tilespmem:s0+$0x10F00];
	v3 =	vadd.s32 v15, v3  }
0x4ac: {  	[tilespmem:s3+$0x12700] =	vst v0;
	v12 =	vadd.s32 v12, v14;
	v6 =	vld [tilespmem:s0+$0x11200];
	v15 =	vadd.s32 v17, v3  }
0x4ad: {  	v12 =	vadd.s32 v16, v12;
	[tilespmem:s0+$0x11200] =	vst v0;
	v7 =	vld [tilespmem:s0+$0x11500];
	v63 =	vadd.s32 v19, v15  }
0x4ae: {  	v12 =	vadd.s32 v18, v12;
	[tilespmem:s0+$0x11500] =	vst v0;
	v8 =	vld [tilespmem:s0+$0x11800];
	v14 =	vadd.s32 v4, v63  }
0x4af: {  	v12 =	vadd.s32 v20, v12;
	[tilespmem:s0+$0x11800] =	vst v0;
	v9 =	vld [tilespmem:s0+$0x11B00];
	v10 =	vadd.s32 v10, v14  }
0x4b0: {  	[tilespmem:s0+$0x11B00] =	vst v0;
	v5 =	vadd.s32 v5, v12;
	v11 =	vld [tilespmem:s0+$0x11E00];
	v10 =	vadd.s32 v62, v10  }
0x4b1: {  	[tilespmem:s3+$0x12A00] =	vst v0;
	v6 =	vadd.s32 v6, v5;
	v3 =	vld [tilespmem:s0+$0x12100];
	v10 =	vcvt.s32.f32 v10  }
0x4b2: {  	[tilespmem:s0+$0x11E00] =	vst v0;
	v6 =	vadd.s32 v7, v6;
	v4 =	vld [tilespmem:s0+$0x12400]  }
0x4b3: {  	v5 =	vld [tilespmem:s0+$0x12700];
	v8 =	vadd.s32 v8, v6;
	[tilespmem:s0+$0x12100] =	vst v0;
	v7 =	vmul.f32 $3.814697270e-06, v10  }
0x4b4: {  	s3 =	simm.s32 $0x13000;
	v6 =	vld [tilespmem:s0+$0x12A00];
	v8 =	vadd.s32 v9, v8;
	[tilespmem:s0+$0x12400] =	vst v0  }
0x4b5: {  	v8 =	vadd.s32 v11, v8;
	[tilespmem:s3+$0x0] =	vst v7;
	v7 =	vld [tilespmem:s0+$0x12D00]  }
.LBB2_10:
0x4b6: {  	s2 =	sadd.s32 $0x10, s2;
	[tilespmem:s0+$0x10F00] =	vst v0;
	v3 =	vadd.s32 v3, v8;
	s1 =	sadd.s32 $0x10, s1  }
0x4b7: {  	v8 =	vld [tilespmem:s1+$0x0];
	[tilespmem:s1+$0x0] =	vst v0;
	s4 =	sand.u32 $0x3F0, s2;
	p0 =	slt.u32 s2, $0x2F0;
	v3 =	vadd.s32 v4, v3  }
0x4b8: {  	v4 =	vld [tilespmem:s4+$0x10300];
	[tilespmem:s4+$0x10300] =	vst v0;
	v3 =	vadd.s32 v5, v3  }
0x4b9: {  	v5 =	vld [tilespmem:s4+$0x10600];
	[tilespmem:s4+$0x10600] =	vst v0;
	v3 =	vadd.s32 v6, v3  }
0x4ba: {  	v6 =	vld [tilespmem:s4+$0x10900];
	[tilespmem:s4+$0x10900] =	vst v0;
	v3 =	vadd.s32 v7, v3  }
0x4bb: {  	v7 =	vld [tilespmem:s4+$0x10C00];
	[tilespmem:s4+$0x10C00] =	vst v0;
	v3 =	vcvt.s32.f32 v3  }
0x4bc: {  	v9 =	vld [tilespmem:s4+$0x10F00];
	[tilespmem:s0+$0x12700] =	vst v0  }
0x4bd: {  	v4 =	vadd.s32 v8, v4;
	v8 =	vld [tilespmem:s4+$0x11200];
	[tilespmem:s0+$0x12A00] =	vst v0;
	v3 =	vmul.f32 $3.814697270e-06, v3  }
0x4be: {  	s3 =	sadd.s32 $0x10, s3;
	v4 =	vadd.s32 v5, v4;
	v5 =	vld [tilespmem:s4+$0x11500];
	[tilespmem:s0+$0x12D00] =	vst v0;
	s0 =	smov.u32 s4  }
0x4bf: {  	v4 =	vadd.s32 v6, v4;
	v6 =	vld [tilespmem:s0+$0x11800];
	[tilespmem:s3+$0x0] =	vst v3  }
0x4c0: {  	v3 =	vadd.s32 v7, v4;
	v7 =	vld [tilespmem:s0+$0x11B00];
	[tilespmem:s0+$0x11B00] =	vst v0  }
0x4c1: {  	v3 =	vadd.s32 v9, v3;
	v9 =	vld [tilespmem:s0+$0x11E00];
	[tilespmem:s0+$0x11E00] =	vst v0  }
.Ltmp6:
0x4c2: {  	v4 =	vadd.s32 v8, v3;
	v3 =	vld [tilespmem:s0+$0x12100];
	[tilespmem:s0+$0x12100] =	vst v0;
	(pc) =	sbr.rel @p0 .LBB2_10-.Ltmp6, $4  }
0x4c3: {  	v5 =	vadd.s32 v5, v4;
	v4 =	vld [tilespmem:s0+$0x12400];
	[tilespmem:s0+$0x12400] =	vst v0  }
0x4c4: {  	v6 =	vadd.s32 v6, v5;
	[tilespmem:s0+$0x11800] =	vst v0;
	v5 =	vld [tilespmem:s0+$0x12700]  }
0x4c5: {  	[tilespmem:s0+$0x11500] =	vst v0;
	v7 =	vadd.s32 v7, v6;
	v6 =	vld [tilespmem:s0+$0x12A00]  }
0x4c6: {  	[tilespmem:s0+$0x11200] =	vst v0;
	v8 =	vadd.s32 v9, v7;
	v7 =	vld [tilespmem:s0+$0x12D00]  }
0x4c7: {  	v3 =	vadd.s32 v3, v8  }
0x4c8: {  	v3 =	vadd.s32 v4, v3  }
0x4c9: {  	v3 =	vadd.s32 v5, v3  }
0x4ca: {  	v3 =	vadd.s32 v6, v3  }
0x4cb: {  	v3 =	vadd.s32 v7, v3  }
0x4cc: {  	[tilespmem:s0+$0x10F00] =	vst v0;
	v3 =	vcvt.s32.f32 v3  }
0x4cd: {  	[tilespmem:s0+$0x12700] =	vst v0  }
0x4ce: {  	[tilespmem:s0+$0x12A00] =	vst v0;
	v3 =	vmul.f32 $3.814697270e-06, v3  }
0x4cf: {  	[tilespmem:s0+$0x12D00] =	vst v0;
	s30 =	sadd.s32 $0x10, s3  }
0x4d0: {  	[tilespmem:s30+$0x0] =	vst v3  }
0x4d1: {  	s0 =	sld [smem:$0x7F8];
	_ =	sdelay $0x1  }
0x4d2: {  	s2 =	simm.s32 $0x0;
	s1 =	simm.s32 $0x13000;
	s31 =	simm.s32 $0x3  }
0x4d3: {  	[hbm4b:s0+s2] =	stream.linear.scatter [tilespmem:s1], [sflag:$0x3], $0x300, $0x38;
	[tilespmem:$0x13300] =	vst v63  }
0x4d4: {  	_ =	swait.ge [sflag:s31], $0x300  }
0x4d5: {  	[sflag:s31] =	ssyncset.done $0x0  }
0x4d6: {  	s4 =	simm.s32 $0x0;
	[sflag:s31] =	ssyncadd.s32 $0xFFFFFD00  }
.LBB2_12:
0x4d7: {  	p0 =	por $0x0, $0x0;
	s0 =	simm.s32 $0x1  }
0x4d8: {  	s0 =	simm.s32 @!p0 $0x0  }
0x4d9: {  	s0 =	sshll.u32 s0, $0x9  }
0x4da: {  	s3 =	simm.s32 $0x1;
	s1 =	sadd.s32 $0x0, s0  }
0x4db: {  	_ =	swait.ge [sflag:s3], $0x8000;
	s2 =	sadd.s32 $0x180, s1  }
0x4dc: {  	[sflag:s3] =	ssyncset.done $0x0;
	s1 =	sor.u32 $0xC00, s2  }
0x4dd: {  	[sflag:s3] =	ssyncadd.s32 $0xFFFF8000;
	[smem:$0x745] =	sst s1  }
0x4de: {  	v3 =	vld [tilespmem:s1+$0x0];
	_ =	sdelay $0x4  }
0x4df: {  	v3 =	vmul.f32 $2.560000000e+02, v3;
	_ =	sdelay $0x1  }
0x4e0: {  	s13 =	sshll.u32 s4, $0x6;
	v3 =	vtrunc.f32 v3  }
0x4e1: {  	s1 =	sand.u32 $0x300, s13;
	v4 =	vcvt.f32.s32 v3  }
0x4e2: {  	v3 =	vadd.s32 s1, v1  }
0x4e3: {  	v4 =	vadd.s32 v4, v3;
	_ =	sdelay $0x3  }
0x4e4: {  	[smem:$0x746] =	sst s4  }
0x4e5: {  	s14 =	sor.u32 $0xC10, s2;
	[tilespmem:v4+s15+$0x0] =	vst.idx.add.s32.msk $0xffff, v2  }
0x4e6: {  	[smem:$0x747] =	sst s14  }
0x4e7: {  	v4 =	vld [tilespmem:s14+$0x0];
	_ =	sdelay $0x4  }
0x4e8: {  	v4 =	vmul.f32 $2.560000000e+02, v4;
	_ =	sdelay $0x1  }
0x4e9: {  	s16 =	sadd.s32 $0x180, s0;
	v4 =	vtrunc.f32 v4  }
0x4ea: {  	s3 =	sadd.s32 $0xFFFFFE80, s16;
	v4 =	vcvt.f32.s32 v4  }
0x4eb: {  	s17 =	sor.u32 $0x800, s3  }
0x4ec: {  	s0 =	sadd.s32 $0xFFFFFF00, s16;
	s5 =	sor.u32 $0xC00, s3;
	[smem:$0x748] =	sst s17;
	v4 =	vadd.s32 v4, v3  }
0x4ed: {  	s6 =	sor.u32 $0x800, s0;
	v5 =	vld [tilespmem:s17+$0x0];
	[smem:$0x749] =	sst s5  }
0x4ee: {  	s18 =	sor.u32 $0xC00, s0;
	s4 =	sadd.s32 $0xFFFFFF80, s16;
	v6 =	vld [tilespmem:s5+$0x0];
	[smem:$0x74A] =	sst s6  }
0x4ef: {  	s1 =	sor.u32 $0x800, s4;
	v7 =	vld [tilespmem:s6+$0x0];
	[smem:$0x74B] =	sst s18  }
0x4f0: {  	v8 =	vld [tilespmem:s18+$0x0];
	[smem:$0x74C] =	sst s1  }
0x4f1: {  	s19 =	sor.u32 $0xC20, s2;
	[tilespmem:v4+s15+$0x0] =	vst.idx.add.s32.msk $0xffff, v2  }
0x4f2: {  	v9 =	vld [tilespmem:s1+$0x0];
	[smem:$0x74D] =	sst s19  }
0x4f3: {  	v4 =	vld [tilespmem:s19+$0x0]  }
0x4f4: {  	s21 =	simm.s32 $0x0;
	s20 =	sor.u32 $0xC00, s4  }
0x4f5: {  	s1 =	sand.u32 $0x7000, s21;
	v5 =	vmul.f32 $2.560000000e+02, v5;
	[smem:$0x74E] =	sst s20  }
0x4f6: {  	s22 =	simm.s32 $0x0;
	s23 =	sor.u32 $0x800, s2;
	v6 =	vmul.f32 $2.560000000e+02, v6;
	v7 =	vmul.f32 $2.560000000e+02, v7;
	v10 =	vld [tilespmem:s20+$0x0];
	[smem:$0x74F] =	sst s1  }
0x4f7: {  	s5 =	sand.u32 $0x200, s22;
	v5 =	vtrunc.f32 v5;
	v8 =	vmul.f32 $2.560000000e+02, v8;
	[smem:$0x750] =	sst s23  }
0x4f8: {  	v6 =	vtrunc.f32 v6;
	s1 =	sor.u32 s5, s1;
	v11 =	vld [tilespmem:s23+$0x0];
	v4 =	vmul.f32 $2.560000000e+02, v4  }
0x4f9: {  	v5 =	vcvt.f32.s32 v5;
	v9 =	vmul.f32 $2.560000000e+02, v9;
	v12 =	vld [tilespmem:s1+$0x0]  }
0x4fa: {  	v7 =	vtrunc.f32 v7;
	v13 =	vld [tilespmem:s1+$0x400];
	v4 =	vtrunc.f32 v4  }
0x4fb: {  	v6 =	vcvt.f32.s32 v6;
	v14 =	vld [tilespmem:s1+$0x80];
	v4 =	vcvt.f32.s32 v4  }
0x4fc: {  	v8 =	vtrunc.f32 v8;
	v7 =	vcvt.f32.s32 v7;
	v15 =	vld [tilespmem:s1+$0x480]  }
0x4fd: {  	v9 =	vtrunc.f32 v9;
	v8 =	vcvt.f32.s32 v8;
	v4 =	vadd.s32 v4, v3  }
0x4fe: {  	v9 =	vcvt.f32.s32 v9;
	v10 =	vmul.f32 $2.560000000e+02, v10  }
0x4ff: {  	v16 =	vld [tilespmem:s1+$0x100];
	v11 =	vmul.f32 $2.560000000e+02, v11;
	v12 =	vmul.f32 $2.560000000e+02, v12  }
0x500: {  	v5 =	vadd.s32 v5, v3;
	v17 =	vld [tilespmem:s1+$0x500];
	v13 =	vmul.f32 $2.560000000e+02, v13;
	v14 =	vmul.f32 $2.560000000e+02, v14  }
0x501: {  	v6 =	vadd.s32 v6, v3;
	v18 =	vld [tilespmem:s1+$0x180];
	v15 =	vmul.f32 $2.560000000e+02, v15;
	v10 =	vtrunc.f32 v10  }
0x502: {  	s24 =	sor.u32 $0xC30, s2;
	v11 =	vtrunc.f32 v11;
	v12 =	vtrunc.f32 v12;
	[tilespmem:v4+s15+$0x0] =	vst.idx.add.s32.msk $0xffff, v2  }
0x503: {  	v7 =	vadd.s32 v7, v3;
	v19 =	vld [tilespmem:s1+$0x580];
	v13 =	vtrunc.f32 v13;
	v10 =	vcvt.f32.s32 v10;
	[smem:$0x751] =	sst s24  }
0x504: {  	v8 =	vadd.s32 v8, v3;
	v14 =	vtrunc.f32 v14;
	v4 =	vmul.f32 $2.560000000e+02, v16;
	v16 =	vld [tilespmem:s24+$0x0]  }
0x505: {  	v11 =	vcvt.f32.s32 v11;
	v12 =	vcvt.f32.s32 v12;
	[tilespmem:v5+s15+$0x0] =	vst.idx.add.s32.msk $0xffff, v2;
	v5 =	vadd.s32 v9, v3  }
0x506: {  	s25 =	sor.u32 $0x810, s3;
	v13 =	vcvt.f32.s32 v13;
	v14 =	vcvt.f32.s32 v14;
	[tilespmem:v6+s15+$0x0] =	vst.idx.add.s32.msk $0xffff, v2;
	v6 =	vadd.s32 v10, v3  }
0x507: {  	v11 =	vadd.s32 v11, v3;
	v9 =	vmul.f32 $2.560000000e+02, v17;
	v4 =	vtrunc.f32 v4;
	[smem:$0x752] =	sst s25  }
0x508: {  	v12 =	vadd.s32 v12, v3;
	v10 =	vtrunc.f32 v15;
	v4 =	vcvt.f32.s32 v4;
	[tilespmem:v7+s15+$0x0] =	vst.idx.add.s32.msk $0xffff, v2  }
0x509: {  	v7 =	vcvt.f32.s32 v10;
	v10 =	vadd.s32 v13, v3;
	[tilespmem:v8+s15+$0x0] =	vst.idx.add.s32.msk $0xffff, v2;
	v8 =	vmul.f32 $2.560000000e+02, v16  }
0x50a: {  	v9 =	vtrunc.f32 v9;
	v13 =	vadd.s32 v14, v3;
	[tilespmem:v5+s15+$0x0] =	vst.idx.add.s32.msk $0xffff, v2  }
0x50b: {  	v4 =	vadd.s32 v4, v3;
	v5 =	vcvt.f32.s32 v9;
	[tilespmem:v6+s15+$0x0] =	vst.idx.add.s32.msk $0xffff, v2;
	v6 =	vtrunc.f32 v8  }
0x50c: {  	[tilespmem:v11+s15+$0x0] =	vst.idx.add.s32.msk $0xffff, v2;
	v7 =	vadd.s32 v7, v3;
	v6 =	vcvt.f32.s32 v6  }
0x50d: {  	[tilespmem:v12+s15+$0x0] =	vst.idx.add.s32.msk $0xffff, v2;
	v5 =	vadd.s32 v5, v3  }
0x50e: {  	[tilespmem:v10+s15+$0x0] =	vst.idx.add.s32.msk $0xffff, v2;
	v6 =	vadd.s32 v6, v3  }
0x50f: {  	[tilespmem:v13+s15+$0x0] =	vst.idx.add.s32.msk $0xffff, v2  }
0x510: {  	[tilespmem:v4+s15+$0x0] =	vst.idx.add.s32.msk $0xffff, v2  }
0x511: {  	[tilespmem:v7+s15+$0x0] =	vst.idx.add.s32.msk $0xffff, v2  }
0x512: {  	[tilespmem:v5+s15+$0x0] =	vst.idx.add.s32.msk $0xffff, v2  }
0x513: {  	s26 =	sor.u32 $0xC40, s2;
	[tilespmem:v6+s15+$0x0] =	vst.idx.add.s32.msk $0xffff, v2  }
0x514: {  	v15 =	vld [tilespmem:s25+$0x0];
	[smem:$0x753] =	sst s26  }
0x515: {  	s28 =	sor.u32 $0xC10, s3;
	v4 =	vmul.f32 $2.560000000e+02, v18;
	v5 =	vld [tilespmem:s26+$0x0]  }
0x516: {  	s31 =	sor.u32 $0x810, s0;
	[smem:$0x754] =	sst s28  }
0x517: {  	s7 =	sor.u32 $0xC10, s0;
	v4 =	vtrunc.f32 v4;
	v7 =	vld [tilespmem:s28+$0x0];
	[smem:$0x755] =	sst s31  }
0x518: {  	s8 =	sor.u32 $0x810, s4;
	v4 =	vcvt.f32.s32 v4;
	v6 =	vmul.f32 $2.560000000e+02, v19;
	v8 =	vld [tilespmem:s31+$0x0];
	[smem:$0x756] =	sst s7  }
0x519: {  	s9 =	sor.u32 $0xC10, s4;
	v10 =	vld [tilespmem:s7+$0x0];
	[smem:$0x757] =	sst s8  }
0x51a: {  	s10 =	sor.u32 $0x810, s2;
	v4 =	vadd.s32 v4, v3;
	v6 =	vtrunc.f32 v6;
	v11 =	vld [tilespmem:s8+$0x0];
	[smem:$0x758] =	sst s9;
	v5 =	vmul.f32 $2.560000000e+02, v5  }
0x51b: {  	v9 =	vmul.f32 $2.560000000e+02, v15;
	v6 =	vcvt.f32.s32 v6;
	v12 =	vld [tilespmem:s9+$0x0];
	[smem:$0x759] =	sst s10  }
0x51c: {  	v13 =	vld [tilespmem:s10+$0x0];
	v5 =	vtrunc.f32 v5  }
0x51d: {  	v9 =	vtrunc.f32 v9;
	v6 =	vadd.s32 v6, v3;
	v14 =	vld [tilespmem:s1+$0x10];
	v5 =	vcvt.f32.s32 v5  }
0x51e: {  	v9 =	vcvt.f32.s32 v9;
	v7 =	vmul.f32 $2.560000000e+02, v7;
	v15 =	vld [tilespmem:s1+$0x410]  }
0x51f: {  	[tilespmem:v4+s15+$0x0] =	vst.idx.add.s32.msk $0xffff, v2;
	v8 =	vmul.f32 $2.560000000e+02, v8;
	v4 =	vmul.f32 $2.560000000e+02, v10;
	v5 =	vadd.s32 v5, v3  }
0x520: {  	v16 =	vld [tilespmem:s1+$0x110];
	v7 =	vtrunc.f32 v7;
	v11 =	vmul.f32 $2.560000000e+02, v11  }
0x521: {  	v17 =	vld [tilespmem:s1+$0x510];
	v8 =	vtrunc.f32 v8;
	v7 =	vcvt.f32.s32 v7  }
0x522: {  	[tilespmem:v6+s15+$0x0] =	vst.idx.add.s32.msk $0xffff, v2;
	v6 =	vmul.f32 $2.560000000e+02, v12;
	v4 =	vtrunc.f32 v4  }
0x523: {  	v10 =	vld [tilespmem:s1+$0x90];
	v8 =	vcvt.f32.s32 v8;
	v13 =	vmul.f32 $2.560000000e+02, v13  }
0x524: {  	s11 =	sor.u32 $0xC50, s2;
	v9 =	vadd.s32 v9, v3;
	v14 =	vmul.f32 $2.560000000e+02, v14;
	v11 =	vtrunc.f32 v11;
	[tilespmem:v5+s15+$0x0] =	vst.idx.add.s32.msk $0xffff, v2  }
0x525: {  	v12 =	vld [tilespmem:s1+$0x490];
	v15 =	vmul.f32 $2.560000000e+02, v15;
	v4 =	vcvt.f32.s32 v4;
	[smem:$0x75A] =	sst s11  }
0x526: {  	v7 =	vadd.s32 v7, v3;
	v16 =	vmul.f32 $2.560000000e+02, v16;
	v5 =	vtrunc.f32 v14;
	v14 =	vld [tilespmem:s11+$0x0]  }
0x527: {  	v6 =	vtrunc.f32 v6;
	v11 =	vcvt.f32.s32 v11  }
0x528: {  	v8 =	vadd.s32 v8, v3;
	v10 =	vmul.f32 $2.560000000e+02, v10;
	v13 =	vtrunc.f32 v13;
	v18 =	vld [tilespmem:s1+$0x190]  }
0x529: {  	s12 =	sor.u32 $0x820, s3;
	v15 =	vtrunc.f32 v15;
	v6 =	vcvt.f32.s32 v6;
	v4 =	vadd.s32 v4, v3;
	[tilespmem:v9+s15+$0x0] =	vst.idx.add.s32.msk $0xffff, v2  }
0x52a: {  	v13 =	vcvt.f32.s32 v13;
	v11 =	vadd.s32 v11, v3;
	v5 =	vcvt.f32.s32 v5;
	v19 =	vld [tilespmem:s1+$0x590];
	[smem:$0x75B] =	sst s12  }
0x52b: {  	s13 =	sor.u32 $0xC20, s3;
	v6 =	vadd.s32 v6, v3;
	v9 =	vtrunc.f32 v10;
	[tilespmem:v7+s15+$0x0] =	vst.idx.add.s32.msk $0xffff, v2;
	v7 =	vmul.f32 $2.560000000e+02, v14  }
0x52c: {  	v15 =	vcvt.f32.s32 v15;
	v13 =	vadd.s32 v13, v3;
	v9 =	vcvt.f32.s32 v9;
	v10 =	vld [tilespmem:s12+$0x0];
	[smem:$0x75C] =	sst s13  }
0x52d: {  	v12 =	vmul.f32 $2.560000000e+02, v12;
	v5 =	vadd.s32 v5, v3;
	[tilespmem:v8+s15+$0x0] =	vst.idx.add.s32.msk $0xffff, v2;
	v7 =	vtrunc.f32 v7  }
0x52e: {  	v9 =	vadd.s32 v9, v3;
	[tilespmem:v4+s15+$0x0] =	vst.idx.add.s32.msk $0xffff, v2;
	v4 =	vcvt.f32.s32 v7  }
0x52f: {  	v8 =	vtrunc.f32 v12;
	v12 =	vadd.s32 v15, v3;
	v15 =	vtrunc.f32 v16;
	[tilespmem:v11+s15+$0x0] =	vst.idx.add.s32.msk $0xffff, v2  }
0x530: {  	[tilespmem:v6+s15+$0x0] =	vst.idx.add.s32.msk $0xffff, v2;
	v14 =	vmul.f32 $2.560000000e+02, v17;
	v11 =	vmul.f32 $2.560000000e+02, v19;
	v4 =	vadd.s32 v4, v3  }
0x531: {  	[tilespmem:v13+s15+$0x0] =	vst.idx.add.s32.msk $0xffff, v2;
	v8 =	vcvt.f32.s32 v8;
	v7 =	vmul.f32 $2.560000000e+02, v18  }
0x532: {  	[tilespmem:v5+s15+$0x0] =	vst.idx.add.s32.msk $0xffff, v2;
	v6 =	vtrunc.f32 v14;
	v14 =	vcvt.f32.s32 v15  }
0x533: {  	v8 =	vadd.s32 v8, v3;
	v6 =	vcvt.f32.s32 v6;
	[tilespmem:v9+s15+$0x0] =	vst.idx.add.s32.msk $0xffff, v2;
	v7 =	vtrunc.f32 v7  }
0x534: {  	v5 =	vtrunc.f32 v11;
	v11 =	vadd.s32 v14, v3;
	[tilespmem:v12+s15+$0x0] =	vst.idx.add.s32.msk $0xffff, v2;
	v7 =	vcvt.f32.s32 v7  }
0x535: {  	s14 =	sor.u32 $0xC60, s2;
	v5 =	vcvt.f32.s32 v5;
	v6 =	vadd.s32 v6, v3;
	[tilespmem:v4+s15+$0x0] =	vst.idx.add.s32.msk $0xffff, v2  }
0x536: {  	v17 =	vld [tilespmem:s13+$0x0];
	v7 =	vadd.s32 v7, v3;
	[smem:$0x75D] =	sst s14  }
0x537: {  	v4 =	vadd.s32 v5, v3;
	v5 =	vld [tilespmem:s14+$0x0]  }
0x538: {  	[tilespmem:v8+s15+$0x0] =	vst.idx.add.s32.msk $0xffff, v2  }
0x539: {  	[tilespmem:v11+s15+$0x0] =	vst.idx.add.s32.msk $0xffff, v2  }
0x53a: {  	[tilespmem:v6+s15+$0x0] =	vst.idx.add.s32.msk $0xffff, v2  }
0x53b: {  	[tilespmem:v7+s15+$0x0] =	vst.idx.add.s32.msk $0xffff, v2  }
0x53c: {  	s16 =	sor.u32 $0x820, s0;
	[tilespmem:v4+s15+$0x0] =	vst.idx.add.s32.msk $0xffff, v2  }
0x53d: {  	s17 =	sor.u32 $0xC20, s0;
	[smem:$0x75E] =	sst s16;
	v4 =	vmul.f32 $2.560000000e+02, v5  }
0x53e: {  	s18 =	sor.u32 $0x820, s4;
	v5 =	vld [tilespmem:s16+$0x0];
	[smem:$0x75F] =	sst s17  }
0x53f: {  	s19 =	sor.u32 $0xC20, s4;
	v6 =	vld [tilespmem:s17+$0x0];
	[smem:$0x760] =	sst s18;
	v4 =	vtrunc.f32 v4  }
0x540: {  	s20 =	sor.u32 $0x820, s2;
	v8 =	vld [tilespmem:s18+$0x0];
	[smem:$0x761] =	sst s19;
	v4 =	vcvt.f32.s32 v4  }
0x541: {  	v9 =	vmul.f32 $2.560000000e+02, v17;
	v7 =	vmul.f32 $2.560000000e+02, v10;
	v10 =	vld [tilespmem:s19+$0x0];
	[smem:$0x762] =	sst s20  }
0x542: {  	v11 =	vld [tilespmem:s20+$0x0];
	v4 =	vadd.s32 v4, v3  }
0x543: {  	v9 =	vtrunc.f32 v9;
	v12 =	vld [tilespmem:s1+$0x20]  }
0x544: {  	v7 =	vtrunc.f32 v7;
	v13 =	vld [tilespmem:s1+$0x420];
	v5 =	vmul.f32 $2.560000000e+02, v5  }
0x545: {  	v9 =	vcvt.f32.s32 v9;
	v7 =	vcvt.f32.s32 v7;
	v14 =	vld [tilespmem:s1+$0xA0]  }
0x546: {  	v15 =	vld [tilespmem:s1+$0x4A0];
	v6 =	vmul.f32 $2.560000000e+02, v6;
	v5 =	vtrunc.f32 v5  }
0x547: {  	s21 =	sor.u32 $0xC70, s2;
	v8 =	vmul.f32 $2.560000000e+02, v8;
	v5 =	vcvt.f32.s32 v5;
	[tilespmem:v4+s15+$0x0] =	vst.idx.add.s32.msk $0xffff, v2  }
0x548: {  	v9 =	vadd.s32 v9, v3;
	v10 =	vmul.f32 $2.560000000e+02, v10;
	v6 =	vtrunc.f32 v6;
	[smem:$0x763] =	sst s21  }
0x549: {  	v4 =	vadd.s32 v7, v3;
	v7 =	vmul.f32 $2.560000000e+02, v11;
	v11 =	vmul.f32 $2.560000000e+02, v12;
	v12 =	vld [tilespmem:s21+$0x0]  }
0x54a: {  	v8 =	vtrunc.f32 v8;
	v13 =	vmul.f32 $2.560000000e+02, v13;
	v5 =	vadd.s32 v5, v3;
	v16 =	vld [tilespmem:s1+$0x120]  }
0x54b: {  	v14 =	vmul.f32 $2.560000000e+02, v14;
	v15 =	vmul.f32 $2.560000000e+02, v15;
	v17 =	vld [tilespmem:s1+$0x520]  }
0x54c: {  	v6 =	vcvt.f32.s32 v6;
	v10 =	vtrunc.f32 v10;
	v18 =	vld [tilespmem:s1+$0x1A0]  }
0x54d: {  	v8 =	vcvt.f32.s32 v8;
	v15 =	vtrunc.f32 v15;
	[tilespmem:v9+s15+$0x0] =	vst.idx.add.s32.msk $0xffff, v2  }
0x54e: {  	v6 =	vadd.s32 v6, v3;
	v7 =	vtrunc.f32 v7;
	v11 =	vtrunc.f32 v11;
	[tilespmem:v4+s15+$0x0] =	vst.idx.add.s32.msk $0xffff, v2  }
0x54f: {  	s22 =	sor.u32 $0x830, s3;
	v15 =	vcvt.f32.s32 v15;
	[tilespmem:v5+s15+$0x0] =	vst.idx.add.s32.msk $0xffff, v2;
	v12 =	vmul.f32 $2.560000000e+02, v12  }
0x550: {  	s23 =	sor.u32 $0xC30, s3;
	v19 =	vld [tilespmem:s1+$0x5A0];
	v7 =	vcvt.f32.s32 v7;
	v4 =	vtrunc.f32 v13;
	[smem:$0x764] =	sst s22  }
0x551: {  	s24 =	sor.u32 $0x830, s0;
	v8 =	vadd.s32 v8, v3;
	v5 =	vcvt.f32.s32 v10;
	v13 =	vld [tilespmem:s22+$0x0];
	[smem:$0x765] =	sst s23;
	v10 =	vtrunc.f32 v12  }
0x552: {  	v7 =	vadd.s32 v7, v3;
	v9 =	vmul.f32 $2.560000000e+02, v16;
	v16 =	vld [tilespmem:s23+$0x0];
	[smem:$0x766] =	sst s24;
	v10 =	vcvt.f32.s32 v10  }
0x553: {  	s25 =	sor.u32 $0xC30, s0;
	v11 =	vcvt.f32.s32 v11;
	v4 =	vcvt.f32.s32 v4;
	v5 =	vadd.s32 v5, v3;
	[tilespmem:v6+s15+$0x0] =	vst.idx.add.s32.msk $0xffff, v2  }
0x554: {  	v12 =	vtrunc.f32 v14;
	v14 =	vmul.f32 $2.560000000e+02, v17;
	v17 =	vld [tilespmem:s24+$0x0];
	[smem:$0x767] =	sst s25;
	v10 =	vadd.s32 v10, v3  }
0x555: {  	v11 =	vadd.s32 v11, v3;
	v6 =	vtrunc.f32 v9;
	v9 =	vcvt.f32.s32 v12;
	v12 =	vld [tilespmem:s25+$0x0]  }
0x556: {  	v18 =	vmul.f32 $2.560000000e+02, v18;
	v19 =	vmul.f32 $2.560000000e+02, v19;
	v4 =	vadd.s32 v4, v3;
	[tilespmem:v8+s15+$0x0] =	vst.idx.add.s32.msk $0xffff, v2  }
0x557: {  	v6 =	vcvt.f32.s32 v6;
	v8 =	vtrunc.f32 v14;
	v14 =	vadd.s32 v15, v3;
	[tilespmem:v7+s15+$0x0] =	vst.idx.add.s32.msk $0xffff, v2  }
0x558: {  	v9 =	vadd.s32 v9, v3;
	[tilespmem:v5+s15+$0x0] =	vst.idx.add.s32.msk $0xffff, v2;
	v5 =	vtrunc.f32 v18;
	v8 =	vcvt.f32.s32 v8  }
0x559: {  	v6 =	vadd.s32 v6, v3;
	v5 =	vcvt.f32.s32 v5;
	[tilespmem:v10+s15+$0x0] =	vst.idx.add.s32.msk $0xffff, v2;
	v10 =	vtrunc.f32 v19  }
0x55a: {  	[tilespmem:v11+s15+$0x0] =	vst.idx.add.s32.msk $0xffff, v2;
	v8 =	vadd.s32 v8, v3;
	v7 =	vcvt.f32.s32 v10  }
0x55b: {  	[tilespmem:v4+s15+$0x0] =	vst.idx.add.s32.msk $0xffff, v2;
	v5 =	vadd.s32 v5, v3  }
0x55c: {  	[tilespmem:v14+s15+$0x0] =	vst.idx.add.s32.msk $0xffff, v2;
	v4 =	vadd.s32 v7, v3  }
0x55d: {  	[tilespmem:v9+s15+$0x0] =	vst.idx.add.s32.msk $0xffff, v2  }
0x55e: {  	[tilespmem:v6+s15+$0x0] =	vst.idx.add.s32.msk $0xffff, v2  }
0x55f: {  	[tilespmem:v8+s15+$0x0] =	vst.idx.add.s32.msk $0xffff, v2  }
0x560: {  	[tilespmem:v5+s15+$0x0] =	vst.idx.add.s32.msk $0xffff, v2  }
0x561: {  	s26 =	sor.u32 $0x830, s4;
	[tilespmem:v4+s15+$0x0] =	vst.idx.add.s32.msk $0xffff, v2  }
0x562: {  	s28 =	sor.u32 $0xC30, s4;
	[smem:$0x768] =	sst s26  }
0x563: {  	s31 =	sor.u32 $0x830, s2;
	v7 =	vld [tilespmem:s26+$0x0];
	[smem:$0x769] =	sst s28  }
0x564: {  	v5 =	vmul.f32 $2.560000000e+02, v13;
	v8 =	vld [tilespmem:s28+$0x0];
	[smem:$0x76A] =	sst s31  }
0x565: {  	v6 =	vmul.f32 $2.560000000e+02, v17;
	v9 =	vld [tilespmem:s31+$0x0]  }
0x566: {  	v10 =	vmul.f32 $2.560000000e+02, v12;
	v5 =	vtrunc.f32 v5;
	v11 =	vld [tilespmem:s1+$0x30]  }
0x567: {  	v6 =	vtrunc.f32 v6;
	v5 =	vcvt.f32.s32 v5;
	v12 =	vld [tilespmem:s1+$0x430]  }
0x568: {  	v10 =	vtrunc.f32 v10;
	v4 =	vmul.f32 $2.560000000e+02, v16;
	v13 =	vld [tilespmem:s1+$0xB0]  }
0x569: {  	v6 =	vcvt.f32.s32 v6;
	v10 =	vcvt.f32.s32 v10;
	v5 =	vadd.s32 v5, v3;
	v14 =	vld [tilespmem:s1+$0x4B0]  }
0x56a: {  	v4 =	vtrunc.f32 v4;
	v18 =	vld [tilespmem:s1+$0x5B0];
	v7 =	vmul.f32 $2.560000000e+02, v7  }
0x56b: {  	v6 =	vadd.s32 v6, v3;
	v4 =	vcvt.f32.s32 v4;
	v8 =	vmul.f32 $2.560000000e+02, v8  }
0x56c: {  	v10 =	vadd.s32 v10, v3;
	v15 =	vld [tilespmem:s1+$0x130];
	v7 =	vtrunc.f32 v7;
	v9 =	vmul.f32 $2.560000000e+02, v9  }
0x56d: {  	v16 =	vld [tilespmem:s1+$0x530];
	v4 =	vadd.s32 v4, v3;
	v11 =	vmul.f32 $2.560000000e+02, v11;
	v12 =	vmul.f32 $2.560000000e+02, v12  }
0x56e: {  	[tilespmem:v5+s15+$0x0] =	vst.idx.add.s32.msk $0xffff, v2;
	v13 =	vmul.f32 $2.560000000e+02, v13;
	v5 =	vmul.f32 $2.560000000e+02, v14  }
0x56f: {  	v17 =	vld [tilespmem:s1+$0x1B0];
	v18 =	vmul.f32 $2.560000000e+02, v18;
	v8 =	vtrunc.f32 v8  }
0x570: {  	[tilespmem:v6+s15+$0x0] =	vst.idx.add.s32.msk $0xffff, v2;
	v7 =	vcvt.f32.s32 v7;
	v9 =	vtrunc.f32 v9  }
0x571: {  	[tilespmem:v10+s15+$0x0] =	vst.idx.add.s32.msk $0xffff, v2;
	v11 =	vtrunc.f32 v11;
	v12 =	vtrunc.f32 v12  }
0x572: {  	s6 =	sor.u32 $0x840, s3;
	[tilespmem:v4+s15+$0x0] =	vst.idx.add.s32.msk $0xffff, v2;
	v4 =	vtrunc.f32 v13;
	v6 =	vcvt.f32.s32 v8  }
0x573: {  	s7 =	sor.u32 $0xC40, s3;
	v13 =	vmul.f32 $2.560000000e+02, v15;
	[smem:$0x76B] =	sst s6;
	v7 =	vadd.s32 v7, v3;
	v8 =	vcvt.f32.s32 v9  }
0x574: {  	s8 =	sor.u32 $0x840, s0;
	v5 =	vtrunc.f32 v5;
	v10 =	vld [tilespmem:s6+$0x0];
	v11 =	vcvt.f32.s32 v11;
	[smem:$0x76C] =	sst s7;
	v6 =	vadd.s32 v6, v3  }
0x575: {  	s9 =	sor.u32 $0xC40, s0;
	v15 =	vmul.f32 $2.560000000e+02, v17;
	v12 =	vcvt.f32.s32 v12;
	v14 =	vld [tilespmem:s7+$0x0];
	[smem:$0x76D] =	sst s8;
	v8 =	vadd.s32 v8, v3  }
0x576: {  	v9 =	vmul.f32 $2.560000000e+02, v16;
	v4 =	vcvt.f32.s32 v4;
	v16 =	vld [tilespmem:s8+$0x0];
	v11 =	vadd.s32 v11, v3;
	[smem:$0x76E] =	sst s9  }
0x577: {  	v5 =	vcvt.f32.s32 v5;
	v13 =	vtrunc.f32 v13;
	v12 =	vadd.s32 v12, v3;
	v17 =	vld [tilespmem:s9+$0x0]  }
0x578: {  	v9 =	vtrunc.f32 v9;
	v13 =	vcvt.f32.s32 v13;
	v4 =	vadd.s32 v4, v3;
	[tilespmem:v7+s15+$0x0] =	vst.idx.add.s32.msk $0xffff, v2  }
0x579: {  	v5 =	vadd.s32 v5, v3;
	v9 =	vcvt.f32.s32 v9;
	v7 =	vtrunc.f32 v15;
	[tilespmem:v6+s15+$0x0] =	vst.idx.add.s32.msk $0xffff, v2  }
0x57a: {  	v13 =	vadd.s32 v13, v3;
	v6 =	vtrunc.f32 v18;
	v7 =	vcvt.f32.s32 v7;
	[tilespmem:v8+s15+$0x0] =	vst.idx.add.s32.msk $0xffff, v2  }
0x57b: {  	v6 =	vcvt.f32.s32 v6;
	v8 =	vadd.s32 v9, v3;
	[tilespmem:v11+s15+$0x0] =	vst.idx.add.s32.msk $0xffff, v2  }
0x57c: {  	[tilespmem:v12+s15+$0x0] =	vst.idx.add.s32.msk $0xffff, v2;
	v7 =	vadd.s32 v7, v3  }
0x57d: {  	[tilespmem:v4+s15+$0x0] =	vst.idx.add.s32.msk $0xffff, v2;
	v6 =	vadd.s32 v6, v3  }
0x57e: {  	[tilespmem:v5+s15+$0x0] =	vst.idx.add.s32.msk $0xffff, v2  }
0x57f: {  	[tilespmem:v13+s15+$0x0] =	vst.idx.add.s32.msk $0xffff, v2  }
0x580: {  	[tilespmem:v8+s15+$0x0] =	vst.idx.add.s32.msk $0xffff, v2  }
0x581: {  	[tilespmem:v7+s15+$0x0] =	vst.idx.add.s32.msk $0xffff, v2  }
0x582: {  	s10 =	sor.u32 $0x840, s4;
	[tilespmem:v6+s15+$0x0] =	vst.idx.add.s32.msk $0xffff, v2  }
0x583: {  	s11 =	sor.u32 $0xC40, s4;
	[smem:$0x76F] =	sst s10  }
0x584: {  	s12 =	sor.u32 $0x840, s2;
	v6 =	vld [tilespmem:s10+$0x0];
	[smem:$0x770] =	sst s11  }
0x585: {  	v8 =	vld [tilespmem:s11+$0x0];
	[smem:$0x771] =	sst s12  }
0x586: {  	v4 =	vmul.f32 $2.560000000e+02, v10;
	v5 =	vmul.f32 $2.560000000e+02, v14;
	v10 =	vld [tilespmem:s12+$0x0]  }
0x587: {  	v9 =	vmul.f32 $2.560000000e+02, v17;
	v11 =	vld [tilespmem:s1+$0x40]  }
0x588: {  	v4 =	vtrunc.f32 v4;
	v5 =	vtrunc.f32 v5;
	v12 =	vld [tilespmem:s1+$0x440]  }
0x589: {  	v4 =	vcvt.f32.s32 v4;
	v9 =	vtrunc.f32 v9;
	v13 =	vld [tilespmem:s1+$0xC0]  }
0x58a: {  	v9 =	vcvt.f32.s32 v9;
	v7 =	vmul.f32 $2.560000000e+02, v16;
	v14 =	vld [tilespmem:s1+$0x4C0]  }
0x58b: {  	v5 =	vcvt.f32.s32 v5;
	v4 =	vadd.s32 v4, v3;
	v16 =	vld [tilespmem:s1+$0x540]  }
0x58c: {  	v9 =	vadd.s32 v9, v3;
	v7 =	vtrunc.f32 v7;
	v18 =	vld [tilespmem:s1+$0x5C0];
	v6 =	vmul.f32 $2.560000000e+02, v6  }
0x58d: {  	v7 =	vcvt.f32.s32 v7;
	v8 =	vmul.f32 $2.560000000e+02, v8  }
0x58e: {  	v5 =	vadd.s32 v5, v3;
	v6 =	vtrunc.f32 v6;
	v10 =	vmul.f32 $2.560000000e+02, v10  }
0x58f: {  	v15 =	vld [tilespmem:s1+$0x140];
	v7 =	vadd.s32 v7, v3;
	v11 =	vmul.f32 $2.560000000e+02, v11;
	v12 =	vmul.f32 $2.560000000e+02, v12  }
0x590: {  	[tilespmem:v4+s15+$0x0] =	vst.idx.add.s32.msk $0xffff, v2;
	v13 =	vmul.f32 $2.560000000e+02, v13;
	v4 =	vmul.f32 $2.560000000e+02, v14  }
0x591: {  	[tilespmem:v9+s15+$0x0] =	vst.idx.add.s32.msk $0xffff, v2;
	v9 =	vmul.f32 $2.560000000e+02, v16;
	v18 =	vmul.f32 $2.560000000e+02, v18  }
0x592: {  	v17 =	vld [tilespmem:s1+$0x1C0];
	v8 =	vtrunc.f32 v8;
	v6 =	vcvt.f32.s32 v6  }
0x593: {  	[tilespmem:v5+s15+$0x0] =	vst.idx.add.s32.msk $0xffff, v2;
	v10 =	vtrunc.f32 v10;
	v11 =	vtrunc.f32 v11  }
0x594: {  	s13 =	sor.u32 $0x850, s3;
	[tilespmem:v7+s15+$0x0] =	vst.idx.add.s32.msk $0xffff, v2;
	v12 =	vtrunc.f32 v12;
	v7 =	vcvt.f32.s32 v8  }
0x595: {  	s14 =	sor.u32 $0xC50, s3;
	[smem:$0x772] =	sst s13;
	v5 =	vtrunc.f32 v13;
	v6 =	vadd.s32 v6, v3;
	v8 =	vcvt.f32.s32 v10  }
0x596: {  	s16 =	sor.u32 $0x850, s0;
	v13 =	vmul.f32 $2.560000000e+02, v15;
	v10 =	vld [tilespmem:s13+$0x0];
	v11 =	vcvt.f32.s32 v11;
	[smem:$0x773] =	sst s14;
	v7 =	vadd.s32 v7, v3  }
0x597: {  	s17 =	sor.u32 $0xC50, s0;
	v4 =	vtrunc.f32 v4;
	v12 =	vcvt.f32.s32 v12;
	v14 =	vld [tilespmem:s14+$0x0];
	[smem:$0x774] =	sst s16;
	v8 =	vadd.s32 v8, v3  }
0x598: {  	v15 =	vmul.f32 $2.560000000e+02, v17;
	v5 =	vcvt.f32.s32 v5;
	v16 =	vld [tilespmem:s16+$0x0];
	v11 =	vadd.s32 v11, v3;
	[smem:$0x775] =	sst s17  }
0x599: {  	v4 =	vcvt.f32.s32 v4;
	v13 =	vtrunc.f32 v13;
	v12 =	vadd.s32 v12, v3;
	v17 =	vld [tilespmem:s17+$0x0]  }
0x59a: {  	v9 =	vtrunc.f32 v9;
	v13 =	vcvt.f32.s32 v13;
	v5 =	vadd.s32 v5, v3;
	[tilespmem:v6+s15+$0x0] =	vst.idx.add.s32.msk $0xffff, v2  }
0x59b: {  	v9 =	vcvt.f32.s32 v9;
	v4 =	vadd.s32 v4, v3;
	v6 =	vtrunc.f32 v15;
	[tilespmem:v7+s15+$0x0] =	vst.idx.add.s32.msk $0xffff, v2  }
0x59c: {  	v13 =	vadd.s32 v13, v3;
	v7 =	vtrunc.f32 v18;
	v6 =	vcvt.f32.s32 v6;
	[tilespmem:v8+s15+$0x0] =	vst.idx.add.s32.msk $0xffff, v2  }
0x59d: {  	v7 =	vcvt.f32.s32 v7;
	v8 =	vadd.s32 v9, v3;
	[tilespmem:v11+s15+$0x0] =	vst.idx.add.s32.msk $0xffff, v2  }
0x59e: {  	[tilespmem:v12+s15+$0x0] =	vst.idx.add.s32.msk $0xffff, v2;
	v6 =	vadd.s32 v6, v3  }
0x59f: {  	[tilespmem:v5+s15+$0x0] =	vst.idx.add.s32.msk $0xffff, v2;
	v7 =	vadd.s32 v7, v3  }
0x5a0: {  	[tilespmem:v4+s15+$0x0] =	vst.idx.add.s32.msk $0xffff, v2  }
0x5a1: {  	[tilespmem:v13+s15+$0x0] =	vst.idx.add.s32.msk $0xffff, v2  }
0x5a2: {  	[tilespmem:v8+s15+$0x0] =	vst.idx.add.s32.msk $0xffff, v2  }
0x5a3: {  	[tilespmem:v6+s15+$0x0] =	vst.idx.add.s32.msk $0xffff, v2  }
0x5a4: {  	s18 =	sor.u32 $0x850, s4;
	[tilespmem:v7+s15+$0x0] =	vst.idx.add.s32.msk $0xffff, v2  }
0x5a5: {  	s19 =	sor.u32 $0xC50, s4;
	[smem:$0x776] =	sst s18  }
0x5a6: {  	s20 =	sor.u32 $0x850, s2;
	v6 =	vld [tilespmem:s18+$0x0];
	[smem:$0x777] =	sst s19  }
0x5a7: {  	v8 =	vld [tilespmem:s19+$0x0];
	[smem:$0x778] =	sst s20  }
0x5a8: {  	v4 =	vmul.f32 $2.560000000e+02, v10;
	v5 =	vmul.f32 $2.560000000e+02, v14;
	v10 =	vld [tilespmem:s20+$0x0]  }
0x5a9: {  	v9 =	vmul.f32 $2.560000000e+02, v17;
	v11 =	vld [tilespmem:s1+$0x50]  }
0x5aa: {  	v4 =	vtrunc.f32 v4;
	v5 =	vtrunc.f32 v5;
	v12 =	vld [tilespmem:s1+$0x450]  }
0x5ab: {  	v4 =	vcvt.f32.s32 v4;
	v9 =	vtrunc.f32 v9;
	v13 =	vld [tilespmem:s1+$0xD0]  }
0x5ac: {  	v9 =	vcvt.f32.s32 v9;
	v7 =	vmul.f32 $2.560000000e+02, v16;
	v14 =	vld [tilespmem:s1+$0x4D0]  }
0x5ad: {  	v5 =	vcvt.f32.s32 v5;
	v4 =	vadd.s32 v4, v3;
	v16 =	vld [tilespmem:s1+$0x550]  }
0x5ae: {  	v9 =	vadd.s32 v9, v3;
	v7 =	vtrunc.f32 v7;
	v18 =	vld [tilespmem:s1+$0x5D0];
	v6 =	vmul.f32 $2.560000000e+02, v6  }
0x5af: {  	v7 =	vcvt.f32.s32 v7;
	v8 =	vmul.f32 $2.560000000e+02, v8  }
0x5b0: {  	v6 =	vtrunc.f32 v6;
	v10 =	vmul.f32 $2.560000000e+02, v10  }
0x5b1: {  	v15 =	vld [tilespmem:s1+$0x150];
	v7 =	vadd.s32 v7, v3;
	v11 =	vmul.f32 $2.560000000e+02, v11;
	v12 =	vmul.f32 $2.560000000e+02, v12  }
0x5b2: {  	v5 =	vadd.s32 v5, v3;
	[tilespmem:v4+s15+$0x0] =	vst.idx.add.s32.msk $0xffff, v2;
	v13 =	vmul.f32 $2.560000000e+02, v13;
	v4 =	vmul.f32 $2.560000000e+02, v14  }
0x5b3: {  	[tilespmem:v9+s15+$0x0] =	vst.idx.add.s32.msk $0xffff, v2;
	v9 =	vmul.f32 $2.560000000e+02, v16;
	v18 =	vmul.f32 $2.560000000e+02, v18  }
0x5b4: {  	v8 =	vtrunc.f32 v8;
	v6 =	vcvt.f32.s32 v6  }
0x5b5: {  	v17 =	vld [tilespmem:s1+$0x1D0];
	v10 =	vtrunc.f32 v10;
	v11 =	vtrunc.f32 v11  }
0x5b6: {  	[tilespmem:v7+s15+$0x0] =	vst.idx.add.s32.msk $0xffff, v2;
	v12 =	vtrunc.f32 v12;
	v7 =	vcvt.f32.s32 v8  }
0x5b7: {  	s21 =	sor.u32 $0x860, s3;
	[tilespmem:v5+s15+$0x0] =	vst.idx.add.s32.msk $0xffff, v2;
	v5 =	vtrunc.f32 v13;
	v6 =	vadd.s32 v6, v3;
	v8 =	vcvt.f32.s32 v10  }
0x5b8: {  	s22 =	sor.u32 $0xC60, s3;
	v13 =	vmul.f32 $2.560000000e+02, v15;
	[smem:$0x779] =	sst s21;
	v11 =	vcvt.f32.s32 v11;
	v7 =	vadd.s32 v7, v3  }
0x5b9: {  	s23 =	sor.u32 $0x860, s0;
	v4 =	vtrunc.f32 v4;
	v10 =	vld [tilespmem:s21+$0x0];
	[smem:$0x77A] =	sst s22;
	v12 =	vcvt.f32.s32 v12;
	v8 =	vadd.s32 v8, v3  }
0x5ba: {  	s24 =	sor.u32 $0xC60, s0;
	v15 =	vmul.f32 $2.560000000e+02, v17;
	v5 =	vcvt.f32.s32 v5;
	v14 =	vld [tilespmem:s22+$0x0];
	[smem:$0x77B] =	sst s23;
	v11 =	vadd.s32 v11, v3  }
0x5bb: {  	v4 =	vcvt.f32.s32 v4;
	v13 =	vtrunc.f32 v13;
	v16 =	vld [tilespmem:s23+$0x0];
	[smem:$0x77C] =	sst s24;
	v12 =	vadd.s32 v12, v3  }
0x5bc: {  	v9 =	vtrunc.f32 v9;
	v13 =	vcvt.f32.s32 v13;
	v5 =	vadd.s32 v5, v3;
	[tilespmem:v6+s15+$0x0] =	vst.idx.add.s32.msk $0xffff, v2  }
0x5bd: {  	v9 =	vcvt.f32.s32 v9;
	v4 =	vadd.s32 v4, v3;
	v6 =	vtrunc.f32 v15;
	[tilespmem:v7+s15+$0x0] =	vst.idx.add.s32.msk $0xffff, v2  }
0x5be: {  	v13 =	vadd.s32 v13, v3;
	v7 =	vtrunc.f32 v18;
	v6 =	vcvt.f32.s32 v6;
	[tilespmem:v8+s15+$0x0] =	vst.idx.add.s32.msk $0xffff, v2  }
0x5bf: {  	v7 =	vcvt.f32.s32 v7;
	v8 =	vadd.s32 v9, v3;
	[tilespmem:v11+s15+$0x0] =	vst.idx.add.s32.msk $0xffff, v2  }
0x5c0: {  	[tilespmem:v12+s15+$0x0] =	vst.idx.add.s32.msk $0xffff, v2;
	v6 =	vadd.s32 v6, v3  }
0x5c1: {  	[tilespmem:v5+s15+$0x0] =	vst.idx.add.s32.msk $0xffff, v2;
	v7 =	vadd.s32 v7, v3  }
0x5c2: {  	[tilespmem:v4+s15+$0x0] =	vst.idx.add.s32.msk $0xffff, v2  }
0x5c3: {  	[tilespmem:v13+s15+$0x0] =	vst.idx.add.s32.msk $0xffff, v2  }
0x5c4: {  	[tilespmem:v8+s15+$0x0] =	vst.idx.add.s32.msk $0xffff, v2  }
0x5c5: {  	[tilespmem:v6+s15+$0x0] =	vst.idx.add.s32.msk $0xffff, v2  }
0x5c6: {  	s25 =	sor.u32 $0x860, s4;
	[tilespmem:v7+s15+$0x0] =	vst.idx.add.s32.msk $0xffff, v2  }
0x5c7: {  	s26 =	sor.u32 $0xC60, s4;
	v17 =	vld [tilespmem:s24+$0x0];
	v5 =	vmul.f32 $2.560000000e+02, v14;
	[smem:$0x77D] =	sst s25  }
0x5c8: {  	s28 =	sor.u32 $0x860, s2;
	v4 =	vmul.f32 $2.560000000e+02, v10;
	v6 =	vld [tilespmem:s25+$0x0];
	[smem:$0x77E] =	sst s26  }
0x5c9: {  	v5 =	vtrunc.f32 v5;
	v8 =	vld [tilespmem:s26+$0x0];
	[smem:$0x77F] =	sst s28  }
0x5ca: {  	v4 =	vtrunc.f32 v4;
	v5 =	vcvt.f32.s32 v5;
	v10 =	vld [tilespmem:s28+$0x0]  }
0x5cb: {  	v4 =	vcvt.f32.s32 v4;
	v11 =	vld [tilespmem:s1+$0x60]  }
0x5cc: {  	v19 =	vadd.s32 v5, v3;
	v12 =	vld [tilespmem:s1+$0x460]  }
0x5cd: {  	v7 =	vmul.f32 $2.560000000e+02, v16;
	v16 =	vadd.s32 v4, v3;
	v15 =	vld [tilespmem:s1+$0xE0]  }
0x5ce: {  	v18 =	vld [tilespmem:s1+$0x4E0]  }
0x5cf: {  	v20 =	vld [tilespmem:s1+$0x160]  }
0x5d0: {  	v14 =	vld [tilespmem:s1+$0x560]  }
0x5d1: {  	v9 =	vmul.f32 $2.560000000e+02, v17;
	[tilespmem:v19+s15+$0x0] =	vst.idx.add.s32.msk $0xffff, v2;
	v4 =	vmul.f32 $2.560000000e+02, v8  }
0x5d2: {  	v7 =	vtrunc.f32 v7;
	[tilespmem:v16+s15+$0x0] =	vst.idx.add.s32.msk $0xffff, v2;
	v5 =	vmul.f32 $2.560000000e+02, v10  }
0x5d3: {  	s7 =	sor.u32 $0x870, s3;
	v13 =	vcvt.f32.s32 v7;
	v7 =	vtrunc.f32 v4;
	v4 =	vld [tilespmem:s1+$0x1E0]  }
0x5d4: {  	s18 =	sor.u32 $0xC70, s3;
	v6 =	vmul.f32 $2.560000000e+02, v6;
	v8 =	vtrunc.f32 v5;
	v5 =	vld [tilespmem:s1+$0x5E0];
	[smem:$0x780] =	sst s7  }
0x5d5: {  	p1 =	por $0x1, $0x1;
	s10 =	sor.u32 $0x870, s0;
	v9 =	vtrunc.f32 v9;
	[smem:$0x781] =	sst s18  }
.Ltmp7:
0x5d6: {  	s21 =	sor.u32 $0xC70, s0;
	v17 =	vcvt.f32.s32 v9;
	v6 =	vtrunc.f32 v6;
	[smem:$0x782] =	sst s10;
	(pc) =	sbr.rel @!p1 .LBB2_14-.Ltmp7, $4  }
0x5d7: {  	s11 =	sor.u32 $0x870, s4;
	v13 =	vadd.s32 v13, v3;
	v9 =	vmul.f32 $2.560000000e+02, v11;
	v11 =	vmul.f32 $2.560000000e+02, v12;
	[smem:$0x783] =	sst s21  }
0x5d8: {  	p2 =	por !p0, !p0;
	s31 =	sor.u32 $0xC70, s4;
	v15 =	vmul.f32 $2.560000000e+02, v15;
	v16 =	vmul.f32 $2.560000000e+02, v18;
	v12 =	vadd.s32 v17, v3;
	[smem:$0x784] =	sst s11  }
0x5d9: {  	s29 =	sor.u32 $0x870, s2;
	s30 =	smov.u32 s31;
	v10 =	vtrunc.f32 v9;
	v9 =	vtrunc.f32 v11;
	[dreg:$0x3] =	wrdreg s31  }
0x5da: {  	s16 =	simm.s32 $0x180;
	s24 =	simm.s32 $0x0;
	v11 =	vtrunc.f32 v15;
	v15 =	vmul.f32 $2.560000000e+02, v20;
	[smem:$0x785] =	sst s29  }
.LBB2_13:
0x5db: {  	_ = 	snop  }
0x5dc: {  	[tilespmem:v13+s15+$0x0] =	vst.idx.add.s32.msk $0xffff, v2  }
0x5dd: {  	s16 =	sadd.s32 $0x800, s16;
	[tilespmem:v12+s15+$0x0] =	vst.idx.add.s32.msk $0xffff, v2  }
0x5de: {  	s24 =	sadd.s32 $0x200, s24;
	v17 =	vcvt.f32.s32 v6;
	s28 =	sadd.s32 $0xFFFFFE80, s16;
	v6 =	vld [tilespmem:s10+$0x0]  }
0x5df: {  	s4 =	sand.u32 $0x200, s24;
	s5 =	sand.u32 $0x7000, s28;
	v13 =	vmul.f32 $2.560000000e+02, v14;
	v14 =	vmul.f32 $2.560000000e+02, v4;
	v4 =	vld [tilespmem:s7+$0x0]  }
0x5e0: {  	v12 =	vtrunc.f32 v15;
	s17 =	sor.u32 s4, s5;
	v15 =	vmul.f32 $2.560000000e+02, v5;
	v5 =	vld [tilespmem:s18+$0x0]  }
0x5e1: {  	v26 =	vld [tilespmem:s17+$0x0]  }
0x5e2: {  	v27 =	vld [tilespmem:s17+$0x400]  }
0x5e3: {  	s0 =	simm.s32 $0x1;
	v28 =	vld [tilespmem:s17+$0x80]  }
0x5e4: {  	s0 =	simm.s32 @!p2 $0x0;
	v29 =	vld [tilespmem:s17+$0x480]  }
0x5e5: {  	s0 =	sshll.u32 s0, $0x9;
	v30 =	vld [tilespmem:s17+$0x100]  }
0x5e6: {  	s3 =	sadd.s32 s28, s0;
	v31 =	vld [tilespmem:s17+$0x500]  }
0x5e7: {  	s0 =	sadd.s32 s16, s0;
	s3 =	sadd.s32 $0x180, s3;
	v32 =	vld [tilespmem:s17+$0x180]  }
0x5e8: {  	s22 =	sadd.s32 $0xFFFFFE80, s0;
	v33 =	vld [tilespmem:s17+$0x580];
	s26 =	sor.u32 $0xC00, s3  }
0x5e9: {  	v18 =	vcvt.f32.s32 v7;
	s6 =	sor.u32 $0x800, s22;
	v19 =	vld [tilespmem:s26+$0x0]  }
0x5ea: {  	s2 =	sadd.s32 $0xFFFFFF00, s0;
	s31 =	sor.u32 $0xC00, s22;
	v20 =	vld [tilespmem:s6+$0x0]  }
0x5eb: {  	v7 =	vadd.s32 v17, v3;
	v17 =	vcvt.f32.s32 v8;
	v8 =	vadd.s32 v18, v3;
	s8 =	sor.u32 $0x800, s2;
	v18 =	vld [tilespmem:s31+$0x0]  }
0x5ec: {  	v10 =	vcvt.f32.s32 v10;
	s12 =	sadd.s32 $0xFFFFFF80, s0;
	s9 =	sor.u32 $0xC00, s2;
	v21 =	vld [tilespmem:s8+$0x0]  }
0x5ed: {  	v9 =	vcvt.f32.s32 v9;
	s10 =	sor.u32 $0xC00, s12;
	v22 =	vld [tilespmem:s9+$0x0]  }
0x5ee: {  	v11 =	vcvt.f32.s32 v11;
	v16 =	vtrunc.f32 v16;
	v10 =	vadd.s32 v10, v3;
	s18 =	sor.u32 $0x800, s3;
	v24 =	vld [tilespmem:s10+$0x0]  }
0x5ef: {  	v16 =	vcvt.f32.s32 v16;
	v12 =	vcvt.f32.s32 v12;
	v9 =	vadd.s32 v9, v3;
	s6 =	sor.u32 $0x800, s12;
	v25 =	vld [tilespmem:s18+$0x0]  }
0x5f0: {  	v11 =	vadd.s32 v11, v3;
	v13 =	vtrunc.f32 v13;
	v14 =	vtrunc.f32 v14;
	v23 =	vld [tilespmem:s6+$0x0]  }
0x5f1: {  	v17 =	vadd.s32 v17, v3;
	v15 =	vtrunc.f32 v15;
	v13 =	vcvt.f32.s32 v13;
	[tilespmem:v7+s15+$0x0] =	vst.idx.add.s32.msk $0xffff, v2  }
0x5f2: {  	v16 =	vadd.s32 v16, v3;
	v14 =	vcvt.f32.s32 v14;
	[tilespmem:v8+s15+$0x0] =	vst.idx.add.s32.msk $0xffff, v2;
	v40 =	vmul.f32 $2.560000000e+02, v29  }
0x5f3: {  	v12 =	vadd.s32 v12, v3;
	v15 =	vcvt.f32.s32 v15;
	[tilespmem:v10+s15+$0x0] =	vst.idx.add.s32.msk $0xffff, v2;
	v30 =	vmul.f32 $2.560000000e+02, v30  }
0x5f4: {  	[tilespmem:v9+s15+$0x0] =	vst.idx.add.s32.msk $0xffff, v2;
	v13 =	vadd.s32 v13, v3;
	v27 =	vmul.f32 $2.560000000e+02, v27;
	v7 =	vtrunc.f32 v40  }
0x5f5: {  	[tilespmem:v11+s15+$0x0] =	vst.idx.add.s32.msk $0xffff, v2;
	v14 =	vadd.s32 v14, v3;
	v8 =	vtrunc.f32 v30;
	v7 =	vcvt.f32.s32 v7  }
0x5f6: {  	v15 =	vadd.s32 v15, v3;
	[tilespmem:v17+s15+$0x0] =	vst.idx.add.s32.msk $0xffff, v2;
	v19 =	vmul.f32 $2.560000000e+02, v19;
	v8 =	vcvt.f32.s32 v8  }
0x5f7: {  	v42 =	vmul.f32 $2.560000000e+02, v32;
	[tilespmem:v16+s15+$0x0] =	vst.idx.add.s32.msk $0xffff, v2;
	v20 =	vmul.f32 $2.560000000e+02, v20;
	v7 =	vadd.s32 v7, v3  }
0x5f8: {  	[tilespmem:v12+s15+$0x0] =	vst.idx.add.s32.msk $0xffff, v2;
	v18 =	vmul.f32 $2.560000000e+02, v18;
	v19 =	vtrunc.f32 v19;
	v8 =	vadd.s32 v8, v3  }
0x5f9: {  	s18 =	sor.u32 $0x830, s12;
	v20 =	vtrunc.f32 v20;
	v19 =	vcvt.f32.s32 v19;
	[tilespmem:v13+s15+$0x0] =	vst.idx.add.s32.msk $0xffff, v2  }
0x5fa: {  	[smem:$0x734] =	sst s18;
	s18 =	sor.u32 $0xC40, s22;
	v21 =	vmul.f32 $2.560000000e+02, v21;
	v10 =	vcvt.f32.s32 v20;
	[tilespmem:v14+s15+$0x0] =	vst.idx.add.s32.msk $0xffff, v2  }
0x5fb: {  	[smem:$0x738] =	sst s18;
	s18 =	sor.u32 $0xC40, s2;
	v22 =	vmul.f32 $2.560000000e+02, v22;
	v18 =	vtrunc.f32 v18;
	[tilespmem:v15+s15+$0x0] =	vst.idx.add.s32.msk $0xffff, v2;
	v19 =	vadd.s32 v19, v3  }
0x5fc: {  	[smem:$0x73A] =	sst s18;
	s18 =	sor.u32 $0xC40, s12;
	v21 =	vtrunc.f32 v21;
	v9 =	vcvt.f32.s32 v18;
	v10 =	vadd.s32 v10, v3;
	[tilespmem:v7+s15+$0x0] =	vst.idx.add.s32.msk $0xffff, v2  }
0x5fd: {  	[smem:$0x73C] =	sst s18;
	s18 =	sor.u32 $0x850, s2;
	v22 =	vtrunc.f32 v22;
	v16 =	vcvt.f32.s32 v21;
	[tilespmem:v8+s15+$0x0] =	vst.idx.add.s32.msk $0xffff, v2  }
0x5fe: {  	[smem:$0x740] =	sst s18;
	s18 =	sor.u32 $0xC50, s12;
	v27 =	vtrunc.f32 v27;
	v46 =	vcvt.f32.s32 v22;
	v9 =	vadd.s32 v9, v3;
	v61 =	vld [tilespmem:s1+$0x4F0]  }
0x5ff: {  	v17 =	vtrunc.f32 v42;
	[smem:$0x743] =	sst s18;
	s18 =	sor.u32 $0xC60, s22;
	v14 =	vcvt.f32.s32 v27;
	v16 =	vadd.s32 v16, v3;
	v62 =	vld [tilespmem:s1+$0x170]  }
0x600: {  	[dreg:$0x1b] =	wrdreg s18;
	s18 =	sor.u32 $0x860, s12;
	v15 =	vcvt.f32.s32 v17;
	v20 =	vadd.s32 v46, v3;
	[tilespmem:v19+s15+$0x0] =	vst.idx.add.s32.msk $0xffff, v2  }
0x601: {  	[dreg:$0x7] =	wrdreg s18;
	s18 =	sor.u32 $0xC10, s3;
	v14 =	vadd.s32 v14, v3;
	[tilespmem:v10+s15+$0x0] =	vst.idx.add.s32.msk $0xffff, v2  }
0x602: {  	v15 =	vadd.s32 v15, v3;
	v41 =	vld [tilespmem:s18+$0x0]  }
0x603: {  	[tilespmem:v9+s15+$0x0] =	vst.idx.add.s32.msk $0xffff, v2  }
0x604: {  	v24 =	vmul.f32 $2.560000000e+02, v24;
	v23 =	vmul.f32 $2.560000000e+02, v23;
	[tilespmem:v16+s15+$0x0] =	vst.idx.add.s32.msk $0xffff, v2  }
0x605: {  	v45 =	vmul.f32 $2.560000000e+02, v33;
	[tilespmem:v20+s15+$0x0] =	vst.idx.add.s32.msk $0xffff, v2  }
0x606: {  	v24 =	vtrunc.f32 v24;
	v23 =	vtrunc.f32 v23;
	[tilespmem:v14+s15+$0x0] =	vst.idx.add.s32.msk $0xffff, v2  }
0x607: {  	s25 =	sor.u32 $0x810, s22;
	v12 =	vcvt.f32.s32 v23;
	[tilespmem:v15+s15+$0x0] =	vst.idx.add.s32.msk $0xffff, v2;
	v44 =	vmul.f32 $2.560000000e+02, v41  }
0x608: {  	s26 =	sor.u32 $0x810, s2;
	v11 =	vtrunc.f32 v45;
	v47 =	vcvt.f32.s32 v24;
	v49 =	vld [tilespmem:s25+$0x0]  }
0x609: {  	s5 =	sor.u32 $0xC10, s2;
	v11 =	vcvt.f32.s32 v11;
	v10 =	vadd.s32 v12, v3;
	v7 =	vld [tilespmem:s26+$0x0];
	v18 =	vtrunc.f32 v44  }
0x60a: {  	v12 =	vadd.s32 v47, v3;
	v8 =	vld [tilespmem:s5+$0x0];
	v18 =	vcvt.f32.s32 v18  }
0x60b: {  	v16 =	vadd.s32 v11, v3;
	v51 =	vld [tilespmem:s17+$0x190]  }
0x60c: {  	v31 =	vmul.f32 $2.560000000e+02, v31;
	v25 =	vmul.f32 $2.560000000e+02, v25;
	v54 =	vld [tilespmem:s21+$0x0];
	v18 =	vadd.s32 v18, v3  }
0x60d: {  	v26 =	vmul.f32 $2.560000000e+02, v26;
	v59 =	vld [tilespmem:s1+$0x470]  }
0x60e: {  	v43 =	vtrunc.f32 v31;
	v25 =	vtrunc.f32 v25;
	[tilespmem:v10+s15+$0x0] =	vst.idx.add.s32.msk $0xffff, v2  }
0x60f: {  	v19 =	vtrunc.f32 v26;
	v9 =	vcvt.f32.s32 v43;
	[tilespmem:v12+s15+$0x0] =	vst.idx.add.s32.msk $0xffff, v2  }
0x610: {  	v13 =	vcvt.f32.s32 v19;
	v19 =	vcvt.f32.s32 v25;
	[tilespmem:v16+s15+$0x0] =	vst.idx.add.s32.msk $0xffff, v2  }
0x611: {  	p3 =	slt.u32 s28, $0x7800;
	s28 =	sor.u32 $0xC20, s3;
	[tilespmem:v18+s15+$0x0] =	vst.idx.add.s32.msk $0xffff, v2  }
0x612: {  	v6 =	vmul.f32 $2.560000000e+02, v6;
	v9 =	vadd.s32 v9, v3;
	v17 =	vadd.s32 v19, v3;
	v19 =	vld [tilespmem:s28+$0x0]  }
0x613: {  	v4 =	vmul.f32 $2.560000000e+02, v4;
	v16 =	vld [tilespmem:s17+$0x410]  }
0x614: {  	v6 =	vtrunc.f32 v6;
	v5 =	vmul.f32 $2.560000000e+02, v5;
	v52 =	vld [tilespmem:s17+$0x590]  }
0x615: {  	v28 =	vmul.f32 $2.560000000e+02, v28;
	v4 =	vtrunc.f32 v4;
	v13 =	vadd.s32 v13, v3;
	v55 =	vld [tilespmem:s11+$0x0]  }
0x616: {  	v5 =	vtrunc.f32 v5;
	v4 =	vcvt.f32.s32 v4;
	v56 =	vld [tilespmem:s30+$0x0]  }
0x617: {  	s8 =	sor.u32 $0x810, s12;
	v5 =	vcvt.f32.s32 v5;
	[tilespmem:v9+s15+$0x0] =	vst.idx.add.s32.msk $0xffff, v2;
	v10 =	vmul.f32 $2.560000000e+02, v19  }
0x618: {  	v11 =	vmul.f32 $2.560000000e+02, v49;
	v7 =	vmul.f32 $2.560000000e+02, v7;
	v9 =	vld [tilespmem:s8+$0x0]  }
0x619: {  	v8 =	vmul.f32 $2.560000000e+02, v8;
	[tilespmem:v17+s15+$0x0] =	vst.idx.add.s32.msk $0xffff, v2;
	v10 =	vtrunc.f32 v10  }
0x61a: {  	[tilespmem:v13+s15+$0x0] =	vst.idx.add.s32.msk $0xffff, v2;
	v12 =	vtrunc.f32 v11;
	v13 =	vcvt.f32.s32 v10  }
0x61b: {  	v11 =	vadd.s32 v4, v3;
	v7 =	vtrunc.f32 v7;
	v50 =	vld [tilespmem:s17+$0x510];
	v4 =	vcvt.f32.s32 v12  }
0x61c: {  	s9 =	sor.u32 $0x810, s3;
	v63 =	vld [tilespmem:s1+$0x570];
	v10 =	vadd.s32 v5, v3;
	v5 =	vcvt.f32.s32 v6;
	v6 =	vadd.s32 v13, v3  }
0x61d: {  	v8 =	vtrunc.f32 v8;
	v14 =	vld [tilespmem:s9+$0x0];
	v7 =	vcvt.f32.s32 v7  }
0x61e: {  	v15 =	vld [tilespmem:s17+$0x10];
	v8 =	vcvt.f32.s32 v8;
	v4 =	vadd.s32 v4, v3  }
0x61f: {  	v28 =	vtrunc.f32 v28;
	v57 =	vld [tilespmem:s29+$0x0];
	v7 =	vadd.s32 v7, v3  }
0x620: {  	v48 =	vcvt.f32.s32 v28;
	v58 =	vld [tilespmem:s1+$0x70];
	v22 =	vmul.f32 $2.560000000e+02, v52;
	v8 =	vadd.s32 v8, v3  }
0x621: {  	s28 =	sor.u32 $0xC30, s3;
	[tilespmem:v6+s15+$0x0] =	vst.idx.add.s32.msk $0xffff, v2  }
0x622: {  	v22 =	vtrunc.f32 v22;
	v18 =	vadd.s32 v48, v3;
	v12 =	vadd.s32 v5, v3;
	v5 =	vld [tilespmem:s28+$0x0]  }
0x623: {  	v35 =	vcvt.f32.s32 v22;
	[tilespmem:v4+s15+$0x0] =	vst.idx.add.s32.msk $0xffff, v2  }
0x624: {  	v9 =	vmul.f32 $2.560000000e+02, v9;
	[tilespmem:v7+s15+$0x0] =	vst.idx.add.s32.msk $0xffff, v2  }
0x625: {  	s14 =	sor.u32 $0x820, s22;
	v7 =	vadd.s32 v35, v3;
	[tilespmem:v8+s15+$0x0] =	vst.idx.add.s32.msk $0xffff, v2  }
0x626: {  	v9 =	vtrunc.f32 v9;
	v53 =	vld [tilespmem:s14+$0x0]  }
0x627: {  	v9 =	vcvt.f32.s32 v9;
	[tilespmem:v18+s15+$0x0] =	vst.idx.add.s32.msk $0xffff, v2;
	v5 =	vmul.f32 $2.560000000e+02, v5  }
0x628: {  	v16 =	vmul.f32 $2.560000000e+02, v16;
	v18 =	vld [tilespmem:s17+$0x490]  }
0x629: {  	v14 =	vmul.f32 $2.560000000e+02, v14;
	v9 =	vadd.s32 v9, v3;
	v17 =	vld [tilespmem:s17+$0x90];
	v5 =	vtrunc.f32 v5  }
0x62a: {  	v15 =	vmul.f32 $2.560000000e+02, v15;
	[tilespmem:v7+s15+$0x0] =	vst.idx.add.s32.msk $0xffff, v2;
	v5 =	vcvt.f32.s32 v5  }
0x62b: {  	s4 =	sor.u32 $0xC10, s22;
	v14 =	vtrunc.f32 v14;
	v19 =	vld [tilespmem:s17+$0x110];
	v20 =	vmul.f32 $2.560000000e+02, v53  }
0x62c: {  	v15 =	vtrunc.f32 v15;
	v14 =	vcvt.f32.s32 v14;
	v6 =	vld [tilespmem:s4+$0x0];
	v5 =	vadd.s32 v5, v3  }
0x62d: {  	v15 =	vcvt.f32.s32 v15;
	v60 =	vld [tilespmem:s1+$0xF0];
	v20 =	vtrunc.f32 v20  }
0x62e: {  	v14 =	vadd.s32 v14, v3;
	[tilespmem:v9+s15+$0x0] =	vst.idx.add.s32.msk $0xffff, v2;
	v18 =	vmul.f32 $2.560000000e+02, v18;
	v17 =	vmul.f32 $2.560000000e+02, v17  }
0x62f: {  	v8 =	vmul.f32 $2.560000000e+02, v55;
	v15 =	vadd.s32 v15, v3;
	v55 =	vld [tilespmem:s17+$0x5A0];
	v20 =	vcvt.f32.s32 v20  }
0x630: {  	v34 =	vld [tilespmem:s1+$0x5F0];
	v18 =	vtrunc.f32 v18;
	v4 =	vtrunc.f32 v17  }
0x631: {  	s5 =	sor.u32 $0xC40, s3;
	v18 =	vcvt.f32.s32 v18;
	v6 =	vmul.f32 $2.560000000e+02, v6;
	[tilespmem:v5+s15+$0x0] =	vst.idx.add.s32.msk $0xffff, v2  }
0x632: {  	v5 =	vtrunc.f32 v16;
	v16 =	vmul.f32 $2.560000000e+02, v19;
	v19 =	vld [tilespmem:s5+$0x0]  }
0x633: {  	[tilespmem:v14+s15+$0x0] =	vst.idx.add.s32.msk $0xffff, v2;
	v20 =	vadd.s32 v20, v3;
	v4 =	vcvt.f32.s32 v4;
	v6 =	vtrunc.f32 v6  }
0x634: {  	s0 =	sor.u32 $0x820, s3;
	[tilespmem:v15+s15+$0x0] =	vst.idx.add.s32.msk $0xffff, v2;
	v18 =	vadd.s32 v18, v3;
	v6 =	vcvt.f32.s32 v6  }
0x635: {  	v43 =	vld [tilespmem:s0+$0x0];
	v4 =	vadd.s32 v4, v3  }
0x636: {  	s31 =	sor.u32 $0xC10, s12;
	v44 =	vld [tilespmem:s17+$0x20];
	v6 =	vadd.s32 v6, v3;
	v5 =	vcvt.f32.s32 v5  }
0x637: {  	s19 =	sor.u32 $0xC20, s2;
	v13 =	vld [tilespmem:s31+$0x0];
	v19 =	vmul.f32 $2.560000000e+02, v19  }
0x638: {  	s23 =	sor.u32 $0x830, s22;
	[smem:$0x72F] =	sst s19;
	[tilespmem:v20+s15+$0x0] =	vst.idx.add.s32.msk $0xffff, v2;
	v5 =	vadd.s32 v5, v3  }
0x639: {  	[smem:$0x730] =	sst s23;
	s10 =	sor.u32 $0xC30, s22;
	v17 =	vmul.f32 $2.560000000e+02, v50;
	[tilespmem:v18+s15+$0x0] =	vst.idx.add.s32.msk $0xffff, v2;
	v19 =	vtrunc.f32 v19  }
0x63a: {  	s23 =	sor.u32 $0x830, s2;
	[smem:$0x731] =	sst s10;
	[tilespmem:v4+s15+$0x0] =	vst.idx.add.s32.msk $0xffff, v2;
	v19 =	vcvt.f32.s32 v19  }
0x63b: {  	s13 =	sor.u32 $0xC20, s22;
	[smem:$0x732] =	sst s23;
	s10 =	sor.u32 $0xC30, s2;
	v21 =	vmul.f32 $2.560000000e+02, v51;
	v17 =	vtrunc.f32 v17;
	[tilespmem:v6+s15+$0x0] =	vst.idx.add.s32.msk $0xffff, v2  }
0x63c: {  	s23 =	sor.u32 $0xC30, s12;
	[smem:$0x733] =	sst s10;
	v13 =	vmul.f32 $2.560000000e+02, v13;
	v17 =	vcvt.f32.s32 v17;
	v36 =	vld [tilespmem:s13+$0x0];
	v19 =	vadd.s32 v19, v3  }
0x63d: {  	[smem:$0x735] =	sst s23;
	s10 =	sor.u32 $0x840, s22;
	v37 =	vmul.f32 $2.560000000e+02, v54;
	v16 =	vtrunc.f32 v16;
	[tilespmem:v5+s15+$0x0] =	vst.idx.add.s32.msk $0xffff, v2  }
0x63e: {  	s23 =	sor.u32 $0x830, s3;
	[smem:$0x737] =	sst s10;
	v13 =	vtrunc.f32 v13;
	v17 =	vadd.s32 v17, v3;
	v16 =	vcvt.f32.s32 v16;
	v45 =	vld [tilespmem:s17+$0x420]  }
0x63f: {  	[smem:$0x736] =	sst s23;
	s10 =	sor.u32 $0x840, s2;
	v21 =	vtrunc.f32 v21;
	v13 =	vcvt.f32.s32 v13;
	v49 =	vld [tilespmem:s17+$0x4A0]  }
0x640: {  	s23 =	sor.u32 $0x840, s12;
	[smem:$0x739] =	sst s10;
	v38 =	vmul.f32 $2.560000000e+02, v57;
	v8 =	vtrunc.f32 v8;
	v47 =	vld [tilespmem:s17+$0xA0];
	v16 =	vadd.s32 v16, v3  }
0x641: {  	[smem:$0x73B] =	sst s23;
	s10 =	sor.u32 $0x850, s22;
	s8 =	sor.u32 $0xC50, s3;
	v9 =	vmul.f32 $2.560000000e+02, v56;
	v6 =	vadd.s32 v13, v3;
	v13 =	vcvt.f32.s32 v21;
	[tilespmem:v19+s15+$0x0] =	vst.idx.add.s32.msk $0xffff, v2  }
0x642: {  	s23 =	sor.u32 $0x840, s3;
	[smem:$0x73E] =	sst s10;
	v8 =	vcvt.f32.s32 v8;
	v22 =	vmul.f32 $2.560000000e+02, v36;
	v19 =	vld [tilespmem:s8+$0x0]  }
0x643: {  	[smem:$0x73D] =	sst s23;
	s10 =	sor.u32 $0xC50, s22;
	v9 =	vtrunc.f32 v9;
	[tilespmem:v17+s15+$0x0] =	vst.idx.add.s32.msk $0xffff, v2;
	v13 =	vadd.s32 v13, v3;
	v21 =	vmul.f32 $2.560000000e+02, v45  }
0x644: {  	s23 =	sor.u32 $0xC50, s2;
	[smem:$0x73F] =	sst s10;
	v51 =	vmul.f32 $2.560000000e+02, v44;
	v52 =	vld [tilespmem:s17+$0x520];
	v22 =	vtrunc.f32 v22  }
0x645: {  	[smem:$0x741] =	sst s23;
	s10 =	sor.u32 $0x850, s12;
	v15 =	vcvt.f32.s32 v22;
	[tilespmem:v16+s15+$0x0] =	vst.idx.add.s32.msk $0xffff, v2;
	v21 =	vtrunc.f32 v21  }
0x646: {  	s23 =	sor.u32 $0x850, s3;
	[smem:$0x742] =	sst s10;
	v9 =	vcvt.f32.s32 v9;
	v50 =	vld [tilespmem:s17+$0x120];
	v21 =	vcvt.f32.s32 v21  }
0x647: {  	[smem:$0x744] =	sst s23;
	s10 =	sor.u32 $0x860, s22;
	v25 =	vtrunc.f32 v51;
	[tilespmem:v6+s15+$0x0] =	vst.idx.add.s32.msk $0xffff, v2;
	v22 =	vadd.s32 v15, v3;
	v14 =	vmul.f32 $2.560000000e+02, v19  }
0x648: {  	s23 =	sor.u32 $0x860, s2;
	[dreg:$0x1f] =	wrdreg s10;
	v25 =	vcvt.f32.s32 v25;
	[tilespmem:v13+s15+$0x0] =	vst.idx.add.s32.msk $0xffff, v2;
	v21 =	vadd.s32 v21, v3;
	v19 =	vmul.f32 $2.560000000e+02, v59  }
0x649: {  	s20 =	sor.u32 $0x820, s2;
	[dreg:$0x15] =	wrdreg s23;
	s10 =	sor.u32 $0xC60, s2;
	v27 =	vmul.f32 $2.560000000e+02, v52;
	v54 =	vld [tilespmem:s17+$0x1A0];
	v5 =	vtrunc.f32 v14  }
0x64a: {  	s7 =	sor.u32 $0x870, s22;
	s19 =	sor.u32 $0x820, s12;
	[dreg:$0x16] =	wrdreg s10;
	v13 =	vtrunc.f32 v19;
	v19 =	vld [tilespmem:s20+$0x0];
	v4 =	vcvt.f32.s32 v5  }
0x64b: {  	s6 =	sor.u32 $0xC20, s12;
	s23 =	sor.u32 $0xC60, s12;
	s14 =	sld [smem:$0x730];
	v17 =	vtrunc.f32 v38;
	v36 =	vld [tilespmem:s1+$0x1F0];
	v57 =	vmul.f32 $2.560000000e+02, v50  }
0x64c: {  	[dreg:$0xf] =	wrdreg s23;
	s23 =	sor.u32 $0x860, s3;
	s10 =	sor.u32 $0x870, s2;
	v27 =	vtrunc.f32 v27;
	[tilespmem:v22+s15+$0x0] =	vst.idx.add.s32.msk $0xffff, v2;
	v14 =	vmul.f32 $2.560000000e+02, v60;
	v4 =	vadd.s32 v4, v3  }
0x64d: {  	[dreg:$0xb] =	wrdreg s23;
	s23 =	sor.u32 $0xC70, s2;
	s2 =	sor.u32 $0xC70, s12;
	v15 =	vmul.f32 $2.560000000e+02, v62;
	v22 =	vtrunc.f32 v57;
	[tilespmem:v21+s15+$0x0] =	vst.idx.add.s32.msk $0xffff, v2  }
0x64e: {  	s18 =	sor.u32 $0xC70, s22;
	s22 =	sor.u32 $0x870, s12;
	s12 =	sor.u32 $0x870, s3;
	v5 =	vmul.f32 $2.560000000e+02, v61;
	v61 =	vld [tilespmem:s14+$0x0];
	v7 =	vtrunc.f32 v14  }
0x64f: {  	s29 =	smov.u32 s12;
	s12 =	sld [smem:$0x72F];
	s1 =	smov.u32 s17;
	[tilespmem:v11+s15+$0x0] =	vst.idx.add.s32.msk $0xffff, v2;
	v41 =	vcvt.f32.s32 v7;
	v7 =	vmul.f32 $2.560000000e+02, v19  }
0x650: {  	v16 =	vtrunc.f32 v37;
	v22 =	vcvt.f32.s32 v22;
	v50 =	vld [tilespmem:s1+$0x430]  }
0x651: {  	v14 =	vadd.s32 v8, v3;
	v8 =	vtrunc.f32 v7;
	[tilespmem:v4+s15+$0x0] =	vst.idx.add.s32.msk $0xffff, v2;
	v4 =	vcvt.f32.s32 v16  }
0x652: {  	v16 =	vcvt.f32.s32 v17;
	v17 =	vld [tilespmem:s12+$0x0];
	v46 =	vcvt.f32.s32 v8  }
0x653: {  	s9 =	sor.u32 $0xC60, s3;
	v22 =	vadd.s32 v22, v3;
	v40 =	vcvt.f32.s32 v13;
	v13 =	vadd.s32 v4, v3;
	v4 =	vld [tilespmem:s19+$0x0];
	s19 =	sld [smem:$0x731]  }
0x654: {  	v18 =	vmul.f32 $2.560000000e+02, v63;
	v38 =	vcvt.f32.s32 v27;
	v39 =	vld [tilespmem:s9+$0x0];
	v23 =	vadd.s32 v46, v3  }
0x655: {  	v6 =	vmul.f32 $2.560000000e+02, v58;
	v15 =	vtrunc.f32 v15;
	v19 =	vld [tilespmem:s6+$0x0]  }
0x656: {  	v58 =	vmul.f32 $2.560000000e+02, v54;
	v42 =	vcvt.f32.s32 v15;
	v62 =	vld [tilespmem:s19+$0x0]  }
0x657: {  	s20 =	sld [smem:$0x732];
	v5 =	vtrunc.f32 v5;
	v17 =	vmul.f32 $2.560000000e+02, v17;
	[tilespmem:v10+s15+$0x0] =	vst.idx.add.s32.msk $0xffff, v2;
	v10 =	vadd.s32 v25, v3  }
0x658: {  	v20 =	vtrunc.f32 v58;
	[tilespmem:v22+s15+$0x0] =	vst.idx.add.s32.msk $0xffff, v2;
	v5 =	vcvt.f32.s32 v5;
	v25 =	vadd.s32 v38, v3  }
0x659: {  	v15 =	vadd.s32 v9, v3;
	v9 =	vmul.f32 $2.560000000e+02, v39;
	v17 =	vtrunc.f32 v17;
	[tilespmem:v23+s15+$0x0] =	vst.idx.add.s32.msk $0xffff, v2  }
0x65a: {  	v48 =	vmul.f32 $2.560000000e+02, v4;
	v17 =	vcvt.f32.s32 v17;
	v63 =	vld [tilespmem:s20+$0x0]  }
0x65b: {  	v4 =	vtrunc.f32 v9;
	v9 =	vadd.s32 v5, v3;
	[tilespmem:v12+s15+$0x0] =	vst.idx.add.s32.msk $0xffff, v2;
	v12 =	vcvt.f32.s32 v20  }
0x65c: {  	v5 =	vmul.f32 $2.560000000e+02, v19;
	v19 =	vcvt.f32.s32 v4;
	v17 =	vadd.s32 v17, v3;
	[tilespmem:v10+s15+$0x0] =	vst.idx.add.s32.msk $0xffff, v2  }
0x65d: {  	v18 =	vtrunc.f32 v18;
	v56 =	vmul.f32 $2.560000000e+02, v49;
	v12 =	vadd.s32 v12, v3;
	[tilespmem:v25+s15+$0x0] =	vst.idx.add.s32.msk $0xffff, v2  }
0x65e: {  	v24 =	vmul.f32 $2.560000000e+02, v61;
	v53 =	vtrunc.f32 v5;
	v19 =	vadd.s32 v19, v3;
	v49 =	vld [tilespmem:s1+$0x30]  }
0x65f: {  	v28 =	vtrunc.f32 v48;
	v31 =	vcvt.f32.s32 v53;
	v53 =	vld [tilespmem:s1+$0x130]  }
0x660: {  	v24 =	vtrunc.f32 v24;
	v28 =	vcvt.f32.s32 v28;
	v54 =	vld [tilespmem:s1+$0x530]  }
0x661: {  	s11 =	smov.u32 s22;
	s22 =	sld [smem:$0x733];
	v18 =	vcvt.f32.s32 v18;
	v10 =	vcvt.f32.s32 v24;
	[tilespmem:v17+s15+$0x0] =	vst.idx.add.s32.msk $0xffff, v2  }
0x662: {  	v28 =	vadd.s32 v28, v3;
	[tilespmem:v12+s15+$0x0] =	vst.idx.add.s32.msk $0xffff, v2  }
0x663: {  	v5 =	vadd.s32 v18, v3;
	v18 =	vmul.f32 $2.560000000e+02, v47;
	v46 =	vadd.s32 v10, v3;
	[tilespmem:v19+s15+$0x0] =	vst.idx.add.s32.msk $0xffff, v2  }
0x664: {  	v26 =	vmul.f32 $2.560000000e+02, v43;
	v7 =	vadd.s32 v40, v3;
	v31 =	vadd.s32 v31, v3;
	v40 =	vld [tilespmem:s22+$0x0]  }
0x665: {  	s13 =	sor.u32 $0xC70, s3;
	v60 =	vmul.f32 $2.560000000e+02, v55;
	v18 =	vtrunc.f32 v18;
	v55 =	vld [tilespmem:s1+$0x1B0]  }
0x666: {  	v18 =	vcvt.f32.s32 v18;
	v59 =	vld [tilespmem:s13+$0x0]  }
0x667: {  	s21 =	smov.u32 s23;
	s23 =	sld [smem:$0x734];
	v26 =	vtrunc.f32 v26;
	[tilespmem:v28+s15+$0x0] =	vst.idx.add.s32.msk $0xffff, v2  }
0x668: {  	v26 =	vcvt.f32.s32 v26;
	s28 =	sld [smem:$0x737];
	v23 =	vtrunc.f32 v60;
	v18 =	vadd.s32 v18, v3;
	[tilespmem:v46+s15+$0x0] =	vst.idx.add.s32.msk $0xffff, v2  }
0x669: {  	v17 =	vcvt.f32.s32 v23;
	v19 =	vtrunc.f32 v56;
	[tilespmem:v31+s15+$0x0] =	vst.idx.add.s32.msk $0xffff, v2  }
0x66a: {  	v11 =	vcvt.f32.s32 v19;
	v19 =	vadd.s32 v26, v3;
	v12 =	vld [tilespmem:s23+$0x0]  }
0x66b: {  	v17 =	vadd.s32 v17, v3;
	v61 =	vld [tilespmem:s28+$0x0]  }
0x66c: {  	[tilespmem:v14+s15+$0x0] =	vst.idx.add.s32.msk $0xffff, v2  }
0x66d: {  	[tilespmem:v18+s15+$0x0] =	vst.idx.add.s32.msk $0xffff, v2  }
0x66e: {  	s25 =	sld [smem:$0x735];
	v4 =	vadd.s32 v42, v3;
	v42 =	vmul.f32 $2.560000000e+02, v63;
	v51 =	vld [tilespmem:s1+$0xB0]  }
0x66f: {  	v43 =	vmul.f32 $2.560000000e+02, v36;
	[tilespmem:v19+s15+$0x0] =	vst.idx.add.s32.msk $0xffff, v2  }
0x670: {  	s26 =	sld [smem:$0x736];
	v16 =	vadd.s32 v16, v3;
	v44 =	vtrunc.f32 v42;
	v22 =	vmul.f32 $2.560000000e+02, v49;
	[tilespmem:v17+s15+$0x0] =	vst.idx.add.s32.msk $0xffff, v2  }
0x671: {  	v24 =	vmul.f32 $2.560000000e+02, v50;
	v20 =	vcvt.f32.s32 v44;
	v11 =	vadd.s32 v11, v3;
	v17 =	vld [tilespmem:s25+$0x0]  }
0x672: {  	v8 =	vadd.s32 v41, v3;
	v41 =	vmul.f32 $2.560000000e+02, v62;
	v22 =	vtrunc.f32 v22;
	[tilespmem:v15+s15+$0x0] =	vst.idx.add.s32.msk $0xffff, v2  }
0x673: {  	v24 =	vtrunc.f32 v24;
	v22 =	vcvt.f32.s32 v22;
	v18 =	vadd.s32 v20, v3;
	v48 =	vld [tilespmem:s26+$0x0]  }
0x674: {  	v47 =	vmul.f32 $2.560000000e+02, v34;
	v24 =	vcvt.f32.s32 v24;
	v56 =	vld [tilespmem:s1+$0x5B0]  }
0x675: {  	v58 =	vmul.f32 $2.560000000e+02, v53;
	v26 =	vtrunc.f32 v41;
	v14 =	vadd.s32 v22, v3;
	[tilespmem:v16+s15+$0x0] =	vst.idx.add.s32.msk $0xffff, v2  }
0x676: {  	s30 =	smov.u32 s2;
	s2 =	sld [smem:$0x739];
	v23 =	vmul.f32 $2.560000000e+02, v40;
	v60 =	vmul.f32 $2.560000000e+02, v55;
	v15 =	vadd.s32 v24, v3;
	[tilespmem:v11+s15+$0x0] =	vst.idx.add.s32.msk $0xffff, v2  }
0x677: {  	v29 =	vmul.f32 $2.560000000e+02, v59;
	v19 =	vcvt.f32.s32 v26;
	v52 =	vld [tilespmem:s1+$0x4B0]  }
0x678: {  	v45 =	vtrunc.f32 v23;
	v12 =	vmul.f32 $2.560000000e+02, v12;
	[tilespmem:v18+s15+$0x0] =	vst.idx.add.s32.msk $0xffff, v2  }
0x679: {  	v29 =	vtrunc.f32 v29;
	v19 =	vadd.s32 v19, v3;
	v10 =	vcvt.f32.s32 v45;
	v33 =	vld [tilespmem:s2+$0x0]  }
0x67a: {  	v59 =	vtrunc.f32 v58;
	v37 =	vcvt.f32.s32 v29;
	[tilespmem:v14+s15+$0x0] =	vst.idx.add.s32.msk $0xffff, v2  }
0x67b: {  	v12 =	vtrunc.f32 v12;
	v18 =	vmul.f32 $2.560000000e+02, v54;
	v21 =	vadd.s32 v10, v3;
	[tilespmem:v15+s15+$0x0] =	vst.idx.add.s32.msk $0xffff, v2  }
0x67c: {  	s31 =	sld [smem:$0x738];
	v11 =	vtrunc.f32 v43;
	v12 =	vcvt.f32.s32 v12;
	v39 =	vadd.s32 v37, v3;
	v43 =	vld [tilespmem:s1+$0x440]  }
0x67d: {  	v17 =	vmul.f32 $2.560000000e+02, v17;
	v18 =	vtrunc.f32 v18;
	[tilespmem:v7+s15+$0x0] =	vst.idx.add.s32.msk $0xffff, v2  }
0x67e: {  	v25 =	vmul.f32 $2.560000000e+02, v51;
	v18 =	vcvt.f32.s32 v18;
	[tilespmem:v19+s15+$0x0] =	vst.idx.add.s32.msk $0xffff, v2  }
0x67f: {  	s3 =	sld [smem:$0x73A];
	v20 =	vmul.f32 $2.560000000e+02, v48;
	v12 =	vadd.s32 v12, v3;
	v17 =	vtrunc.f32 v17;
	v63 =	vld [tilespmem:s31+$0x0]  }
0x680: {  	v19 =	vtrunc.f32 v25;
	v17 =	vcvt.f32.s32 v17;
	v18 =	vadd.s32 v18, v3;
	[tilespmem:v21+s15+$0x0] =	vst.idx.add.s32.msk $0xffff, v2  }
0x681: {  	v20 =	vtrunc.f32 v20;
	v19 =	vcvt.f32.s32 v19;
	[tilespmem:v39+s15+$0x0] =	vst.idx.add.s32.msk $0xffff, v2  }
0x682: {  	v62 =	vmul.f32 $2.560000000e+02, v56;
	v20 =	vcvt.f32.s32 v20;
	v34 =	vld [tilespmem:s3+$0x0];
	v17 =	vadd.s32 v17, v3  }
0x683: {  	v25 =	vtrunc.f32 v60;
	v21 =	vcvt.f32.s32 v59;
	[tilespmem:v13+s15+$0x0] =	vst.idx.add.s32.msk $0xffff, v2;
	v19 =	vadd.s32 v19, v3  }
0x684: {  	v27 =	vtrunc.f32 v62;
	v35 =	vcvt.f32.s32 v25;
	v20 =	vadd.s32 v20, v3;
	[tilespmem:v12+s15+$0x0] =	vst.idx.add.s32.msk $0xffff, v2  }
0x685: {  	v36 =	vcvt.f32.s32 v27;
	v16 =	vadd.s32 v21, v3;
	[tilespmem:v18+s15+$0x0] =	vst.idx.add.s32.msk $0xffff, v2  }
0x686: {  	v10 =	vcvt.f32.s32 v11;
	v11 =	vtrunc.f32 v47;
	v12 =	vadd.s32 v35, v3;
	v47 =	vld [tilespmem:s1+$0x540]  }
0x687: {  	v38 =	vadd.s32 v36, v3;
	[tilespmem:v17+s15+$0x0] =	vst.idx.add.s32.msk $0xffff, v2  }
0x688: {  	[tilespmem:v19+s15+$0x0] =	vst.idx.add.s32.msk $0xffff, v2  }
0x689: {  	v57 =	vmul.f32 $2.560000000e+02, v52;
	[tilespmem:v20+s15+$0x0] =	vst.idx.add.s32.msk $0xffff, v2  }
0x68a: {  	s4 =	sld [smem:$0x73B];
	[tilespmem:v16+s15+$0x0] =	vst.idx.add.s32.msk $0xffff, v2  }
0x68b: {  	s5 =	sld [smem:$0x73C];
	v23 =	vtrunc.f32 v57;
	[tilespmem:v12+s15+$0x0] =	vst.idx.add.s32.msk $0xffff, v2  }
0x68c: {  	v13 =	vcvt.f32.s32 v23;
	[tilespmem:v38+s15+$0x0] =	vst.idx.add.s32.msk $0xffff, v2  }
0x68d: {  	v6 =	vtrunc.f32 v6;
	v40 =	vmul.f32 $2.560000000e+02, v33;
	v12 =	vld [tilespmem:s4+$0x0]  }
0x68e: {  	v6 =	vcvt.f32.s32 v6;
	s6 =	sld [smem:$0x73D];
	v37 =	vmul.f32 $2.560000000e+02, v61;
	v13 =	vadd.s32 v13, v3;
	v16 =	vld [tilespmem:s5+$0x0]  }
0x68f: {  	v42 =	vtrunc.f32 v40;
	v39 =	vmul.f32 $2.560000000e+02, v63;
	v44 =	vld [tilespmem:s1+$0xC0]  }
0x690: {  	v17 =	vtrunc.f32 v37;
	v41 =	vmul.f32 $2.560000000e+02, v34;
	[tilespmem:v8+s15+$0x0] =	vst.idx.add.s32.msk $0xffff, v2  }
0x691: {  	v14 =	vtrunc.f32 v39;
	v19 =	vcvt.f32.s32 v42;
	v18 =	vld [tilespmem:s6+$0x0]  }
0x692: {  	v15 =	vcvt.f32.s32 v17;
	v14 =	vcvt.f32.s32 v14;
	v46 =	vld [tilespmem:s1+$0x140]  }
0x693: {  	v6 =	vadd.s32 v6, v3;
	v20 =	vmul.f32 $2.560000000e+02, v43;
	v17 =	vtrunc.f32 v41;
	[tilespmem:v13+s15+$0x0] =	vst.idx.add.s32.msk $0xffff, v2  }
0x694: {  	v13 =	vcvt.f32.s32 v17;
	v17 =	vadd.s32 v19, v3;
	v19 =	vld [tilespmem:s1+$0x40]  }
0x695: {  	v48 =	vld [tilespmem:s1+$0x1C0];
	v14 =	vadd.s32 v14, v3;
	v20 =	vtrunc.f32 v20  }
0x696: {  	v49 =	vld [tilespmem:s1+$0x5C0];
	v20 =	vcvt.f32.s32 v20;
	v12 =	vmul.f32 $2.560000000e+02, v12  }
0x697: {  	v15 =	vadd.s32 v15, v3;
	v45 =	vld [tilespmem:s1+$0x4C0];
	v16 =	vmul.f32 $2.560000000e+02, v16;
	v21 =	vmul.f32 $2.560000000e+02, v44  }
0x698: {  	[tilespmem:v6+s15+$0x0] =	vst.idx.add.s32.msk $0xffff, v2;
	v18 =	vmul.f32 $2.560000000e+02, v18;
	v50 =	vmul.f32 $2.560000000e+02, v46  }
0x699: {  	[tilespmem:v9+s15+$0x0] =	vst.idx.add.s32.msk $0xffff, v2;
	v13 =	vadd.s32 v13, v3;
	v12 =	vtrunc.f32 v12;
	v19 =	vmul.f32 $2.560000000e+02, v19  }
0x69a: {  	s8 =	sld [smem:$0x73E];
	v16 =	vtrunc.f32 v16;
	[tilespmem:v14+s15+$0x0] =	vst.idx.add.s32.msk $0xffff, v2;
	v14 =	vtrunc.f32 v21  }
0x69b: {  	[tilespmem:v17+s15+$0x0] =	vst.idx.add.s32.msk $0xffff, v2;
	v17 =	vmul.f32 $2.560000000e+02, v47;
	v18 =	vtrunc.f32 v18  }
0x69c: {  	s9 =	sld [smem:$0x73F];
	[tilespmem:v15+s15+$0x0] =	vst.idx.add.s32.msk $0xffff, v2;
	v15 =	vmul.f32 $2.560000000e+02, v45;
	v12 =	vcvt.f32.s32 v12  }
0x69d: {  	s12 =	sld [smem:$0x740];
	v8 =	vadd.s32 v20, v3;
	v52 =	vld [tilespmem:s8+$0x0];
	v16 =	vcvt.f32.s32 v16;
	v14 =	vcvt.f32.s32 v14  }
0x69e: {  	s13 =	sld [smem:$0x741];
	v19 =	vtrunc.f32 v19;
	[tilespmem:v13+s15+$0x0] =	vst.idx.add.s32.msk $0xffff, v2;
	v13 =	vtrunc.f32 v50;
	v12 =	vadd.s32 v12, v3  }
0x69f: {  	v54 =	vld [tilespmem:s9+$0x0];
	v17 =	vtrunc.f32 v17;
	v18 =	vcvt.f32.s32 v18;
	v16 =	vadd.s32 v16, v3  }
0x6a0: {  	v55 =	vld [tilespmem:s12+$0x0];
	v15 =	vtrunc.f32 v15;
	v19 =	vcvt.f32.s32 v19;
	v14 =	vadd.s32 v14, v3  }
0x6a1: {  	v56 =	vld [tilespmem:s13+$0x0];
	v13 =	vcvt.f32.s32 v13;
	v6 =	vcvt.f32.s32 v15;
	v15 =	vadd.s32 v18, v3  }
0x6a2: {  	v17 =	vcvt.f32.s32 v17;
	[tilespmem:v8+s15+$0x0] =	vst.idx.add.s32.msk $0xffff, v2;
	v7 =	vadd.s32 v19, v3  }
0x6a3: {  	v9 =	vadd.s32 v13, v3;
	[tilespmem:v12+s15+$0x0] =	vst.idx.add.s32.msk $0xffff, v2  }
0x6a4: {  	v13 =	vadd.s32 v17, v3;
	[tilespmem:v16+s15+$0x0] =	vst.idx.add.s32.msk $0xffff, v2  }
0x6a5: {  	[tilespmem:v14+s15+$0x0] =	vst.idx.add.s32.msk $0xffff, v2  }
0x6a6: {  	v51 =	vmul.f32 $2.560000000e+02, v48;
	[tilespmem:v15+s15+$0x0] =	vst.idx.add.s32.msk $0xffff, v2  }
0x6a7: {  	s14 =	sld [smem:$0x742];
	v53 =	vmul.f32 $2.560000000e+02, v49;
	[tilespmem:v7+s15+$0x0] =	vst.idx.add.s32.msk $0xffff, v2  }
0x6a8: {  	s19 =	sld [smem:$0x744];
	v21 =	vtrunc.f32 v51;
	v6 =	vadd.s32 v6, v3;
	v17 =	vmul.f32 $2.560000000e+02, v52;
	[tilespmem:v9+s15+$0x0] =	vst.idx.add.s32.msk $0xffff, v2  }
0x6a9: {  	v23 =	vtrunc.f32 v53;
	v18 =	vcvt.f32.s32 v21;
	[tilespmem:v13+s15+$0x0] =	vst.idx.add.s32.msk $0xffff, v2  }
0x6aa: {  	v16 =	vtrunc.f32 v17;
	v17 =	vmul.f32 $2.560000000e+02, v56;
	v9 =	vld [tilespmem:s14+$0x0]  }
0x6ab: {  	v19 =	vcvt.f32.s32 v23;
	v57 =	vmul.f32 $2.560000000e+02, v55;
	v13 =	vld [tilespmem:s19+$0x0]  }
0x6ac: {  	v8 =	vcvt.f32.s32 v16;
	v16 =	vtrunc.f32 v17;
	v17 =	vld [tilespmem:s1+$0xD0]  }
0x6ad: {  	v12 =	vadd.s32 v18, v3;
	v15 =	vtrunc.f32 v57;
	[tilespmem:v6+s15+$0x0] =	vst.idx.add.s32.msk $0xffff, v2  }
0x6ae: {  	v18 =	vadd.s32 v19, v3;
	v19 =	vmul.f32 $2.560000000e+02, v54;
	v14 =	vcvt.f32.s32 v15;
	v15 =	vld [tilespmem:s1+$0x50]  }
0x6af: {  	v6 =	vcvt.f32.s32 v16;
	v16 =	vld [tilespmem:s1+$0x450]  }
0x6b0: {  	v7 =	vtrunc.f32 v19;
	v19 =	vld [tilespmem:s1+$0x150]  }
0x6b1: {  	v58 =	vld [tilespmem:s1+$0x550]  }
0x6b2: {  	[tilespmem:v4+s15+$0x0] =	vst.idx.add.s32.msk $0xffff, v2  }
0x6b3: {  	s17 =	sld [smem:$0x743];
	[tilespmem:v5+s15+$0x0] =	vst.idx.add.s32.msk $0xffff, v2  }
0x6b4: {  	v11 =	vcvt.f32.s32 v11;
	[tilespmem:v12+s15+$0x0] =	vst.idx.add.s32.msk $0xffff, v2  }
0x6b5: {  	v10 =	vadd.s32 v10, v3;
	[tilespmem:v18+s15+$0x0] =	vst.idx.add.s32.msk $0xffff, v2  }
0x6b6: {  	v11 =	vadd.s32 v11, v3;
	v12 =	vld [tilespmem:s17+$0x0]  }
0x6b7: {  	v7 =	vcvt.f32.s32 v7;
	v8 =	vadd.s32 v8, v3;
	v18 =	vld [tilespmem:s1+$0x4D0]  }
0x6b8: {  	v14 =	vadd.s32 v14, v3;
	v59 =	vld [tilespmem:s1+$0x1D0];
	v9 =	vmul.f32 $2.560000000e+02, v9;
	v13 =	vmul.f32 $2.560000000e+02, v13  }
0x6b9: {  	v7 =	vadd.s32 v7, v3;
	v60 =	vld [tilespmem:s1+$0x5D0];
	v17 =	vmul.f32 $2.560000000e+02, v17;
	v15 =	vmul.f32 $2.560000000e+02, v15  }
0x6ba: {  	v6 =	vadd.s32 v6, v3;
	[tilespmem:v10+s15+$0x0] =	vst.idx.add.s32.msk $0xffff, v2;
	v16 =	vmul.f32 $2.560000000e+02, v16;
	v9 =	vtrunc.f32 v9  }
0x6bb: {  	[tilespmem:v11+s15+$0x0] =	vst.idx.add.s32.msk $0xffff, v2;
	v13 =	vtrunc.f32 v13;
	v12 =	vmul.f32 $2.560000000e+02, v12  }
0x6bc: {  	[tilespmem:v8+s15+$0x0] =	vst.idx.add.s32.msk $0xffff, v2;
	v15 =	vtrunc.f32 v15;
	v16 =	vtrunc.f32 v16  }
0x6bd: {  	[tilespmem:v14+s15+$0x0] =	vst.idx.add.s32.msk $0xffff, v2;
	v8 =	vmul.f32 $2.560000000e+02, v18;
	v9 =	vcvt.f32.s32 v9  }
0x6be: {  	[tilespmem:v7+s15+$0x0] =	vst.idx.add.s32.msk $0xffff, v2;
	v7 =	vtrunc.f32 v17;
	v13 =	vcvt.f32.s32 v13  }
0x6bf: {  	s20 =	rddreg [dreg:$0x1f];
	[tilespmem:v6+s15+$0x0] =	vst.idx.add.s32.msk $0xffff, v2;
	v15 =	vcvt.f32.s32 v15;
	v8 =	vtrunc.f32 v8;
	v9 =	vadd.s32 v9, v3  }
0x6c0: {  	s23 =	rddreg [dreg:$0x15];
	v18 =	vld [tilespmem:s20+$0x0];
	v16 =	vcvt.f32.s32 v16;
	v4 =	vcvt.f32.s32 v8;
	v8 =	vadd.s32 v13, v3  }
0x6c1: {  	s22 =	rddreg [dreg:$0x1b];
	v14 =	vmul.f32 $2.560000000e+02, v58;
	v62 =	vld [tilespmem:s23+$0x0];
	v7 =	vcvt.f32.s32 v7;
	v5 =	vadd.s32 v15, v3  }
0x6c2: {  	s25 =	rddreg [dreg:$0x16];
	v17 =	vmul.f32 $2.560000000e+02, v19;
	v61 =	vld [tilespmem:s22+$0x0];
	v12 =	vtrunc.f32 v12;
	v10 =	vadd.s32 v16, v3  }
0x6c3: {  	v14 =	vtrunc.f32 v14;
	v63 =	vld [tilespmem:s25+$0x0];
	v12 =	vcvt.f32.s32 v12;
	v7 =	vadd.s32 v7, v3  }
0x6c4: {  	v19 =	vmul.f32 $2.560000000e+02, v60;
	v6 =	vtrunc.f32 v17;
	[tilespmem:v9+s15+$0x0] =	vst.idx.add.s32.msk $0xffff, v2  }
0x6c5: {  	v17 =	vmul.f32 $2.560000000e+02, v59;
	v6 =	vcvt.f32.s32 v6;
	v12 =	vadd.s32 v12, v3;
	[tilespmem:v8+s15+$0x0] =	vst.idx.add.s32.msk $0xffff, v2  }
0x6c6: {  	v13 =	vcvt.f32.s32 v14;
	v4 =	vadd.s32 v4, v3;
	v16 =	vmul.f32 $2.560000000e+02, v62;
	[tilespmem:v5+s15+$0x0] =	vst.idx.add.s32.msk $0xffff, v2  }
0x6c7: {  	v19 =	vtrunc.f32 v19;
	v6 =	vadd.s32 v6, v3;
	[tilespmem:v10+s15+$0x0] =	vst.idx.add.s32.msk $0xffff, v2  }
0x6c8: {  	v17 =	vtrunc.f32 v17;
	v11 =	vadd.s32 v13, v3;
	v8 =	vtrunc.f32 v16;
	[tilespmem:v7+s15+$0x0] =	vst.idx.add.s32.msk $0xffff, v2  }
0x6c9: {  	v14 =	vcvt.f32.s32 v17;
	v7 =	vcvt.f32.s32 v8;
	v8 =	vld [tilespmem:s1+$0x60]  }
0x6ca: {  	v15 =	vcvt.f32.s32 v19;
	[tilespmem:v12+s15+$0x0] =	vst.idx.add.s32.msk $0xffff, v2  }
0x6cb: {  	v9 =	vadd.s32 v14, v3;
	[tilespmem:v4+s15+$0x0] =	vst.idx.add.s32.msk $0xffff, v2  }
0x6cc: {  	v14 =	vadd.s32 v15, v3;
	v15 =	vmul.f32 $2.560000000e+02, v61;
	[tilespmem:v6+s15+$0x0] =	vst.idx.add.s32.msk $0xffff, v2  }
0x6cd: {  	[tilespmem:v11+s15+$0x0] =	vst.idx.add.s32.msk $0xffff, v2  }
0x6ce: {  	v13 =	vmul.f32 $2.560000000e+02, v18;
	v5 =	vtrunc.f32 v15;
	v11 =	vld [tilespmem:s1+$0xE0]  }
0x6cf: {  	v5 =	vcvt.f32.s32 v5;
	v16 =	vld [tilespmem:s1+$0x4E0]  }
0x6d0: {  	s28 =	rddreg [dreg:$0xf];
	v12 =	vtrunc.f32 v13;
	v13 =	vmul.f32 $2.560000000e+02, v63;
	[tilespmem:v9+s15+$0x0] =	vst.idx.add.s32.msk $0xffff, v2  }
0x6d1: {  	s31 =	rddreg [dreg:$0xb];
	v17 =	vadd.s32 v5, v3;
	v5 =	vld [tilespmem:s28+$0x0]  }
0x6d2: {  	v10 =	vcvt.f32.s32 v12;
	v12 =	vtrunc.f32 v13;
	v13 =	vadd.s32 v7, v3;
	v7 =	vld [tilespmem:s31+$0x0]  }
0x6d3: {  	v9 =	vld [tilespmem:s1+$0x460];
	v4 =	vcvt.f32.s32 v12  }
0x6d4: {  	s26 =	rddreg [dreg:$0x7];
	v18 =	vld [tilespmem:s1+$0x160];
	v15 =	vadd.s32 v10, v3  }
0x6d5: {  	v12 =	vadd.s32 v4, v3;
	v4 =	vld [tilespmem:s26+$0x0]  }
0x6d6: {  	v19 =	vmul.f32 $2.560000000e+02, v8;
	v11 =	vmul.f32 $2.560000000e+02, v11  }
0x6d7: {  	[tilespmem:v14+s15+$0x0] =	vst.idx.add.s32.msk $0xffff, v2;
	v16 =	vmul.f32 $2.560000000e+02, v16;
	v5 =	vmul.f32 $2.560000000e+02, v5  }
.Ltmp8:
0x6d8: {  	v14 =	vld [tilespmem:s1+$0x560];
	v10 =	vmul.f32 $2.560000000e+02, v7;
	v9 =	vmul.f32 $2.560000000e+02, v9;
	(pc) =	sbr.rel @p3 .LBB2_13-.Ltmp8, $4  }
0x6d9: {  	v11 =	vtrunc.f32 v11;
	[tilespmem:v15+s15+$0x0] =	vst.idx.add.s32.msk $0xffff, v2;
	v15 =	vmul.f32 $2.560000000e+02, v18  }
0x6da: {  	[tilespmem:v17+s15+$0x0] =	vst.idx.add.s32.msk $0xffff, v2;
	v7 =	vtrunc.f32 v5;
	v4 =	vmul.f32 $2.560000000e+02, v4  }
0x6db: {  	v8 =	vtrunc.f32 v10;
	v10 =	vtrunc.f32 v19;
	v5 =	vld [tilespmem:s1+$0x5E0]  }
0x6dc: {  	p2 =	por !p2, !p2;
	v9 =	vtrunc.f32 v9;
	v6 =	vtrunc.f32 v4;
	v4 =	vld [tilespmem:s1+$0x1E0]  }
.LBB2_14:
0x6dd: {  	_ = 	snop  }
0x6de: {  	v6 =	vcvt.f32.s32 v6  }
0x6df: {  	v17 =	vld [tilespmem:s7+$0x0];
	v7 =	vcvt.f32.s32 v7  }
0x6e0: {  	v18 =	vld [tilespmem:s18+$0x0];
	v8 =	vcvt.f32.s32 v8;
	v6 =	vadd.s32 v6, v3  }
0x6e1: {  	[tilespmem:v13+s15+$0x0] =	vst.idx.add.s32.msk $0xffff, v2;
	v10 =	vcvt.f32.s32 v10;
	v7 =	vadd.s32 v7, v3  }
0x6e2: {  	[tilespmem:v12+s15+$0x0] =	vst.idx.add.s32.msk $0xffff, v2;
	v9 =	vcvt.f32.s32 v9;
	v8 =	vadd.s32 v8, v3  }
0x6e3: {  	v11 =	vcvt.f32.s32 v11;
	v13 =	vld [tilespmem:s10+$0x0];
	v10 =	vadd.s32 v10, v3  }
0x6e4: {  	v12 =	vld [tilespmem:s21+$0x0];
	v9 =	vadd.s32 v9, v3  }
0x6e5: {  	v11 =	vadd.s32 v11, v3;
	[tilespmem:v6+s15+$0x0] =	vst.idx.add.s32.msk $0xffff, v2  }
0x6e6: {  	v16 =	vtrunc.f32 v16;
	[tilespmem:v7+s15+$0x0] =	vst.idx.add.s32.msk $0xffff, v2  }
0x6e7: {  	v16 =	vcvt.f32.s32 v16;
	[tilespmem:v8+s15+$0x0] =	vst.idx.add.s32.msk $0xffff, v2  }
0x6e8: {  	v15 =	vtrunc.f32 v15;
	[tilespmem:v10+s15+$0x0] =	vst.idx.add.s32.msk $0xffff, v2  }
0x6e9: {  	v14 =	vmul.f32 $2.560000000e+02, v14;
	v15 =	vcvt.f32.s32 v15;
	v16 =	vadd.s32 v16, v3;
	[tilespmem:v9+s15+$0x0] =	vst.idx.add.s32.msk $0xffff, v2  }
0x6ea: {  	[tilespmem:v11+s15+$0x0] =	vst.idx.add.s32.msk $0xffff, v2  }
0x6eb: {  	v14 =	vtrunc.f32 v14;
	v15 =	vadd.s32 v15, v3;
	v6 =	vld [tilespmem:s11+$0x0]  }
0x6ec: {  	v14 =	vcvt.f32.s32 v14;
	v5 =	vmul.f32 $2.560000000e+02, v5;
	v7 =	vld [tilespmem:s30+$0x0]  }
0x6ed: {  	v4 =	vmul.f32 $2.560000000e+02, v4;
	v8 =	vld [tilespmem:s29+$0x0]  }
0x6ee: {  	v14 =	vadd.s32 v14, v3;
	v5 =	vtrunc.f32 v5;
	[tilespmem:v16+s15+$0x0] =	vst.idx.add.s32.msk $0xffff, v2  }
0x6ef: {  	v4 =	vtrunc.f32 v4;
	v13 =	vmul.f32 $2.560000000e+02, v13;
	v10 =	vld [tilespmem:s1+$0x70]  }
0x6f0: {  	v5 =	vcvt.f32.s32 v5;
	v12 =	vmul.f32 $2.560000000e+02, v12;
	[tilespmem:v15+s15+$0x0] =	vst.idx.add.s32.msk $0xffff, v2  }
0x6f1: {  	v4 =	vcvt.f32.s32 v4;
	v9 =	vmul.f32 $2.560000000e+02, v17;
	v15 =	vld [tilespmem:s1+$0xF0]  }
0x6f2: {  	v11 =	vmul.f32 $2.560000000e+02, v18;
	v13 =	vtrunc.f32 v13;
	v16 =	vld [tilespmem:s1+$0x4F0]  }
0x6f3: {  	v12 =	vtrunc.f32 v12;
	v9 =	vtrunc.f32 v9;
	[tilespmem:v14+s15+$0x0] =	vst.idx.add.s32.msk $0xffff, v2  }
0x6f4: {  	v11 =	vtrunc.f32 v11;
	v13 =	vcvt.f32.s32 v13;
	v4 =	vadd.s32 v4, v3;
	v14 =	vld [tilespmem:s1+$0x470]  }
0x6f5: {  	v9 =	vcvt.f32.s32 v9;
	v11 =	vcvt.f32.s32 v11;
	v17 =	vld [tilespmem:s1+$0x170]  }
0x6f6: {  	v6 =	vmul.f32 $2.560000000e+02, v6;
	v7 =	vmul.f32 $2.560000000e+02, v7  }
0x6f7: {  	v5 =	vadd.s32 v5, v3;
	v18 =	vld [tilespmem:s1+$0x570];
	v10 =	vmul.f32 $2.560000000e+02, v10;
	v8 =	vmul.f32 $2.560000000e+02, v8  }
0x6f8: {  	v15 =	vmul.f32 $2.560000000e+02, v15;
	v16 =	vmul.f32 $2.560000000e+02, v16  }
0x6f9: {  	[tilespmem:v4+s15+$0x0] =	vst.idx.add.s32.msk $0xffff, v2;
	v4 =	vadd.s32 v11, v3;
	v11 =	vcvt.f32.s32 v12;
	v14 =	vmul.f32 $2.560000000e+02, v14  }
0x6fa: {  	v17 =	vmul.f32 $2.560000000e+02, v17;
	v6 =	vtrunc.f32 v6  }
0x6fb: {  	v9 =	vadd.s32 v9, v3;
	v7 =	vtrunc.f32 v7;
	v8 =	vtrunc.f32 v8  }
0x6fc: {  	[tilespmem:v5+s15+$0x0] =	vst.idx.add.s32.msk $0xffff, v2;
	v5 =	vadd.s32 v13, v3;
	v10 =	vtrunc.f32 v10;
	v18 =	vmul.f32 $2.560000000e+02, v18  }
0x6fd: {  	v6 =	vcvt.f32.s32 v6;
	v7 =	vcvt.f32.s32 v7  }
0x6fe: {  	v13 =	vld [tilespmem:s1+$0x1F0];
	v11 =	vadd.s32 v11, v3;
	v15 =	vtrunc.f32 v15;
	v8 =	vcvt.f32.s32 v8  }
0x6ff: {  	v16 =	vtrunc.f32 v16;
	v12 =	vtrunc.f32 v14;
	v14 =	vld [tilespmem:s1+$0x5F0];
	v6 =	vadd.s32 v6, v3  }
0x700: {  	v10 =	vcvt.f32.s32 v10;
	[tilespmem:v9+s15+$0x0] =	vst.idx.add.s32.msk $0xffff, v2;
	v9 =	vtrunc.f32 v17;
	v7 =	vadd.s32 v7, v3  }
0x701: {  	v15 =	vcvt.f32.s32 v15;
	v12 =	vcvt.f32.s32 v12;
	v8 =	vadd.s32 v8, v3;
	[tilespmem:v5+s15+$0x0] =	vst.idx.add.s32.msk $0xffff, v2  }
0x702: {  	v10 =	vadd.s32 v10, v3;
	v5 =	vcvt.f32.s32 v16;
	[tilespmem:v4+s15+$0x0] =	vst.idx.add.s32.msk $0xffff, v2;
	v4 =	vtrunc.f32 v18  }
0x703: {  	v12 =	vadd.s32 v12, v3;
	v13 =	vmul.f32 $2.560000000e+02, v13;
	v4 =	vcvt.f32.s32 v4;
	[tilespmem:v11+s15+$0x0] =	vst.idx.add.s32.msk $0xffff, v2  }
0x704: {  	v9 =	vcvt.f32.s32 v9;
	v5 =	vadd.s32 v5, v3;
	v14 =	vmul.f32 $2.560000000e+02, v14;
	[tilespmem:v6+s15+$0x0] =	vst.idx.add.s32.msk $0xffff, v2  }
0x705: {  	v11 =	vadd.s32 v15, v3;
	v4 =	vadd.s32 v4, v3;
	v6 =	vtrunc.f32 v13;
	[tilespmem:v7+s15+$0x0] =	vst.idx.add.s32.msk $0xffff, v2  }
0x706: {  	v7 =	vadd.s32 v9, v3;
	[tilespmem:v8+s15+$0x0] =	vst.idx.add.s32.msk $0xffff, v2;
	v6 =	vcvt.f32.s32 v6;
	v9 =	vtrunc.f32 v14  }
0x707: {  	[tilespmem:v10+s15+$0x0] =	vst.idx.add.s32.msk $0xffff, v2;
	v8 =	vcvt.f32.s32 v9  }
0x708: {  	[tilespmem:v12+s15+$0x0] =	vst.idx.add.s32.msk $0xffff, v2;
	v6 =	vadd.s32 v6, v3  }
0x709: {  	[tilespmem:v5+s15+$0x0] =	vst.idx.add.s32.msk $0xffff, v2;
	v8 =	vadd.s32 v8, v3  }
0x70a: {  	[tilespmem:v11+s15+$0x0] =	vst.idx.add.s32.msk $0xffff, v2  }
0x70b: {  	[tilespmem:v4+s15+$0x0] =	vst.idx.add.s32.msk $0xffff, v2  }
0x70c: {  	[tilespmem:v7+s15+$0x0] =	vst.idx.add.s32.msk $0xffff, v2  }
0x70d: {  	s0 =	sld [smem:$0x746];
	[tilespmem:v6+s15+$0x0] =	vst.idx.add.s32.msk $0xffff, v2  }
0x70e: {  	[tilespmem:v8+s15+$0x0] =	vst.idx.add.s32.msk $0xffff, v2  }
0x70f: {  	s1 =	sld [smem:$0x7FB]  }
0x710: {  	p2 =	seq.s32 s0, $0xB  }
0x711: {  	s0 =	sshll.u32 @!p2 s0, $0xD  }
0x712: {  	s22 =	simm.s32 $0x2;
	s0 =	sadd.s32 @!p2 s1, s0;
	s1 =	simm.s32 @!p2 $0x0  }
0x713: {  	[tilespmem:s1], [sflag:$0x1] =	stream.linear.gather @!p2 [hbm4b:s0+s1], $0x8000, $0x38;
	[tilespmem:$0x13300] =	vst v63  }
0x714: {  	_ =	swait.ge [sflag:s22], $0x8000  }
0x715: {  	s23 =	sld [smem:$0x745]  }
0x716: {  	[sflag:s22] =	ssyncset.done $0x0  }
0x717: {  	[sflag:s22] =	ssyncadd.s32 $0xFFFF8000  }
0x718: {  	v4 =	vld [tilespmem:s23+$0x8000];
	_ =	sdelay $0x4  }
0x719: {  	v4 =	vmul.f32 $2.560000000e+02, v4;
	_ =	sdelay $0x1  }
0x71a: {  	v4 =	vtrunc.f32 v4  }
0x71b: {  	v4 =	vcvt.f32.s32 v4;
	_ =	sdelay $0x1  }
0x71c: {  	v4 =	vadd.s32 v4, v3;
	_ =	sdelay $0x4  }
0x71d: {  	[tilespmem:v4+s15+$0x0] =	vst.idx.add.s32.msk $0xffff, v2  }
0x71e: {  	s24 =	sld [smem:$0x747];
	_ =	sdelay $0x2  }
0x71f: {  	v4 =	vld [tilespmem:s24+$0x8000];
	_ =	sdelay $0x4  }
0x720: {  	v4 =	vmul.f32 $2.560000000e+02, v4;
	_ =	sdelay $0x1  }
0x721: {  	v4 =	vtrunc.f32 v4  }
0x722: {  	v4 =	vcvt.f32.s32 v4;
	_ =	sdelay $0x1  }
0x723: {  	v4 =	vadd.s32 v4, v3;
	_ =	sdelay $0x4  }
0x724: {  	[tilespmem:v4+s15+$0x0] =	vst.idx.add.s32.msk $0xffff, v2  }
0x725: {  	s25 =	sld [smem:$0x74D];
	_ =	sdelay $0x2  }
0x726: {  	v4 =	vld [tilespmem:s25+$0x8000];
	_ =	sdelay $0x4  }
0x727: {  	v4 =	vmul.f32 $2.560000000e+02, v4;
	_ =	sdelay $0x1  }
0x728: {  	v4 =	vtrunc.f32 v4  }
0x729: {  	v4 =	vcvt.f32.s32 v4;
	_ =	sdelay $0x1  }
0x72a: {  	v4 =	vadd.s32 v4, v3;
	_ =	sdelay $0x4  }
0x72b: {  	[tilespmem:v4+s15+$0x0] =	vst.idx.add.s32.msk $0xffff, v2  }
0x72c: {  	s26 =	sld [smem:$0x751];
	_ =	sdelay $0x1  }
0x72d: {  	s29 =	sld [smem:$0x748]  }
0x72e: {  	s30 =	sld [smem:$0x749];
	v4 =	vld [tilespmem:s26+$0x8000]  }
0x72f: {  	s1 =	sld [smem:$0x74A]  }
0x730: {  	v5 =	vld [tilespmem:s29+$0x8000]  }
0x731: {  	v6 =	vld [tilespmem:s30+$0x8000]  }
0x732: {  	v7 =	vld [tilespmem:s1+$0x8000]  }
0x733: {  	v4 =	vmul.f32 $2.560000000e+02, v4;
	_ =	sdelay $0x1  }
0x734: {  	v5 =	vmul.f32 $2.560000000e+02, v5;
	v4 =	vtrunc.f32 v4  }
0x735: {  	s2 =	sld [smem:$0x74B];
	v6 =	vmul.f32 $2.560000000e+02, v6;
	v4 =	vcvt.f32.s32 v4  }
0x736: {  	s3 =	sld [smem:$0x74C];
	v7 =	vmul.f32 $2.560000000e+02, v7;
	v5 =	vtrunc.f32 v5  }
0x737: {  	s4 =	sld [smem:$0x74E];
	v6 =	vtrunc.f32 v6;
	v5 =	vcvt.f32.s32 v5;
	v4 =	vadd.s32 v4, v3  }
0x738: {  	v8 =	vld [tilespmem:s2+$0x8000];
	v7 =	vtrunc.f32 v7;
	v6 =	vcvt.f32.s32 v6  }
0x739: {  	v9 =	vld [tilespmem:s3+$0x8000];
	v7 =	vcvt.f32.s32 v7;
	v5 =	vadd.s32 v5, v3  }
0x73a: {  	v10 =	vld [tilespmem:s4+$0x8000];
	v6 =	vadd.s32 v6, v3  }
0x73b: {  	v7 =	vadd.s32 v7, v3  }
0x73c: {  	[tilespmem:v4+s15+$0x0] =	vst.idx.add.s32.msk $0xffff, v2  }
0x73d: {  	v8 =	vmul.f32 $2.560000000e+02, v8;
	s5 =	sld [smem:$0x753]  }
0x73e: {  	v9 =	vmul.f32 $2.560000000e+02, v9;
	s6 =	sld [smem:$0x750];
	[tilespmem:v5+s15+$0x0] =	vst.idx.add.s32.msk $0xffff, v2  }
0x73f: {  	v10 =	vmul.f32 $2.560000000e+02, v10;
	v8 =	vtrunc.f32 v8;
	s7 =	sld [smem:$0x752];
	[tilespmem:v6+s15+$0x0] =	vst.idx.add.s32.msk $0xffff, v2  }
0x740: {  	v9 =	vtrunc.f32 v9;
	v8 =	vcvt.f32.s32 v8;
	s8 =	sld [smem:$0x754];
	[tilespmem:v7+s15+$0x0] =	vst.idx.add.s32.msk $0xffff, v2  }
0x741: {  	v10 =	vtrunc.f32 v10;
	v9 =	vcvt.f32.s32 v9;
	v4 =	vld [tilespmem:s5+$0x8000]  }
0x742: {  	v10 =	vcvt.f32.s32 v10;
	v8 =	vadd.s32 v8, v3;
	v11 =	vld [tilespmem:s6+$0x8000]  }
0x743: {  	v9 =	vadd.s32 v9, v3;
	s9 =	sld [smem:$0x755];
	v5 =	vld [tilespmem:s7+$0x8000]  }
0x744: {  	v10 =	vadd.s32 v10, v3;
	v6 =	vld [tilespmem:s8+$0x8000];
	_ =	sdelay $0x1  }
0x745: {  	v7 =	vld [tilespmem:s9+$0x8000];
	v4 =	vmul.f32 $2.560000000e+02, v4  }
0x746: {  	[tilespmem:v8+s15+$0x0] =	vst.idx.add.s32.msk $0xffff, v2;
	v11 =	vmul.f32 $2.560000000e+02, v11  }
0x747: {  	s10 =	sld [smem:$0x756];
	[tilespmem:v9+s15+$0x0] =	vst.idx.add.s32.msk $0xffff, v2;
	v5 =	vmul.f32 $2.560000000e+02, v5;
	v4 =	vtrunc.f32 v4  }
0x748: {  	s11 =	sld [smem:$0x757];
	[tilespmem:v10+s15+$0x0] =	vst.idx.add.s32.msk $0xffff, v2;
	v11 =	vtrunc.f32 v11;
	v6 =	vmul.f32 $2.560000000e+02, v6  }
0x749: {  	s12 =	sld [smem:$0x758];
	v4 =	vcvt.f32.s32 v4;
	v11 =	vcvt.f32.s32 v11  }
0x74a: {  	v8 =	vld [tilespmem:s10+$0x8000];
	v5 =	vtrunc.f32 v5;
	v7 =	vmul.f32 $2.560000000e+02, v7  }
0x74b: {  	v9 =	vld [tilespmem:s11+$0x8000];
	v5 =	vcvt.f32.s32 v5;
	v6 =	vtrunc.f32 v6;
	v4 =	vadd.s32 v4, v3  }
0x74c: {  	v10 =	vld [tilespmem:s12+$0x8000];
	v11 =	vadd.s32 v11, v3;
	v6 =	vcvt.f32.s32 v6  }
0x74d: {  	v7 =	vtrunc.f32 v7;
	v5 =	vadd.s32 v5, v3  }
0x74e: {  	v7 =	vcvt.f32.s32 v7;
	v6 =	vadd.s32 v6, v3  }
0x74f: {  	v8 =	vmul.f32 $2.560000000e+02, v8  }
0x750: {  	v9 =	vmul.f32 $2.560000000e+02, v9;
	v7 =	vadd.s32 v7, v3;
	[tilespmem:v4+s15+$0x0] =	vst.idx.add.s32.msk $0xffff, v2  }
0x751: {  	v8 =	vtrunc.f32 v8;
	v10 =	vmul.f32 $2.560000000e+02, v10;
	s13 =	sld [smem:$0x75A];
	[tilespmem:v11+s15+$0x0] =	vst.idx.add.s32.msk $0xffff, v2  }
0x752: {  	v8 =	vcvt.f32.s32 v8;
	v9 =	vtrunc.f32 v9;
	s14 =	sld [smem:$0x759];
	[tilespmem:v5+s15+$0x0] =	vst.idx.add.s32.msk $0xffff, v2  }
0x753: {  	v9 =	vcvt.f32.s32 v9;
	v10 =	vtrunc.f32 v10;
	s16 =	sld [smem:$0x75B];
	[tilespmem:v6+s15+$0x0] =	vst.idx.add.s32.msk $0xffff, v2  }
0x754: {  	v8 =	vadd.s32 v8, v3;
	v10 =	vcvt.f32.s32 v10;
	v4 =	vld [tilespmem:s13+$0x8000]  }
0x755: {  	v9 =	vadd.s32 v9, v3;
	s17 =	sld [smem:$0x75C];
	[tilespmem:v7+s15+$0x0] =	vst.idx.add.s32.msk $0xffff, v2  }
0x756: {  	v10 =	vadd.s32 v10, v3;
	v11 =	vld [tilespmem:s14+$0x8000]  }
0x757: {  	v5 =	vld [tilespmem:s16+$0x8000]  }
0x758: {  	v6 =	vld [tilespmem:s17+$0x8000]  }
0x759: {  	s18 =	sld [smem:$0x75E];
	[tilespmem:v8+s15+$0x0] =	vst.idx.add.s32.msk $0xffff, v2;
	v4 =	vmul.f32 $2.560000000e+02, v4  }
0x75a: {  	s19 =	sld [smem:$0x75F];
	[tilespmem:v9+s15+$0x0] =	vst.idx.add.s32.msk $0xffff, v2  }
0x75b: {  	s20 =	sld [smem:$0x760];
	[tilespmem:v10+s15+$0x0] =	vst.idx.add.s32.msk $0xffff, v2;
	v11 =	vmul.f32 $2.560000000e+02, v11;
	v4 =	vtrunc.f32 v4  }
0x75c: {  	v7 =	vld [tilespmem:s18+$0x8000];
	v5 =	vmul.f32 $2.560000000e+02, v5;
	v4 =	vcvt.f32.s32 v4  }
0x75d: {  	s21 =	sld [smem:$0x761];
	v11 =	vtrunc.f32 v11;
	v6 =	vmul.f32 $2.560000000e+02, v6  }
0x75e: {  	v8 =	vld [tilespmem:s19+$0x8000];
	v11 =	vcvt.f32.s32 v11;
	v5 =	vtrunc.f32 v5;
	v4 =	vadd.s32 v4, v3  }
0x75f: {  	v9 =	vld [tilespmem:s20+$0x8000];
	v5 =	vcvt.f32.s32 v5;
	v6 =	vtrunc.f32 v6  }
0x760: {  	v10 =	vld [tilespmem:s21+$0x8000];
	v11 =	vadd.s32 v11, v3;
	v6 =	vcvt.f32.s32 v6  }
0x761: {  	v7 =	vmul.f32 $2.560000000e+02, v7;
	v5 =	vadd.s32 v5, v3  }
0x762: {  	v6 =	vadd.s32 v6, v3  }
0x763: {  	[tilespmem:v4+s15+$0x0] =	vst.idx.add.s32.msk $0xffff, v2;
	v4 =	vtrunc.f32 v7;
	v7 =	vmul.f32 $2.560000000e+02, v8  }
0x764: {  	v9 =	vmul.f32 $2.560000000e+02, v9;
	v4 =	vcvt.f32.s32 v4  }
0x765: {  	v10 =	vmul.f32 $2.560000000e+02, v10;
	s22 =	sld [smem:$0x75D];
	[tilespmem:v11+s15+$0x0] =	vst.idx.add.s32.msk $0xffff, v2;
	v7 =	vtrunc.f32 v7  }
0x766: {  	v9 =	vtrunc.f32 v9;
	s23 =	sld [smem:$0x762];
	[tilespmem:v5+s15+$0x0] =	vst.idx.add.s32.msk $0xffff, v2;
	v4 =	vadd.s32 v4, v3;
	v7 =	vcvt.f32.s32 v7  }
0x767: {  	v9 =	vcvt.f32.s32 v9;
	s24 =	sld [smem:$0x764];
	[tilespmem:v6+s15+$0x0] =	vst.idx.add.s32.msk $0xffff, v2  }
0x768: {  	v10 =	vtrunc.f32 v10;
	v8 =	vld [tilespmem:s22+$0x8000];
	v7 =	vadd.s32 v7, v3  }
0x769: {  	v10 =	vcvt.f32.s32 v10;
	v9 =	vadd.s32 v9, v3;
	s25 =	sld [smem:$0x765];
	v11 =	vld [tilespmem:s23+$0x8000]  }
0x76a: {  	v5 =	vld [tilespmem:s24+$0x8000]  }
0x76b: {  	v10 =	vadd.s32 v10, v3;
	[tilespmem:v4+s15+$0x0] =	vst.idx.add.s32.msk $0xffff, v2  }
0x76c: {  	v6 =	vld [tilespmem:s25+$0x8000];
	s26 =	sld [smem:$0x766]  }
0x76d: {  	v8 =	vmul.f32 $2.560000000e+02, v8;
	[tilespmem:v7+s15+$0x0] =	vst.idx.add.s32.msk $0xffff, v2  }
0x76e: {  	s29 =	sld [smem:$0x767];
	[tilespmem:v9+s15+$0x0] =	vst.idx.add.s32.msk $0xffff, v2  }
0x76f: {  	v11 =	vmul.f32 $2.560000000e+02, v11;
	v8 =	vtrunc.f32 v8;
	v4 =	vld [tilespmem:s26+$0x8000]  }
0x770: {  	v5 =	vmul.f32 $2.560000000e+02, v5;
	v8 =	vcvt.f32.s32 v8;
	s30 =	sld [smem:$0x768];
	[tilespmem:v10+s15+$0x0] =	vst.idx.add.s32.msk $0xffff, v2  }
0x771: {  	v11 =	vtrunc.f32 v11;
	v6 =	vmul.f32 $2.560000000e+02, v6;
	s1 =	sld [smem:$0x769]  }
0x772: {  	v11 =	vcvt.f32.s32 v11;
	v5 =	vtrunc.f32 v5;
	v7 =	vld [tilespmem:s29+$0x8000];
	v8 =	vadd.s32 v8, v3  }
0x773: {  	v5 =	vcvt.f32.s32 v5;
	v6 =	vtrunc.f32 v6;
	v9 =	vld [tilespmem:s30+$0x8000]  }
0x774: {  	v11 =	vadd.s32 v11, v3;
	v6 =	vcvt.f32.s32 v6;
	v10 =	vld [tilespmem:s1+$0x8000]  }
0x775: {  	v5 =	vadd.s32 v5, v3;
	v4 =	vmul.f32 $2.560000000e+02, v4  }
0x776: {  	v6 =	vadd.s32 v6, v3  }
0x777: {  	[tilespmem:v8+s15+$0x0] =	vst.idx.add.s32.msk $0xffff, v2;
	v8 =	vtrunc.f32 v4;
	v7 =	vmul.f32 $2.560000000e+02, v7  }
0x778: {  	v8 =	vcvt.f32.s32 v8;
	v9 =	vmul.f32 $2.560000000e+02, v9  }
0x779: {  	s2 =	sld [smem:$0x763];
	[tilespmem:v11+s15+$0x0] =	vst.idx.add.s32.msk $0xffff, v2;
	v7 =	vtrunc.f32 v7;
	v10 =	vmul.f32 $2.560000000e+02, v10  }
0x77a: {  	s3 =	sld [smem:$0x76A];
	[tilespmem:v5+s15+$0x0] =	vst.idx.add.s32.msk $0xffff, v2;
	v7 =	vcvt.f32.s32 v7;
	v9 =	vtrunc.f32 v9  }
0x77b: {  	v8 =	vadd.s32 v8, v3;
	s4 =	sld [smem:$0x76B];
	[tilespmem:v6+s15+$0x0] =	vst.idx.add.s32.msk $0xffff, v2;
	v9 =	vcvt.f32.s32 v9;
	v10 =	vtrunc.f32 v10  }
0x77c: {  	s5 =	sld [smem:$0x76C];
	v7 =	vadd.s32 v7, v3;
	v10 =	vcvt.f32.s32 v10  }
0x77d: {  	v11 =	vld [tilespmem:s3+$0x8000];
	v9 =	vadd.s32 v9, v3  }
0x77e: {  	v5 =	vld [tilespmem:s4+$0x8000];
	v10 =	vadd.s32 v10, v3  }
0x77f: {  	v6 =	vld [tilespmem:s5+$0x8000]  }
0x780: {  	[tilespmem:v8+s15+$0x0] =	vst.idx.add.s32.msk $0xffff, v2  }
0x781: {  	s6 =	sld [smem:$0x76D];
	[tilespmem:v7+s15+$0x0] =	vst.idx.add.s32.msk $0xffff, v2  }
0x782: {  	s7 =	sld [smem:$0x76E];
	[tilespmem:v9+s15+$0x0] =	vst.idx.add.s32.msk $0xffff, v2  }
0x783: {  	s8 =	sld [smem:$0x76F];
	[tilespmem:v10+s15+$0x0] =	vst.idx.add.s32.msk $0xffff, v2  }
0x784: {  	v11 =	vmul.f32 $2.560000000e+02, v11;
	v8 =	vld [tilespmem:s6+$0x8000];
	s10 =	sld [smem:$0x74F]  }
0x785: {  	s21 =	simm.s32 $0x0;
	v4 =	vld [tilespmem:s2+$0x8000];
	v5 =	vmul.f32 $2.560000000e+02, v5  }
0x786: {  	s9 =	sand.u32 $0x200, s21;
	v7 =	vtrunc.f32 v11;
	v6 =	vmul.f32 $2.560000000e+02, v6;
	v12 =	vld [tilespmem:s7+$0x8000]  }
0x787: {  	v7 =	vcvt.f32.s32 v7;
	v5 =	vtrunc.f32 v5;
	v9 =	vld [tilespmem:s8+$0x8000];
	s1 =	sor.u32 s9, s10  }
0x788: {  	v5 =	vcvt.f32.s32 v5;
	v11 =	vld [tilespmem:s1+$0x8000]  }
0x789: {  	s11 =	sld [smem:$0x770];
	v6 =	vtrunc.f32 v6;
	v7 =	vadd.s32 v7, v3;
	v8 =	vmul.f32 $2.560000000e+02, v8;
	v13 =	vld [tilespmem:s1+$0x8400]  }
0x78a: {  	v6 =	vcvt.f32.s32 v6;
	v5 =	vadd.s32 v5, v3;
	v14 =	vld [tilespmem:s1+$0x8080]  }
0x78b: {  	v15 =	vld [tilespmem:s1+$0x8480];
	v8 =	vtrunc.f32 v8  }
0x78c: {  	v10 =	vld [tilespmem:s11+$0x8000];
	v6 =	vadd.s32 v6, v3;
	v8 =	vcvt.f32.s32 v8  }
0x78d: {  	v18 =	vld [tilespmem:s1+$0x8180]  }
0x78e: {  	[tilespmem:v7+s15+$0x0] =	vst.idx.add.s32.msk $0xffff, v2;
	v17 =	vadd.s32 v8, v3;
	v8 =	vmul.f32 $2.560000000e+02, v11  }
0x78f: {  	s12 =	sld [smem:$0x771];
	[tilespmem:v5+s15+$0x0] =	vst.idx.add.s32.msk $0xffff, v2;
	v5 =	vmul.f32 $2.560000000e+02, v13;
	v11 =	vmul.f32 $2.560000000e+02, v14  }
0x790: {  	v19 =	vld [tilespmem:s1+$0x8580];
	v14 =	vmul.f32 $2.560000000e+02, v15;
	v13 =	vtrunc.f32 v8  }
0x791: {  	s13 =	sld [smem:$0x772];
	[tilespmem:v6+s15+$0x0] =	vst.idx.add.s32.msk $0xffff, v2;
	v5 =	vtrunc.f32 v5;
	v13 =	vcvt.f32.s32 v13  }
0x792: {  	v15 =	vld [tilespmem:s1+$0x8100];
	v11 =	vtrunc.f32 v11;
	v5 =	vcvt.f32.s32 v5  }
0x793: {  	v16 =	vld [tilespmem:s12+$0x8000];
	v14 =	vtrunc.f32 v14;
	v11 =	vcvt.f32.s32 v11;
	v13 =	vadd.s32 v13, v3  }
0x794: {  	s14 =	sld [smem:$0x773];
	v14 =	vcvt.f32.s32 v14;
	[tilespmem:v17+s15+$0x0] =	vst.idx.add.s32.msk $0xffff, v2;
	v5 =	vadd.s32 v5, v3  }
0x795: {  	v9 =	vmul.f32 $2.560000000e+02, v9;
	v17 =	vld [tilespmem:s1+$0x8500];
	v11 =	vadd.s32 v11, v3  }
0x796: {  	v12 =	vmul.f32 $2.560000000e+02, v12;
	v7 =	vld [tilespmem:s13+$0x8000];
	v14 =	vadd.s32 v14, v3  }
0x797: {  	v9 =	vtrunc.f32 v9;
	v8 =	vld [tilespmem:s14+$0x8000]  }
0x798: {  	v12 =	vtrunc.f32 v12;
	v9 =	vcvt.f32.s32 v9;
	s16 =	sld [smem:$0x774];
	[tilespmem:v13+s15+$0x0] =	vst.idx.add.s32.msk $0xffff, v2  }
0x799: {  	v13 =	vmul.f32 $2.560000000e+02, v15;
	[tilespmem:v5+s15+$0x0] =	vst.idx.add.s32.msk $0xffff, v2;
	v5 =	vcvt.f32.s32 v12  }
0x79a: {  	v12 =	vmul.f32 $2.560000000e+02, v17;
	[tilespmem:v11+s15+$0x0] =	vst.idx.add.s32.msk $0xffff, v2;
	v11 =	vmul.f32 $2.560000000e+02, v18  }
0x79b: {  	[tilespmem:v14+s15+$0x0] =	vst.idx.add.s32.msk $0xffff, v2;
	v15 =	vmul.f32 $2.560000000e+02, v19;
	v13 =	vtrunc.f32 v13  }
0x79c: {  	v14 =	vld [tilespmem:s1+$0x8010];
	v5 =	vadd.s32 v5, v3;
	v12 =	vtrunc.f32 v12;
	v13 =	vcvt.f32.s32 v13  }
0x79d: {  	v9 =	vadd.s32 v9, v3;
	v17 =	vld [tilespmem:s1+$0x8410];
	v11 =	vtrunc.f32 v11;
	v12 =	vcvt.f32.s32 v12  }
0x79e: {  	v18 =	vld [tilespmem:s1+$0x8090];
	v15 =	vtrunc.f32 v15;
	v19 =	vcvt.f32.s32 v11;
	v13 =	vadd.s32 v13, v3  }
0x79f: {  	v6 =	vld [tilespmem:s16+$0x8000];
	v15 =	vcvt.f32.s32 v15;
	v12 =	vadd.s32 v12, v3  }
0x7a0: {  	v20 =	vld [tilespmem:s1+$0x8490];
	v19 =	vadd.s32 v19, v3  }
0x7a1: {  	v15 =	vadd.s32 v15, v3;
	v14 =	vmul.f32 $2.560000000e+02, v14;
	[tilespmem:v5+s15+$0x0] =	vst.idx.add.s32.msk $0xffff, v2  }
0x7a2: {  	s17 =	sld [smem:$0x775];
	[tilespmem:v9+s15+$0x0] =	vst.idx.add.s32.msk $0xffff, v2;
	v9 =	vmul.f32 $2.560000000e+02, v17  }
0x7a3: {  	v17 =	vmul.f32 $2.560000000e+02, v18;
	s18 =	sld [smem:$0x776];
	[tilespmem:v13+s15+$0x0] =	vst.idx.add.s32.msk $0xffff, v2;
	v13 =	vtrunc.f32 v14  }
0x7a4: {  	[tilespmem:v12+s15+$0x0] =	vst.idx.add.s32.msk $0xffff, v2;
	v9 =	vtrunc.f32 v9;
	v12 =	vcvt.f32.s32 v13  }
0x7a5: {  	[tilespmem:v19+s15+$0x0] =	vst.idx.add.s32.msk $0xffff, v2;
	v9 =	vcvt.f32.s32 v9  }
0x7a6: {  	v14 =	vmul.f32 $2.560000000e+02, v20;
	[tilespmem:v15+s15+$0x0] =	vst.idx.add.s32.msk $0xffff, v2;
	v13 =	vtrunc.f32 v17;
	v12 =	vadd.s32 v12, v3  }
0x7a7: {  	v15 =	vld [tilespmem:s1+$0x8110];
	v13 =	vcvt.f32.s32 v13;
	v9 =	vadd.s32 v9, v3  }
0x7a8: {  	v17 =	vld [tilespmem:s1+$0x8510];
	v14 =	vtrunc.f32 v14  }
0x7a9: {  	v10 =	vmul.f32 $2.560000000e+02, v10;
	v18 =	vld [tilespmem:s1+$0x8190];
	v14 =	vcvt.f32.s32 v14;
	v13 =	vadd.s32 v13, v3  }
0x7aa: {  	v19 =	vld [tilespmem:s1+$0x8590]  }
0x7ab: {  	v10 =	vtrunc.f32 v10;
	v14 =	vadd.s32 v14, v3;
	[tilespmem:v12+s15+$0x0] =	vst.idx.add.s32.msk $0xffff, v2  }
0x7ac: {  	v12 =	vmul.f32 $2.560000000e+02, v16;
	[tilespmem:v9+s15+$0x0] =	vst.idx.add.s32.msk $0xffff, v2;
	v9 =	vcvt.f32.s32 v10  }
0x7ad: {  	v7 =	vmul.f32 $2.560000000e+02, v7;
	v11 =	vld [tilespmem:s17+$0x8000];
	v15 =	vmul.f32 $2.560000000e+02, v15  }
0x7ae: {  	v10 =	vmul.f32 $2.560000000e+02, v17;
	[tilespmem:v13+s15+$0x0] =	vst.idx.add.s32.msk $0xffff, v2;
	v12 =	vtrunc.f32 v12;
	v9 =	vadd.s32 v9, v3  }
0x7af: {  	v13 =	vmul.f32 $2.560000000e+02, v18;
	v16 =	vld [tilespmem:s1+$0x8020];
	v12 =	vcvt.f32.s32 v12  }
0x7b0: {  	[tilespmem:v14+s15+$0x0] =	vst.idx.add.s32.msk $0xffff, v2;
	v14 =	vtrunc.f32 v15;
	v15 =	vmul.f32 $2.560000000e+02, v19  }
0x7b1: {  	v17 =	vld [tilespmem:s1+$0x8420];
	v10 =	vtrunc.f32 v10;
	v14 =	vcvt.f32.s32 v14;
	v12 =	vadd.s32 v12, v3  }
0x7b2: {  	v18 =	vld [tilespmem:s1+$0x80A0];
	v13 =	vtrunc.f32 v13;
	v10 =	vcvt.f32.s32 v10  }
0x7b3: {  	v7 =	vtrunc.f32 v7;
	v13 =	vcvt.f32.s32 v13;
	v14 =	vadd.s32 v14, v3;
	[tilespmem:v9+s15+$0x0] =	vst.idx.add.s32.msk $0xffff, v2  }
0x7b4: {  	v7 =	vcvt.f32.s32 v7;
	v19 =	vld [tilespmem:s1+$0x84A0];
	v15 =	vtrunc.f32 v15;
	v62 =	vadd.s32 v10, v3;
	s19 =	sld [smem:$0x777]  }
0x7b5: {  	v5 =	vld [tilespmem:s18+$0x8000];
	v15 =	vcvt.f32.s32 v15;
	v13 =	vadd.s32 v13, v3  }
0x7b6: {  	v7 =	vadd.s32 v7, v3;
	[tilespmem:v12+s15+$0x0] =	vst.idx.add.s32.msk $0xffff, v2  }
0x7b7: {  	v16 =	vmul.f32 $2.560000000e+02, v16;
	v15 =	vadd.s32 v15, v3;
	v9 =	vld [tilespmem:s19+$0x8000]  }
0x7b8: {  	v12 =	vmul.f32 $2.560000000e+02, v17;
	v17 =	vmul.f32 $2.560000000e+02, v18;
	s20 =	sld [smem:$0x778];
	[tilespmem:v14+s15+$0x0] =	vst.idx.add.s32.msk $0xffff, v2  }
0x7b9: {  	v14 =	vtrunc.f32 v16;
	v16 =	vmul.f32 $2.560000000e+02, v19;
	[tilespmem:v62+s15+$0x0] =	vst.idx.add.s32.msk $0xffff, v2  }
0x7ba: {  	[tilespmem:v13+s15+$0x0] =	vst.idx.add.s32.msk $0xffff, v2;
	v12 =	vtrunc.f32 v12;
	v14 =	vcvt.f32.s32 v14  }
0x7bb: {  	[tilespmem:v7+s15+$0x0] =	vst.idx.add.s32.msk $0xffff, v2;
	v13 =	vtrunc.f32 v17;
	v12 =	vcvt.f32.s32 v12  }
0x7bc: {  	[tilespmem:v15+s15+$0x0] =	vst.idx.add.s32.msk $0xffff, v2;
	v13 =	vcvt.f32.s32 v13;
	v14 =	vadd.s32 v14, v3  }
0x7bd: {  	v17 =	vld [tilespmem:s1+$0x8520];
	v15 =	vtrunc.f32 v16;
	v12 =	vadd.s32 v12, v3  }
0x7be: {  	v16 =	vld [tilespmem:s1+$0x8120];
	v15 =	vcvt.f32.s32 v15;
	v13 =	vadd.s32 v13, v3  }
0x7bf: {  	v8 =	vmul.f32 $2.560000000e+02, v8;
	v18 =	vld [tilespmem:s1+$0x81A0]  }
0x7c0: {  	v6 =	vmul.f32 $2.560000000e+02, v6;
	v19 =	vld [tilespmem:s1+$0x85A0];
	v15 =	vadd.s32 v15, v3  }
0x7c1: {  	v8 =	vtrunc.f32 v8;
	[tilespmem:v14+s15+$0x0] =	vst.idx.add.s32.msk $0xffff, v2  }
0x7c2: {  	v8 =	vcvt.f32.s32 v8;
	v6 =	vtrunc.f32 v6;
	[tilespmem:v12+s15+$0x0] =	vst.idx.add.s32.msk $0xffff, v2  }
0x7c3: {  	v6 =	vcvt.f32.s32 v6;
	v14 =	vmul.f32 $2.560000000e+02, v16;
	[tilespmem:v13+s15+$0x0] =	vst.idx.add.s32.msk $0xffff, v2  }
0x7c4: {  	v12 =	vmul.f32 $2.560000000e+02, v17;
	v13 =	vmul.f32 $2.560000000e+02, v18;
	v16 =	vld [tilespmem:s1+$0x8030]  }
0x7c5: {  	v8 =	vadd.s32 v8, v3;
	[tilespmem:v15+s15+$0x0] =	vst.idx.add.s32.msk $0xffff, v2;
	v14 =	vtrunc.f32 v14;
	v15 =	vmul.f32 $2.560000000e+02, v19  }
0x7c6: {  	v6 =	vadd.s32 v6, v3;
	v17 =	vld [tilespmem:s1+$0x8430];
	v12 =	vtrunc.f32 v12;
	v14 =	vcvt.f32.s32 v14  }
0x7c7: {  	v10 =	vld [tilespmem:s20+$0x8000];
	v13 =	vtrunc.f32 v13;
	v12 =	vcvt.f32.s32 v12  }
0x7c8: {  	v18 =	vld [tilespmem:s1+$0x80B0];
	v13 =	vcvt.f32.s32 v13;
	v14 =	vadd.s32 v14, v3  }
0x7c9: {  	v19 =	vld [tilespmem:s1+$0x84B0];
	s22 =	sld [smem:$0x779];
	v15 =	vtrunc.f32 v15;
	v12 =	vadd.s32 v12, v3  }
0x7ca: {  	[tilespmem:v8+s15+$0x0] =	vst.idx.add.s32.msk $0xffff, v2;
	v15 =	vcvt.f32.s32 v15;
	v13 =	vadd.s32 v13, v3;
	v16 =	vmul.f32 $2.560000000e+02, v16  }
0x7cb: {  	s23 =	sld [smem:$0x77A];
	[tilespmem:v6+s15+$0x0] =	vst.idx.add.s32.msk $0xffff, v2;
	v17 =	vmul.f32 $2.560000000e+02, v17  }
0x7cc: {  	v7 =	vld [tilespmem:s22+$0x8000];
	v15 =	vadd.s32 v15, v3;
	v16 =	vtrunc.f32 v16  }
0x7cd: {  	v17 =	vtrunc.f32 v17;
	[tilespmem:v14+s15+$0x0] =	vst.idx.add.s32.msk $0xffff, v2;
	v14 =	vmul.f32 $2.560000000e+02, v18  }
0x7ce: {  	v16 =	vcvt.f32.s32 v16;
	[tilespmem:v12+s15+$0x0] =	vst.idx.add.s32.msk $0xffff, v2;
	v12 =	vmul.f32 $2.560000000e+02, v19  }
0x7cf: {  	[tilespmem:v13+s15+$0x0] =	vst.idx.add.s32.msk $0xffff, v2;
	v13 =	vtrunc.f32 v14;
	v14 =	vcvt.f32.s32 v17  }
0x7d0: {  	v16 =	vadd.s32 v16, v3;
	v17 =	vld [tilespmem:s1+$0x8130];
	v12 =	vtrunc.f32 v12;
	v13 =	vcvt.f32.s32 v13  }
0x7d1: {  	[tilespmem:v15+s15+$0x0] =	vst.idx.add.s32.msk $0xffff, v2;
	v12 =	vcvt.f32.s32 v12;
	v14 =	vadd.s32 v14, v3  }
0x7d2: {  	v15 =	vld [tilespmem:s1+$0x8530];
	v13 =	vadd.s32 v13, v3  }
0x7d3: {  	v11 =	vmul.f32 $2.560000000e+02, v11;
	v18 =	vld [tilespmem:s1+$0x81B0];
	v12 =	vadd.s32 v12, v3  }
0x7d4: {  	v19 =	vld [tilespmem:s1+$0x85B0]  }
0x7d5: {  	v11 =	vtrunc.f32 v11;
	[tilespmem:v16+s15+$0x0] =	vst.idx.add.s32.msk $0xffff, v2;
	v17 =	vmul.f32 $2.560000000e+02, v17  }
0x7d6: {  	v11 =	vcvt.f32.s32 v11;
	[tilespmem:v14+s15+$0x0] =	vst.idx.add.s32.msk $0xffff, v2  }
0x7d7: {  	v14 =	vmul.f32 $2.560000000e+02, v15;
	v15 =	vtrunc.f32 v17;
	[tilespmem:v13+s15+$0x0] =	vst.idx.add.s32.msk $0xffff, v2  }
0x7d8: {  	v13 =	vcvt.f32.s32 v15;
	[tilespmem:v12+s15+$0x0] =	vst.idx.add.s32.msk $0xffff, v2  }
0x7d9: {  	v5 =	vmul.f32 $2.560000000e+02, v5;
	v11 =	vadd.s32 v11, v3;
	v12 =	vtrunc.f32 v14;
	v14 =	vld [tilespmem:s1+$0x8040]  }
0x7da: {  	v16 =	vmul.f32 $2.560000000e+02, v18;
	v15 =	vld [tilespmem:s1+$0x8440];
	v12 =	vcvt.f32.s32 v12;
	v13 =	vadd.s32 v13, v3  }
0x7db: {  	v5 =	vtrunc.f32 v5;
	v18 =	vld [tilespmem:s1+$0x84C0]  }
0x7dc: {  	v19 =	vmul.f32 $2.560000000e+02, v19;
	v16 =	vtrunc.f32 v16;
	v17 =	vld [tilespmem:s1+$0x80C0];
	v12 =	vadd.s32 v12, v3  }
0x7dd: {  	v5 =	vcvt.f32.s32 v5;
	v8 =	vld [tilespmem:s23+$0x8000];
	v16 =	vcvt.f32.s32 v16  }
0x7de: {  	v19 =	vtrunc.f32 v19;
	s24 =	sld [smem:$0x77B];
	[tilespmem:v11+s15+$0x0] =	vst.idx.add.s32.msk $0xffff, v2;
	v14 =	vmul.f32 $2.560000000e+02, v14  }
0x7df: {  	v16 =	vadd.s32 v16, v3;
	[tilespmem:v13+s15+$0x0] =	vst.idx.add.s32.msk $0xffff, v2;
	v13 =	vmul.f32 $2.560000000e+02, v15;
	v15 =	vcvt.f32.s32 v19  }
0x7e0: {  	v5 =	vadd.s32 v5, v3;
	v18 =	vmul.f32 $2.560000000e+02, v18;
	v19 =	vld [tilespmem:s1+$0x8140]  }
0x7e1: {  	v14 =	vtrunc.f32 v14;
	[tilespmem:v12+s15+$0x0] =	vst.idx.add.s32.msk $0xffff, v2;
	v12 =	vmul.f32 $2.560000000e+02, v17;
	v15 =	vadd.s32 v15, v3  }
0x7e2: {  	v6 =	vld [tilespmem:s24+$0x8000];
	v13 =	vtrunc.f32 v13;
	v14 =	vcvt.f32.s32 v14  }
0x7e3: {  	v18 =	vtrunc.f32 v18;
	v17 =	vld [tilespmem:s1+$0x8540];
	v13 =	vcvt.f32.s32 v13  }
0x7e4: {  	s25 =	sld [smem:$0x77C];
	[tilespmem:v16+s15+$0x0] =	vst.idx.add.s32.msk $0xffff, v2;
	v18 =	vcvt.f32.s32 v18;
	v12 =	vtrunc.f32 v12  }
0x7e5: {  	[tilespmem:v5+s15+$0x0] =	vst.idx.add.s32.msk $0xffff, v2;
	v14 =	vadd.s32 v14, v3;
	v12 =	vcvt.f32.s32 v12;
	v16 =	vmul.f32 $2.560000000e+02, v19  }
0x7e6: {  	v13 =	vadd.s32 v13, v3;
	[tilespmem:v15+s15+$0x0] =	vst.idx.add.s32.msk $0xffff, v2  }
0x7e7: {  	v12 =	vadd.s32 v12, v3;
	v15 =	vtrunc.f32 v16;
	v16 =	vadd.s32 v18, v3;
	v18 =	vld [tilespmem:s1+$0x85C0]  }
0x7e8: {  	v11 =	vld [tilespmem:s25+$0x8000]  }
0x7e9: {  	v19 =	vld [tilespmem:s1+$0x81C0];
	v17 =	vmul.f32 $2.560000000e+02, v17  }
0x7ea: {  	v15 =	vcvt.f32.s32 v15;
	[tilespmem:v14+s15+$0x0] =	vst.idx.add.s32.msk $0xffff, v2  }
0x7eb: {  	v14 =	vtrunc.f32 v17;
	[tilespmem:v13+s15+$0x0] =	vst.idx.add.s32.msk $0xffff, v2  }
0x7ec: {  	v15 =	vadd.s32 v15, v3;
	v14 =	vcvt.f32.s32 v14;
	[tilespmem:v12+s15+$0x0] =	vst.idx.add.s32.msk $0xffff, v2;
	v12 =	vmul.f32 $2.560000000e+02, v18  }
0x7ed: {  	v17 =	vld [tilespmem:s1+$0x8450]  }
0x7ee: {  	v13 =	vmul.f32 $2.560000000e+02, v19;
	[tilespmem:v16+s15+$0x0] =	vst.idx.add.s32.msk $0xffff, v2;
	v14 =	vadd.s32 v14, v3;
	v12 =	vtrunc.f32 v12  }
0x7ef: {  	v4 =	vmul.f32 $2.560000000e+02, v4;
	v16 =	vld [tilespmem:s1+$0x8050];
	v12 =	vcvt.f32.s32 v12  }
0x7f0: {  	v9 =	vmul.f32 $2.560000000e+02, v9;
	v13 =	vtrunc.f32 v13;
	v18 =	vld [tilespmem:s1+$0x84D0]  }
0x7f1: {  	v10 =	vmul.f32 $2.560000000e+02, v10;
	v13 =	vcvt.f32.s32 v13;
	[tilespmem:v15+s15+$0x0] =	vst.idx.add.s32.msk $0xffff, v2;
	v12 =	vadd.s32 v12, v3  }
0x7f2: {  	v4 =	vtrunc.f32 v4;
	v9 =	vtrunc.f32 v9;
	v15 =	vld [tilespmem:s1+$0x80D0]  }
0x7f3: {  	v9 =	vcvt.f32.s32 v9;
	v10 =	vtrunc.f32 v10;
	v13 =	vadd.s32 v13, v3;
	[tilespmem:v14+s15+$0x0] =	vst.idx.add.s32.msk $0xffff, v2  }
0x7f4: {  	v10 =	vcvt.f32.s32 v10;
	v14 =	vmul.f32 $2.560000000e+02, v16;
	v16 =	vld [tilespmem:s1+$0x8150]  }
0x7f5: {  	v4 =	vcvt.f32.s32 v4;
	v9 =	vadd.s32 v9, v3;
	v17 =	vmul.f32 $2.560000000e+02, v17;
	v19 =	vld [tilespmem:s1+$0x8550]  }
0x7f6: {  	v10 =	vadd.s32 v10, v3;
	[tilespmem:v12+s15+$0x0] =	vst.idx.add.s32.msk $0xffff, v2  }
0x7f7: {  	v4 =	vadd.s32 v4, v3;
	v18 =	vmul.f32 $2.560000000e+02, v18;
	v12 =	vtrunc.f32 v17;
	v17 =	vld [tilespmem:s1+$0x85D0]  }
0x7f8: {  	[tilespmem:v13+s15+$0x0] =	vst.idx.add.s32.msk $0xffff, v2;
	v13 =	vtrunc.f32 v14;
	v14 =	vmul.f32 $2.560000000e+02, v15  }
0x7f9: {  	v18 =	vtrunc.f32 v18;
	v15 =	vld [tilespmem:s1+$0x81D0];
	v13 =	vcvt.f32.s32 v13  }
0x7fa: {  	v18 =	vcvt.f32.s32 v18;
	v14 =	vtrunc.f32 v14;
	s26 =	sld [smem:$0x77D];
	[tilespmem:v9+s15+$0x0] =	vst.idx.add.s32.msk $0xffff, v2  }
0x7fb: {  	v16 =	vmul.f32 $2.560000000e+02, v16;
	v19 =	vmul.f32 $2.560000000e+02, v19;
	v13 =	vadd.s32 v13, v3;
	s29 =	sld [smem:$0x77E];
	[tilespmem:v10+s15+$0x0] =	vst.idx.add.s32.msk $0xffff, v2  }
0x7fc: {  	v12 =	vcvt.f32.s32 v12;
	v18 =	vadd.s32 v18, v3;
	s30 =	sld [smem:$0x77F];
	[tilespmem:v4+s15+$0x0] =	vst.idx.add.s32.msk $0xffff, v2;
	v17 =	vmul.f32 $2.560000000e+02, v17  }
0x7fd: {  	v14 =	vcvt.f32.s32 v14;
	v16 =	vtrunc.f32 v16;
	v5 =	vld [tilespmem:s26+$0x8000]  }
0x7fe: {  	v12 =	vadd.s32 v12, v3;
	v16 =	vcvt.f32.s32 v16;
	v9 =	vld [tilespmem:s29+$0x8000];
	v4 =	vtrunc.f32 v17  }
0x7ff: {  	v8 =	vmul.f32 $2.560000000e+02, v8;
	v14 =	vadd.s32 v14, v3;
	v10 =	vld [tilespmem:s30+$0x8000];
	v4 =	vcvt.f32.s32 v4  }
0x800: {  	v19 =	vtrunc.f32 v19;
	v15 =	vmul.f32 $2.560000000e+02, v15;
	v16 =	vadd.s32 v16, v3;
	[tilespmem:v13+s15+$0x0] =	vst.idx.add.s32.msk $0xffff, v2  }
0x801: {  	v8 =	vtrunc.f32 v8;
	v19 =	vcvt.f32.s32 v19;
	[tilespmem:v18+s15+$0x0] =	vst.idx.add.s32.msk $0xffff, v2;
	v4 =	vadd.s32 v4, v3  }
0x802: {  	v8 =	vcvt.f32.s32 v8;
	v15 =	vtrunc.f32 v15;
	v18 =	vld [tilespmem:s1+$0x84E0]  }
0x803: {  	v7 =	vmul.f32 $2.560000000e+02, v7;
	v15 =	vcvt.f32.s32 v15;
	v17 =	vadd.s32 v19, v3;
	[tilespmem:v12+s15+$0x0] =	vst.idx.add.s32.msk $0xffff, v2  }
0x804: {  	v6 =	vmul.f32 $2.560000000e+02, v6;
	[tilespmem:v14+s15+$0x0] =	vst.idx.add.s32.msk $0xffff, v2;
	v19 =	vadd.s32 v8, v3  }
0x805: {  	v7 =	vtrunc.f32 v7;
	v13 =	vadd.s32 v15, v3;
	[tilespmem:v16+s15+$0x0] =	vst.idx.add.s32.msk $0xffff, v2  }
0x806: {  	[tilespmem:v4+s15+$0x0] =	vst.idx.add.s32.msk $0xffff, v2;
	v4 =	vtrunc.f32 v6;
	v6 =	vcvt.f32.s32 v7  }
0x807: {  	v16 =	vld [tilespmem:s1+$0x80E0]  }
0x808: {  	[tilespmem:v17+s15+$0x0] =	vst.idx.add.s32.msk $0xffff, v2;
	v17 =	vadd.s32 v6, v3  }
0x809: {  	[tilespmem:v19+s15+$0x0] =	vst.idx.add.s32.msk $0xffff, v2  }
0x80a: {  	v11 =	vmul.f32 $2.560000000e+02, v11;
	[tilespmem:v13+s15+$0x0] =	vst.idx.add.s32.msk $0xffff, v2  }
0x80b: {  	v13 =	vld [tilespmem:s1+$0x8460]  }
0x80c: {  	v11 =	vtrunc.f32 v11;
	v7 =	vld [tilespmem:s1+$0x8060]  }
0x80d: {  	v11 =	vcvt.f32.s32 v11;
	v8 =	vmul.f32 $2.560000000e+02, v10;
	[tilespmem:v17+s15+$0x0] =	vst.idx.add.s32.msk $0xffff, v2  }
0x80e: {  	v63 =	vld [tilespmem:s1+$0x8160];
	v21 =	vmul.f32 $2.560000000e+02, v16;
	v16 =	vmul.f32 $2.560000000e+02, v18;
	s31 =	sld [smem:$0x784]  }
0x80f: {  	v15 =	vcvt.f32.s32 v4;
	v4 =	vmul.f32 $2.560000000e+02, v5;
	s8 =	rddreg [dreg:$0x3]  }
.Ltmp9:
0x810: {  	v5 =	vmul.f32 $2.560000000e+02, v9;
	v9 =	vtrunc.f32 v8;
	s28 =	sld [smem:$0x785];
	(pc) =	sbr.rel @!p1 .LBB2_16-.Ltmp9, $4  }
0x811: {  	v6 =	vtrunc.f32 v4;
	v10 =	vmul.f32 $2.560000000e+02, v13;
	v13 =	vadd.s32 v15, v3;
	s24 =	sld [smem:$0x783]  }
0x812: {  	v11 =	vadd.s32 v11, v3;
	v14 =	vld [tilespmem:s1+$0x8560];
	v12 =	vtrunc.f32 v5;
	v7 =	vmul.f32 $2.560000000e+02, v7;
	s25 =	sld [smem:$0x782]  }
0x813: {  	v4 =	vld [tilespmem:s1+$0x81E0];
	v15 =	vmul.f32 $2.560000000e+02, v63;
	v8 =	vtrunc.f32 v10;
	s19 =	sld [smem:$0x781]  }
0x814: {  	p0 =	por !p0, !p0;
	s26 =	simm.s32 $0x180;
	v5 =	vld [tilespmem:s1+$0x85E0];
	v10 =	vtrunc.f32 v21;
	v7 =	vtrunc.f32 v7;
	s11 =	sld [smem:$0x780]  }
.LBB2_15:
0x815: {  	_ = 	snop  }
0x816: {  	[tilespmem:v13+s15+$0x0] =	vst.idx.add.s32.msk $0xffff, v2  }
0x817: {  	s26 =	sadd.s32 $0x800, s26;
	[tilespmem:v11+s15+$0x0] =	vst.idx.add.s32.msk $0xffff, v2  }
0x818: {  	s21 =	sadd.s32 $0x200, s21;
	v17 =	vcvt.f32.s32 v6;
	s23 =	sadd.s32 $0xFFFFFE80, s26;
	v6 =	vld [tilespmem:s25+$0x8000]  }
0x819: {  	s2 =	sand.u32 $0x200, s21;
	s4 =	sand.u32 $0x7000, s23;
	v13 =	vmul.f32 $2.560000000e+02, v14;
	v14 =	vmul.f32 $2.560000000e+02, v4;
	v4 =	vld [tilespmem:s11+$0x8000]  }
0x81a: {  	v11 =	vtrunc.f32 v15;
	s29 =	sor.u32 s2, s4;
	v15 =	vmul.f32 $2.560000000e+02, v5;
	v5 =	vld [tilespmem:s19+$0x8000]  }
0x81b: {  	v26 =	vld [tilespmem:s29+$0x8000]  }
0x81c: {  	v27 =	vld [tilespmem:s29+$0x8400]  }
0x81d: {  	s0 =	simm.s32 $0x1;
	v28 =	vld [tilespmem:s29+$0x8080]  }
0x81e: {  	s0 =	simm.s32 @!p0 $0x0;
	v29 =	vld [tilespmem:s29+$0x8480]  }
0x81f: {  	s0 =	sshll.u32 s0, $0x9;
	v30 =	vld [tilespmem:s29+$0x8100]  }
0x820: {  	s3 =	sadd.s32 s23, s0;
	v31 =	vld [tilespmem:s29+$0x8500]  }
0x821: {  	s0 =	sadd.s32 s26, s0;
	s30 =	sadd.s32 $0x180, s3;
	v32 =	vld [tilespmem:s29+$0x8180]  }
0x822: {  	s9 =	sadd.s32 $0xFFFFFE80, s0;
	v33 =	vld [tilespmem:s29+$0x8580];
	s11 =	sor.u32 $0xC00, s30  }
0x823: {  	v12 =	vcvt.f32.s32 v12;
	s10 =	sor.u32 $0x800, s9;
	v18 =	vld [tilespmem:s11+$0x8000]  }
0x824: {  	[dreg:$0x3] =	wrdreg s8;
	v19 =	vcvt.f32.s32 v7;
	v7 =	vadd.s32 v17, v3;
	s8 =	sadd.s32 $0xFFFFFF00, s0;
	s5 =	sor.u32 $0xC00, s9;
	v17 =	vld [tilespmem:s10+$0x8000]  }
0x825: {  	v20 =	vcvt.f32.s32 v8;
	v8 =	vadd.s32 v12, v3;
	s6 =	sor.u32 $0x800, s8;
	v12 =	vld [tilespmem:s5+$0x8000]  }
0x826: {  	v9 =	vcvt.f32.s32 v9;
	s13 =	sadd.s32 $0xFFFFFF80, s0;
	s12 =	sor.u32 $0xC00, s8;
	v21 =	vld [tilespmem:s6+$0x8000]  }
0x827: {  	s14 =	sor.u32 $0x800, s13;
	v22 =	vld [tilespmem:s12+$0x8000]  }
0x828: {  	v10 =	vcvt.f32.s32 v10;
	v16 =	vtrunc.f32 v16;
	v9 =	vadd.s32 v9, v3;
	s19 =	sor.u32 $0xC00, s13;
	v23 =	vld [tilespmem:s14+$0x8000]  }
0x829: {  	v16 =	vcvt.f32.s32 v16;
	v11 =	vcvt.f32.s32 v11;
	v19 =	vadd.s32 v19, v3;
	s25 =	sor.u32 $0x800, s30;
	v24 =	vld [tilespmem:s19+$0x8000]  }
0x82a: {  	v20 =	vadd.s32 v20, v3;
	v13 =	vtrunc.f32 v13;
	v14 =	vtrunc.f32 v14;
	v25 =	vld [tilespmem:s25+$0x8000]  }
0x82b: {  	v10 =	vadd.s32 v10, v3;
	v15 =	vtrunc.f32 v15;
	v13 =	vcvt.f32.s32 v13;
	[tilespmem:v7+s15+$0x0] =	vst.idx.add.s32.msk $0xffff, v2  }
0x82c: {  	v16 =	vadd.s32 v16, v3;
	v14 =	vcvt.f32.s32 v14;
	[tilespmem:v8+s15+$0x0] =	vst.idx.add.s32.msk $0xffff, v2;
	v39 =	vmul.f32 $2.560000000e+02, v29  }
0x82d: {  	v11 =	vadd.s32 v11, v3;
	v15 =	vcvt.f32.s32 v15;
	[tilespmem:v9+s15+$0x0] =	vst.idx.add.s32.msk $0xffff, v2;
	v30 =	vmul.f32 $2.560000000e+02, v30  }
0x82e: {  	[tilespmem:v19+s15+$0x0] =	vst.idx.add.s32.msk $0xffff, v2;
	v13 =	vadd.s32 v13, v3;
	v41 =	vmul.f32 $2.560000000e+02, v32;
	v7 =	vtrunc.f32 v39  }
0x82f: {  	[tilespmem:v20+s15+$0x0] =	vst.idx.add.s32.msk $0xffff, v2;
	v14 =	vadd.s32 v14, v3;
	v8 =	vtrunc.f32 v30;
	v7 =	vcvt.f32.s32 v7  }
0x830: {  	[tilespmem:v10+s15+$0x0] =	vst.idx.add.s32.msk $0xffff, v2;
	v15 =	vadd.s32 v15, v3;
	v9 =	vtrunc.f32 v41;
	v8 =	vcvt.f32.s32 v8  }
0x831: {  	[tilespmem:v16+s15+$0x0] =	vst.idx.add.s32.msk $0xffff, v2;
	v9 =	vcvt.f32.s32 v9;
	v7 =	vadd.s32 v7, v3  }
0x832: {  	[tilespmem:v11+s15+$0x0] =	vst.idx.add.s32.msk $0xffff, v2;
	v18 =	vmul.f32 $2.560000000e+02, v18;
	v8 =	vadd.s32 v8, v3  }
0x833: {  	v27 =	vmul.f32 $2.560000000e+02, v27;
	v17 =	vmul.f32 $2.560000000e+02, v17;
	[tilespmem:v13+s15+$0x0] =	vst.idx.add.s32.msk $0xffff, v2;
	v9 =	vadd.s32 v9, v3  }
0x834: {  	s14 =	sor.u32 $0xC30, s9;
	v12 =	vmul.f32 $2.560000000e+02, v12;
	v18 =	vtrunc.f32 v18;
	[tilespmem:v14+s15+$0x0] =	vst.idx.add.s32.msk $0xffff, v2  }
0x835: {  	[smem:$0x71A] =	sst s14;
	s14 =	sor.u32 $0xC30, s8;
	v17 =	vtrunc.f32 v17;
	v18 =	vcvt.f32.s32 v18;
	[tilespmem:v15+s15+$0x0] =	vst.idx.add.s32.msk $0xffff, v2  }
0x836: {  	[smem:$0x71C] =	sst s14;
	s14 =	sor.u32 $0x840, s9;
	v21 =	vmul.f32 $2.560000000e+02, v21;
	v17 =	vcvt.f32.s32 v17;
	[tilespmem:v7+s15+$0x0] =	vst.idx.add.s32.msk $0xffff, v2  }
0x837: {  	[smem:$0x720] =	sst s14;
	s14 =	sor.u32 $0x840, s8;
	v22 =	vmul.f32 $2.560000000e+02, v22;
	v12 =	vtrunc.f32 v12;
	v18 =	vadd.s32 v18, v3;
	[tilespmem:v8+s15+$0x0] =	vst.idx.add.s32.msk $0xffff, v2  }
0x838: {  	[smem:$0x722] =	sst s14;
	s14 =	sor.u32 $0x850, s9;
	v21 =	vtrunc.f32 v21;
	v12 =	vcvt.f32.s32 v12;
	v10 =	vadd.s32 v17, v3;
	[tilespmem:v9+s15+$0x0] =	vst.idx.add.s32.msk $0xffff, v2  }
0x839: {  	[smem:$0x727] =	sst s14;
	s14 =	sor.u32 $0xC50, s9;
	v22 =	vtrunc.f32 v22;
	v16 =	vcvt.f32.s32 v21;
	v51 =	vld [tilespmem:s29+$0x8190]  }
0x83a: {  	v27 =	vtrunc.f32 v27;
	[smem:$0x728] =	sst s14;
	s14 =	sor.u32 $0x850, s13;
	v45 =	vcvt.f32.s32 v22;
	v12 =	vadd.s32 v12, v3;
	v61 =	vld [tilespmem:s1+$0x84F0]  }
0x83b: {  	[smem:$0x72B] =	sst s14;
	s14 =	sor.u32 $0x860, s9;
	v14 =	vcvt.f32.s32 v27;
	v16 =	vadd.s32 v16, v3;
	v62 =	vld [tilespmem:s1+$0x8170]  }
0x83c: {  	[smem:$0x72E] =	sst s14;
	s14 =	sor.u32 $0xC60, s8;
	v20 =	vadd.s32 v45, v3;
	[tilespmem:v18+s15+$0x0] =	vst.idx.add.s32.msk $0xffff, v2  }
0x83d: {  	[dreg:$0x18] =	wrdreg s14;
	s14 =	sor.u32 $0xC10, s30;
	v14 =	vadd.s32 v14, v3;
	[tilespmem:v10+s15+$0x0] =	vst.idx.add.s32.msk $0xffff, v2  }
0x83e: {  	v40 =	vld [tilespmem:s14+$0x8000]  }
0x83f: {  	v19 =	vmul.f32 $2.560000000e+02, v33;
	[tilespmem:v12+s15+$0x0] =	vst.idx.add.s32.msk $0xffff, v2  }
0x840: {  	[tilespmem:v16+s15+$0x0] =	vst.idx.add.s32.msk $0xffff, v2  }
0x841: {  	v23 =	vmul.f32 $2.560000000e+02, v23;
	v17 =	vtrunc.f32 v19;
	[tilespmem:v20+s15+$0x0] =	vst.idx.add.s32.msk $0xffff, v2  }
0x842: {  	s7 =	sor.u32 $0x810, s9;
	v24 =	vmul.f32 $2.560000000e+02, v24;
	v15 =	vcvt.f32.s32 v17;
	[tilespmem:v14+s15+$0x0] =	vst.idx.add.s32.msk $0xffff, v2  }
0x843: {  	s10 =	sor.u32 $0x810, s8;
	v23 =	vtrunc.f32 v23;
	v48 =	vld [tilespmem:s7+$0x8000];
	v43 =	vmul.f32 $2.560000000e+02, v40  }
0x844: {  	s16 =	sor.u32 $0xC10, s8;
	v24 =	vtrunc.f32 v24;
	v11 =	vcvt.f32.s32 v23;
	v15 =	vadd.s32 v15, v3;
	v7 =	vld [tilespmem:s10+$0x8000]  }
0x845: {  	s19 =	sor.u32 $0x830, s9;
	v46 =	vcvt.f32.s32 v24;
	v8 =	vld [tilespmem:s16+$0x8000];
	v44 =	vtrunc.f32 v43  }
0x846: {  	[smem:$0x719] =	sst s19;
	s19 =	sor.u32 $0x830, s8;
	v10 =	vadd.s32 v11, v3;
	v16 =	vld [tilespmem:s29+$0x8410];
	v19 =	vcvt.f32.s32 v44  }
0x847: {  	[smem:$0x71B] =	sst s19;
	s19 =	sor.u32 $0x830, s13;
	v12 =	vadd.s32 v46, v3;
	v54 =	vld [tilespmem:s24+$0x8000]  }
0x848: {  	p1 =	slt.u32 s23, $0x7800;
	[smem:$0x71D] =	sst s19;
	s19 =	sor.u32 $0xC40, s9;
	v31 =	vmul.f32 $2.560000000e+02, v31;
	v25 =	vmul.f32 $2.560000000e+02, v25;
	v59 =	vld [tilespmem:s1+$0x8470];
	v19 =	vadd.s32 v19, v3  }
0x849: {  	s18 =	sor.u32 $0xC10, s9;
	v26 =	vmul.f32 $2.560000000e+02, v26;
	v28 =	vmul.f32 $2.560000000e+02, v28;
	[smem:$0x721] =	sst s19;
	s19 =	sor.u32 $0xC40, s8;
	[tilespmem:v15+s15+$0x0] =	vst.idx.add.s32.msk $0xffff, v2  }
0x84a: {  	s17 =	sor.u32 $0x810, s13;
	[smem:$0x723] =	sst s19;
	s19 =	sor.u32 $0xC40, s13;
	v42 =	vtrunc.f32 v31;
	v25 =	vtrunc.f32 v25;
	v52 =	vld [tilespmem:s29+$0x8590]  }
0x84b: {  	s22 =	sor.u32 $0x820, s9;
	[smem:$0x725] =	sst s19;
	s19 =	sor.u32 $0x850, s8;
	v18 =	vtrunc.f32 v26;
	v11 =	vcvt.f32.s32 v42;
	[tilespmem:v10+s15+$0x0] =	vst.idx.add.s32.msk $0xffff, v2  }
0x84c: {  	s4 =	sor.u32 $0xC20, s9;
	[smem:$0x729] =	sst s19;
	s19 =	sor.u32 $0xC50, s13;
	v13 =	vcvt.f32.s32 v18;
	v18 =	vcvt.f32.s32 v25;
	[tilespmem:v12+s15+$0x0] =	vst.idx.add.s32.msk $0xffff, v2  }
0x84d: {  	s23 =	sor.u32 $0xC20, s30;
	v28 =	vtrunc.f32 v28;
	[smem:$0x72C] =	sst s19;
	s19 =	sor.u32 $0xC60, s9;
	v49 =	vadd.s32 v11, v3;
	[tilespmem:v19+s15+$0x0] =	vst.idx.add.s32.msk $0xffff, v2  }
0x84e: {  	s11 =	sor.u32 $0x870, s9;
	v47 =	vcvt.f32.s32 v28;
	[dreg:$0x1c] =	wrdreg s19;
	s19 =	sor.u32 $0x860, s13;
	v17 =	vadd.s32 v18, v3;
	v19 =	vld [tilespmem:s23+$0x8000]  }
0x84f: {  	[dreg:$0x8] =	wrdreg s19;
	s19 =	sor.u32 $0xC70, s9;
	s9 =	sor.u32 $0xC70, s8;
	v13 =	vadd.s32 v13, v3;
	v9 =	vld [tilespmem:s17+$0x8000]  }
0x850: {  	s24 =	smov.u32 s9;
	s9 =	rddreg [dreg:$0x3];
	v18 =	vadd.s32 v47, v3;
	v55 =	vld [tilespmem:s31+$0x8000]  }
0x851: {  	v6 =	vmul.f32 $2.560000000e+02, v6;
	v56 =	vld [tilespmem:s9+$0x8000]  }
0x852: {  	v4 =	vmul.f32 $2.560000000e+02, v4;
	v5 =	vmul.f32 $2.560000000e+02, v5;
	[tilespmem:v49+s15+$0x0] =	vst.idx.add.s32.msk $0xffff, v2  }
0x853: {  	v6 =	vtrunc.f32 v6;
	[tilespmem:v17+s15+$0x0] =	vst.idx.add.s32.msk $0xffff, v2;
	v10 =	vmul.f32 $2.560000000e+02, v19  }
0x854: {  	v4 =	vtrunc.f32 v4;
	v5 =	vtrunc.f32 v5;
	[tilespmem:v13+s15+$0x0] =	vst.idx.add.s32.msk $0xffff, v2  }
0x855: {  	v4 =	vcvt.f32.s32 v4;
	[tilespmem:v18+s15+$0x0] =	vst.idx.add.s32.msk $0xffff, v2;
	v10 =	vtrunc.f32 v10  }
0x856: {  	v5 =	vcvt.f32.s32 v5;
	v18 =	vld [tilespmem:s29+$0x8490];
	v13 =	vcvt.f32.s32 v10  }
0x857: {  	v11 =	vmul.f32 $2.560000000e+02, v48;
	v7 =	vmul.f32 $2.560000000e+02, v7;
	v50 =	vld [tilespmem:s29+$0x8510]  }
0x858: {  	s12 =	sor.u32 $0x810, s30;
	v63 =	vld [tilespmem:s1+$0x8570];
	v10 =	vadd.s32 v5, v3;
	v5 =	vcvt.f32.s32 v6;
	v6 =	vadd.s32 v13, v3  }
0x859: {  	v8 =	vmul.f32 $2.560000000e+02, v8;
	v12 =	vtrunc.f32 v11;
	v14 =	vld [tilespmem:s12+$0x8000]  }
0x85a: {  	v11 =	vadd.s32 v4, v3;
	v7 =	vtrunc.f32 v7;
	v4 =	vcvt.f32.s32 v12;
	v15 =	vld [tilespmem:s29+$0x8010]  }
0x85b: {  	v8 =	vtrunc.f32 v8;
	v17 =	vld [tilespmem:s29+$0x8090];
	v7 =	vcvt.f32.s32 v7  }
0x85c: {  	v57 =	vld [tilespmem:s28+$0x8000];
	v8 =	vcvt.f32.s32 v8;
	v4 =	vadd.s32 v4, v3;
	v9 =	vmul.f32 $2.560000000e+02, v9  }
0x85d: {  	v22 =	vmul.f32 $2.560000000e+02, v52;
	v7 =	vadd.s32 v7, v3;
	s23 =	sor.u32 $0xC30, s30;
	[tilespmem:v6+s15+$0x0] =	vst.idx.add.s32.msk $0xffff, v2  }
0x85e: {  	v8 =	vadd.s32 v8, v3;
	v9 =	vtrunc.f32 v9;
	v12 =	vadd.s32 v5, v3;
	v5 =	vld [tilespmem:s23+$0x8000]  }
0x85f: {  	v58 =	vld [tilespmem:s1+$0x8070];
	v22 =	vtrunc.f32 v22;
	v9 =	vcvt.f32.s32 v9  }
0x860: {  	v60 =	vld [tilespmem:s1+$0x80F0];
	v34 =	vcvt.f32.s32 v22  }
0x861: {  	v18 =	vmul.f32 $2.560000000e+02, v18;
	[tilespmem:v4+s15+$0x0] =	vst.idx.add.s32.msk $0xffff, v2;
	v9 =	vadd.s32 v9, v3  }
0x862: {  	v14 =	vmul.f32 $2.560000000e+02, v14;
	v15 =	vmul.f32 $2.560000000e+02, v15;
	[tilespmem:v7+s15+$0x0] =	vst.idx.add.s32.msk $0xffff, v2;
	v7 =	vadd.s32 v34, v3  }
0x863: {  	v18 =	vtrunc.f32 v18;
	[tilespmem:v8+s15+$0x0] =	vst.idx.add.s32.msk $0xffff, v2;
	v5 =	vmul.f32 $2.560000000e+02, v5  }
0x864: {  	v14 =	vtrunc.f32 v14;
	v18 =	vcvt.f32.s32 v18;
	v53 =	vld [tilespmem:s22+$0x8000]  }
0x865: {  	v14 =	vcvt.f32.s32 v14;
	v6 =	vld [tilespmem:s18+$0x8000];
	v5 =	vtrunc.f32 v5  }
0x866: {  	v17 =	vmul.f32 $2.560000000e+02, v17;
	v18 =	vadd.s32 v18, v3;
	[tilespmem:v9+s15+$0x0] =	vst.idx.add.s32.msk $0xffff, v2;
	v5 =	vcvt.f32.s32 v5  }
0x867: {  	v15 =	vtrunc.f32 v15;
	v14 =	vadd.s32 v14, v3;
	[tilespmem:v7+s15+$0x0] =	vst.idx.add.s32.msk $0xffff, v2  }
0x868: {  	v4 =	vtrunc.f32 v17;
	v15 =	vcvt.f32.s32 v15;
	v19 =	vld [tilespmem:s29+$0x8110];
	v5 =	vadd.s32 v5, v3  }
0x869: {  	v36 =	vmul.f32 $2.560000000e+02, v54;
	v4 =	vcvt.f32.s32 v4;
	v54 =	vld [tilespmem:s29+$0x85A0]  }
0x86a: {  	v15 =	vadd.s32 v15, v3;
	v34 =	vld [tilespmem:s1+$0x85F0];
	v6 =	vmul.f32 $2.560000000e+02, v6  }
0x86b: {  	v4 =	vadd.s32 v4, v3;
	[tilespmem:v18+s15+$0x0] =	vst.idx.add.s32.msk $0xffff, v2  }
0x86c: {  	v16 =	vmul.f32 $2.560000000e+02, v16;
	[tilespmem:v14+s15+$0x0] =	vst.idx.add.s32.msk $0xffff, v2;
	v6 =	vtrunc.f32 v6  }
0x86d: {  	v17 =	vmul.f32 $2.560000000e+02, v50;
	s23 =	sor.u32 $0xC40, s30;
	v6 =	vcvt.f32.s32 v6;
	[tilespmem:v5+s15+$0x0] =	vst.idx.add.s32.msk $0xffff, v2  }
0x86e: {  	v5 =	vtrunc.f32 v16;
	v16 =	vmul.f32 $2.560000000e+02, v19;
	v19 =	vld [tilespmem:s23+$0x8000]  }
0x86f: {  	[tilespmem:v15+s15+$0x0] =	vst.idx.add.s32.msk $0xffff, v2  }
0x870: {  	s20 =	sor.u32 $0xC10, s13;
	v17 =	vtrunc.f32 v17;
	[tilespmem:v4+s15+$0x0] =	vst.idx.add.s32.msk $0xffff, v2;
	v6 =	vadd.s32 v6, v3  }
0x871: {  	v17 =	vcvt.f32.s32 v17;
	v13 =	vld [tilespmem:s20+$0x8000]  }
0x872: {  	s6 =	sor.u32 $0x820, s30;
	v20 =	vmul.f32 $2.560000000e+02, v53;
	v48 =	vld [tilespmem:s29+$0x84A0];
	v5 =	vcvt.f32.s32 v5  }
0x873: {  	v17 =	vadd.s32 v17, v3;
	v42 =	vld [tilespmem:s6+$0x8000];
	v19 =	vmul.f32 $2.560000000e+02, v19  }
0x874: {  	v20 =	vtrunc.f32 v20;
	v43 =	vld [tilespmem:s29+$0x8020];
	v5 =	vadd.s32 v5, v3  }
0x875: {  	v20 =	vcvt.f32.s32 v20;
	[tilespmem:v6+s15+$0x0] =	vst.idx.add.s32.msk $0xffff, v2;
	v19 =	vtrunc.f32 v19  }
0x876: {  	v13 =	vmul.f32 $2.560000000e+02, v13;
	v35 =	vld [tilespmem:s4+$0x8000];
	v19 =	vcvt.f32.s32 v19  }
0x877: {  	v21 =	vmul.f32 $2.560000000e+02, v51;
	v46 =	vld [tilespmem:s29+$0x80A0];
	v20 =	vadd.s32 v20, v3;
	v16 =	vtrunc.f32 v16  }
0x878: {  	[tilespmem:v17+s15+$0x0] =	vst.idx.add.s32.msk $0xffff, v2;
	v13 =	vtrunc.f32 v13;
	v16 =	vcvt.f32.s32 v16;
	v19 =	vadd.s32 v19, v3  }
0x879: {  	s25 =	sor.u32 $0xC30, s13;
	v13 =	vcvt.f32.s32 v13;
	[tilespmem:v5+s15+$0x0] =	vst.idx.add.s32.msk $0xffff, v2  }
0x87a: {  	[smem:$0x71E] =	sst s25;
	s25 =	sor.u32 $0x830, s30;
	v21 =	vtrunc.f32 v21;
	v8 =	vmul.f32 $2.560000000e+02, v55;
	v16 =	vadd.s32 v16, v3;
	v44 =	vld [tilespmem:s29+$0x8420]  }
0x87b: {  	[smem:$0x71F] =	sst s25;
	s25 =	sor.u32 $0x840, s13;
	v51 =	vld [tilespmem:s29+$0x8520];
	v6 =	vadd.s32 v13, v3;
	v13 =	vcvt.f32.s32 v21;
	v22 =	vmul.f32 $2.560000000e+02, v35  }
0x87c: {  	[smem:$0x724] =	sst s25;
	s25 =	sor.u32 $0x840, s30;
	v37 =	vmul.f32 $2.560000000e+02, v57;
	v8 =	vtrunc.f32 v8;
	[tilespmem:v20+s15+$0x0] =	vst.idx.add.s32.msk $0xffff, v2  }
0x87d: {  	[smem:$0x726] =	sst s25;
	s25 =	sor.u32 $0xC50, s8;
	s10 =	sor.u32 $0xC50, s30;
	v9 =	vmul.f32 $2.560000000e+02, v56;
	v13 =	vadd.s32 v13, v3;
	v22 =	vtrunc.f32 v22;
	[tilespmem:v19+s15+$0x0] =	vst.idx.add.s32.msk $0xffff, v2  }
0x87e: {  	[smem:$0x72A] =	sst s25;
	s25 =	sor.u32 $0x850, s30;
	v8 =	vcvt.f32.s32 v8;
	v15 =	vcvt.f32.s32 v22;
	v19 =	vld [tilespmem:s10+$0x8000]  }
0x87f: {  	[smem:$0x72D] =	sst s25;
	s25 =	sor.u32 $0x860, s8;
	v9 =	vtrunc.f32 v9;
	[tilespmem:v16+s15+$0x0] =	vst.idx.add.s32.msk $0xffff, v2;
	v21 =	vmul.f32 $2.560000000e+02, v44  }
0x880: {  	[dreg:$0x17] =	wrdreg s25;
	s25 =	sor.u32 $0xC60, s13;
	v18 =	vmul.f32 $2.560000000e+02, v63;
	v9 =	vcvt.f32.s32 v9;
	v22 =	vadd.s32 v15, v3;
	v49 =	vld [tilespmem:s29+$0x8120]  }
0x881: {  	[dreg:$0x10] =	wrdreg s25;
	s25 =	sor.u32 $0x860, s30;
	v50 =	vmul.f32 $2.560000000e+02, v43;
	[tilespmem:v6+s15+$0x0] =	vst.idx.add.s32.msk $0xffff, v2;
	v21 =	vtrunc.f32 v21  }
0x882: {  	s0 =	sor.u32 $0x820, s8;
	s3 =	sor.u32 $0xC20, s8;
	[dreg:$0xc] =	wrdreg s25;
	v17 =	vtrunc.f32 v37;
	[tilespmem:v13+s15+$0x0] =	vst.idx.add.s32.msk $0xffff, v2;
	v21 =	vcvt.f32.s32 v21  }
0x883: {  	s25 =	sor.u32 $0x870, s8;
	s8 =	sor.u32 $0x870, s13;
	s14 =	sor.u32 $0xC70, s13;
	v25 =	vtrunc.f32 v50;
	v53 =	vld [tilespmem:s29+$0x81A0];
	v14 =	vmul.f32 $2.560000000e+02, v19  }
0x884: {  	s31 =	smov.u32 s8;
	s8 =	smov.u32 s14;
	s14 =	sld [smem:$0x719];
	v27 =	vmul.f32 $2.560000000e+02, v51;
	v63 =	vld [tilespmem:s1+$0x81F0];
	v21 =	vadd.s32 v21, v3;
	v19 =	vmul.f32 $2.560000000e+02, v59  }
0x885: {  	[tilespmem:v22+s15+$0x0] =	vst.idx.add.s32.msk $0xffff, v2;
	v56 =	vmul.f32 $2.560000000e+02, v49;
	v5 =	vtrunc.f32 v14  }
0x886: {  	v13 =	vtrunc.f32 v19;
	v19 =	vld [tilespmem:s0+$0x8000];
	v4 =	vcvt.f32.s32 v5  }
0x887: {  	s16 =	sld [smem:$0x71A];
	v22 =	vtrunc.f32 v56;
	v14 =	vmul.f32 $2.560000000e+02, v60;
	v60 =	vld [tilespmem:s14+$0x8000]  }
0x888: {  	v27 =	vtrunc.f32 v27;
	v22 =	vcvt.f32.s32 v22;
	[tilespmem:v11+s15+$0x0] =	vst.idx.add.s32.msk $0xffff, v2;
	v4 =	vadd.s32 v4, v3  }
0x889: {  	v25 =	vcvt.f32.s32 v25;
	v37 =	vcvt.f32.s32 v27;
	[tilespmem:v21+s15+$0x0] =	vst.idx.add.s32.msk $0xffff, v2  }
0x88a: {  	v22 =	vadd.s32 v22, v3;
	v5 =	vmul.f32 $2.560000000e+02, v61;
	v61 =	vld [tilespmem:s16+$0x8000];
	v7 =	vtrunc.f32 v14  }
0x88b: {  	s1 =	smov.u32 s29;
	[tilespmem:v10+s15+$0x0] =	vst.idx.add.s32.msk $0xffff, v2;
	v40 =	vcvt.f32.s32 v7;
	v7 =	vmul.f32 $2.560000000e+02, v19  }
0x88c: {  	v15 =	vmul.f32 $2.560000000e+02, v62;
	v16 =	vtrunc.f32 v36;
	v49 =	vld [tilespmem:s1+$0x8430]  }
0x88d: {  	v14 =	vadd.s32 v8, v3;
	v8 =	vtrunc.f32 v7;
	[tilespmem:v4+s15+$0x0] =	vst.idx.add.s32.msk $0xffff, v2;
	v4 =	vcvt.f32.s32 v16  }
0x88e: {  	v10 =	vadd.s32 v25, v3;
	v16 =	vcvt.f32.s32 v17;
	v17 =	vld [tilespmem:s3+$0x8000];
	v45 =	vcvt.f32.s32 v8  }
0x88f: {  	s12 =	sor.u32 $0xC60, s30;
	v55 =	vmul.f32 $2.560000000e+02, v48;
	v15 =	vtrunc.f32 v15;
	v25 =	vadd.s32 v37, v3;
	[tilespmem:v22+s15+$0x0] =	vst.idx.add.s32.msk $0xffff, v2  }
0x890: {  	s2 =	sor.u32 $0x820, s13;
	v57 =	vmul.f32 $2.560000000e+02, v53;
	v24 =	vmul.f32 $2.560000000e+02, v60;
	v38 =	vld [tilespmem:s12+$0x8000];
	v23 =	vadd.s32 v45, v3  }
0x891: {  	s5 =	sor.u32 $0xC20, s13;
	v41 =	vcvt.f32.s32 v15;
	v39 =	vcvt.f32.s32 v13;
	v13 =	vadd.s32 v4, v3;
	v4 =	vld [tilespmem:s2+$0x8000]  }
0x892: {  	v5 =	vtrunc.f32 v5;
	v19 =	vld [tilespmem:s5+$0x8000];
	v24 =	vtrunc.f32 v24  }
0x893: {  	s17 =	sld [smem:$0x71B];
	[tilespmem:v10+s15+$0x0] =	vst.idx.add.s32.msk $0xffff, v2;
	v10 =	vcvt.f32.s32 v24;
	v17 =	vmul.f32 $2.560000000e+02, v17  }
0x894: {  	v15 =	vadd.s32 v9, v3;
	v20 =	vtrunc.f32 v57;
	v5 =	vcvt.f32.s32 v5;
	[tilespmem:v25+s15+$0x0] =	vst.idx.add.s32.msk $0xffff, v2  }
0x895: {  	v45 =	vadd.s32 v10, v3;
	v9 =	vmul.f32 $2.560000000e+02, v38;
	v17 =	vtrunc.f32 v17;
	[tilespmem:v23+s15+$0x0] =	vst.idx.add.s32.msk $0xffff, v2  }
0x896: {  	v47 =	vmul.f32 $2.560000000e+02, v4;
	v17 =	vcvt.f32.s32 v17;
	v62 =	vld [tilespmem:s17+$0x8000]  }
0x897: {  	v4 =	vtrunc.f32 v9;
	v9 =	vadd.s32 v5, v3;
	[tilespmem:v12+s15+$0x0] =	vst.idx.add.s32.msk $0xffff, v2;
	v12 =	vcvt.f32.s32 v20  }
0x898: {  	s29 =	sld [smem:$0x720];
	v48 =	vld [tilespmem:s1+$0x8030];
	v5 =	vmul.f32 $2.560000000e+02, v19;
	v19 =	vcvt.f32.s32 v4;
	v17 =	vadd.s32 v17, v3  }
0x899: {  	v18 =	vtrunc.f32 v18;
	v53 =	vld [tilespmem:s1+$0x8530];
	v12 =	vadd.s32 v12, v3  }
0x89a: {  	v18 =	vcvt.f32.s32 v18;
	[tilespmem:v45+s15+$0x0] =	vst.idx.add.s32.msk $0xffff, v2;
	v19 =	vadd.s32 v19, v3  }
0x89b: {  	v60 =	vld [tilespmem:s29+$0x8000];
	v28 =	vtrunc.f32 v47;
	v52 =	vtrunc.f32 v5  }
0x89c: {  	v28 =	vcvt.f32.s32 v28;
	v31 =	vcvt.f32.s32 v52;
	v52 =	vld [tilespmem:s1+$0x8130]  }
0x89d: {  	v26 =	vmul.f32 $2.560000000e+02, v42;
	s18 =	sld [smem:$0x71C];
	v5 =	vadd.s32 v18, v3;
	v18 =	vmul.f32 $2.560000000e+02, v46;
	[tilespmem:v17+s15+$0x0] =	vst.idx.add.s32.msk $0xffff, v2  }
0x89e: {  	v28 =	vadd.s32 v28, v3;
	[tilespmem:v12+s15+$0x0] =	vst.idx.add.s32.msk $0xffff, v2  }
0x89f: {  	v26 =	vtrunc.f32 v26;
	v18 =	vtrunc.f32 v18;
	v31 =	vadd.s32 v31, v3;
	[tilespmem:v19+s15+$0x0] =	vst.idx.add.s32.msk $0xffff, v2  }
0x8a0: {  	s13 =	sor.u32 $0x870, s30;
	v59 =	vmul.f32 $2.560000000e+02, v54;
	v7 =	vadd.s32 v39, v3;
	v18 =	vcvt.f32.s32 v18;
	v39 =	vld [tilespmem:s18+$0x8000]  }
0x8a1: {  	s28 =	smov.u32 s13;
	s13 =	sor.u32 $0xC70, s30;
	v26 =	vcvt.f32.s32 v26;
	v54 =	vld [tilespmem:s1+$0x81B0]  }
0x8a2: {  	s20 =	sld [smem:$0x71D];
	v6 =	vmul.f32 $2.560000000e+02, v58;
	v23 =	vtrunc.f32 v59;
	v18 =	vadd.s32 v18, v3;
	v58 =	vld [tilespmem:s13+$0x8000]  }
0x8a3: {  	v17 =	vcvt.f32.s32 v23;
	v19 =	vtrunc.f32 v55;
	[tilespmem:v28+s15+$0x0] =	vst.idx.add.s32.msk $0xffff, v2  }
0x8a4: {  	v11 =	vcvt.f32.s32 v19;
	v19 =	vadd.s32 v26, v3;
	[tilespmem:v31+s15+$0x0] =	vst.idx.add.s32.msk $0xffff, v2  }
0x8a5: {  	v17 =	vadd.s32 v17, v3;
	v12 =	vld [tilespmem:s20+$0x8000]  }
0x8a6: {  	v22 =	vmul.f32 $2.560000000e+02, v48;
	[tilespmem:v14+s15+$0x0] =	vst.idx.add.s32.msk $0xffff, v2  }
0x8a7: {  	[tilespmem:v18+s15+$0x0] =	vst.idx.add.s32.msk $0xffff, v2  }
0x8a8: {  	s22 =	sld [smem:$0x71E];
	v22 =	vtrunc.f32 v22;
	v50 =	vld [tilespmem:s1+$0x80B0]  }
0x8a9: {  	v22 =	vcvt.f32.s32 v22;
	v4 =	vadd.s32 v41, v3;
	v41 =	vmul.f32 $2.560000000e+02, v62;
	[tilespmem:v19+s15+$0x0] =	vst.idx.add.s32.msk $0xffff, v2  }
0x8aa: {  	s23 =	sld [smem:$0x71F];
	v16 =	vadd.s32 v16, v3;
	[tilespmem:v17+s15+$0x0] =	vst.idx.add.s32.msk $0xffff, v2  }
0x8ab: {  	v24 =	vmul.f32 $2.560000000e+02, v49;
	v43 =	vtrunc.f32 v41;
	v14 =	vadd.s32 v22, v3;
	v17 =	vld [tilespmem:s22+$0x8000]  }
0x8ac: {  	v42 =	vmul.f32 $2.560000000e+02, v63;
	v20 =	vcvt.f32.s32 v43;
	v11 =	vadd.s32 v11, v3;
	[tilespmem:v15+s15+$0x0] =	vst.idx.add.s32.msk $0xffff, v2  }
0x8ad: {  	v8 =	vadd.s32 v40, v3;
	v40 =	vmul.f32 $2.560000000e+02, v61;
	v24 =	vtrunc.f32 v24;
	v47 =	vld [tilespmem:s23+$0x8000]  }
0x8ae: {  	v24 =	vcvt.f32.s32 v24;
	v46 =	vmul.f32 $2.560000000e+02, v34;
	v18 =	vadd.s32 v20, v3;
	v55 =	vld [tilespmem:s1+$0x85B0]  }
0x8af: {  	v57 =	vmul.f32 $2.560000000e+02, v52;
	v26 =	vtrunc.f32 v40;
	[tilespmem:v16+s15+$0x0] =	vst.idx.add.s32.msk $0xffff, v2  }
0x8b0: {  	v23 =	vmul.f32 $2.560000000e+02, v39;
	v59 =	vmul.f32 $2.560000000e+02, v54;
	v15 =	vadd.s32 v24, v3;
	[tilespmem:v14+s15+$0x0] =	vst.idx.add.s32.msk $0xffff, v2  }
0x8b1: {  	s2 =	sld [smem:$0x722];
	v29 =	vmul.f32 $2.560000000e+02, v58;
	v19 =	vcvt.f32.s32 v26;
	[tilespmem:v11+s15+$0x0] =	vst.idx.add.s32.msk $0xffff, v2  }
0x8b2: {  	v44 =	vtrunc.f32 v23;
	v12 =	vmul.f32 $2.560000000e+02, v12;
	v51 =	vld [tilespmem:s1+$0x84B0]  }
0x8b3: {  	v29 =	vtrunc.f32 v29;
	v19 =	vadd.s32 v19, v3;
	v10 =	vcvt.f32.s32 v44;
	[tilespmem:v18+s15+$0x0] =	vst.idx.add.s32.msk $0xffff, v2  }
0x8b4: {  	v58 =	vtrunc.f32 v57;
	v36 =	vcvt.f32.s32 v29;
	v63 =	vld [tilespmem:s2+$0x8000]  }
0x8b5: {  	v12 =	vtrunc.f32 v12;
	v18 =	vmul.f32 $2.560000000e+02, v53;
	v21 =	vadd.s32 v10, v3;
	[tilespmem:v15+s15+$0x0] =	vst.idx.add.s32.msk $0xffff, v2  }
0x8b6: {  	s30 =	sld [smem:$0x721];
	v11 =	vtrunc.f32 v42;
	v12 =	vcvt.f32.s32 v12;
	v38 =	vadd.s32 v36, v3;
	v42 =	vld [tilespmem:s1+$0x8440]  }
0x8b7: {  	v17 =	vmul.f32 $2.560000000e+02, v17;
	v18 =	vtrunc.f32 v18;
	[tilespmem:v7+s15+$0x0] =	vst.idx.add.s32.msk $0xffff, v2  }
0x8b8: {  	v25 =	vmul.f32 $2.560000000e+02, v50;
	v18 =	vcvt.f32.s32 v18;
	[tilespmem:v19+s15+$0x0] =	vst.idx.add.s32.msk $0xffff, v2  }
0x8b9: {  	s3 =	sld [smem:$0x723];
	v20 =	vmul.f32 $2.560000000e+02, v47;
	v12 =	vadd.s32 v12, v3;
	v17 =	vtrunc.f32 v17;
	v62 =	vld [tilespmem:s30+$0x8000]  }
0x8ba: {  	v19 =	vtrunc.f32 v25;
	v17 =	vcvt.f32.s32 v17;
	v18 =	vadd.s32 v18, v3;
	[tilespmem:v21+s15+$0x0] =	vst.idx.add.s32.msk $0xffff, v2  }
0x8bb: {  	v20 =	vtrunc.f32 v20;
	v19 =	vcvt.f32.s32 v19;
	[tilespmem:v38+s15+$0x0] =	vst.idx.add.s32.msk $0xffff, v2  }
0x8bc: {  	v61 =	vmul.f32 $2.560000000e+02, v55;
	v20 =	vcvt.f32.s32 v20;
	v33 =	vld [tilespmem:s3+$0x8000];
	v17 =	vadd.s32 v17, v3  }
0x8bd: {  	v25 =	vtrunc.f32 v59;
	v21 =	vcvt.f32.s32 v58;
	[tilespmem:v13+s15+$0x0] =	vst.idx.add.s32.msk $0xffff, v2;
	v19 =	vadd.s32 v19, v3  }
0x8be: {  	v27 =	vtrunc.f32 v61;
	v34 =	vcvt.f32.s32 v25;
	v20 =	vadd.s32 v20, v3;
	[tilespmem:v12+s15+$0x0] =	vst.idx.add.s32.msk $0xffff, v2  }
0x8bf: {  	v35 =	vcvt.f32.s32 v27;
	v16 =	vadd.s32 v21, v3;
	[tilespmem:v18+s15+$0x0] =	vst.idx.add.s32.msk $0xffff, v2  }
0x8c0: {  	v10 =	vcvt.f32.s32 v11;
	v11 =	vtrunc.f32 v46;
	v12 =	vadd.s32 v34, v3;
	v46 =	vld [tilespmem:s1+$0x8540]  }
0x8c1: {  	v37 =	vadd.s32 v35, v3;
	[tilespmem:v17+s15+$0x0] =	vst.idx.add.s32.msk $0xffff, v2  }
0x8c2: {  	[tilespmem:v19+s15+$0x0] =	vst.idx.add.s32.msk $0xffff, v2  }
0x8c3: {  	v56 =	vmul.f32 $2.560000000e+02, v51;
	[tilespmem:v20+s15+$0x0] =	vst.idx.add.s32.msk $0xffff, v2  }
0x8c4: {  	s4 =	sld [smem:$0x724];
	[tilespmem:v16+s15+$0x0] =	vst.idx.add.s32.msk $0xffff, v2  }
0x8c5: {  	s5 =	sld [smem:$0x725];
	v23 =	vtrunc.f32 v56;
	[tilespmem:v12+s15+$0x0] =	vst.idx.add.s32.msk $0xffff, v2  }
0x8c6: {  	v13 =	vcvt.f32.s32 v23;
	[tilespmem:v37+s15+$0x0] =	vst.idx.add.s32.msk $0xffff, v2  }
0x8c7: {  	v6 =	vtrunc.f32 v6;
	v39 =	vmul.f32 $2.560000000e+02, v63;
	v12 =	vld [tilespmem:s4+$0x8000]  }
0x8c8: {  	s6 =	sld [smem:$0x726];
	v6 =	vcvt.f32.s32 v6;
	v36 =	vmul.f32 $2.560000000e+02, v60;
	v13 =	vadd.s32 v13, v3;
	v16 =	vld [tilespmem:s5+$0x8000]  }
0x8c9: {  	v41 =	vtrunc.f32 v39;
	v38 =	vmul.f32 $2.560000000e+02, v62;
	v43 =	vld [tilespmem:s1+$0x80C0]  }
0x8ca: {  	v17 =	vtrunc.f32 v36;
	v40 =	vmul.f32 $2.560000000e+02, v33;
	[tilespmem:v8+s15+$0x0] =	vst.idx.add.s32.msk $0xffff, v2  }
0x8cb: {  	v14 =	vtrunc.f32 v38;
	v19 =	vcvt.f32.s32 v41;
	v18 =	vld [tilespmem:s6+$0x8000]  }
0x8cc: {  	v15 =	vcvt.f32.s32 v17;
	v14 =	vcvt.f32.s32 v14;
	v45 =	vld [tilespmem:s1+$0x8140]  }
0x8cd: {  	v6 =	vadd.s32 v6, v3;
	v20 =	vmul.f32 $2.560000000e+02, v42;
	v17 =	vtrunc.f32 v40;
	[tilespmem:v13+s15+$0x0] =	vst.idx.add.s32.msk $0xffff, v2  }
0x8ce: {  	v13 =	vcvt.f32.s32 v17;
	v17 =	vadd.s32 v19, v3;
	v19 =	vld [tilespmem:s1+$0x8040]  }
0x8cf: {  	v47 =	vld [tilespmem:s1+$0x81C0];
	v14 =	vadd.s32 v14, v3;
	v20 =	vtrunc.f32 v20  }
0x8d0: {  	v48 =	vld [tilespmem:s1+$0x85C0];
	v20 =	vcvt.f32.s32 v20;
	v12 =	vmul.f32 $2.560000000e+02, v12  }
0x8d1: {  	v15 =	vadd.s32 v15, v3;
	v44 =	vld [tilespmem:s1+$0x84C0];
	v16 =	vmul.f32 $2.560000000e+02, v16;
	v21 =	vmul.f32 $2.560000000e+02, v43  }
0x8d2: {  	[tilespmem:v6+s15+$0x0] =	vst.idx.add.s32.msk $0xffff, v2;
	v18 =	vmul.f32 $2.560000000e+02, v18;
	v49 =	vmul.f32 $2.560000000e+02, v45  }
0x8d3: {  	[tilespmem:v9+s15+$0x0] =	vst.idx.add.s32.msk $0xffff, v2;
	v13 =	vadd.s32 v13, v3;
	v12 =	vtrunc.f32 v12;
	v19 =	vmul.f32 $2.560000000e+02, v19  }
0x8d4: {  	s7 =	sld [smem:$0x727];
	v16 =	vtrunc.f32 v16;
	[tilespmem:v14+s15+$0x0] =	vst.idx.add.s32.msk $0xffff, v2;
	v14 =	vtrunc.f32 v21  }
0x8d5: {  	[tilespmem:v17+s15+$0x0] =	vst.idx.add.s32.msk $0xffff, v2;
	v17 =	vmul.f32 $2.560000000e+02, v46;
	v18 =	vtrunc.f32 v18  }
0x8d6: {  	s9 =	sld [smem:$0x728];
	[tilespmem:v15+s15+$0x0] =	vst.idx.add.s32.msk $0xffff, v2;
	v15 =	vmul.f32 $2.560000000e+02, v44;
	v12 =	vcvt.f32.s32 v12  }
0x8d7: {  	s10 =	sld [smem:$0x729];
	v8 =	vadd.s32 v20, v3;
	v51 =	vld [tilespmem:s7+$0x8000];
	v16 =	vcvt.f32.s32 v16;
	v14 =	vcvt.f32.s32 v14  }
0x8d8: {  	s12 =	sld [smem:$0x72A];
	v19 =	vtrunc.f32 v19;
	[tilespmem:v13+s15+$0x0] =	vst.idx.add.s32.msk $0xffff, v2;
	v13 =	vtrunc.f32 v49;
	v12 =	vadd.s32 v12, v3  }
0x8d9: {  	v53 =	vld [tilespmem:s9+$0x8000];
	v17 =	vtrunc.f32 v17;
	v18 =	vcvt.f32.s32 v18;
	v16 =	vadd.s32 v16, v3  }
0x8da: {  	v54 =	vld [tilespmem:s10+$0x8000];
	v15 =	vtrunc.f32 v15;
	v19 =	vcvt.f32.s32 v19;
	v14 =	vadd.s32 v14, v3  }
0x8db: {  	v55 =	vld [tilespmem:s12+$0x8000];
	v13 =	vcvt.f32.s32 v13;
	v6 =	vcvt.f32.s32 v15;
	v15 =	vadd.s32 v18, v3  }
0x8dc: {  	v17 =	vcvt.f32.s32 v17;
	[tilespmem:v8+s15+$0x0] =	vst.idx.add.s32.msk $0xffff, v2;
	v7 =	vadd.s32 v19, v3  }
0x8dd: {  	v9 =	vadd.s32 v13, v3;
	[tilespmem:v12+s15+$0x0] =	vst.idx.add.s32.msk $0xffff, v2  }
0x8de: {  	v13 =	vadd.s32 v17, v3;
	[tilespmem:v16+s15+$0x0] =	vst.idx.add.s32.msk $0xffff, v2  }
0x8df: {  	[tilespmem:v14+s15+$0x0] =	vst.idx.add.s32.msk $0xffff, v2  }
0x8e0: {  	v50 =	vmul.f32 $2.560000000e+02, v47;
	[tilespmem:v15+s15+$0x0] =	vst.idx.add.s32.msk $0xffff, v2  }
0x8e1: {  	s13 =	sld [smem:$0x72B];
	v52 =	vmul.f32 $2.560000000e+02, v48;
	[tilespmem:v7+s15+$0x0] =	vst.idx.add.s32.msk $0xffff, v2  }
0x8e2: {  	s16 =	sld [smem:$0x72D];
	v21 =	vtrunc.f32 v50;
	v6 =	vadd.s32 v6, v3;
	v17 =	vmul.f32 $2.560000000e+02, v51;
	[tilespmem:v9+s15+$0x0] =	vst.idx.add.s32.msk $0xffff, v2  }
0x8e3: {  	v23 =	vtrunc.f32 v52;
	v18 =	vcvt.f32.s32 v21;
	[tilespmem:v13+s15+$0x0] =	vst.idx.add.s32.msk $0xffff, v2  }
0x8e4: {  	v16 =	vtrunc.f32 v17;
	v17 =	vmul.f32 $2.560000000e+02, v55;
	v9 =	vld [tilespmem:s13+$0x8000]  }
0x8e5: {  	v19 =	vcvt.f32.s32 v23;
	v56 =	vmul.f32 $2.560000000e+02, v54;
	v13 =	vld [tilespmem:s16+$0x8000]  }
0x8e6: {  	v8 =	vcvt.f32.s32 v16;
	v16 =	vtrunc.f32 v17;
	v17 =	vld [tilespmem:s1+$0x80D0]  }
0x8e7: {  	v12 =	vadd.s32 v18, v3;
	v15 =	vtrunc.f32 v56;
	[tilespmem:v6+s15+$0x0] =	vst.idx.add.s32.msk $0xffff, v2  }
0x8e8: {  	v18 =	vadd.s32 v19, v3;
	v19 =	vmul.f32 $2.560000000e+02, v53;
	v14 =	vcvt.f32.s32 v15;
	v15 =	vld [tilespmem:s1+$0x8050]  }
0x8e9: {  	v6 =	vcvt.f32.s32 v16;
	v16 =	vld [tilespmem:s1+$0x8450]  }
0x8ea: {  	v7 =	vtrunc.f32 v19;
	v19 =	vld [tilespmem:s1+$0x8150]  }
0x8eb: {  	v57 =	vld [tilespmem:s1+$0x8550]  }
0x8ec: {  	[tilespmem:v4+s15+$0x0] =	vst.idx.add.s32.msk $0xffff, v2  }
0x8ed: {  	s14 =	sld [smem:$0x72C];
	[tilespmem:v5+s15+$0x0] =	vst.idx.add.s32.msk $0xffff, v2  }
0x8ee: {  	[tilespmem:v12+s15+$0x0] =	vst.idx.add.s32.msk $0xffff, v2  }
0x8ef: {  	v14 =	vadd.s32 v14, v3;
	[tilespmem:v18+s15+$0x0] =	vst.idx.add.s32.msk $0xffff, v2  }
0x8f0: {  	v11 =	vcvt.f32.s32 v11;
	v10 =	vadd.s32 v10, v3;
	v7 =	vcvt.f32.s32 v7;
	v12 =	vld [tilespmem:s14+$0x8000]  }
0x8f1: {  	v8 =	vadd.s32 v8, v3;
	v18 =	vld [tilespmem:s1+$0x84D0];
	v9 =	vmul.f32 $2.560000000e+02, v9;
	v13 =	vmul.f32 $2.560000000e+02, v13  }
0x8f2: {  	v7 =	vadd.s32 v7, v3;
	v58 =	vld [tilespmem:s1+$0x81D0];
	v17 =	vmul.f32 $2.560000000e+02, v17;
	v15 =	vmul.f32 $2.560000000e+02, v15  }
0x8f3: {  	v11 =	vadd.s32 v11, v3;
	v59 =	vld [tilespmem:s1+$0x85D0];
	v16 =	vmul.f32 $2.560000000e+02, v16;
	v9 =	vtrunc.f32 v9  }
0x8f4: {  	v6 =	vadd.s32 v6, v3;
	v13 =	vtrunc.f32 v13;
	[tilespmem:v14+s15+$0x0] =	vst.idx.add.s32.msk $0xffff, v2;
	v14 =	vmul.f32 $2.560000000e+02, v57  }
0x8f5: {  	[tilespmem:v10+s15+$0x0] =	vst.idx.add.s32.msk $0xffff, v2;
	v12 =	vmul.f32 $2.560000000e+02, v12;
	v15 =	vtrunc.f32 v15  }
0x8f6: {  	[tilespmem:v8+s15+$0x0] =	vst.idx.add.s32.msk $0xffff, v2;
	v16 =	vtrunc.f32 v16;
	v8 =	vmul.f32 $2.560000000e+02, v18  }
0x8f7: {  	s17 =	sld [smem:$0x72E];
	[tilespmem:v7+s15+$0x0] =	vst.idx.add.s32.msk $0xffff, v2;
	v7 =	vtrunc.f32 v17;
	v9 =	vcvt.f32.s32 v9  }
0x8f8: {  	[tilespmem:v11+s15+$0x0] =	vst.idx.add.s32.msk $0xffff, v2;
	v17 =	vmul.f32 $2.560000000e+02, v19;
	v13 =	vcvt.f32.s32 v13  }
0x8f9: {  	[tilespmem:v6+s15+$0x0] =	vst.idx.add.s32.msk $0xffff, v2;
	v15 =	vcvt.f32.s32 v15;
	v8 =	vtrunc.f32 v8;
	v9 =	vadd.s32 v9, v3  }
0x8fa: {  	s20 =	rddreg [dreg:$0x17];
	v18 =	vld [tilespmem:s17+$0x8000];
	v16 =	vcvt.f32.s32 v16;
	v4 =	vcvt.f32.s32 v8;
	v8 =	vadd.s32 v13, v3  }
0x8fb: {  	s18 =	rddreg [dreg:$0x1c];
	v61 =	vld [tilespmem:s20+$0x8000];
	v7 =	vcvt.f32.s32 v7;
	v12 =	vtrunc.f32 v12;
	v5 =	vadd.s32 v15, v3  }
0x8fc: {  	s22 =	rddreg [dreg:$0x18];
	v60 =	vld [tilespmem:s18+$0x8000];
	v12 =	vcvt.f32.s32 v12;
	v10 =	vadd.s32 v16, v3  }
0x8fd: {  	v14 =	vtrunc.f32 v14;
	v62 =	vld [tilespmem:s22+$0x8000];
	v6 =	vtrunc.f32 v17;
	v7 =	vadd.s32 v7, v3  }
0x8fe: {  	v19 =	vmul.f32 $2.560000000e+02, v59;
	v6 =	vcvt.f32.s32 v6;
	v12 =	vadd.s32 v12, v3;
	[tilespmem:v9+s15+$0x0] =	vst.idx.add.s32.msk $0xffff, v2  }
0x8ff: {  	v17 =	vmul.f32 $2.560000000e+02, v58;
	v13 =	vcvt.f32.s32 v14;
	v4 =	vadd.s32 v4, v3;
	[tilespmem:v8+s15+$0x0] =	vst.idx.add.s32.msk $0xffff, v2  }
0x900: {  	v6 =	vadd.s32 v6, v3;
	[tilespmem:v5+s15+$0x0] =	vst.idx.add.s32.msk $0xffff, v2  }
0x901: {  	v19 =	vtrunc.f32 v19;
	v17 =	vtrunc.f32 v17;
	v16 =	vadd.s32 v13, v3;
	[tilespmem:v10+s15+$0x0] =	vst.idx.add.s32.msk $0xffff, v2  }
0x902: {  	v15 =	vcvt.f32.s32 v19;
	v14 =	vcvt.f32.s32 v17;
	[tilespmem:v7+s15+$0x0] =	vst.idx.add.s32.msk $0xffff, v2  }
0x903: {  	v13 =	vmul.f32 $2.560000000e+02, v60;
	[tilespmem:v12+s15+$0x0] =	vst.idx.add.s32.msk $0xffff, v2  }
0x904: {  	v9 =	vadd.s32 v14, v3;
	v14 =	vadd.s32 v15, v3;
	v15 =	vmul.f32 $2.560000000e+02, v61;
	[tilespmem:v4+s15+$0x0] =	vst.idx.add.s32.msk $0xffff, v2  }
0x905: {  	[tilespmem:v6+s15+$0x0] =	vst.idx.add.s32.msk $0xffff, v2  }
0x906: {  	v5 =	vtrunc.f32 v13;
	v8 =	vtrunc.f32 v15;
	[tilespmem:v16+s15+$0x0] =	vst.idx.add.s32.msk $0xffff, v2  }
0x907: {  	v5 =	vcvt.f32.s32 v5;
	v7 =	vcvt.f32.s32 v8;
	v8 =	vld [tilespmem:s1+$0x8060]  }
0x908: {  	s29 =	rddreg [dreg:$0x10];
	v16 =	vld [tilespmem:s1+$0x80E0]  }
0x909: {  	v11 =	vmul.f32 $2.560000000e+02, v18;
	v15 =	vadd.s32 v5, v3;
	v5 =	vld [tilespmem:s29+$0x8000]  }
0x90a: {  	v12 =	vmul.f32 $2.560000000e+02, v62;
	v17 =	vld [tilespmem:s1+$0x84E0]  }
0x90b: {  	v11 =	vtrunc.f32 v11;
	v18 =	vld [tilespmem:s1+$0x8160]  }
0x90c: {  	s30 =	rddreg [dreg:$0xc];
	v10 =	vcvt.f32.s32 v11;
	v11 =	vtrunc.f32 v12;
	[tilespmem:v9+s15+$0x0] =	vst.idx.add.s32.msk $0xffff, v2  }
0x90d: {  	v13 =	vadd.s32 v7, v3;
	v7 =	vld [tilespmem:s30+$0x8000];
	v4 =	vcvt.f32.s32 v11  }
0x90e: {  	s23 =	rddreg [dreg:$0x8];
	v10 =	vadd.s32 v10, v3;
	v9 =	vld [tilespmem:s1+$0x8460]  }
0x90f: {  	v11 =	vadd.s32 v4, v3;
	v4 =	vld [tilespmem:s23+$0x8000]  }
0x910: {  	v8 =	vmul.f32 $2.560000000e+02, v8;
	v63 =	vmul.f32 $2.560000000e+02, v16  }
0x911: {  	[tilespmem:v14+s15+$0x0] =	vst.idx.add.s32.msk $0xffff, v2;
	v5 =	vmul.f32 $2.560000000e+02, v5;
	v16 =	vmul.f32 $2.560000000e+02, v17  }
.Ltmp10:
0x912: {  	[tilespmem:v15+s15+$0x0] =	vst.idx.add.s32.msk $0xffff, v2;
	v15 =	vmul.f32 $2.560000000e+02, v18;
	v7 =	vmul.f32 $2.560000000e+02, v7;
	(pc) =	sbr.rel @p1 .LBB2_15-.Ltmp10, $4  }
0x913: {  	[tilespmem:v10+s15+$0x0] =	vst.idx.add.s32.msk $0xffff, v2;
	v19 =	vmul.f32 $2.560000000e+02, v9;
	v10 =	vtrunc.f32 v63  }
0x914: {  	v14 =	vld [tilespmem:s1+$0x8560];
	v12 =	vtrunc.f32 v5;
	v4 =	vmul.f32 $2.560000000e+02, v4  }
0x915: {  	v5 =	vld [tilespmem:s1+$0x85E0];
	v9 =	vtrunc.f32 v7;
	v7 =	vtrunc.f32 v8  }
0x916: {  	p0 =	por !p0, !p0;
	v8 =	vtrunc.f32 v19;
	v6 =	vtrunc.f32 v4;
	v4 =	vld [tilespmem:s1+$0x81E0]  }
.LBB2_16:
0x917: {  	_ =	sdelay $0x2  }
0x918: {  	v6 =	vcvt.f32.s32 v6  }
0x919: {  	v12 =	vcvt.f32.s32 v12;
	[tilespmem:v13+s15+$0x0] =	vst.idx.add.s32.msk $0xffff, v2  }
0x91a: {  	v9 =	vcvt.f32.s32 v9;
	[tilespmem:v11+s15+$0x0] =	vst.idx.add.s32.msk $0xffff, v2;
	v6 =	vadd.s32 v6, v3  }
0x91b: {  	v7 =	vcvt.f32.s32 v7;
	v36 =	vld [tilespmem:s19+$0x8000];
	v33 =	vadd.s32 v12, v3  }
0x91c: {  	v8 =	vcvt.f32.s32 v8;
	v17 =	vld [tilespmem:s25+$0x8000];
	v9 =	vadd.s32 v9, v3  }
0x91d: {  	v10 =	vcvt.f32.s32 v10;
	v15 =	vtrunc.f32 v15;
	v39 =	vld [tilespmem:s24+$0x8000];
	v7 =	vadd.s32 v7, v3  }
0x91e: {  	v15 =	vcvt.f32.s32 v15;
	v35 =	vld [tilespmem:s11+$0x8000];
	v8 =	vadd.s32 v8, v3  }
0x91f: {  	v10 =	vadd.s32 v10, v3;
	[tilespmem:v6+s15+$0x0] =	vst.idx.add.s32.msk $0xffff, v2  }
0x920: {  	v38 =	vadd.s32 v15, v3;
	[tilespmem:v33+s15+$0x0] =	vst.idx.add.s32.msk $0xffff, v2  }
0x921: {  	[tilespmem:v9+s15+$0x0] =	vst.idx.add.s32.msk $0xffff, v2  }
0x922: {  	[tilespmem:v7+s15+$0x0] =	vst.idx.add.s32.msk $0xffff, v2  }
0x923: {  	[tilespmem:v8+s15+$0x0] =	vst.idx.add.s32.msk $0xffff, v2  }
0x924: {  	v34 =	vtrunc.f32 v16;
	v14 =	vmul.f32 $2.560000000e+02, v14;
	[tilespmem:v10+s15+$0x0] =	vst.idx.add.s32.msk $0xffff, v2  }
0x925: {  	v12 =	vcvt.f32.s32 v34;
	[tilespmem:v38+s15+$0x0] =	vst.idx.add.s32.msk $0xffff, v2  }
0x926: {  	v14 =	vtrunc.f32 v14;
	v40 =	vld [tilespmem:s31+$0x8000]  }
0x927: {  	v12 =	vadd.s32 v12, v3;
	v4 =	vmul.f32 $2.560000000e+02, v4;
	v5 =	vmul.f32 $2.560000000e+02, v5;
	v41 =	vld [tilespmem:s8+$0x8000]  }
0x928: {  	v37 =	vcvt.f32.s32 v14;
	v9 =	vld [tilespmem:s28+$0x8000]  }
0x929: {  	v4 =	vtrunc.f32 v4;
	v5 =	vtrunc.f32 v5;
	v43 =	vld [tilespmem:s1+$0x8070]  }
0x92a: {  	v44 =	vmul.f32 $2.560000000e+02, v36;
	v45 =	vmul.f32 $2.560000000e+02, v17;
	v6 =	vadd.s32 v37, v3;
	v46 =	vld [tilespmem:s1+$0x8470]  }
0x92b: {  	v4 =	vcvt.f32.s32 v4;
	v42 =	vmul.f32 $2.560000000e+02, v35;
	v47 =	vld [tilespmem:s1+$0x80F0]  }
0x92c: {  	v5 =	vcvt.f32.s32 v5;
	v13 =	vtrunc.f32 v45;
	[tilespmem:v12+s15+$0x0] =	vst.idx.add.s32.msk $0xffff, v2  }
0x92d: {  	v10 =	vtrunc.f32 v42;
	v12 =	vtrunc.f32 v44;
	v49 =	vld [tilespmem:s1+$0x8170]  }
0x92e: {  	v13 =	vcvt.f32.s32 v13;
	v48 =	vld [tilespmem:s1+$0x84F0];
	v10 =	vcvt.f32.s32 v10  }
0x92f: {  	v12 =	vcvt.f32.s32 v12;
	[tilespmem:v6+s15+$0x0] =	vst.idx.add.s32.msk $0xffff, v2;
	v6 =	vmul.f32 $2.560000000e+02, v39  }
0x930: {  	v7 =	vmul.f32 $2.560000000e+02, v40;
	v8 =	vmul.f32 $2.560000000e+02, v41  }
0x931: {  	v4 =	vadd.s32 v4, v3;
	v11 =	vmul.f32 $2.560000000e+02, v43;
	v9 =	vmul.f32 $2.560000000e+02, v9  }
0x932: {  	v5 =	vadd.s32 v5, v3;
	v14 =	vmul.f32 $2.560000000e+02, v46;
	v15 =	vmul.f32 $2.560000000e+02, v47  }
0x933: {  	v17 =	vmul.f32 $2.560000000e+02, v49;
	v6 =	vtrunc.f32 v6  }
0x934: {  	v16 =	vmul.f32 $2.560000000e+02, v48;
	v7 =	vtrunc.f32 v7  }
0x935: {  	v51 =	vadd.s32 v13, v3;
	v18 =	vld [tilespmem:s1+$0x8570];
	v8 =	vtrunc.f32 v8;
	v9 =	vtrunc.f32 v9  }
0x936: {  	v10 =	vadd.s32 v10, v3;
	[tilespmem:v4+s15+$0x0] =	vst.idx.add.s32.msk $0xffff, v2;
	v6 =	vcvt.f32.s32 v6;
	v11 =	vtrunc.f32 v11  }
0x937: {  	v50 =	vadd.s32 v12, v3;
	[tilespmem:v5+s15+$0x0] =	vst.idx.add.s32.msk $0xffff, v2;
	v52 =	vtrunc.f32 v14;
	v7 =	vcvt.f32.s32 v7  }
0x938: {  	v53 =	vld [tilespmem:s1+$0x81F0];
	v54 =	vtrunc.f32 v15;
	v8 =	vcvt.f32.s32 v8;
	v6 =	vadd.s32 v6, v3  }
0x939: {  	v55 =	vld [tilespmem:s1+$0x85F0];
	v9 =	vcvt.f32.s32 v9;
	v11 =	vcvt.f32.s32 v11;
	v7 =	vadd.s32 v7, v3  }
0x93a: {  	v56 =	vtrunc.f32 v17;
	v12 =	vcvt.f32.s32 v52;
	[tilespmem:v51+s15+$0x0] =	vst.idx.add.s32.msk $0xffff, v2;
	v8 =	vadd.s32 v8, v3  }
0x93b: {  	v14 =	vcvt.f32.s32 v54;
	v16 =	vtrunc.f32 v16;
	[tilespmem:v10+s15+$0x0] =	vst.idx.add.s32.msk $0xffff, v2;
	v9 =	vadd.s32 v9, v3  }
0x93c: {  	[tilespmem:v50+s15+$0x0] =	vst.idx.add.s32.msk $0xffff, v2;
	v59 =	vcvt.f32.s32 v56;
	v18 =	vmul.f32 $2.560000000e+02, v18;
	v11 =	vadd.s32 v11, v3  }
0x93d: {  	v58 =	vcvt.f32.s32 v16;
	v12 =	vadd.s32 v12, v3;
	v13 =	vmul.f32 $2.560000000e+02, v53;
	[tilespmem:v6+s15+$0x0] =	vst.idx.add.s32.msk $0xffff, v2  }
0x93e: {  	v60 =	vadd.s32 v14, v3;
	v57 =	vtrunc.f32 v18;
	v61 =	vmul.f32 $2.560000000e+02, v55;
	[tilespmem:v7+s15+$0x0] =	vst.idx.add.s32.msk $0xffff, v2  }
0x93f: {  	v5 =	vadd.s32 v58, v3;
	v4 =	vcvt.f32.s32 v57;
	v62 =	vtrunc.f32 v13;
	[tilespmem:v8+s15+$0x0] =	vst.idx.add.s32.msk $0xffff, v2  }
0x940: {  	v6 =	vadd.s32 v59, v3;
	v63 =	vtrunc.f32 v61;
	v7 =	vcvt.f32.s32 v62;
	[tilespmem:v9+s15+$0x0] =	vst.idx.add.s32.msk $0xffff, v2  }
0x941: {  	v4 =	vadd.s32 v4, v3;
	v8 =	vcvt.f32.s32 v63;
	[tilespmem:v11+s15+$0x0] =	vst.idx.add.s32.msk $0xffff, v2  }
0x942: {  	[tilespmem:v12+s15+$0x0] =	vst.idx.add.s32.msk $0xffff, v2;
	v7 =	vadd.s32 v7, v3  }
0x943: {  	[tilespmem:v60+s15+$0x0] =	vst.idx.add.s32.msk $0xffff, v2;
	v3 =	vadd.s32 v8, v3  }
.Ltmp11:
0x944: {  	[tilespmem:v5+s15+$0x0] =	vst.idx.add.s32.msk $0xffff, v2;
	(pc) =	sbr.rel @p2 .LBB2_17-.Ltmp11, $4  }
0x945: {  	[tilespmem:v6+s15+$0x0] =	vst.idx.add.s32.msk $0xffff, v2  }
0x946: {  	[tilespmem:v4+s15+$0x0] =	vst.idx.add.s32.msk $0xffff, v2  }
0x947: {  	[tilespmem:v7+s15+$0x0] =	vst.idx.add.s32.msk $0xffff, v2  }
0x948: {  	[tilespmem:v3+s15+$0x0] =	vst.idx.add.s32.msk $0xffff, v2  }
0x949: {  	s4 =	sld [smem:$0x746]  }
.Ltmp12:
0x94a: {  	s1 =	sld [smem:$0x7FD];
	(pc) =	sbr.rel .LBB2_12-.Ltmp12, $4  }
0x94b: {  	_ = 	snop  }
0x94c: {  	s31 =	simm.s32 $0x0;
	s0 =	sshll.u32 s4, $0xD  }
0x94d: {  	s2 =	simm.s32 $0x8000;
	s4 =	sadd.s32 $0x1, s4;
	s0 =	sadd.s32 s1, s0  }
0x94e: {  	[tilespmem:s2], [sflag:$0x2] =	stream.linear.gather [hbm4b:s0+s31], $0x8000, $0x38;
	[tilespmem:$0x13300] =	vst v63  }
.LBB2_17:
0x94f: {  	s1 =	simm.s32 $0x10000;
	s2 =	simm.s32 $0x0  }
0x950: {  	v3 =	vld [tilespmem:s1+$0x0];
	[tilespmem:s1+$0x0] =	vst v0;
	s4 =	sand.u32 $0x3F0, s2  }
0x951: {  	v4 =	vld [tilespmem:s4+$0x10300]  }
0x952: {  	v5 =	vld [tilespmem:s4+$0x10600]  }
0x953: {  	v6 =	vld [tilespmem:s4+$0x10900]  }
0x954: {  	s2 =	simm.s32 $0x10010;
	v7 =	vld [tilespmem:s4+$0x10C00];
	[tilespmem:s4+$0x10300] =	vst v0  }
0x955: {  	v12 =	vld [tilespmem:s2+$0x0];
	[tilespmem:s2+$0x0] =	vst v0  }
0x956: {  	v8 =	vld [tilespmem:s4+$0x10F00];
	[tilespmem:s4+$0x10600] =	vst v0  }
0x957: {  	v9 =	vld [tilespmem:s4+$0x11200];
	[tilespmem:s4+$0x10900] =	vst v0  }
0x958: {  	v10 =	vld [tilespmem:s4+$0x11500];
	[tilespmem:s4+$0x10C00] =	vst v0  }
0x959: {  	v13 =	vld [tilespmem:s4+$0x11B00];
	[tilespmem:s4+$0x11B00] =	vst v0  }
0x95a: {  	v15 =	vld [tilespmem:s4+$0x11E00];
	[tilespmem:s4+$0x11E00] =	vst v0  }
0x95b: {  	v17 =	vld [tilespmem:s4+$0x12100];
	[tilespmem:s4+$0x12100] =	vst v0  }
0x95c: {  	v19 =	vld [tilespmem:s4+$0x12400];
	[tilespmem:s4+$0x12400] =	vst v0;
	v3 =	vadd.s32 v3, v4  }
0x95d: {  	s3 =	simm.s32 $0x10;
	v11 =	vld [tilespmem:s4+$0x11800];
	[tilespmem:s4+$0x11800] =	vst v0;
	v3 =	vadd.s32 v5, v3  }
0x95e: {  	s1 =	sand.u32 $0x3F0, s3;
	[tilespmem:s4+$0x11500] =	vst v0;
	v62 =	vld [tilespmem:s4+$0x12D00];
	v3 =	vadd.s32 v6, v3  }
0x95f: {  	[tilespmem:s4+$0x11200] =	vst v0;
	v14 =	vld [tilespmem:s1+$0x10300];
	v3 =	vadd.s32 v7, v3  }
0x960: {  	[tilespmem:s4+$0x10F00] =	vst v0;
	v16 =	vld [tilespmem:s1+$0x10600];
	v3 =	vadd.s32 v8, v3  }
0x961: {  	[tilespmem:s4+$0x12D00] =	vst v0;
	v18 =	vld [tilespmem:s1+$0x10900];
	v3 =	vadd.s32 v9, v3  }
0x962: {  	[tilespmem:s1+$0x10300] =	vst v0;
	v20 =	vld [tilespmem:s1+$0x10C00];
	v3 =	vadd.s32 v10, v3  }
0x963: {  	[tilespmem:s1+$0x10600] =	vst v0;
	v4 =	vld [tilespmem:s4+$0x12700];
	v3 =	vadd.s32 v11, v3  }
0x964: {  	[tilespmem:s1+$0x10900] =	vst v0;
	v10 =	vld [tilespmem:s4+$0x12A00];
	v3 =	vadd.s32 v13, v3  }
0x965: {  	[tilespmem:s1+$0x10C00] =	vst v0;
	v5 =	vld [tilespmem:s1+$0x10F00];
	v3 =	vadd.s32 v15, v3  }
0x966: {  	[tilespmem:s4+$0x12700] =	vst v0;
	v12 =	vadd.s32 v12, v14;
	v6 =	vld [tilespmem:s1+$0x11200];
	v15 =	vadd.s32 v17, v3  }
0x967: {  	v12 =	vadd.s32 v16, v12;
	[tilespmem:s1+$0x11200] =	vst v0;
	v7 =	vld [tilespmem:s1+$0x11500];
	v63 =	vadd.s32 v19, v15  }
0x968: {  	v12 =	vadd.s32 v18, v12;
	[tilespmem:s1+$0x11500] =	vst v0;
	v8 =	vld [tilespmem:s1+$0x11800];
	v14 =	vadd.s32 v4, v63  }
0x969: {  	v12 =	vadd.s32 v20, v12;
	[tilespmem:s1+$0x11800] =	vst v0;
	v9 =	vld [tilespmem:s1+$0x11B00];
	v10 =	vadd.s32 v10, v14  }
0x96a: {  	[tilespmem:s1+$0x11B00] =	vst v0;
	v5 =	vadd.s32 v5, v12;
	v11 =	vld [tilespmem:s1+$0x11E00];
	v10 =	vadd.s32 v62, v10  }
0x96b: {  	[tilespmem:s4+$0x12A00] =	vst v0;
	v6 =	vadd.s32 v6, v5;
	v3 =	vld [tilespmem:s1+$0x12100];
	v10 =	vcvt.s32.f32 v10  }
0x96c: {  	[tilespmem:s1+$0x11E00] =	vst v0;
	v6 =	vadd.s32 v7, v6;
	v4 =	vld [tilespmem:s1+$0x12400]  }
0x96d: {  	v5 =	vld [tilespmem:s1+$0x12700];
	v8 =	vadd.s32 v8, v6;
	[tilespmem:s1+$0x12100] =	vst v0;
	v7 =	vmul.f32 $3.814697270e-06, v10  }
0x96e: {  	s0 =	simm.s32 $0x13000;
	v6 =	vld [tilespmem:s1+$0x12A00];
	v8 =	vadd.s32 v9, v8;
	[tilespmem:s1+$0x12400] =	vst v0  }
0x96f: {  	v8 =	vadd.s32 v11, v8;
	[tilespmem:s0+$0x0] =	vst v7;
	v7 =	vld [tilespmem:s1+$0x12D00]  }
.LBB2_18:
0x970: {  	s3 =	sadd.s32 $0x10, s3;
	[tilespmem:s1+$0x10F00] =	vst v0;
	v3 =	vadd.s32 v3, v8;
	s2 =	sadd.s32 $0x10, s2  }
0x971: {  	v8 =	vld [tilespmem:s2+$0x0];
	[tilespmem:s2+$0x0] =	vst v0;
	s4 =	sand.u32 $0x3F0, s3;
	p0 =	slt.u32 s3, $0x2F0;
	v3 =	vadd.s32 v4, v3  }
0x972: {  	v4 =	vld [tilespmem:s4+$0x10300];
	[tilespmem:s4+$0x10300] =	vst v0;
	v3 =	vadd.s32 v5, v3  }
0x973: {  	v5 =	vld [tilespmem:s4+$0x10600];
	[tilespmem:s4+$0x10600] =	vst v0;
	v3 =	vadd.s32 v6, v3  }
0x974: {  	v6 =	vld [tilespmem:s4+$0x10900];
	[tilespmem:s4+$0x10900] =	vst v0;
	v3 =	vadd.s32 v7, v3  }
0x975: {  	v7 =	vld [tilespmem:s4+$0x10C00];
	[tilespmem:s4+$0x10C00] =	vst v0;
	v3 =	vcvt.s32.f32 v3  }
0x976: {  	v9 =	vld [tilespmem:s4+$0x10F00];
	[tilespmem:s1+$0x12700] =	vst v0  }
0x977: {  	v4 =	vadd.s32 v8, v4;
	v8 =	vld [tilespmem:s4+$0x11200];
	[tilespmem:s1+$0x12A00] =	vst v0;
	v3 =	vmul.f32 $3.814697270e-06, v3  }
0x978: {  	s0 =	sadd.s32 $0x10, s0;
	v4 =	vadd.s32 v5, v4;
	v5 =	vld [tilespmem:s4+$0x11500];
	[tilespmem:s1+$0x12D00] =	vst v0;
	s1 =	smov.u32 s4  }
0x979: {  	v4 =	vadd.s32 v6, v4;
	v6 =	vld [tilespmem:s1+$0x11800];
	[tilespmem:s0+$0x0] =	vst v3  }
0x97a: {  	v3 =	vadd.s32 v7, v4;
	v7 =	vld [tilespmem:s1+$0x11B00];
	[tilespmem:s1+$0x11B00] =	vst v0  }
0x97b: {  	v3 =	vadd.s32 v9, v3;
	v9 =	vld [tilespmem:s1+$0x11E00];
	[tilespmem:s1+$0x11E00] =	vst v0  }
.Ltmp13:
0x97c: {  	v4 =	vadd.s32 v8, v3;
	v3 =	vld [tilespmem:s1+$0x12100];
	[tilespmem:s1+$0x12100] =	vst v0;
	(pc) =	sbr.rel @p0 .LBB2_18-.Ltmp13, $4  }
0x97d: {  	v5 =	vadd.s32 v5, v4;
	v4 =	vld [tilespmem:s1+$0x12400];
	[tilespmem:s1+$0x12400] =	vst v0  }
0x97e: {  	v6 =	vadd.s32 v6, v5;
	[tilespmem:s1+$0x11800] =	vst v0;
	v5 =	vld [tilespmem:s1+$0x12700]  }
0x97f: {  	[tilespmem:s1+$0x11500] =	vst v0;
	v7 =	vadd.s32 v7, v6;
	v6 =	vld [tilespmem:s1+$0x12A00]  }
0x980: {  	[tilespmem:s1+$0x11200] =	vst v0;
	v8 =	vadd.s32 v9, v7;
	v7 =	vld [tilespmem:s1+$0x12D00]  }
0x981: {  	v3 =	vadd.s32 v3, v8  }
0x982: {  	v3 =	vadd.s32 v4, v3  }
0x983: {  	v3 =	vadd.s32 v5, v3  }
0x984: {  	v3 =	vadd.s32 v6, v3  }
0x985: {  	v3 =	vadd.s32 v7, v3  }
0x986: {  	[tilespmem:s1+$0x10F00] =	vst v0;
	v3 =	vcvt.s32.f32 v3  }
0x987: {  	[tilespmem:s1+$0x12700] =	vst v0  }
0x988: {  	[tilespmem:s1+$0x12A00] =	vst v0;
	v3 =	vmul.f32 $3.814697270e-06, v3  }
0x989: {  	[tilespmem:s1+$0x12D00] =	vst v0;
	s0 =	sadd.s32 $0x10, s0  }
0x98a: {  	[tilespmem:s0+$0x0] =	vst v3  }
0x98b: {  	s1 =	sld [smem:$0x7F9];
	_ =	sdelay $0x1  }
0x98c: {  	s28 =	simm.s32 $0x0;
	s2 =	simm.s32 $0x13000;
	s29 =	simm.s32 $0x3  }
0x98d: {  	[hbm4b:s1+s28] =	stream.linear.scatter [tilespmem:s2], [sflag:$0x3], $0x300, $0x38;
	[tilespmem:$0x13300] =	vst v63  }
0x98e: {  	_ =	swait.ge [sflag:s29], $0x300  }
0x98f: {  	s30 =	sld [smem:$0x7F4]  }
0x990: {  	s31 =	sld [smem:$0x7FA];
	_ =	sdelay $0x1  }
0x991: {  	s2 =	sadd.s32 $0x1, s30  }
0x992: {  	p0 =	sne.s32 s2, s31  }
.Ltmp14:
0x993: {  	_ = 	snop;
	(pc) =	sbr.rel @p0 .LBB2_1-.Ltmp14, $3  }
0x994: {  	_ =	sdelay $0x1  }
0x995: {  	[sflag:s29] =	ssyncset.done $0x0  }
0x996: {  	[sflag:s29] =	ssyncadd.s32 $0xFFFFFD00  }
0x997: {  	_ =	sfence.sel $0x180000  }
0x998: {  	[bflag:$0x0] =	sbarrier.arrive $0xFFFF  }
0x999: {  	_ =	strace $0x90000047  }
0x99a: {  	s0 =	stileid.u32;
	[bflag:$0x2] =	sbarrier.arrive $0xFFFF  }
0x99b: {  	p0 =	sne.s32 s0, $0x0;
	s0 =	rddreg [dreg:$0x2]  }
0x99c: {  	s0 =	sadd.s32 @!p0 $0x100000, s0  }
0x99d: {  	[sflag:s0] =	ssyncadd.tile.s32 @!p0 $0x1;
	_ =	shalt  }
.Lfunc_end2:
_tile_overlayer_lowered:
.L_overlay_start_2:
0x99e: {  	(tag) =	ssettag $0x2  }
0x99f: {  	s0 =	rddreg [dreg:$0x0];
	s2 =	stileid.u32  }
0x9a0: {  	s1 =	rddreg [dreg:$0x1];
	p0 =	sne.s32 s2, $0x0  }
0x9a1: {  	s3 =	rddreg [dreg:$0x2];
	[bflag:$0x3] =	sbarrier.arrive $0xFFFF;
	s2 =	simm.s32 @!p0 $0x1C03  }
0x9a2: {  	[timem:s3], [sflag:s2] =	dma.local @!p0 [hbm:s0], s1  }
0x9a3: {  	s0 =	simm.s32 @!p0 $0x3  }
0x9a4: {  	_ =	swait.ge @!p0 [sflag:s0], s1  }
0x9a5: {  	s1 =	ssub.s32 @!p0 $0x0, s1;
	[sflag:s0] =	ssyncset.done @!p0 $0x0  }
0x9a6: {  	[sflag:s0] =	ssyncadd.s32 @!p0 s1  }
0x9a7: {  	[bflag:$0x3] =	sbarrier.arrive $0xFFFF  }
0x9a8: {  	_ =	shalt  }

</sc_bundles>
